<compile_context>
chip_gen: v7x
topology: tpu7x:2x2x1
jax: 0.10.2.dev20260603
libtpu: 0.0.44.dev20260713+nightly
codegen_flags: <defaults>
</compile_context>

<pallas_src>
import functools

import jax
import jax.numpy as jnp
from jax import lax
from jax.experimental import pallas as pl
from jax.experimental.pallas import tpu as pltpu
from jax.experimental.pallas import tpu_sc as plsc


@functools.lru_cache(maxsize=None)
def _build_gather(batch: int, seq: int, vocab: int, dim: int):
    info = plsc.get_sparse_core_info()
    nc, ns = info.num_cores, info.num_subcores
    nw = nc * ns
    nbuf = 6
    bpw = batch // nw
    spc = 1
    nch = seq // spc
    rows_pc = spc * bpw
    assert batch % nw == 0 and seq % spc == 0 and bpw % 8 == 0 and rows_pc <= 128

    mesh = plsc.VectorSubcoreMesh(core_axis_name="c", subcore_axis_name="s")

    @functools.partial(
        pl.kernel,
        mesh=mesh,
        out_type=jax.ShapeDtypeStruct((seq, batch, dim), jnp.float32),
        scratch_types=[pltpu.VMEM((nch, rows_pc), jnp.int32)]
        + [pltpu.VMEM((rows_pc, dim), jnp.float32)] * nbuf
        + [pltpu.SemaphoreType.DMA] * (2 * nbuf),
    )
    def gather_kernel(idx_hbm, table_hbm, out_hbm, idx_v, *bufs_and_sems):
        rows = bufs_and_sems[:nbuf]
        gsems = bufs_and_sems[nbuf:2 * nbuf]
        osems = bufs_and_sems[2 * nbuf:]
        wid = lax.axis_index("s") * nc + lax.axis_index("c")
        bbase = wid * bpw
        pltpu.sync_copy(idx_hbm.at[wid], idx_v)
        gathers = {}
        outs = {}
        for j in range(nbuf - 1):
            gathers[j] = pltpu.async_copy(
                table_hbm.at[idx_v.at[j]], rows[j], gsems[j])
        for j in range(nch):
            b = j % nbuf
            jn = j + nbuf - 1
            if jn < nch:
                bn = jn % nbuf
                if jn - nbuf >= 0:
                    for h in outs[jn - nbuf]:
                        h.wait()
                gathers[jn] = pltpu.async_copy(
                    table_hbm.at[idx_v.at[jn]], rows[bn], gsems[bn])
            gathers[j].wait()
            outs[j] = [
                pltpu.async_copy(
                    rows[b].at[pl.ds(sl * bpw, bpw)],
                    out_hbm.at[j * spc + sl, pl.ds(bbase, bpw)],
                    osems[b])
                for sl in range(spc)
            ]
        for j in range(nch - nbuf, nch):
            for h in outs[j]:
                h.wait()

    return gather_kernel


def kernel(indices, table):
    batch, seq = indices.shape
    vocab, dim = table.shape
    gather = _build_gather(batch, seq, vocab, dim)
    info = plsc.get_sparse_core_info()
    nw = info.num_cores * info.num_subcores
    bpw = batch // nw
    spc = 1
    idx_stage = (indices.astype(jnp.int32)
                 .reshape(nw, bpw, seq)
                 .transpose(0, 2, 1)
                 .reshape(nw, seq // spc, spc * bpw))
    out_sb = gather(idx_stage, table)
    return jnp.transpose(out_sb, (1, 0, 2))

# --- scband reference (transcript-rebuilt; emitter-appended) ---
"""Pipeline reference for scband-base-language-model-88888643158532 (READ-ONLY COPY).

The authoritative reference and input builder live on the scoring server;
editing this copy changes nothing except your own understanding.
"""

import jax, jax.numpy as jnp
import numpy as np

VOCAB = 100000
EMBED_DIM = 512
BATCH = 1024
SEQ = 50

def setup_inputs(seed: int = 0) -> dict:
    key = jax.random.key(seed)
    k_idx, k_tab = jax.random.split(key)
    indices = jax.random.randint(k_idx, (BATCH, SEQ), 0, VOCAB, dtype=jnp.int64 if jax.config.read('jax_enable_x64') else jnp.int32)
    table = jax.random.normal(k_tab, (VOCAB, EMBED_DIM), dtype=jnp.float32)
    return {"indices": indices, "table": table}

def reference(indices, table):
    # Faithful translation of BaseLanguageModel._getPretrainedEmbeddings_:
    # an nn.Embedding lookup -> gather rows of the table by index.
    return jnp.take(table, indices, axis=0)

if __name__ == "__main__":
    import jax
    _d = setup_inputs()
    print(jax.jit(kernel)(*tuple(_d.values())))

</pallas_src>

<mosaic_0001>
#map = affine_map<(d0, d1) -> (0, 0, 0)>
#map1 = affine_map<(d0, d1) -> (0, 0)>
module attributes {stable_mosaic.version = 14 : i64} {
  func.func @gather_kernel(%arg0: i32, %arg1: i32, %arg2: memref<32x50x32xi32, #tpu.memory_space<hbm>>, %arg3: memref<100000x512xf32, #tpu.memory_space<hbm>>, %arg4: memref<50x1024x512xf32, #tpu.memory_space<hbm>>, %arg5: memref<50x32xi32, #tpu.memory_space<vmem>>, %arg6: memref<32x512xf32, #tpu.memory_space<vmem>>, %arg7: memref<32x512xf32, #tpu.memory_space<vmem>>, %arg8: memref<32x512xf32, #tpu.memory_space<vmem>>, %arg9: memref<32x512xf32, #tpu.memory_space<vmem>>, %arg10: memref<32x512xf32, #tpu.memory_space<vmem>>, %arg11: memref<32x512xf32, #tpu.memory_space<vmem>>, %arg12: memref<!tpu.dma_semaphore, #tpu.memory_space<semaphore_mem>>, %arg13: memref<!tpu.dma_semaphore, #tpu.memory_space<semaphore_mem>>, %arg14: memref<!tpu.dma_semaphore, #tpu.memory_space<semaphore_mem>>, %arg15: memref<!tpu.dma_semaphore, #tpu.memory_space<semaphore_mem>>, %arg16: memref<!tpu.dma_semaphore, #tpu.memory_space<semaphore_mem>>, %arg17: memref<!tpu.dma_semaphore, #tpu.memory_space<semaphore_mem>>, %arg18: memref<!tpu.dma_semaphore, #tpu.memory_space<semaphore_mem>>, %arg19: memref<!tpu.dma_semaphore, #tpu.memory_space<semaphore_mem>>, %arg20: memref<!tpu.dma_semaphore, #tpu.memory_space<semaphore_mem>>, %arg21: memref<!tpu.dma_semaphore, #tpu.memory_space<semaphore_mem>>, %arg22: memref<!tpu.dma_semaphore, #tpu.memory_space<semaphore_mem>>, %arg23: memref<!tpu.dma_semaphore, #tpu.memory_space<semaphore_mem>>) attributes {dimension_semantics = [#tpu.dimension_semantics<core_parallel>, #tpu.dimension_semantics<subcore_parallel>], iteration_bounds = array<i64: 2, 16>, scalar_prefetch = 0 : i64, scratch_operands = 19 : i64, tpu.core_type = #tpu.core_type<sc_vector_subcore>, window_params = [{transform_indices = #map}, {transform_indices = #map1}, {transform_indices = #map}]} {
    %mul3A = arith.constant 2 : i32
    %mul3A_0 = arith.muli %arg1, %mul3A : i32
    %add3A = arith.addi %mul3A_0, %arg0 : i32
    %mul3A_1 = arith.constant 32 : i32
    %mul3A_2 = arith.muli %add3A, %mul3A_1 : i32
    "tpu.region"() ({
      %run_scoped3A = tpu.sem_alloc : memref<!tpu.dma_semaphore, #tpu.memory_space<semaphore_mem>>
      %dma_start3A_2001 = arith.constant 0 : i32
      %dma_start3A_2002 = arith.constant 0 : i32
      %dma_start3A_2003 = tpu.memref_slice %arg2[%add3A, %dma_start3A_2001, %dma_start3A_2002] : memref<32x50x32xi32, #tpu.memory_space<hbm>> -> memref<1x50x32xi32, #tpu.memory_space<hbm>>
      %dma_start3A_2004 = tpu.memref_squeeze %dma_start3A_2003 : memref<1x50x32xi32, #tpu.memory_space<hbm>> -> memref<50x32xi32, #tpu.memory_space<hbm>>
      %dma_start3A_2005 = arith.constant 0 : i32
      %dma_start3A_2006 = arith.constant 0 : i32
      %dma_start3A_2007 = tpu.memref_slice %arg2[%add3A, %dma_start3A_2005, %dma_start3A_2006] : memref<32x50x32xi32, #tpu.memory_space<hbm>> -> memref<1x50x32xi32, #tpu.memory_space<hbm>>
      %dma_start3A_2008 = tpu.memref_squeeze %dma_start3A_2007 : memref<1x50x32xi32, #tpu.memory_space<hbm>> -> memref<50x32xi32, #tpu.memory_space<hbm>>
      tpu.enqueue_dma source(%dma_start3A_2008 : memref<50x32xi32, #tpu.memory_space<hbm>>) target(%arg5 : memref<50x32xi32, #tpu.memory_space<vmem>>) target_semaphore(%run_scoped3A : memref<!tpu.dma_semaphore, #tpu.memory_space<semaphore_mem>>)
      %dma_wait3A_2009 = arith.constant 0 : i32
      %dma_wait3A_2010 = arith.constant 0 : i32
      %dma_wait3A_2011 = tpu.memref_slice %arg2[%add3A, %dma_wait3A_2009, %dma_wait3A_2010] : memref<32x50x32xi32, #tpu.memory_space<hbm>> -> memref<1x50x32xi32, #tpu.memory_space<hbm>>
      %dma_wait3A_2012 = tpu.memref_squeeze %dma_wait3A_2011 : memref<1x50x32xi32, #tpu.memory_space<hbm>> -> memref<50x32xi32, #tpu.memory_space<hbm>>
      %dma_wait3A_2013 = arith.constant 0 : i32
      %dma_wait3A_2014 = arith.constant 0 : i32
      %dma_wait3A_2015 = tpu.memref_slice %arg2[%add3A, %dma_wait3A_2013, %dma_wait3A_2014] : memref<32x50x32xi32, #tpu.memory_space<hbm>> -> memref<1x50x32xi32, #tpu.memory_space<hbm>>
      %dma_wait3A_2016 = tpu.memref_squeeze %dma_wait3A_2015 : memref<1x50x32xi32, #tpu.memory_space<hbm>> -> memref<50x32xi32, #tpu.memory_space<hbm>>
      tpu.wait_dma2 semaphore(%run_scoped3A : memref<!tpu.dma_semaphore, #tpu.memory_space<semaphore_mem>>) src(%dma_wait3A_2016 : memref<50x32xi32, #tpu.memory_space<hbm>>) dst(%arg5 : memref<50x32xi32, #tpu.memory_space<vmem>>)
      tpu.yield
    }) : () -> ()
    %dma_start3A = arith.constant 0 : i32
    %dma_start3A_3 = arith.constant 0 : i32
    %dma_start3A_4 = tpu.memref_slice %arg5[%dma_start3A, %dma_start3A_3] : memref<50x32xi32, #tpu.memory_space<vmem>> -> memref<1x32xi32, #tpu.memory_space<vmem>>
    %dma_start3A_5 = tpu.memref_squeeze %dma_start3A_4 : memref<1x32xi32, #tpu.memory_space<vmem>> -> memref<32xi32, #tpu.memory_space<vmem>>
    %dma_start3A_6 = arith.constant 0 : i32
    %dma_start3A_7 = arith.constant 0 : i32
    %dma_start3A_8 = tpu.memref_slice %arg3[%dma_start3A_6, %dma_start3A_7] : memref<100000x512xf32, #tpu.memory_space<hbm>> -> memref<100000x512xf32, #tpu.memory_space<hbm>>
    tpu.enqueue_indirect_dma source(%dma_start3A_8 : memref<100000x512xf32, #tpu.memory_space<hbm>>) target(%arg6 : memref<32x512xf32, #tpu.memory_space<vmem>>) offsets(%dma_start3A_5 : memref<32xi32, #tpu.memory_space<vmem>>) semaphore(%arg12 : memref<!tpu.dma_semaphore, #tpu.memory_space<semaphore_mem>>)
    %dma_start3A_9 = arith.constant 1 : i32
    %dma_start3A_10 = arith.constant 0 : i32
    %dma_start3A_11 = tpu.memref_slice %arg5[%dma_start3A_9, %dma_start3A_10] : memref<50x32xi32, #tpu.memory_space<vmem>> -> memref<1x32xi32, #tpu.memory_space<vmem>>
    %dma_start3A_12 = tpu.memref_squeeze %dma_start3A_11 : memref<1x32xi32, #tpu.memory_space<vmem>> -> memref<32xi32, #tpu.memory_space<vmem>>
    %dma_start3A_13 = arith.constant 0 : i32
    %dma_start3A_14 = arith.constant 0 : i32
    %dma_start3A_15 = tpu.memref_slice %arg3[%dma_start3A_13, %dma_start3A_14] : memref<100000x512xf32, #tpu.memory_space<hbm>> -> memref<100000x512xf32, #tpu.memory_space<hbm>>
    tpu.enqueue_indirect_dma source(%dma_start3A_15 : memref<100000x512xf32, #tpu.memory_space<hbm>>) target(%arg7 : memref<32x512xf32, #tpu.memory_space<vmem>>) offsets(%dma_start3A_12 : memref<32xi32, #tpu.memory_space<vmem>>) semaphore(%arg13 : memref<!tpu.dma_semaphore, #tpu.memory_space<semaphore_mem>>)
    %dma_start3A_16 = arith.constant 2 : i32
    %dma_start3A_17 = arith.constant 0 : i32
    %dma_start3A_18 = tpu.memref_slice %arg5[%dma_start3A_16, %dma_start3A_17] : memref<50x32xi32, #tpu.memory_space<vmem>> -> memref<1x32xi32, #tpu.memory_space<vmem>>
    %dma_start3A_19 = tpu.memref_squeeze %dma_start3A_18 : memref<1x32xi32, #tpu.memory_space<vmem>> -> memref<32xi32, #tpu.memory_space<vmem>>
    %dma_start3A_20 = arith.constant 0 : i32
    %dma_start3A_21 = arith.constant 0 : i32
    %dma_start3A_22 = tpu.memref_slice %arg3[%dma_start3A_20, %dma_start3A_21] : memref<100000x512xf32, #tpu.memory_space<hbm>> -> memref<100000x512xf32, #tpu.memory_space<hbm>>
    tpu.enqueue_indirect_dma source(%dma_start3A_22 : memref<100000x512xf32, #tpu.memory_space<hbm>>) target(%arg8 : memref<32x512xf32, #tpu.memory_space<vmem>>) offsets(%dma_start3A_19 : memref<32xi32, #tpu.memory_space<vmem>>) semaphore(%arg14 : memref<!tpu.dma_semaphore, #tpu.memory_space<semaphore_mem>>)
    %dma_start3A_23 = arith.constant 3 : i32
    %dma_start3A_24 = arith.constant 0 : i32
    %dma_start3A_25 = tpu.memref_slice %arg5[%dma_start3A_23, %dma_start3A_24] : memref<50x32xi32, #tpu.memory_space<vmem>> -> memref<1x32xi32, #tpu.memory_space<vmem>>
    %dma_start3A_26 = tpu.memref_squeeze %dma_start3A_25 : memref<1x32xi32, #tpu.memory_space<vmem>> -> memref<32xi32, #tpu.memory_space<vmem>>
    %dma_start3A_27 = arith.constant 0 : i32
    %dma_start3A_28 = arith.constant 0 : i32
    %dma_start3A_29 = tpu.memref_slice %arg3[%dma_start3A_27, %dma_start3A_28] : memref<100000x512xf32, #tpu.memory_space<hbm>> -> memref<100000x512xf32, #tpu.memory_space<hbm>>
    tpu.enqueue_indirect_dma source(%dma_start3A_29 : memref<100000x512xf32, #tpu.memory_space<hbm>>) target(%arg9 : memref<32x512xf32, #tpu.memory_space<vmem>>) offsets(%dma_start3A_26 : memref<32xi32, #tpu.memory_space<vmem>>) semaphore(%arg15 : memref<!tpu.dma_semaphore, #tpu.memory_space<semaphore_mem>>)
    %dma_start3A_30 = arith.constant 4 : i32
    %dma_start3A_31 = arith.constant 0 : i32
    %dma_start3A_32 = tpu.memref_slice %arg5[%dma_start3A_30, %dma_start3A_31] : memref<50x32xi32, #tpu.memory_space<vmem>> -> memref<1x32xi32, #tpu.memory_space<vmem>>
    %dma_start3A_33 = tpu.memref_squeeze %dma_start3A_32 : memref<1x32xi32, #tpu.memory_space<vmem>> -> memref<32xi32, #tpu.memory_space<vmem>>
    %dma_start3A_34 = arith.constant 0 : i32
    %dma_start3A_35 = arith.constant 0 : i32
    %dma_start3A_36 = tpu.memref_slice %arg3[%dma_start3A_34, %dma_start3A_35] : memref<100000x512xf32, #tpu.memory_space<hbm>> -> memref<100000x512xf32, #tpu.memory_space<hbm>>
    tpu.enqueue_indirect_dma source(%dma_start3A_36 : memref<100000x512xf32, #tpu.memory_space<hbm>>) target(%arg10 : memref<32x512xf32, #tpu.memory_space<vmem>>) offsets(%dma_start3A_33 : memref<32xi32, #tpu.memory_space<vmem>>) semaphore(%arg16 : memref<!tpu.dma_semaphore, #tpu.memory_space<semaphore_mem>>)
    %dma_start3A_37 = arith.constant 5 : i32
    %dma_start3A_38 = arith.constant 0 : i32
    %dma_start3A_39 = tpu.memref_slice %arg5[%dma_start3A_37, %dma_start3A_38] : memref<50x32xi32, #tpu.memory_space<vmem>> -> memref<1x32xi32, #tpu.memory_space<vmem>>
    %dma_start3A_40 = tpu.memref_squeeze %dma_start3A_39 : memref<1x32xi32, #tpu.memory_space<vmem>> -> memref<32xi32, #tpu.memory_space<vmem>>
    %dma_start3A_41 = arith.constant 0 : i32
    %dma_start3A_42 = arith.constant 0 : i32
    %dma_start3A_43 = tpu.memref_slice %arg3[%dma_start3A_41, %dma_start3A_42] : memref<100000x512xf32, #tpu.memory_space<hbm>> -> memref<100000x512xf32, #tpu.memory_space<hbm>>
    tpu.enqueue_indirect_dma source(%dma_start3A_43 : memref<100000x512xf32, #tpu.memory_space<hbm>>) target(%arg11 : memref<32x512xf32, #tpu.memory_space<vmem>>) offsets(%dma_start3A_40 : memref<32xi32, #tpu.memory_space<vmem>>) semaphore(%arg17 : memref<!tpu.dma_semaphore, #tpu.memory_space<semaphore_mem>>)
    %dma_wait3A = arith.constant 0 : i32
    %dma_wait3A_44 = arith.constant 0 : i32
    %dma_wait3A_45 = tpu.memref_slice %arg5[%dma_wait3A, %dma_wait3A_44] : memref<50x32xi32, #tpu.memory_space<vmem>> -> memref<1x32xi32, #tpu.memory_space<vmem>>
    %dma_wait3A_46 = tpu.memref_squeeze %dma_wait3A_45 : memref<1x32xi32, #tpu.memory_space<vmem>> -> memref<32xi32, #tpu.memory_space<vmem>>
    %dma_wait3A_47 = arith.constant 0 : i32
    %dma_wait3A_48 = arith.constant 0 : i32
    %dma_wait3A_49 = tpu.memref_slice %arg3[%dma_wait3A_47, %dma_wait3A_48] : memref<100000x512xf32, #tpu.memory_space<hbm>> -> memref<100000x512xf32, #tpu.memory_space<hbm>>
    tpu.wait_indirect_dma semaphore(%arg12 : memref<!tpu.dma_semaphore, #tpu.memory_space<semaphore_mem>>) src(%dma_wait3A_49 : memref<100000x512xf32, #tpu.memory_space<hbm>>) dst(%arg6 : memref<32x512xf32, #tpu.memory_space<vmem>>)
    %dma_start3A_50 = arith.constant 0 : i32
    %dma_start3A_51 = arith.constant 0 : i32
    %dma_start3A_52 = arith.constant 0 : i32
    %dma_start3A_53 = tpu.memref_slice %arg6[%dma_start3A_51, %dma_start3A_52] : memref<32x512xf32, #tpu.memory_space<vmem>> -> memref<32x512xf32, #tpu.memory_space<vmem>>
    %dma_start3A_54 = arith.constant 0 : i32
    %dma_start3A_55 = tpu.memref_slice %arg4[%dma_start3A_50, %mul3A_2, %dma_start3A_54] : memref<50x1024x512xf32, #tpu.memory_space<hbm>> -> memref<1x32x512xf32, #tpu.memory_space<hbm>>
    %dma_start3A_56 = tpu.memref_squeeze %dma_start3A_55 : memref<1x32x512xf32, #tpu.memory_space<hbm>> -> memref<32x512xf32, #tpu.memory_space<hbm>>
    %dma_start3A_57 = arith.constant 0 : i32
    %dma_start3A_58 = tpu.memref_slice %arg4[%dma_start3A_50, %mul3A_2, %dma_start3A_57] : memref<50x1024x512xf32, #tpu.memory_space<hbm>> -> memref<1x32x512xf32, #tpu.memory_space<hbm>>
    %dma_start3A_59 = tpu.memref_squeeze %dma_start3A_58 : memref<1x32x512xf32, #tpu.memory_space<hbm>> -> memref<32x512xf32, #tpu.memory_space<hbm>>
    %dma_start3A_60 = arith.constant 0 : i32
    %dma_start3A_61 = arith.constant 0 : i32
    %dma_start3A_62 = tpu.memref_slice %arg6[%dma_start3A_60, %dma_start3A_61] : memref<32x512xf32, #tpu.memory_space<vmem>> -> memref<32x512xf32, #tpu.memory_space<vmem>>
    tpu.enqueue_dma source(%dma_start3A_62 : memref<32x512xf32, #tpu.memory_space<vmem>>) target(%dma_start3A_59 : memref<32x512xf32, #tpu.memory_space<hbm>>) target_semaphore(%arg18 : memref<!tpu.dma_semaphore, #tpu.memory_space<semaphore_mem>>)
    %dma_wait3A_63 = arith.constant 0 : i32
    %dma_wait3A_64 = arith.constant 0 : i32
    %dma_wait3A_65 = arith.constant 0 : i32
    %dma_wait3A_66 = tpu.memref_slice %arg6[%dma_wait3A_64, %dma_wait3A_65] : memref<32x512xf32, #tpu.memory_space<vmem>> -> memref<32x512xf32, #tpu.memory_space<vmem>>
    %dma_wait3A_67 = arith.constant 0 : i32
    %dma_wait3A_68 = tpu.memref_slice %arg4[%dma_wait3A_63, %mul3A_2, %dma_wait3A_67] : memref<50x1024x512xf32, #tpu.memory_space<hbm>> -> memref<1x32x512xf32, #tpu.memory_space<hbm>>
    %dma_wait3A_69 = tpu.memref_squeeze %dma_wait3A_68 : memref<1x32x512xf32, #tpu.memory_space<hbm>> -> memref<32x512xf32, #tpu.memory_space<hbm>>
    %dma_wait3A_70 = arith.constant 0 : i32
    %dma_wait3A_71 = tpu.memref_slice %arg4[%dma_wait3A_63, %mul3A_2, %dma_wait3A_70] : memref<50x1024x512xf32, #tpu.memory_space<hbm>> -> memref<1x32x512xf32, #tpu.memory_space<hbm>>
    %dma_wait3A_72 = tpu.memref_squeeze %dma_wait3A_71 : memref<1x32x512xf32, #tpu.memory_space<hbm>> -> memref<32x512xf32, #tpu.memory_space<hbm>>
    %dma_wait3A_73 = arith.constant 0 : i32
    %dma_wait3A_74 = arith.constant 0 : i32
    %dma_wait3A_75 = tpu.memref_slice %arg6[%dma_wait3A_73, %dma_wait3A_74] : memref<32x512xf32, #tpu.memory_space<vmem>> -> memref<32x512xf32, #tpu.memory_space<vmem>>
    tpu.wait_dma2 semaphore(%arg18 : memref<!tpu.dma_semaphore, #tpu.memory_space<semaphore_mem>>) src(%dma_wait3A_75 : memref<32x512xf32, #tpu.memory_space<vmem>>) dst(%dma_wait3A_72 : memref<32x512xf32, #tpu.memory_space<hbm>>)
    %dma_start3A_76 = arith.constant 6 : i32
    %dma_start3A_77 = arith.constant 0 : i32
    %dma_start3A_78 = tpu.memref_slice %arg5[%dma_start3A_76, %dma_start3A_77] : memref<50x32xi32, #tpu.memory_space<vmem>> -> memref<1x32xi32, #tpu.memory_space<vmem>>
    %dma_start3A_79 = tpu.memref_squeeze %dma_start3A_78 : memref<1x32xi32, #tpu.memory_space<vmem>> -> memref<32xi32, #tpu.memory_space<vmem>>
    %dma_start3A_80 = arith.constant 0 : i32
    %dma_start3A_81 = arith.constant 0 : i32
    %dma_start3A_82 = tpu.memref_slice %arg3[%dma_start3A_80, %dma_start3A_81] : memref<100000x512xf32, #tpu.memory_space<hbm>> -> memref<100000x512xf32, #tpu.memory_space<hbm>>
    tpu.enqueue_indirect_dma source(%dma_start3A_82 : memref<100000x512xf32, #tpu.memory_space<hbm>>) target(%arg6 : memref<32x512xf32, #tpu.memory_space<vmem>>) offsets(%dma_start3A_79 : memref<32xi32, #tpu.memory_space<vmem>>) semaphore(%arg12 : memref<!tpu.dma_semaphore, #tpu.memory_space<semaphore_mem>>)
    %dma_wait3A_83 = arith.constant 1 : i32
    %dma_wait3A_84 = arith.constant 0 : i32
    %dma_wait3A_85 = tpu.memref_slice %arg5[%dma_wait3A_83, %dma_wait3A_84] : memref<50x32xi32, #tpu.memory_space<vmem>> -> memref<1x32xi32, #tpu.memory_space<vmem>>
    %dma_wait3A_86 = tpu.memref_squeeze %dma_wait3A_85 : memref<1x32xi32, #tpu.memory_space<vmem>> -> memref<32xi32, #tpu.memory_space<vmem>>
    %dma_wait3A_87 = arith.constant 0 : i32
    %dma_wait3A_88 = arith.constant 0 : i32
    %dma_wait3A_89 = tpu.memref_slice %arg3[%dma_wait3A_87, %dma_wait3A_88] : memref<100000x512xf32, #tpu.memory_space<hbm>> -> memref<100000x512xf32, #tpu.memory_space<hbm>>
    tpu.wait_indirect_dma semaphore(%arg13 : memref<!tpu.dma_semaphore, #tpu.memory_space<semaphore_mem>>) src(%dma_wait3A_89 : memref<100000x512xf32, #tpu.memory_space<hbm>>) dst(%arg7 : memref<32x512xf32, #tpu.memory_space<vmem>>)
    %dma_start3A_90 = arith.constant 1 : i32
    %dma_start3A_91 = arith.constant 0 : i32
    %dma_start3A_92 = arith.constant 0 : i32
    %dma_start3A_93 = tpu.memref_slice %arg7[%dma_start3A_91, %dma_start3A_92] : memref<32x512xf32, #tpu.memory_space<vmem>> -> memref<32x512xf32, #tpu.memory_space<vmem>>
    %dma_start3A_94 = arith.constant 0 : i32
    %dma_start3A_95 = tpu.memref_slice %arg4[%dma_start3A_90, %mul3A_2, %dma_start3A_94] : memref<50x1024x512xf32, #tpu.memory_space<hbm>> -> memref<1x32x512xf32, #tpu.memory_space<hbm>>
    %dma_start3A_96 = tpu.memref_squeeze %dma_start3A_95 : memref<1x32x512xf32, #tpu.memory_space<hbm>> -> memref<32x512xf32, #tpu.memory_space<hbm>>
    %dma_start3A_97 = arith.constant 0 : i32
    %dma_start3A_98 = tpu.memref_slice %arg4[%dma_start3A_90, %mul3A_2, %dma_start3A_97] : memref<50x1024x512xf32, #tpu.memory_space<hbm>> -> memref<1x32x512xf32, #tpu.memory_space<hbm>>
    %dma_start3A_99 = tpu.memref_squeeze %dma_start3A_98 : memref<1x32x512xf32, #tpu.memory_space<hbm>> -> memref<32x512xf32, #tpu.memory_space<hbm>>
    %dma_start3A_100 = arith.constant 0 : i32
    %dma_start3A_101 = arith.constant 0 : i32
    %dma_start3A_102 = tpu.memref_slice %arg7[%dma_start3A_100, %dma_start3A_101] : memref<32x512xf32, #tpu.memory_space<vmem>> -> memref<32x512xf32, #tpu.memory_space<vmem>>
    tpu.enqueue_dma source(%dma_start3A_102 : memref<32x512xf32, #tpu.memory_space<vmem>>) target(%dma_start3A_99 : memref<32x512xf32, #tpu.memory_space<hbm>>) target_semaphore(%arg19 : memref<!tpu.dma_semaphore, #tpu.memory_space<semaphore_mem>>)
    %dma_wait3A_103 = arith.constant 1 : i32
    %dma_wait3A_104 = arith.constant 0 : i32
    %dma_wait3A_105 = arith.constant 0 : i32
    %dma_wait3A_106 = tpu.memref_slice %arg7[%dma_wait3A_104, %dma_wait3A_105] : memref<32x512xf32, #tpu.memory_space<vmem>> -> memref<32x512xf32, #tpu.memory_space<vmem>>
    %dma_wait3A_107 = arith.constant 0 : i32
    %dma_wait3A_108 = tpu.memref_slice %arg4[%dma_wait3A_103, %mul3A_2, %dma_wait3A_107] : memref<50x1024x512xf32, #tpu.memory_space<hbm>> -> memref<1x32x512xf32, #tpu.memory_space<hbm>>
    %dma_wait3A_109 = tpu.memref_squeeze %dma_wait3A_108 : memref<1x32x512xf32, #tpu.memory_space<hbm>> -> memref<32x512xf32, #tpu.memory_space<hbm>>
    %dma_wait3A_110 = arith.constant 0 : i32
    %dma_wait3A_111 = tpu.memref_slice %arg4[%dma_wait3A_103, %mul3A_2, %dma_wait3A_110] : memref<50x1024x512xf32, #tpu.memory_space<hbm>> -> memref<1x32x512xf32, #tpu.memory_space<hbm>>
    %dma_wait3A_112 = tpu.memref_squeeze %dma_wait3A_111 : memref<1x32x512xf32, #tpu.memory_space<hbm>> -> memref<32x512xf32, #tpu.memory_space<hbm>>
    %dma_wait3A_113 = arith.constant 0 : i32
    %dma_wait3A_114 = arith.constant 0 : i32
    %dma_wait3A_115 = tpu.memref_slice %arg7[%dma_wait3A_113, %dma_wait3A_114] : memref<32x512xf32, #tpu.memory_space<vmem>> -> memref<32x512xf32, #tpu.memory_space<vmem>>
    tpu.wait_dma2 semaphore(%arg19 : memref<!tpu.dma_semaphore, #tpu.memory_space<semaphore_mem>>) src(%dma_wait3A_115 : memref<32x512xf32, #tpu.memory_space<vmem>>) dst(%dma_wait3A_112 : memref<32x512xf32, #tpu.memory_space<hbm>>)
    %dma_start3A_116 = arith.constant 7 : i32
    %dma_start3A_117 = arith.constant 0 : i32
    %dma_start3A_118 = tpu.memref_slice %arg5[%dma_start3A_116, %dma_start3A_117] : memref<50x32xi32, #tpu.memory_space<vmem>> -> memref<1x32xi32, #tpu.memory_space<vmem>>
    %dma_start3A_119 = tpu.memref_squeeze %dma_start3A_118 : memref<1x32xi32, #tpu.memory_space<vmem>> -> memref<32xi32, #tpu.memory_space<vmem>>
    %dma_start3A_120 = arith.constant 0 : i32
    %dma_start3A_121 = arith.constant 0 : i32
    %dma_start3A_122 = tpu.memref_slice %arg3[%dma_start3A_120, %dma_start3A_121] : memref<100000x512xf32, #tpu.memory_space<hbm>> -> memref<100000x512xf32, #tpu.memory_space<hbm>>
    tpu.enqueue_indirect_dma source(%dma_start3A_122 : memref<100000x512xf32, #tpu.memory_space<hbm>>) target(%arg7 : memref<32x512xf32, #tpu.memory_space<vmem>>) offsets(%dma_start3A_119 : memref<32xi32, #tpu.memory_space<vmem>>) semaphore(%arg13 : memref<!tpu.dma_semaphore, #tpu.memory_space<semaphore_mem>>)
    %dma_wait3A_123 = arith.constant 2 : i32
    %dma_wait3A_124 = arith.constant 0 : i32
    %dma_wait3A_125 = tpu.memref_slice %arg5[%dma_wait3A_123, %dma_wait3A_124] : memref<50x32xi32, #tpu.memory_space<vmem>> -> memref<1x32xi32, #tpu.memory_space<vmem>>
    %dma_wait3A_126 = tpu.memref_squeeze %dma_wait3A_125 : memref<1x32xi32, #tpu.memory_space<vmem>> -> memref<32xi32, #tpu.memory_space<vmem>>
    %dma_wait3A_127 = arith.constant 0 : i32
    %dma_wait3A_128 = arith.constant 0 : i32
    %dma_wait3A_129 = tpu.memref_slice %arg3[%dma_wait3A_127, %dma_wait3A_128] : memref<100000x512xf32, #tpu.memory_space<hbm>> -> memref<100000x512xf32, #tpu.memory_space<hbm>>
    tpu.wait_indirect_dma semaphore(%arg14 : memref<!tpu.dma_semaphore, #tpu.memory_space<semaphore_mem>>) src(%dma_wait3A_129 : memref<100000x512xf32, #tpu.memory_space<hbm>>) dst(%arg8 : memref<32x512xf32, #tpu.memory_space<vmem>>)
    %dma_start3A_130 = arith.constant 2 : i32
    %dma_start3A_131 = arith.constant 0 : i32
    %dma_start3A_132 = arith.constant 0 : i32
    %dma_start3A_133 = tpu.memref_slice %arg8[%dma_start3A_131, %dma_start3A_132] : memref<32x512xf32, #tpu.memory_space<vmem>> -> memref<32x512xf32, #tpu.memory_space<vmem>>
    %dma_start3A_134 = arith.constant 0 : i32
    %dma_start3A_135 = tpu.memref_slice %arg4[%dma_start3A_130, %mul3A_2, %dma_start3A_134] : memref<50x1024x512xf32, #tpu.memory_space<hbm>> -> memref<1x32x512xf32, #tpu.memory_space<hbm>>
    %dma_start3A_136 = tpu.memref_squeeze %dma_start3A_135 : memref<1x32x512xf32, #tpu.memory_space<hbm>> -> memref<32x512xf32, #tpu.memory_space<hbm>>
    %dma_start3A_137 = arith.constant 0 : i32
    %dma_start3A_138 = tpu.memref_slice %arg4[%dma_start3A_130, %mul3A_2, %dma_start3A_137] : memref<50x1024x512xf32, #tpu.memory_space<hbm>> -> memref<1x32x512xf32, #tpu.memory_space<hbm>>
    %dma_start3A_139 = tpu.memref_squeeze %dma_start3A_138 : memref<1x32x512xf32, #tpu.memory_space<hbm>> -> memref<32x512xf32, #tpu.memory_space<hbm>>
    %dma_start3A_140 = arith.constant 0 : i32
    %dma_start3A_141 = arith.constant 0 : i32
    %dma_start3A_142 = tpu.memref_slice %arg8[%dma_start3A_140, %dma_start3A_141] : memref<32x512xf32, #tpu.memory_space<vmem>> -> memref<32x512xf32, #tpu.memory_space<vmem>>
    tpu.enqueue_dma source(%dma_start3A_142 : memref<32x512xf32, #tpu.memory_space<vmem>>) target(%dma_start3A_139 : memref<32x512xf32, #tpu.memory_space<hbm>>) target_semaphore(%arg20 : memref<!tpu.dma_semaphore, #tpu.memory_space<semaphore_mem>>)
    %dma_wait3A_143 = arith.constant 2 : i32
    %dma_wait3A_144 = arith.constant 0 : i32
    %dma_wait3A_145 = arith.constant 0 : i32
    %dma_wait3A_146 = tpu.memref_slice %arg8[%dma_wait3A_144, %dma_wait3A_145] : memref<32x512xf32, #tpu.memory_space<vmem>> -> memref<32x512xf32, #tpu.memory_space<vmem>>
    %dma_wait3A_147 = arith.constant 0 : i32
    %dma_wait3A_148 = tpu.memref_slice %arg4[%dma_wait3A_143, %mul3A_2, %dma_wait3A_147] : memref<50x1024x512xf32, #tpu.memory_space<hbm>> -> memref<1x32x512xf32, #tpu.memory_space<hbm>>
    %dma_wait3A_149 = tpu.memref_squeeze %dma_wait3A_148 : memref<1x32x512xf32, #tpu.memory_space<hbm>> -> memref<32x512xf32, #tpu.memory_space<hbm>>
    %dma_wait3A_150 = arith.constant 0 : i32
    %dma_wait3A_151 = tpu.memref_slice %arg4[%dma_wait3A_143, %mul3A_2, %dma_wait3A_150] : memref<50x1024x512xf32, #tpu.memory_space<hbm>> -> memref<1x32x512xf32, #tpu.memory_space<hbm>>
    %dma_wait3A_152 = tpu.memref_squeeze %dma_wait3A_151 : memref<1x32x512xf32, #tpu.memory_space<hbm>> -> memref<32x512xf32, #tpu.memory_space<hbm>>
    %dma_wait3A_153 = arith.constant 0 : i32
    %dma_wait3A_154 = arith.constant 0 : i32
    %dma_wait3A_155 = tpu.memref_slice %arg8[%dma_wait3A_153, %dma_wait3A_154] : memref<32x512xf32, #tpu.memory_space<vmem>> -> memref<32x512xf32, #tpu.memory_space<vmem>>
    tpu.wait_dma2 semaphore(%arg20 : memref<!tpu.dma_semaphore, #tpu.memory_space<semaphore_mem>>) src(%dma_wait3A_155 : memref<32x512xf32, #tpu.memory_space<vmem>>) dst(%dma_wait3A_152 : memref<32x512xf32, #tpu.memory_space<hbm>>)
    %dma_start3A_156 = arith.constant 8 : i32
    %dma_start3A_157 = arith.constant 0 : i32
    %dma_start3A_158 = tpu.memref_slice %arg5[%dma_start3A_156, %dma_start3A_157] : memref<50x32xi32, #tpu.memory_space<vmem>> -> memref<1x32xi32, #tpu.memory_space<vmem>>
    %dma_start3A_159 = tpu.memref_squeeze %dma_start3A_158 : memref<1x32xi32, #tpu.memory_space<vmem>> -> memref<32xi32, #tpu.memory_space<vmem>>
    %dma_start3A_160 = arith.constant 0 : i32
    %dma_start3A_161 = arith.constant 0 : i32
    %dma_start3A_162 = tpu.memref_slice %arg3[%dma_start3A_160, %dma_start3A_161] : memref<100000x512xf32, #tpu.memory_space<hbm>> -> memref<100000x512xf32, #tpu.memory_space<hbm>>
    tpu.enqueue_indirect_dma source(%dma_start3A_162 : memref<100000x512xf32, #tpu.memory_space<hbm>>) target(%arg8 : memref<32x512xf32, #tpu.memory_space<vmem>>) offsets(%dma_start3A_159 : memref<32xi32, #tpu.memory_space<vmem>>) semaphore(%arg14 : memref<!tpu.dma_semaphore, #tpu.memory_space<semaphore_mem>>)
    %dma_wait3A_163 = arith.constant 3 : i32
    %dma_wait3A_164 = arith.constant 0 : i32
    %dma_wait3A_165 = tpu.memref_slice %arg5[%dma_wait3A_163, %dma_wait3A_164] : memref<50x32xi32, #tpu.memory_space<vmem>> -> memref<1x32xi32, #tpu.memory_space<vmem>>
    %dma_wait3A_166 = tpu.memref_squeeze %dma_wait3A_165 : memref<1x32xi32, #tpu.memory_space<vmem>> -> memref<32xi32, #tpu.memory_space<vmem>>
    %dma_wait3A_167 = arith.constant 0 : i32
    %dma_wait3A_168 = arith.constant 0 : i32
    %dma_wait3A_169 = tpu.memref_slice %arg3[%dma_wait3A_167, %dma_wait3A_168] : memref<100000x512xf32, #tpu.memory_space<hbm>> -> memref<100000x512xf32, #tpu.memory_space<hbm>>
    tpu.wait_indirect_dma semaphore(%arg15 : memref<!tpu.dma_semaphore, #tpu.memory_space<semaphore_mem>>) src(%dma_wait3A_169 : memref<100000x512xf32, #tpu.memory_space<hbm>>) dst(%arg9 : memref<32x512xf32, #tpu.memory_space<vmem>>)
    %dma_start3A_170 = arith.constant 3 : i32
    %dma_start3A_171 = arith.constant 0 : i32
    %dma_start3A_172 = arith.constant 0 : i32
    %dma_start3A_173 = tpu.memref_slice %arg9[%dma_start3A_171, %dma_start3A_172] : memref<32x512xf32, #tpu.memory_space<vmem>> -> memref<32x512xf32, #tpu.memory_space<vmem>>
    %dma_start3A_174 = arith.constant 0 : i32
    %dma_start3A_175 = tpu.memref_slice %arg4[%dma_start3A_170, %mul3A_2, %dma_start3A_174] : memref<50x1024x512xf32, #tpu.memory_space<hbm>> -> memref<1x32x512xf32, #tpu.memory_space<hbm>>
    %dma_start3A_176 = tpu.memref_squeeze %dma_start3A_175 : memref<1x32x512xf32, #tpu.memory_space<hbm>> -> memref<32x512xf32, #tpu.memory_space<hbm>>
    %dma_start3A_177 = arith.constant 0 : i32
    %dma_start3A_178 = tpu.memref_slice %arg4[%dma_start3A_170, %mul3A_2, %dma_start3A_177] : memref<50x1024x512xf32, #tpu.memory_space<hbm>> -> memref<1x32x512xf32, #tpu.memory_space<hbm>>
    %dma_start3A_179 = tpu.memref_squeeze %dma_start3A_178 : memref<1x32x512xf32, #tpu.memory_space<hbm>> -> memref<32x512xf32, #tpu.memory_space<hbm>>
    %dma_start3A_180 = arith.constant 0 : i32
    %dma_start3A_181 = arith.constant 0 : i32
    %dma_start3A_182 = tpu.memref_slice %arg9[%dma_start3A_180, %dma_start3A_181] : memref<32x512xf32, #tpu.memory_space<vmem>> -> memref<32x512xf32, #tpu.memory_space<vmem>>
    tpu.enqueue_dma source(%dma_start3A_182 : memref<32x512xf32, #tpu.memory_space<vmem>>) target(%dma_start3A_179 : memref<32x512xf32, #tpu.memory_space<hbm>>) target_semaphore(%arg21 : memref<!tpu.dma_semaphore, #tpu.memory_space<semaphore_mem>>)
    %dma_wait3A_183 = arith.constant 3 : i32
    %dma_wait3A_184 = arith.constant 0 : i32
    %dma_wait3A_185 = arith.constant 0 : i32
    %dma_wait3A_186 = tpu.memref_slice %arg9[%dma_wait3A_184, %dma_wait3A_185] : memref<32x512xf32, #tpu.memory_space<vmem>> -> memref<32x512xf32, #tpu.memory_space<vmem>>
    %dma_wait3A_187 = arith.constant 0 : i32
    %dma_wait3A_188 = tpu.memref_slice %arg4[%dma_wait3A_183, %mul3A_2, %dma_wait3A_187] : memref<50x1024x512xf32, #tpu.memory_space<hbm>> -> memref<1x32x512xf32, #tpu.memory_space<hbm>>
    %dma_wait3A_189 = tpu.memref_squeeze %dma_wait3A_188 : memref<1x32x512xf32, #tpu.memory_space<hbm>> -> memref<32x512xf32, #tpu.memory_space<hbm>>
    %dma_wait3A_190 = arith.constant 0 : i32
    %dma_wait3A_191 = tpu.memref_slice %arg4[%dma_wait3A_183, %mul3A_2, %dma_wait3A_190] : memref<50x1024x512xf32, #tpu.memory_space<hbm>> -> memref<1x32x512xf32, #tpu.memory_space<hbm>>
    %dma_wait3A_192 = tpu.memref_squeeze %dma_wait3A_191 : memref<1x32x512xf32, #tpu.memory_space<hbm>> -> memref<32x512xf32, #tpu.memory_space<hbm>>
    %dma_wait3A_193 = arith.constant 0 : i32
    %dma_wait3A_194 = arith.constant 0 : i32
    %dma_wait3A_195 = tpu.memref_slice %arg9[%dma_wait3A_193, %dma_wait3A_194] : memref<32x512xf32, #tpu.memory_space<vmem>> -> memref<32x512xf32, #tpu.memory_space<vmem>>
    tpu.wait_dma2 semaphore(%arg21 : memref<!tpu.dma_semaphore, #tpu.memory_space<semaphore_mem>>) src(%dma_wait3A_195 : memref<32x512xf32, #tpu.memory_space<vmem>>) dst(%dma_wait3A_192 : memref<32x512xf32, #tpu.memory_space<hbm>>)
    %dma_start3A_196 = arith.constant 9 : i32
    %dma_start3A_197 = arith.constant 0 : i32
    %dma_start3A_198 = tpu.memref_slice %arg5[%dma_start3A_196, %dma_start3A_197] : memref<50x32xi32, #tpu.memory_space<vmem>> -> memref<1x32xi32, #tpu.memory_space<vmem>>
    %dma_start3A_199 = tpu.memref_squeeze %dma_start3A_198 : memref<1x32xi32, #tpu.memory_space<vmem>> -> memref<32xi32, #tpu.memory_space<vmem>>
    %dma_start3A_200 = arith.constant 0 : i32
    %dma_start3A_201 = arith.constant 0 : i32
    %dma_start3A_202 = tpu.memref_slice %arg3[%dma_start3A_200, %dma_start3A_201] : memref<100000x512xf32, #tpu.memory_space<hbm>> -> memref<100000x512xf32, #tpu.memory_space<hbm>>
    tpu.enqueue_indirect_dma source(%dma_start3A_202 : memref<100000x512xf32, #tpu.memory_space<hbm>>) target(%arg9 : memref<32x512xf32, #tpu.memory_space<vmem>>) offsets(%dma_start3A_199 : memref<32xi32, #tpu.memory_space<vmem>>) semaphore(%arg15 : memref<!tpu.dma_semaphore, #tpu.memory_space<semaphore_mem>>)
    %dma_wait3A_203 = arith.constant 4 : i32
    %dma_wait3A_204 = arith.constant 0 : i32
    %dma_wait3A_205 = tpu.memref_slice %arg5[%dma_wait3A_203, %dma_wait3A_204] : memref<50x32xi32, #tpu.memory_space<vmem>> -> memref<1x32xi32, #tpu.memory_space<vmem>>
    %dma_wait3A_206 = tpu.memref_squeeze %dma_wait3A_205 : memref<1x32xi32, #tpu.memory_space<vmem>> -> memref<32xi32, #tpu.memory_space<vmem>>
    %dma_wait3A_207 = arith.constant 0 : i32
    %dma_wait3A_208 = arith.constant 0 : i32
    %dma_wait3A_209 = tpu.memref_slice %arg3[%dma_wait3A_207, %dma_wait3A_208] : memref<100000x512xf32, #tpu.memory_space<hbm>> -> memref<100000x512xf32, #tpu.memory_space<hbm>>
    tpu.wait_indirect_dma semaphore(%arg16 : memref<!tpu.dma_semaphore, #tpu.memory_space<semaphore_mem>>) src(%dma_wait3A_209 : memref<100000x512xf32, #tpu.memory_space<hbm>>) dst(%arg10 : memref<32x512xf32, #tpu.memory_space<vmem>>)
    %dma_start3A_210 = arith.constant 4 : i32
    %dma_start3A_211 = arith.constant 0 : i32
    %dma_start3A_212 = arith.constant 0 : i32
    %dma_start3A_213 = tpu.memref_slice %arg10[%dma_start3A_211, %dma_start3A_212] : memref<32x512xf32, #tpu.memory_space<vmem>> -> memref<32x512xf32, #tpu.memory_space<vmem>>
    %dma_start3A_214 = arith.constant 0 : i32
    %dma_start3A_215 = tpu.memref_slice %arg4[%dma_start3A_210, %mul3A_2, %dma_start3A_214] : memref<50x1024x512xf32, #tpu.memory_space<hbm>> -> memref<1x32x512xf32, #tpu.memory_space<hbm>>
    %dma_start3A_216 = tpu.memref_squeeze %dma_start3A_215 : memref<1x32x512xf32, #tpu.memory_space<hbm>> -> memref<32x512xf32, #tpu.memory_space<hbm>>
    %dma_start3A_217 = arith.constant 0 : i32
    %dma_start3A_218 = tpu.memref_slice %arg4[%dma_start3A_210, %mul3A_2, %dma_start3A_217] : memref<50x1024x512xf32, #tpu.memory_space<hbm>> -> memref<1x32x512xf32, #tpu.memory_space<hbm>>
    %dma_start3A_219 = tpu.memref_squeeze %dma_start3A_218 : memref<1x32x512xf32, #tpu.memory_space<hbm>> -> memref<32x512xf32, #tpu.memory_space<hbm>>
    %dma_start3A_220 = arith.constant 0 : i32
    %dma_start3A_221 = arith.constant 0 : i32
    %dma_start3A_222 = tpu.memref_slice %arg10[%dma_start3A_220, %dma_start3A_221] : memref<32x512xf32, #tpu.memory_space<vmem>> -> memref<32x512xf32, #tpu.memory_space<vmem>>
    tpu.enqueue_dma source(%dma_start3A_222 : memref<32x512xf32, #tpu.memory_space<vmem>>) target(%dma_start3A_219 : memref<32x512xf32, #tpu.memory_space<hbm>>) target_semaphore(%arg22 : memref<!tpu.dma_semaphore, #tpu.memory_space<semaphore_mem>>)
    %dma_wait3A_223 = arith.constant 4 : i32
    %dma_wait3A_224 = arith.constant 0 : i32
    %dma_wait3A_225 = arith.constant 0 : i32
    %dma_wait3A_226 = tpu.memref_slice %arg10[%dma_wait3A_224, %dma_wait3A_225] : memref<32x512xf32, #tpu.memory_space<vmem>> -> memref<32x512xf32, #tpu.memory_space<vmem>>
    %dma_wait3A_227 = arith.constant 0 : i32
    %dma_wait3A_228 = tpu.memref_slice %arg4[%dma_wait3A_223, %mul3A_2, %dma_wait3A_227] : memref<50x1024x512xf32, #tpu.memory_space<hbm>> -> memref<1x32x512xf32, #tpu.memory_space<hbm>>
    %dma_wait3A_229 = tpu.memref_squeeze %dma_wait3A_228 : memref<1x32x512xf32, #tpu.memory_space<hbm>> -> memref<32x512xf32, #tpu.memory_space<hbm>>
    %dma_wait3A_230 = arith.constant 0 : i32
    %dma_wait3A_231 = tpu.memref_slice %arg4[%dma_wait3A_223, %mul3A_2, %dma_wait3A_230] : memref<50x1024x512xf32, #tpu.memory_space<hbm>> -> memref<1x32x512xf32, #tpu.memory_space<hbm>>
    %dma_wait3A_232 = tpu.memref_squeeze %dma_wait3A_231 : memref<1x32x512xf32, #tpu.memory_space<hbm>> -> memref<32x512xf32, #tpu.memory_space<hbm>>
    %dma_wait3A_233 = arith.constant 0 : i32
    %dma_wait3A_234 = arith.constant 0 : i32
    %dma_wait3A_235 = tpu.memref_slice %arg10[%dma_wait3A_233, %dma_wait3A_234] : memref<32x512xf32, #tpu.memory_space<vmem>> -> memref<32x512xf32, #tpu.memory_space<vmem>>
    tpu.wait_dma2 semaphore(%arg22 : memref<!tpu.dma_semaphore, #tpu.memory_space<semaphore_mem>>) src(%dma_wait3A_235 : memref<32x512xf32, #tpu.memory_space<vmem>>) dst(%dma_wait3A_232 : memref<32x512xf32, #tpu.memory_space<hbm>>)
    %dma_start3A_236 = arith.constant 10 : i32
    %dma_start3A_237 = arith.constant 0 : i32
    %dma_start3A_238 = tpu.memref_slice %arg5[%dma_start3A_236, %dma_start3A_237] : memref<50x32xi32, #tpu.memory_space<vmem>> -> memref<1x32xi32, #tpu.memory_space<vmem>>
    %dma_start3A_239 = tpu.memref_squeeze %dma_start3A_238 : memref<1x32xi32, #tpu.memory_space<vmem>> -> memref<32xi32, #tpu.memory_space<vmem>>
    %dma_start3A_240 = arith.constant 0 : i32
    %dma_start3A_241 = arith.constant 0 : i32
    %dma_start3A_242 = tpu.memref_slice %arg3[%dma_start3A_240, %dma_start3A_241] : memref<100000x512xf32, #tpu.memory_space<hbm>> -> memref<100000x512xf32, #tpu.memory_space<hbm>>
    tpu.enqueue_indirect_dma source(%dma_start3A_242 : memref<100000x512xf32, #tpu.memory_space<hbm>>) target(%arg10 : memref<32x512xf32, #tpu.memory_space<vmem>>) offsets(%dma_start3A_239 : memref<32xi32, #tpu.memory_space<vmem>>) semaphore(%arg16 : memref<!tpu.dma_semaphore, #tpu.memory_space<semaphore_mem>>)
    %dma_wait3A_243 = arith.constant 5 : i32
    %dma_wait3A_244 = arith.constant 0 : i32
    %dma_wait3A_245 = tpu.memref_slice %arg5[%dma_wait3A_243, %dma_wait3A_244] : memref<50x32xi32, #tpu.memory_space<vmem>> -> memref<1x32xi32, #tpu.memory_space<vmem>>
    %dma_wait3A_246 = tpu.memref_squeeze %dma_wait3A_245 : memref<1x32xi32, #tpu.memory_space<vmem>> -> memref<32xi32, #tpu.memory_space<vmem>>
    %dma_wait3A_247 = arith.constant 0 : i32
    %dma_wait3A_248 = arith.constant 0 : i32
    %dma_wait3A_249 = tpu.memref_slice %arg3[%dma_wait3A_247, %dma_wait3A_248] : memref<100000x512xf32, #tpu.memory_space<hbm>> -> memref<100000x512xf32, #tpu.memory_space<hbm>>
    tpu.wait_indirect_dma semaphore(%arg17 : memref<!tpu.dma_semaphore, #tpu.memory_space<semaphore_mem>>) src(%dma_wait3A_249 : memref<100000x512xf32, #tpu.memory_space<hbm>>) dst(%arg11 : memref<32x512xf32, #tpu.memory_space<vmem>>)
    %dma_start3A_250 = arith.constant 5 : i32
    %dma_start3A_251 = arith.constant 0 : i32
    %dma_start3A_252 = arith.constant 0 : i32
    %dma_start3A_253 = tpu.memref_slice %arg11[%dma_start3A_251, %dma_start3A_252] : memref<32x512xf32, #tpu.memory_space<vmem>> -> memref<32x512xf32, #tpu.memory_space<vmem>>
    %dma_start3A_254 = arith.constant 0 : i32
    %dma_start3A_255 = tpu.memref_slice %arg4[%dma_start3A_250, %mul3A_2, %dma_start3A_254] : memref<50x1024x512xf32, #tpu.memory_space<hbm>> -> memref<1x32x512xf32, #tpu.memory_space<hbm>>
    %dma_start3A_256 = tpu.memref_squeeze %dma_start3A_255 : memref<1x32x512xf32, #tpu.memory_space<hbm>> -> memref<32x512xf32, #tpu.memory_space<hbm>>
    %dma_start3A_257 = arith.constant 0 : i32
    %dma_start3A_258 = tpu.memref_slice %arg4[%dma_start3A_250, %mul3A_2, %dma_start3A_257] : memref<50x1024x512xf32, #tpu.memory_space<hbm>> -> memref<1x32x512xf32, #tpu.memory_space<hbm>>
    %dma_start3A_259 = tpu.memref_squeeze %dma_start3A_258 : memref<1x32x512xf32, #tpu.memory_space<hbm>> -> memref<32x512xf32, #tpu.memory_space<hbm>>
    %dma_start3A_260 = arith.constant 0 : i32
    %dma_start3A_261 = arith.constant 0 : i32
    %dma_start3A_262 = tpu.memref_slice %arg11[%dma_start3A_260, %dma_start3A_261] : memref<32x512xf32, #tpu.memory_space<vmem>> -> memref<32x512xf32, #tpu.memory_space<vmem>>
    tpu.enqueue_dma source(%dma_start3A_262 : memref<32x512xf32, #tpu.memory_space<vmem>>) target(%dma_start3A_259 : memref<32x512xf32, #tpu.memory_space<hbm>>) target_semaphore(%arg23 : memref<!tpu.dma_semaphore, #tpu.memory_space<semaphore_mem>>)
    %dma_wait3A_263 = arith.constant 5 : i32
    %dma_wait3A_264 = arith.constant 0 : i32
    %dma_wait3A_265 = arith.constant 0 : i32
    %dma_wait3A_266 = tpu.memref_slice %arg11[%dma_wait3A_264, %dma_wait3A_265] : memref<32x512xf32, #tpu.memory_space<vmem>> -> memref<32x512xf32, #tpu.memory_space<vmem>>
    %dma_wait3A_267 = arith.constant 0 : i32
    %dma_wait3A_268 = tpu.memref_slice %arg4[%dma_wait3A_263, %mul3A_2, %dma_wait3A_267] : memref<50x1024x512xf32, #tpu.memory_space<hbm>> -> memref<1x32x512xf32, #tpu.memory_space<hbm>>
    %dma_wait3A_269 = tpu.memref_squeeze %dma_wait3A_268 : memref<1x32x512xf32, #tpu.memory_space<hbm>> -> memref<32x512xf32, #tpu.memory_space<hbm>>
    %dma_wait3A_270 = arith.constant 0 : i32
    %dma_wait3A_271 = tpu.memref_slice %arg4[%dma_wait3A_263, %mul3A_2, %dma_wait3A_270] : memref<50x1024x512xf32, #tpu.memory_space<hbm>> -> memref<1x32x512xf32, #tpu.memory_space<hbm>>
    %dma_wait3A_272 = tpu.memref_squeeze %dma_wait3A_271 : memref<1x32x512xf32, #tpu.memory_space<hbm>> -> memref<32x512xf32, #tpu.memory_space<hbm>>
    %dma_wait3A_273 = arith.constant 0 : i32
    %dma_wait3A_274 = arith.constant 0 : i32
    %dma_wait3A_275 = tpu.memref_slice %arg11[%dma_wait3A_273, %dma_wait3A_274] : memref<32x512xf32, #tpu.memory_space<vmem>> -> memref<32x512xf32, #tpu.memory_space<vmem>>
    tpu.wait_dma2 semaphore(%arg23 : memref<!tpu.dma_semaphore, #tpu.memory_space<semaphore_mem>>) src(%dma_wait3A_275 : memref<32x512xf32, #tpu.memory_space<vmem>>) dst(%dma_wait3A_272 : memref<32x512xf32, #tpu.memory_space<hbm>>)
    %dma_start3A_276 = arith.constant 11 : i32
    %dma_start3A_277 = arith.constant 0 : i32
    %dma_start3A_278 = tpu.memref_slice %arg5[%dma_start3A_276, %dma_start3A_277] : memref<50x32xi32, #tpu.memory_space<vmem>> -> memref<1x32xi32, #tpu.memory_space<vmem>>
    %dma_start3A_279 = tpu.memref_squeeze %dma_start3A_278 : memref<1x32xi32, #tpu.memory_space<vmem>> -> memref<32xi32, #tpu.memory_space<vmem>>
    %dma_start3A_280 = arith.constant 0 : i32
    %dma_start3A_281 = arith.constant 0 : i32
    %dma_start3A_282 = tpu.memref_slice %arg3[%dma_start3A_280, %dma_start3A_281] : memref<100000x512xf32, #tpu.memory_space<hbm>> -> memref<100000x512xf32, #tpu.memory_space<hbm>>
    tpu.enqueue_indirect_dma source(%dma_start3A_282 : memref<100000x512xf32, #tpu.memory_space<hbm>>) target(%arg11 : memref<32x512xf32, #tpu.memory_space<vmem>>) offsets(%dma_start3A_279 : memref<32xi32, #tpu.memory_space<vmem>>) semaphore(%arg17 : memref<!tpu.dma_semaphore, #tpu.memory_space<semaphore_mem>>)
    %dma_wait3A_283 = arith.constant 6 : i32
    %dma_wait3A_284 = arith.constant 0 : i32
    %dma_wait3A_285 = tpu.memref_slice %arg5[%dma_wait3A_283, %dma_wait3A_284] : memref<50x32xi32, #tpu.memory_space<vmem>> -> memref<1x32xi32, #tpu.memory_space<vmem>>
    %dma_wait3A_286 = tpu.memref_squeeze %dma_wait3A_285 : memref<1x32xi32, #tpu.memory_space<vmem>> -> memref<32xi32, #tpu.memory_space<vmem>>
    %dma_wait3A_287 = arith.constant 0 : i32
    %dma_wait3A_288 = arith.constant 0 : i32
    %dma_wait3A_289 = tpu.memref_slice %arg3[%dma_wait3A_287, %dma_wait3A_288] : memref<100000x512xf32, #tpu.memory_space<hbm>> -> memref<100000x512xf32, #tpu.memory_space<hbm>>
    tpu.wait_indirect_dma semaphore(%arg12 : memref<!tpu.dma_semaphore, #tpu.memory_space<semaphore_mem>>) src(%dma_wait3A_289 : memref<100000x512xf32, #tpu.memory_space<hbm>>) dst(%arg6 : memref<32x512xf32, #tpu.memory_space<vmem>>)
    %dma_start3A_290 = arith.constant 6 : i32
    %dma_start3A_291 = arith.constant 0 : i32
    %dma_start3A_292 = arith.constant 0 : i32
    %dma_start3A_293 = tpu.memref_slice %arg6[%dma_start3A_291, %dma_start3A_292] : memref<32x512xf32, #tpu.memory_space<vmem>> -> memref<32x512xf32, #tpu.memory_space<vmem>>
    %dma_start3A_294 = arith.constant 0 : i32
    %dma_start3A_295 = tpu.memref_slice %arg4[%dma_start3A_290, %mul3A_2, %dma_start3A_294] : memref<50x1024x512xf32, #tpu.memory_space<hbm>> -> memref<1x32x512xf32, #tpu.memory_space<hbm>>
    %dma_start3A_296 = tpu.memref_squeeze %dma_start3A_295 : memref<1x32x512xf32, #tpu.memory_space<hbm>> -> memref<32x512xf32, #tpu.memory_space<hbm>>
    %dma_start3A_297 = arith.constant 0 : i32
    %dma_start3A_298 = tpu.memref_slice %arg4[%dma_start3A_290, %mul3A_2, %dma_start3A_297] : memref<50x1024x512xf32, #tpu.memory_space<hbm>> -> memref<1x32x512xf32, #tpu.memory_space<hbm>>
    %dma_start3A_299 = tpu.memref_squeeze %dma_start3A_298 : memref<1x32x512xf32, #tpu.memory_space<hbm>> -> memref<32x512xf32, #tpu.memory_space<hbm>>
    %dma_start3A_300 = arith.constant 0 : i32
    %dma_start3A_301 = arith.constant 0 : i32
    %dma_start3A_302 = tpu.memref_slice %arg6[%dma_start3A_300, %dma_start3A_301] : memref<32x512xf32, #tpu.memory_space<vmem>> -> memref<32x512xf32, #tpu.memory_space<vmem>>
    tpu.enqueue_dma source(%dma_start3A_302 : memref<32x512xf32, #tpu.memory_space<vmem>>) target(%dma_start3A_299 : memref<32x512xf32, #tpu.memory_space<hbm>>) target_semaphore(%arg18 : memref<!tpu.dma_semaphore, #tpu.memory_space<semaphore_mem>>)
    %dma_wait3A_303 = arith.constant 6 : i32
    %dma_wait3A_304 = arith.constant 0 : i32
    %dma_wait3A_305 = arith.constant 0 : i32
    %dma_wait3A_306 = tpu.memref_slice %arg6[%dma_wait3A_304, %dma_wait3A_305] : memref<32x512xf32, #tpu.memory_space<vmem>> -> memref<32x512xf32, #tpu.memory_space<vmem>>
    %dma_wait3A_307 = arith.constant 0 : i32
    %dma_wait3A_308 = tpu.memref_slice %arg4[%dma_wait3A_303, %mul3A_2, %dma_wait3A_307] : memref<50x1024x512xf32, #tpu.memory_space<hbm>> -> memref<1x32x512xf32, #tpu.memory_space<hbm>>
    %dma_wait3A_309 = tpu.memref_squeeze %dma_wait3A_308 : memref<1x32x512xf32, #tpu.memory_space<hbm>> -> memref<32x512xf32, #tpu.memory_space<hbm>>
    %dma_wait3A_310 = arith.constant 0 : i32
    %dma_wait3A_311 = tpu.memref_slice %arg4[%dma_wait3A_303, %mul3A_2, %dma_wait3A_310] : memref<50x1024x512xf32, #tpu.memory_space<hbm>> -> memref<1x32x512xf32, #tpu.memory_space<hbm>>
    %dma_wait3A_312 = tpu.memref_squeeze %dma_wait3A_311 : memref<1x32x512xf32, #tpu.memory_space<hbm>> -> memref<32x512xf32, #tpu.memory_space<hbm>>
    %dma_wait3A_313 = arith.constant 0 : i32
    %dma_wait3A_314 = arith.constant 0 : i32
    %dma_wait3A_315 = tpu.memref_slice %arg6[%dma_wait3A_313, %dma_wait3A_314] : memref<32x512xf32, #tpu.memory_space<vmem>> -> memref<32x512xf32, #tpu.memory_space<vmem>>
    tpu.wait_dma2 semaphore(%arg18 : memref<!tpu.dma_semaphore, #tpu.memory_space<semaphore_mem>>) src(%dma_wait3A_315 : memref<32x512xf32, #tpu.memory_space<vmem>>) dst(%dma_wait3A_312 : memref<32x512xf32, #tpu.memory_space<hbm>>)
    %dma_start3A_316 = arith.constant 12 : i32
    %dma_start3A_317 = arith.constant 0 : i32
    %dma_start3A_318 = tpu.memref_slice %arg5[%dma_start3A_316, %dma_start3A_317] : memref<50x32xi32, #tpu.memory_space<vmem>> -> memref<1x32xi32, #tpu.memory_space<vmem>>
    %dma_start3A_319 = tpu.memref_squeeze %dma_start3A_318 : memref<1x32xi32, #tpu.memory_space<vmem>> -> memref<32xi32, #tpu.memory_space<vmem>>
    %dma_start3A_320 = arith.constant 0 : i32
    %dma_start3A_321 = arith.constant 0 : i32
    %dma_start3A_322 = tpu.memref_slice %arg3[%dma_start3A_320, %dma_start3A_321] : memref<100000x512xf32, #tpu.memory_space<hbm>> -> memref<100000x512xf32, #tpu.memory_space<hbm>>
    tpu.enqueue_indirect_dma source(%dma_start3A_322 : memref<100000x512xf32, #tpu.memory_space<hbm>>) target(%arg6 : memref<32x512xf32, #tpu.memory_space<vmem>>) offsets(%dma_start3A_319 : memref<32xi32, #tpu.memory_space<vmem>>) semaphore(%arg12 : memref<!tpu.dma_semaphore, #tpu.memory_space<semaphore_mem>>)
    %dma_wait3A_323 = arith.constant 7 : i32
    %dma_wait3A_324 = arith.constant 0 : i32
    %dma_wait3A_325 = tpu.memref_slice %arg5[%dma_wait3A_323, %dma_wait3A_324] : memref<50x32xi32, #tpu.memory_space<vmem>> -> memref<1x32xi32, #tpu.memory_space<vmem>>
    %dma_wait3A_326 = tpu.memref_squeeze %dma_wait3A_325 : memref<1x32xi32, #tpu.memory_space<vmem>> -> memref<32xi32, #tpu.memory_space<vmem>>
    %dma_wait3A_327 = arith.constant 0 : i32
    %dma_wait3A_328 = arith.constant 0 : i32
    %dma_wait3A_329 = tpu.memref_slice %arg3[%dma_wait3A_327, %dma_wait3A_328] : memref<100000x512xf32, #tpu.memory_space<hbm>> -> memref<100000x512xf32, #tpu.memory_space<hbm>>
    tpu.wait_indirect_dma semaphore(%arg13 : memref<!tpu.dma_semaphore, #tpu.memory_space<semaphore_mem>>) src(%dma_wait3A_329 : memref<100000x512xf32, #tpu.memory_space<hbm>>) dst(%arg7 : memref<32x512xf32, #tpu.memory_space<vmem>>)
    %dma_start3A_330 = arith.constant 7 : i32
    %dma_start3A_331 = arith.constant 0 : i32
    %dma_start3A_332 = arith.constant 0 : i32
    %dma_start3A_333 = tpu.memref_slice %arg7[%dma_start3A_331, %dma_start3A_332] : memref<32x512xf32, #tpu.memory_space<vmem>> -> memref<32x512xf32, #tpu.memory_space<vmem>>
    %dma_start3A_334 = arith.constant 0 : i32
    %dma_start3A_335 = tpu.memref_slice %arg4[%dma_start3A_330, %mul3A_2, %dma_start3A_334] : memref<50x1024x512xf32, #tpu.memory_space<hbm>> -> memref<1x32x512xf32, #tpu.memory_space<hbm>>
    %dma_start3A_336 = tpu.memref_squeeze %dma_start3A_335 : memref<1x32x512xf32, #tpu.memory_space<hbm>> -> memref<32x512xf32, #tpu.memory_space<hbm>>
    %dma_start3A_337 = arith.constant 0 : i32
    %dma_start3A_338 = tpu.memref_slice %arg4[%dma_start3A_330, %mul3A_2, %dma_start3A_337] : memref<50x1024x512xf32, #tpu.memory_space<hbm>> -> memref<1x32x512xf32, #tpu.memory_space<hbm>>
    %dma_start3A_339 = tpu.memref_squeeze %dma_start3A_338 : memref<1x32x512xf32, #tpu.memory_space<hbm>> -> memref<32x512xf32, #tpu.memory_space<hbm>>
    %dma_start3A_340 = arith.constant 0 : i32
    %dma_start3A_341 = arith.constant 0 : i32
    %dma_start3A_342 = tpu.memref_slice %arg7[%dma_start3A_340, %dma_start3A_341] : memref<32x512xf32, #tpu.memory_space<vmem>> -> memref<32x512xf32, #tpu.memory_space<vmem>>
    tpu.enqueue_dma source(%dma_start3A_342 : memref<32x512xf32, #tpu.memory_space<vmem>>) target(%dma_start3A_339 : memref<32x512xf32, #tpu.memory_space<hbm>>) target_semaphore(%arg19 : memref<!tpu.dma_semaphore, #tpu.memory_space<semaphore_mem>>)
    %dma_wait3A_343 = arith.constant 7 : i32
    %dma_wait3A_344 = arith.constant 0 : i32
    %dma_wait3A_345 = arith.constant 0 : i32
    %dma_wait3A_346 = tpu.memref_slice %arg7[%dma_wait3A_344, %dma_wait3A_345] : memref<32x512xf32, #tpu.memory_space<vmem>> -> memref<32x512xf32, #tpu.memory_space<vmem>>
    %dma_wait3A_347 = arith.constant 0 : i32
    %dma_wait3A_348 = tpu.memref_slice %arg4[%dma_wait3A_343, %mul3A_2, %dma_wait3A_347] : memref<50x1024x512xf32, #tpu.memory_space<hbm>> -> memref<1x32x512xf32, #tpu.memory_space<hbm>>
    %dma_wait3A_349 = tpu.memref_squeeze %dma_wait3A_348 : memref<1x32x512xf32, #tpu.memory_space<hbm>> -> memref<32x512xf32, #tpu.memory_space<hbm>>
    %dma_wait3A_350 = arith.constant 0 : i32
    %dma_wait3A_351 = tpu.memref_slice %arg4[%dma_wait3A_343, %mul3A_2, %dma_wait3A_350] : memref<50x1024x512xf32, #tpu.memory_space<hbm>> -> memref<1x32x512xf32, #tpu.memory_space<hbm>>
    %dma_wait3A_352 = tpu.memref_squeeze %dma_wait3A_351 : memref<1x32x512xf32, #tpu.memory_space<hbm>> -> memref<32x512xf32, #tpu.memory_space<hbm>>
    %dma_wait3A_353 = arith.constant 0 : i32
    %dma_wait3A_354 = arith.constant 0 : i32
    %dma_wait3A_355 = tpu.memref_slice %arg7[%dma_wait3A_353, %dma_wait3A_354] : memref<32x512xf32, #tpu.memory_space<vmem>> -> memref<32x512xf32, #tpu.memory_space<vmem>>
    tpu.wait_dma2 semaphore(%arg19 : memref<!tpu.dma_semaphore, #tpu.memory_space<semaphore_mem>>) src(%dma_wait3A_355 : memref<32x512xf32, #tpu.memory_space<vmem>>) dst(%dma_wait3A_352 : memref<32x512xf32, #tpu.memory_space<hbm>>)
    %dma_start3A_356 = arith.constant 13 : i32
    %dma_start3A_357 = arith.constant 0 : i32
    %dma_start3A_358 = tpu.memref_slice %arg5[%dma_start3A_356, %dma_start3A_357] : memref<50x32xi32, #tpu.memory_space<vmem>> -> memref<1x32xi32, #tpu.memory_space<vmem>>
    %dma_start3A_359 = tpu.memref_squeeze %dma_start3A_358 : memref<1x32xi32, #tpu.memory_space<vmem>> -> memref<32xi32, #tpu.memory_space<vmem>>
    %dma_start3A_360 = arith.constant 0 : i32
    %dma_start3A_361 = arith.constant 0 : i32
    %dma_start3A_362 = tpu.memref_slice %arg3[%dma_start3A_360, %dma_start3A_361] : memref<100000x512xf32, #tpu.memory_space<hbm>> -> memref<100000x512xf32, #tpu.memory_space<hbm>>
    tpu.enqueue_indirect_dma source(%dma_start3A_362 : memref<100000x512xf32, #tpu.memory_space<hbm>>) target(%arg7 : memref<32x512xf32, #tpu.memory_space<vmem>>) offsets(%dma_start3A_359 : memref<32xi32, #tpu.memory_space<vmem>>) semaphore(%arg13 : memref<!tpu.dma_semaphore, #tpu.memory_space<semaphore_mem>>)
    %dma_wait3A_363 = arith.constant 8 : i32
    %dma_wait3A_364 = arith.constant 0 : i32
    %dma_wait3A_365 = tpu.memref_slice %arg5[%dma_wait3A_363, %dma_wait3A_364] : memref<50x32xi32, #tpu.memory_space<vmem>> -> memref<1x32xi32, #tpu.memory_space<vmem>>
    %dma_wait3A_366 = tpu.memref_squeeze %dma_wait3A_365 : memref<1x32xi32, #tpu.memory_space<vmem>> -> memref<32xi32, #tpu.memory_space<vmem>>
    %dma_wait3A_367 = arith.constant 0 : i32
    %dma_wait3A_368 = arith.constant 0 : i32
    %dma_wait3A_369 = tpu.memref_slice %arg3[%dma_wait3A_367, %dma_wait3A_368] : memref<100000x512xf32, #tpu.memory_space<hbm>> -> memref<100000x512xf32, #tpu.memory_space<hbm>>
    tpu.wait_indirect_dma semaphore(%arg14 : memref<!tpu.dma_semaphore, #tpu.memory_space<semaphore_mem>>) src(%dma_wait3A_369 : memref<100000x512xf32, #tpu.memory_space<hbm>>) dst(%arg8 : memref<32x512xf32, #tpu.memory_space<vmem>>)
    %dma_start3A_370 = arith.constant 8 : i32
    %dma_start3A_371 = arith.constant 0 : i32
    %dma_start3A_372 = arith.constant 0 : i32
    %dma_start3A_373 = tpu.memref_slice %arg8[%dma_start3A_371, %dma_start3A_372] : memref<32x512xf32, #tpu.memory_space<vmem>> -> memref<32x512xf32, #tpu.memory_space<vmem>>
    %dma_start3A_374 = arith.constant 0 : i32
    %dma_start3A_375 = tpu.memref_slice %arg4[%dma_start3A_370, %mul3A_2, %dma_start3A_374] : memref<50x1024x512xf32, #tpu.memory_space<hbm>> -> memref<1x32x512xf32, #tpu.memory_space<hbm>>
    %dma_start3A_376 = tpu.memref_squeeze %dma_start3A_375 : memref<1x32x512xf32, #tpu.memory_space<hbm>> -> memref<32x512xf32, #tpu.memory_space<hbm>>
    %dma_start3A_377 = arith.constant 0 : i32
    %dma_start3A_378 = tpu.memref_slice %arg4[%dma_start3A_370, %mul3A_2, %dma_start3A_377] : memref<50x1024x512xf32, #tpu.memory_space<hbm>> -> memref<1x32x512xf32, #tpu.memory_space<hbm>>
    %dma_start3A_379 = tpu.memref_squeeze %dma_start3A_378 : memref<1x32x512xf32, #tpu.memory_space<hbm>> -> memref<32x512xf32, #tpu.memory_space<hbm>>
    %dma_start3A_380 = arith.constant 0 : i32
    %dma_start3A_381 = arith.constant 0 : i32
    %dma_start3A_382 = tpu.memref_slice %arg8[%dma_start3A_380, %dma_start3A_381] : memref<32x512xf32, #tpu.memory_space<vmem>> -> memref<32x512xf32, #tpu.memory_space<vmem>>
    tpu.enqueue_dma source(%dma_start3A_382 : memref<32x512xf32, #tpu.memory_space<vmem>>) target(%dma_start3A_379 : memref<32x512xf32, #tpu.memory_space<hbm>>) target_semaphore(%arg20 : memref<!tpu.dma_semaphore, #tpu.memory_space<semaphore_mem>>)
    %dma_wait3A_383 = arith.constant 8 : i32
    %dma_wait3A_384 = arith.constant 0 : i32
    %dma_wait3A_385 = arith.constant 0 : i32
    %dma_wait3A_386 = tpu.memref_slice %arg8[%dma_wait3A_384, %dma_wait3A_385] : memref<32x512xf32, #tpu.memory_space<vmem>> -> memref<32x512xf32, #tpu.memory_space<vmem>>
    %dma_wait3A_387 = arith.constant 0 : i32
    %dma_wait3A_388 = tpu.memref_slice %arg4[%dma_wait3A_383, %mul3A_2, %dma_wait3A_387] : memref<50x1024x512xf32, #tpu.memory_space<hbm>> -> memref<1x32x512xf32, #tpu.memory_space<hbm>>
    %dma_wait3A_389 = tpu.memref_squeeze %dma_wait3A_388 : memref<1x32x512xf32, #tpu.memory_space<hbm>> -> memref<32x512xf32, #tpu.memory_space<hbm>>
    %dma_wait3A_390 = arith.constant 0 : i32
    %dma_wait3A_391 = tpu.memref_slice %arg4[%dma_wait3A_383, %mul3A_2, %dma_wait3A_390] : memref<50x1024x512xf32, #tpu.memory_space<hbm>> -> memref<1x32x512xf32, #tpu.memory_space<hbm>>
    %dma_wait3A_392 = tpu.memref_squeeze %dma_wait3A_391 : memref<1x32x512xf32, #tpu.memory_space<hbm>> -> memref<32x512xf32, #tpu.memory_space<hbm>>
    %dma_wait3A_393 = arith.constant 0 : i32
    %dma_wait3A_394 = arith.constant 0 : i32
    %dma_wait3A_395 = tpu.memref_slice %arg8[%dma_wait3A_393, %dma_wait3A_394] : memref<32x512xf32, #tpu.memory_space<vmem>> -> memref<32x512xf32, #tpu.memory_space<vmem>>
    tpu.wait_dma2 semaphore(%arg20 : memref<!tpu.dma_semaphore, #tpu.memory_space<semaphore_mem>>) src(%dma_wait3A_395 : memref<32x512xf32, #tpu.memory_space<vmem>>) dst(%dma_wait3A_392 : memref<32x512xf32, #tpu.memory_space<hbm>>)
    %dma_start3A_396 = arith.constant 14 : i32
    %dma_start3A_397 = arith.constant 0 : i32
    %dma_start3A_398 = tpu.memref_slice %arg5[%dma_start3A_396, %dma_start3A_397] : memref<50x32xi32, #tpu.memory_space<vmem>> -> memref<1x32xi32, #tpu.memory_space<vmem>>
    %dma_start3A_399 = tpu.memref_squeeze %dma_start3A_398 : memref<1x32xi32, #tpu.memory_space<vmem>> -> memref<32xi32, #tpu.memory_space<vmem>>
    %dma_start3A_400 = arith.constant 0 : i32
    %dma_start3A_401 = arith.constant 0 : i32
    %dma_start3A_402 = tpu.memref_slice %arg3[%dma_start3A_400, %dma_start3A_401] : memref<100000x512xf32, #tpu.memory_space<hbm>> -> memref<100000x512xf32, #tpu.memory_space<hbm>>
    tpu.enqueue_indirect_dma source(%dma_start3A_402 : memref<100000x512xf32, #tpu.memory_space<hbm>>) target(%arg8 : memref<32x512xf32, #tpu.memory_space<vmem>>) offsets(%dma_start3A_399 : memref<32xi32, #tpu.memory_space<vmem>>) semaphore(%arg14 : memref<!tpu.dma_semaphore, #tpu.memory_space<semaphore_mem>>)
    %dma_wait3A_403 = arith.constant 9 : i32
    %dma_wait3A_404 = arith.constant 0 : i32
    %dma_wait3A_405 = tpu.memref_slice %arg5[%dma_wait3A_403, %dma_wait3A_404] : memref<50x32xi32, #tpu.memory_space<vmem>> -> memref<1x32xi32, #tpu.memory_space<vmem>>
    %dma_wait3A_406 = tpu.memref_squeeze %dma_wait3A_405 : memref<1x32xi32, #tpu.memory_space<vmem>> -> memref<32xi32, #tpu.memory_space<vmem>>
    %dma_wait3A_407 = arith.constant 0 : i32
    %dma_wait3A_408 = arith.constant 0 : i32
    %dma_wait3A_409 = tpu.memref_slice %arg3[%dma_wait3A_407, %dma_wait3A_408] : memref<100000x512xf32, #tpu.memory_space<hbm>> -> memref<100000x512xf32, #tpu.memory_space<hbm>>
    tpu.wait_indirect_dma semaphore(%arg15 : memref<!tpu.dma_semaphore, #tpu.memory_space<semaphore_mem>>) src(%dma_wait3A_409 : memref<100000x512xf32, #tpu.memory_space<hbm>>) dst(%arg9 : memref<32x512xf32, #tpu.memory_space<vmem>>)
    %dma_start3A_410 = arith.constant 9 : i32
    %dma_start3A_411 = arith.constant 0 : i32
    %dma_start3A_412 = arith.constant 0 : i32
    %dma_start3A_413 = tpu.memref_slice %arg9[%dma_start3A_411, %dma_start3A_412] : memref<32x512xf32, #tpu.memory_space<vmem>> -> memref<32x512xf32, #tpu.memory_space<vmem>>
    %dma_start3A_414 = arith.constant 0 : i32
    %dma_start3A_415 = tpu.memref_slice %arg4[%dma_start3A_410, %mul3A_2, %dma_start3A_414] : memref<50x1024x512xf32, #tpu.memory_space<hbm>> -> memref<1x32x512xf32, #tpu.memory_space<hbm>>
    %dma_start3A_416 = tpu.memref_squeeze %dma_start3A_415 : memref<1x32x512xf32, #tpu.memory_space<hbm>> -> memref<32x512xf32, #tpu.memory_space<hbm>>
    %dma_start3A_417 = arith.constant 0 : i32
    %dma_start3A_418 = tpu.memref_slice %arg4[%dma_start3A_410, %mul3A_2, %dma_start3A_417] : memref<50x1024x512xf32, #tpu.memory_space<hbm>> -> memref<1x32x512xf32, #tpu.memory_space<hbm>>
    %dma_start3A_419 = tpu.memref_squeeze %dma_start3A_418 : memref<1x32x512xf32, #tpu.memory_space<hbm>> -> memref<32x512xf32, #tpu.memory_space<hbm>>
    %dma_start3A_420 = arith.constant 0 : i32
    %dma_start3A_421 = arith.constant 0 : i32
    %dma_start3A_422 = tpu.memref_slice %arg9[%dma_start3A_420, %dma_start3A_421] : memref<32x512xf32, #tpu.memory_space<vmem>> -> memref<32x512xf32, #tpu.memory_space<vmem>>
    tpu.enqueue_dma source(%dma_start3A_422 : memref<32x512xf32, #tpu.memory_space<vmem>>) target(%dma_start3A_419 : memref<32x512xf32, #tpu.memory_space<hbm>>) target_semaphore(%arg21 : memref<!tpu.dma_semaphore, #tpu.memory_space<semaphore_mem>>)
    %dma_wait3A_423 = arith.constant 9 : i32
    %dma_wait3A_424 = arith.constant 0 : i32
    %dma_wait3A_425 = arith.constant 0 : i32
    %dma_wait3A_426 = tpu.memref_slice %arg9[%dma_wait3A_424, %dma_wait3A_425] : memref<32x512xf32, #tpu.memory_space<vmem>> -> memref<32x512xf32, #tpu.memory_space<vmem>>
    %dma_wait3A_427 = arith.constant 0 : i32
    %dma_wait3A_428 = tpu.memref_slice %arg4[%dma_wait3A_423, %mul3A_2, %dma_wait3A_427] : memref<50x1024x512xf32, #tpu.memory_space<hbm>> -> memref<1x32x512xf32, #tpu.memory_space<hbm>>
    %dma_wait3A_429 = tpu.memref_squeeze %dma_wait3A_428 : memref<1x32x512xf32, #tpu.memory_space<hbm>> -> memref<32x512xf32, #tpu.memory_space<hbm>>
    %dma_wait3A_430 = arith.constant 0 : i32
    %dma_wait3A_431 = tpu.memref_slice %arg4[%dma_wait3A_423, %mul3A_2, %dma_wait3A_430] : memref<50x1024x512xf32, #tpu.memory_space<hbm>> -> memref<1x32x512xf32, #tpu.memory_space<hbm>>
    %dma_wait3A_432 = tpu.memref_squeeze %dma_wait3A_431 : memref<1x32x512xf32, #tpu.memory_space<hbm>> -> memref<32x512xf32, #tpu.memory_space<hbm>>
    %dma_wait3A_433 = arith.constant 0 : i32
    %dma_wait3A_434 = arith.constant 0 : i32
    %dma_wait3A_435 = tpu.memref_slice %arg9[%dma_wait3A_433, %dma_wait3A_434] : memref<32x512xf32, #tpu.memory_space<vmem>> -> memref<32x512xf32, #tpu.memory_space<vmem>>
    tpu.wait_dma2 semaphore(%arg21 : memref<!tpu.dma_semaphore, #tpu.memory_space<semaphore_mem>>) src(%dma_wait3A_435 : memref<32x512xf32, #tpu.memory_space<vmem>>) dst(%dma_wait3A_432 : memref<32x512xf32, #tpu.memory_space<hbm>>)
    %dma_start3A_436 = arith.constant 15 : i32
    %dma_start3A_437 = arith.constant 0 : i32
    %dma_start3A_438 = tpu.memref_slice %arg5[%dma_start3A_436, %dma_start3A_437] : memref<50x32xi32, #tpu.memory_space<vmem>> -> memref<1x32xi32, #tpu.memory_space<vmem>>
    %dma_start3A_439 = tpu.memref_squeeze %dma_start3A_438 : memref<1x32xi32, #tpu.memory_space<vmem>> -> memref<32xi32, #tpu.memory_space<vmem>>
    %dma_start3A_440 = arith.constant 0 : i32
    %dma_start3A_441 = arith.constant 0 : i32
    %dma_start3A_442 = tpu.memref_slice %arg3[%dma_start3A_440, %dma_start3A_441] : memref<100000x512xf32, #tpu.memory_space<hbm>> -> memref<100000x512xf32, #tpu.memory_space<hbm>>
    tpu.enqueue_indirect_dma source(%dma_start3A_442 : memref<100000x512xf32, #tpu.memory_space<hbm>>) target(%arg9 : memref<32x512xf32, #tpu.memory_space<vmem>>) offsets(%dma_start3A_439 : memref<32xi32, #tpu.memory_space<vmem>>) semaphore(%arg15 : memref<!tpu.dma_semaphore, #tpu.memory_space<semaphore_mem>>)
    %dma_wait3A_443 = arith.constant 10 : i32
    %dma_wait3A_444 = arith.constant 0 : i32
    %dma_wait3A_445 = tpu.memref_slice %arg5[%dma_wait3A_443, %dma_wait3A_444] : memref<50x32xi32, #tpu.memory_space<vmem>> -> memref<1x32xi32, #tpu.memory_space<vmem>>
    %dma_wait3A_446 = tpu.memref_squeeze %dma_wait3A_445 : memref<1x32xi32, #tpu.memory_space<vmem>> -> memref<32xi32, #tpu.memory_space<vmem>>
    %dma_wait3A_447 = arith.constant 0 : i32
    %dma_wait3A_448 = arith.constant 0 : i32
    %dma_wait3A_449 = tpu.memref_slice %arg3[%dma_wait3A_447, %dma_wait3A_448] : memref<100000x512xf32, #tpu.memory_space<hbm>> -> memref<100000x512xf32, #tpu.memory_space<hbm>>
    tpu.wait_indirect_dma semaphore(%arg16 : memref<!tpu.dma_semaphore, #tpu.memory_space<semaphore_mem>>) src(%dma_wait3A_449 : memref<100000x512xf32, #tpu.memory_space<hbm>>) dst(%arg10 : memref<32x512xf32, #tpu.memory_space<vmem>>)
    %dma_start3A_450 = arith.constant 10 : i32
    %dma_start3A_451 = arith.constant 0 : i32
    %dma_start3A_452 = arith.constant 0 : i32
    %dma_start3A_453 = tpu.memref_slice %arg10[%dma_start3A_451, %dma_start3A_452] : memref<32x512xf32, #tpu.memory_space<vmem>> -> memref<32x512xf32, #tpu.memory_space<vmem>>
    %dma_start3A_454 = arith.constant 0 : i32
    %dma_start3A_455 = tpu.memref_slice %arg4[%dma_start3A_450, %mul3A_2, %dma_start3A_454] : memref<50x1024x512xf32, #tpu.memory_space<hbm>> -> memref<1x32x512xf32, #tpu.memory_space<hbm>>
    %dma_start3A_456 = tpu.memref_squeeze %dma_start3A_455 : memref<1x32x512xf32, #tpu.memory_space<hbm>> -> memref<32x512xf32, #tpu.memory_space<hbm>>
    %dma_start3A_457 = arith.constant 0 : i32
    %dma_start3A_458 = tpu.memref_slice %arg4[%dma_start3A_450, %mul3A_2, %dma_start3A_457] : memref<50x1024x512xf32, #tpu.memory_space<hbm>> -> memref<1x32x512xf32, #tpu.memory_space<hbm>>
    %dma_start3A_459 = tpu.memref_squeeze %dma_start3A_458 : memref<1x32x512xf32, #tpu.memory_space<hbm>> -> memref<32x512xf32, #tpu.memory_space<hbm>>
    %dma_start3A_460 = arith.constant 0 : i32
    %dma_start3A_461 = arith.constant 0 : i32
    %dma_start3A_462 = tpu.memref_slice %arg10[%dma_start3A_460, %dma_start3A_461] : memref<32x512xf32, #tpu.memory_space<vmem>> -> memref<32x512xf32, #tpu.memory_space<vmem>>
    tpu.enqueue_dma source(%dma_start3A_462 : memref<32x512xf32, #tpu.memory_space<vmem>>) target(%dma_start3A_459 : memref<32x512xf32, #tpu.memory_space<hbm>>) target_semaphore(%arg22 : memref<!tpu.dma_semaphore, #tpu.memory_space<semaphore_mem>>)
    %dma_wait3A_463 = arith.constant 10 : i32
    %dma_wait3A_464 = arith.constant 0 : i32
    %dma_wait3A_465 = arith.constant 0 : i32
    %dma_wait3A_466 = tpu.memref_slice %arg10[%dma_wait3A_464, %dma_wait3A_465] : memref<32x512xf32, #tpu.memory_space<vmem>> -> memref<32x512xf32, #tpu.memory_space<vmem>>
    %dma_wait3A_467 = arith.constant 0 : i32
    %dma_wait3A_468 = tpu.memref_slice %arg4[%dma_wait3A_463, %mul3A_2, %dma_wait3A_467] : memref<50x1024x512xf32, #tpu.memory_space<hbm>> -> memref<1x32x512xf32, #tpu.memory_space<hbm>>
    %dma_wait3A_469 = tpu.memref_squeeze %dma_wait3A_468 : memref<1x32x512xf32, #tpu.memory_space<hbm>> -> memref<32x512xf32, #tpu.memory_space<hbm>>
    %dma_wait3A_470 = arith.constant 0 : i32
    %dma_wait3A_471 = tpu.memref_slice %arg4[%dma_wait3A_463, %mul3A_2, %dma_wait3A_470] : memref<50x1024x512xf32, #tpu.memory_space<hbm>> -> memref<1x32x512xf32, #tpu.memory_space<hbm>>
    %dma_wait3A_472 = tpu.memref_squeeze %dma_wait3A_471 : memref<1x32x512xf32, #tpu.memory_space<hbm>> -> memref<32x512xf32, #tpu.memory_space<hbm>>
    %dma_wait3A_473 = arith.constant 0 : i32
    %dma_wait3A_474 = arith.constant 0 : i32
    %dma_wait3A_475 = tpu.memref_slice %arg10[%dma_wait3A_473, %dma_wait3A_474] : memref<32x512xf32, #tpu.memory_space<vmem>> -> memref<32x512xf32, #tpu.memory_space<vmem>>
    tpu.wait_dma2 semaphore(%arg22 : memref<!tpu.dma_semaphore, #tpu.memory_space<semaphore_mem>>) src(%dma_wait3A_475 : memref<32x512xf32, #tpu.memory_space<vmem>>) dst(%dma_wait3A_472 : memref<32x512xf32, #tpu.memory_space<hbm>>)
    %dma_start3A_476 = arith.constant 16 : i32
    %dma_start3A_477 = arith.constant 0 : i32
    %dma_start3A_478 = tpu.memref_slice %arg5[%dma_start3A_476, %dma_start3A_477] : memref<50x32xi32, #tpu.memory_space<vmem>> -> memref<1x32xi32, #tpu.memory_space<vmem>>
    %dma_start3A_479 = tpu.memref_squeeze %dma_start3A_478 : memref<1x32xi32, #tpu.memory_space<vmem>> -> memref<32xi32, #tpu.memory_space<vmem>>
    %dma_start3A_480 = arith.constant 0 : i32
    %dma_start3A_481 = arith.constant 0 : i32
    %dma_start3A_482 = tpu.memref_slice %arg3[%dma_start3A_480, %dma_start3A_481] : memref<100000x512xf32, #tpu.memory_space<hbm>> -> memref<100000x512xf32, #tpu.memory_space<hbm>>
    tpu.enqueue_indirect_dma source(%dma_start3A_482 : memref<100000x512xf32, #tpu.memory_space<hbm>>) target(%arg10 : memref<32x512xf32, #tpu.memory_space<vmem>>) offsets(%dma_start3A_479 : memref<32xi32, #tpu.memory_space<vmem>>) semaphore(%arg16 : memref<!tpu.dma_semaphore, #tpu.memory_space<semaphore_mem>>)
    %dma_wait3A_483 = arith.constant 11 : i32
    %dma_wait3A_484 = arith.constant 0 : i32
    %dma_wait3A_485 = tpu.memref_slice %arg5[%dma_wait3A_483, %dma_wait3A_484] : memref<50x32xi32, #tpu.memory_space<vmem>> -> memref<1x32xi32, #tpu.memory_space<vmem>>
    %dma_wait3A_486 = tpu.memref_squeeze %dma_wait3A_485 : memref<1x32xi32, #tpu.memory_space<vmem>> -> memref<32xi32, #tpu.memory_space<vmem>>
    %dma_wait3A_487 = arith.constant 0 : i32
    %dma_wait3A_488 = arith.constant 0 : i32
    %dma_wait3A_489 = tpu.memref_slice %arg3[%dma_wait3A_487, %dma_wait3A_488] : memref<100000x512xf32, #tpu.memory_space<hbm>> -> memref<100000x512xf32, #tpu.memory_space<hbm>>
    tpu.wait_indirect_dma semaphore(%arg17 : memref<!tpu.dma_semaphore, #tpu.memory_space<semaphore_mem>>) src(%dma_wait3A_489 : memref<100000x512xf32, #tpu.memory_space<hbm>>) dst(%arg11 : memref<32x512xf32, #tpu.memory_space<vmem>>)
    %dma_start3A_490 = arith.constant 11 : i32
    %dma_start3A_491 = arith.constant 0 : i32
    %dma_start3A_492 = arith.constant 0 : i32
    %dma_start3A_493 = tpu.memref_slice %arg11[%dma_start3A_491, %dma_start3A_492] : memref<32x512xf32, #tpu.memory_space<vmem>> -> memref<32x512xf32, #tpu.memory_space<vmem>>
    %dma_start3A_494 = arith.constant 0 : i32
    %dma_start3A_495 = tpu.memref_slice %arg4[%dma_start3A_490, %mul3A_2, %dma_start3A_494] : memref<50x1024x512xf32, #tpu.memory_space<hbm>> -> memref<1x32x512xf32, #tpu.memory_space<hbm>>
    %dma_start3A_496 = tpu.memref_squeeze %dma_start3A_495 : memref<1x32x512xf32, #tpu.memory_space<hbm>> -> memref<32x512xf32, #tpu.memory_space<hbm>>
    %dma_start3A_497 = arith.constant 0 : i32
    %dma_start3A_498 = tpu.memref_slice %arg4[%dma_start3A_490, %mul3A_2, %dma_start3A_497] : memref<50x1024x512xf32, #tpu.memory_space<hbm>> -> memref<1x32x512xf32, #tpu.memory_space<hbm>>
    %dma_start3A_499 = tpu.memref_squeeze %dma_start3A_498 : memref<1x32x512xf32, #tpu.memory_space<hbm>> -> memref<32x512xf32, #tpu.memory_space<hbm>>
    %dma_start3A_500 = arith.constant 0 : i32
    %dma_start3A_501 = arith.constant 0 : i32
    %dma_start3A_502 = tpu.memref_slice %arg11[%dma_start3A_500, %dma_start3A_501] : memref<32x512xf32, #tpu.memory_space<vmem>> -> memref<32x512xf32, #tpu.memory_space<vmem>>
    tpu.enqueue_dma source(%dma_start3A_502 : memref<32x512xf32, #tpu.memory_space<vmem>>) target(%dma_start3A_499 : memref<32x512xf32, #tpu.memory_space<hbm>>) target_semaphore(%arg23 : memref<!tpu.dma_semaphore, #tpu.memory_space<semaphore_mem>>)
    %dma_wait3A_503 = arith.constant 11 : i32
    %dma_wait3A_504 = arith.constant 0 : i32
    %dma_wait3A_505 = arith.constant 0 : i32
    %dma_wait3A_506 = tpu.memref_slice %arg11[%dma_wait3A_504, %dma_wait3A_505] : memref<32x512xf32, #tpu.memory_space<vmem>> -> memref<32x512xf32, #tpu.memory_space<vmem>>
    %dma_wait3A_507 = arith.constant 0 : i32
    %dma_wait3A_508 = tpu.memref_slice %arg4[%dma_wait3A_503, %mul3A_2, %dma_wait3A_507] : memref<50x1024x512xf32, #tpu.memory_space<hbm>> -> memref<1x32x512xf32, #tpu.memory_space<hbm>>
    %dma_wait3A_509 = tpu.memref_squeeze %dma_wait3A_508 : memref<1x32x512xf32, #tpu.memory_space<hbm>> -> memref<32x512xf32, #tpu.memory_space<hbm>>
    %dma_wait3A_510 = arith.constant 0 : i32
    %dma_wait3A_511 = tpu.memref_slice %arg4[%dma_wait3A_503, %mul3A_2, %dma_wait3A_510] : memref<50x1024x512xf32, #tpu.memory_space<hbm>> -> memref<1x32x512xf32, #tpu.memory_space<hbm>>
    %dma_wait3A_512 = tpu.memref_squeeze %dma_wait3A_511 : memref<1x32x512xf32, #tpu.memory_space<hbm>> -> memref<32x512xf32, #tpu.memory_space<hbm>>
    %dma_wait3A_513 = arith.constant 0 : i32
    %dma_wait3A_514 = arith.constant 0 : i32
    %dma_wait3A_515 = tpu.memref_slice %arg11[%dma_wait3A_513, %dma_wait3A_514] : memref<32x512xf32, #tpu.memory_space<vmem>> -> memref<32x512xf32, #tpu.memory_space<vmem>>
    tpu.wait_dma2 semaphore(%arg23 : memref<!tpu.dma_semaphore, #tpu.memory_space<semaphore_mem>>) src(%dma_wait3A_515 : memref<32x512xf32, #tpu.memory_space<vmem>>) dst(%dma_wait3A_512 : memref<32x512xf32, #tpu.memory_space<hbm>>)
    %dma_start3A_516 = arith.constant 17 : i32
    %dma_start3A_517 = arith.constant 0 : i32
    %dma_start3A_518 = tpu.memref_slice %arg5[%dma_start3A_516, %dma_start3A_517] : memref<50x32xi32, #tpu.memory_space<vmem>> -> memref<1x32xi32, #tpu.memory_space<vmem>>
    %dma_start3A_519 = tpu.memref_squeeze %dma_start3A_518 : memref<1x32xi32, #tpu.memory_space<vmem>> -> memref<32xi32, #tpu.memory_space<vmem>>
    %dma_start3A_520 = arith.constant 0 : i32
    %dma_start3A_521 = arith.constant 0 : i32
    %dma_start3A_522 = tpu.memref_slice %arg3[%dma_start3A_520, %dma_start3A_521] : memref<100000x512xf32, #tpu.memory_space<hbm>> -> memref<100000x512xf32, #tpu.memory_space<hbm>>
    tpu.enqueue_indirect_dma source(%dma_start3A_522 : memref<100000x512xf32, #tpu.memory_space<hbm>>) target(%arg11 : memref<32x512xf32, #tpu.memory_space<vmem>>) offsets(%dma_start3A_519 : memref<32xi32, #tpu.memory_space<vmem>>) semaphore(%arg17 : memref<!tpu.dma_semaphore, #tpu.memory_space<semaphore_mem>>)
    %dma_wait3A_523 = arith.constant 12 : i32
    %dma_wait3A_524 = arith.constant 0 : i32
    %dma_wait3A_525 = tpu.memref_slice %arg5[%dma_wait3A_523, %dma_wait3A_524] : memref<50x32xi32, #tpu.memory_space<vmem>> -> memref<1x32xi32, #tpu.memory_space<vmem>>
    %dma_wait3A_526 = tpu.memref_squeeze %dma_wait3A_525 : memref<1x32xi32, #tpu.memory_space<vmem>> -> memref<32xi32, #tpu.memory_space<vmem>>
    %dma_wait3A_527 = arith.constant 0 : i32
    %dma_wait3A_528 = arith.constant 0 : i32
    %dma_wait3A_529 = tpu.memref_slice %arg3[%dma_wait3A_527, %dma_wait3A_528] : memref<100000x512xf32, #tpu.memory_space<hbm>> -> memref<100000x512xf32, #tpu.memory_space<hbm>>
    tpu.wait_indirect_dma semaphore(%arg12 : memref<!tpu.dma_semaphore, #tpu.memory_space<semaphore_mem>>) src(%dma_wait3A_529 : memref<100000x512xf32, #tpu.memory_space<hbm>>) dst(%arg6 : memref<32x512xf32, #tpu.memory_space<vmem>>)
    %dma_start3A_530 = arith.constant 12 : i32
    %dma_start3A_531 = arith.constant 0 : i32
    %dma_start3A_532 = arith.constant 0 : i32
    %dma_start3A_533 = tpu.memref_slice %arg6[%dma_start3A_531, %dma_start3A_532] : memref<32x512xf32, #tpu.memory_space<vmem>> -> memref<32x512xf32, #tpu.memory_space<vmem>>
    %dma_start3A_534 = arith.constant 0 : i32
    %dma_start3A_535 = tpu.memref_slice %arg4[%dma_start3A_530, %mul3A_2, %dma_start3A_534] : memref<50x1024x512xf32, #tpu.memory_space<hbm>> -> memref<1x32x512xf32, #tpu.memory_space<hbm>>
    %dma_start3A_536 = tpu.memref_squeeze %dma_start3A_535 : memref<1x32x512xf32, #tpu.memory_space<hbm>> -> memref<32x512xf32, #tpu.memory_space<hbm>>
    %dma_start3A_537 = arith.constant 0 : i32
    %dma_start3A_538 = tpu.memref_slice %arg4[%dma_start3A_530, %mul3A_2, %dma_start3A_537] : memref<50x1024x512xf32, #tpu.memory_space<hbm>> -> memref<1x32x512xf32, #tpu.memory_space<hbm>>
    %dma_start3A_539 = tpu.memref_squeeze %dma_start3A_538 : memref<1x32x512xf32, #tpu.memory_space<hbm>> -> memref<32x512xf32, #tpu.memory_space<hbm>>
    %dma_start3A_540 = arith.constant 0 : i32
    %dma_start3A_541 = arith.constant 0 : i32
    %dma_start3A_542 = tpu.memref_slice %arg6[%dma_start3A_540, %dma_start3A_541] : memref<32x512xf32, #tpu.memory_space<vmem>> -> memref<32x512xf32, #tpu.memory_space<vmem>>
    tpu.enqueue_dma source(%dma_start3A_542 : memref<32x512xf32, #tpu.memory_space<vmem>>) target(%dma_start3A_539 : memref<32x512xf32, #tpu.memory_space<hbm>>) target_semaphore(%arg18 : memref<!tpu.dma_semaphore, #tpu.memory_space<semaphore_mem>>)
    %dma_wait3A_543 = arith.constant 12 : i32
    %dma_wait3A_544 = arith.constant 0 : i32
    %dma_wait3A_545 = arith.constant 0 : i32
    %dma_wait3A_546 = tpu.memref_slice %arg6[%dma_wait3A_544, %dma_wait3A_545] : memref<32x512xf32, #tpu.memory_space<vmem>> -> memref<32x512xf32, #tpu.memory_space<vmem>>
    %dma_wait3A_547 = arith.constant 0 : i32
    %dma_wait3A_548 = tpu.memref_slice %arg4[%dma_wait3A_543, %mul3A_2, %dma_wait3A_547] : memref<50x1024x512xf32, #tpu.memory_space<hbm>> -> memref<1x32x512xf32, #tpu.memory_space<hbm>>
    %dma_wait3A_549 = tpu.memref_squeeze %dma_wait3A_548 : memref<1x32x512xf32, #tpu.memory_space<hbm>> -> memref<32x512xf32, #tpu.memory_space<hbm>>
    %dma_wait3A_550 = arith.constant 0 : i32
    %dma_wait3A_551 = tpu.memref_slice %arg4[%dma_wait3A_543, %mul3A_2, %dma_wait3A_550] : memref<50x1024x512xf32, #tpu.memory_space<hbm>> -> memref<1x32x512xf32, #tpu.memory_space<hbm>>
    %dma_wait3A_552 = tpu.memref_squeeze %dma_wait3A_551 : memref<1x32x512xf32, #tpu.memory_space<hbm>> -> memref<32x512xf32, #tpu.memory_space<hbm>>
    %dma_wait3A_553 = arith.constant 0 : i32
    %dma_wait3A_554 = arith.constant 0 : i32
    %dma_wait3A_555 = tpu.memref_slice %arg6[%dma_wait3A_553, %dma_wait3A_554] : memref<32x512xf32, #tpu.memory_space<vmem>> -> memref<32x512xf32, #tpu.memory_space<vmem>>
    tpu.wait_dma2 semaphore(%arg18 : memref<!tpu.dma_semaphore, #tpu.memory_space<semaphore_mem>>) src(%dma_wait3A_555 : memref<32x512xf32, #tpu.memory_space<vmem>>) dst(%dma_wait3A_552 : memref<32x512xf32, #tpu.memory_space<hbm>>)
    %dma_start3A_556 = arith.constant 18 : i32
    %dma_start3A_557 = arith.constant 0 : i32
    %dma_start3A_558 = tpu.memref_slice %arg5[%dma_start3A_556, %dma_start3A_557] : memref<50x32xi32, #tpu.memory_space<vmem>> -> memref<1x32xi32, #tpu.memory_space<vmem>>
    %dma_start3A_559 = tpu.memref_squeeze %dma_start3A_558 : memref<1x32xi32, #tpu.memory_space<vmem>> -> memref<32xi32, #tpu.memory_space<vmem>>
    %dma_start3A_560 = arith.constant 0 : i32
    %dma_start3A_561 = arith.constant 0 : i32
    %dma_start3A_562 = tpu.memref_slice %arg3[%dma_start3A_560, %dma_start3A_561] : memref<100000x512xf32, #tpu.memory_space<hbm>> -> memref<100000x512xf32, #tpu.memory_space<hbm>>
    tpu.enqueue_indirect_dma source(%dma_start3A_562 : memref<100000x512xf32, #tpu.memory_space<hbm>>) target(%arg6 : memref<32x512xf32, #tpu.memory_space<vmem>>) offsets(%dma_start3A_559 : memref<32xi32, #tpu.memory_space<vmem>>) semaphore(%arg12 : memref<!tpu.dma_semaphore, #tpu.memory_space<semaphore_mem>>)
    %dma_wait3A_563 = arith.constant 13 : i32
    %dma_wait3A_564 = arith.constant 0 : i32
    %dma_wait3A_565 = tpu.memref_slice %arg5[%dma_wait3A_563, %dma_wait3A_564] : memref<50x32xi32, #tpu.memory_space<vmem>> -> memref<1x32xi32, #tpu.memory_space<vmem>>
    %dma_wait3A_566 = tpu.memref_squeeze %dma_wait3A_565 : memref<1x32xi32, #tpu.memory_space<vmem>> -> memref<32xi32, #tpu.memory_space<vmem>>
    %dma_wait3A_567 = arith.constant 0 : i32
    %dma_wait3A_568 = arith.constant 0 : i32
    %dma_wait3A_569 = tpu.memref_slice %arg3[%dma_wait3A_567, %dma_wait3A_568] : memref<100000x512xf32, #tpu.memory_space<hbm>> -> memref<100000x512xf32, #tpu.memory_space<hbm>>
    tpu.wait_indirect_dma semaphore(%arg13 : memref<!tpu.dma_semaphore, #tpu.memory_space<semaphore_mem>>) src(%dma_wait3A_569 : memref<100000x512xf32, #tpu.memory_space<hbm>>) dst(%arg7 : memref<32x512xf32, #tpu.memory_space<vmem>>)
    %dma_start3A_570 = arith.constant 13 : i32
    %dma_start3A_571 = arith.constant 0 : i32
    %dma_start3A_572 = arith.constant 0 : i32
    %dma_start3A_573 = tpu.memref_slice %arg7[%dma_start3A_571, %dma_start3A_572] : memref<32x512xf32, #tpu.memory_space<vmem>> -> memref<32x512xf32, #tpu.memory_space<vmem>>
    %dma_start3A_574 = arith.constant 0 : i32
    %dma_start3A_575 = tpu.memref_slice %arg4[%dma_start3A_570, %mul3A_2, %dma_start3A_574] : memref<50x1024x512xf32, #tpu.memory_space<hbm>> -> memref<1x32x512xf32, #tpu.memory_space<hbm>>
    %dma_start3A_576 = tpu.memref_squeeze %dma_start3A_575 : memref<1x32x512xf32, #tpu.memory_space<hbm>> -> memref<32x512xf32, #tpu.memory_space<hbm>>
    %dma_start3A_577 = arith.constant 0 : i32
    %dma_start3A_578 = tpu.memref_slice %arg4[%dma_start3A_570, %mul3A_2, %dma_start3A_577] : memref<50x1024x512xf32, #tpu.memory_space<hbm>> -> memref<1x32x512xf32, #tpu.memory_space<hbm>>
    %dma_start3A_579 = tpu.memref_squeeze %dma_start3A_578 : memref<1x32x512xf32, #tpu.memory_space<hbm>> -> memref<32x512xf32, #tpu.memory_space<hbm>>
    %dma_start3A_580 = arith.constant 0 : i32
    %dma_start3A_581 = arith.constant 0 : i32
    %dma_start3A_582 = tpu.memref_slice %arg7[%dma_start3A_580, %dma_start3A_581] : memref<32x512xf32, #tpu.memory_space<vmem>> -> memref<32x512xf32, #tpu.memory_space<vmem>>
    tpu.enqueue_dma source(%dma_start3A_582 : memref<32x512xf32, #tpu.memory_space<vmem>>) target(%dma_start3A_579 : memref<32x512xf32, #tpu.memory_space<hbm>>) target_semaphore(%arg19 : memref<!tpu.dma_semaphore, #tpu.memory_space<semaphore_mem>>)
    %dma_wait3A_583 = arith.constant 13 : i32
    %dma_wait3A_584 = arith.constant 0 : i32
    %dma_wait3A_585 = arith.constant 0 : i32
    %dma_wait3A_586 = tpu.memref_slice %arg7[%dma_wait3A_584, %dma_wait3A_585] : memref<32x512xf32, #tpu.memory_space<vmem>> -> memref<32x512xf32, #tpu.memory_space<vmem>>
    %dma_wait3A_587 = arith.constant 0 : i32
    %dma_wait3A_588 = tpu.memref_slice %arg4[%dma_wait3A_583, %mul3A_2, %dma_wait3A_587] : memref<50x1024x512xf32, #tpu.memory_space<hbm>> -> memref<1x32x512xf32, #tpu.memory_space<hbm>>
    %dma_wait3A_589 = tpu.memref_squeeze %dma_wait3A_588 : memref<1x32x512xf32, #tpu.memory_space<hbm>> -> memref<32x512xf32, #tpu.memory_space<hbm>>
    %dma_wait3A_590 = arith.constant 0 : i32
    %dma_wait3A_591 = tpu.memref_slice %arg4[%dma_wait3A_583, %mul3A_2, %dma_wait3A_590] : memref<50x1024x512xf32, #tpu.memory_space<hbm>> -> memref<1x32x512xf32, #tpu.memory_space<hbm>>
    %dma_wait3A_592 = tpu.memref_squeeze %dma_wait3A_591 : memref<1x32x512xf32, #tpu.memory_space<hbm>> -> memref<32x512xf32, #tpu.memory_space<hbm>>
    %dma_wait3A_593 = arith.constant 0 : i32
    %dma_wait3A_594 = arith.constant 0 : i32
    %dma_wait3A_595 = tpu.memref_slice %arg7[%dma_wait3A_593, %dma_wait3A_594] : memref<32x512xf32, #tpu.memory_space<vmem>> -> memref<32x512xf32, #tpu.memory_space<vmem>>
    tpu.wait_dma2 semaphore(%arg19 : memref<!tpu.dma_semaphore, #tpu.memory_space<semaphore_mem>>) src(%dma_wait3A_595 : memref<32x512xf32, #tpu.memory_space<vmem>>) dst(%dma_wait3A_592 : memref<32x512xf32, #tpu.memory_space<hbm>>)
    %dma_start3A_596 = arith.constant 19 : i32
    %dma_start3A_597 = arith.constant 0 : i32
    %dma_start3A_598 = tpu.memref_slice %arg5[%dma_start3A_596, %dma_start3A_597] : memref<50x32xi32, #tpu.memory_space<vmem>> -> memref<1x32xi32, #tpu.memory_space<vmem>>
    %dma_start3A_599 = tpu.memref_squeeze %dma_start3A_598 : memref<1x32xi32, #tpu.memory_space<vmem>> -> memref<32xi32, #tpu.memory_space<vmem>>
    %dma_start3A_600 = arith.constant 0 : i32
    %dma_start3A_601 = arith.constant 0 : i32
    %dma_start3A_602 = tpu.memref_slice %arg3[%dma_start3A_600, %dma_start3A_601] : memref<100000x512xf32, #tpu.memory_space<hbm>> -> memref<100000x512xf32, #tpu.memory_space<hbm>>
    tpu.enqueue_indirect_dma source(%dma_start3A_602 : memref<100000x512xf32, #tpu.memory_space<hbm>>) target(%arg7 : memref<32x512xf32, #tpu.memory_space<vmem>>) offsets(%dma_start3A_599 : memref<32xi32, #tpu.memory_space<vmem>>) semaphore(%arg13 : memref<!tpu.dma_semaphore, #tpu.memory_space<semaphore_mem>>)
    %dma_wait3A_603 = arith.constant 14 : i32
    %dma_wait3A_604 = arith.constant 0 : i32
    %dma_wait3A_605 = tpu.memref_slice %arg5[%dma_wait3A_603, %dma_wait3A_604] : memref<50x32xi32, #tpu.memory_space<vmem>> -> memref<1x32xi32, #tpu.memory_space<vmem>>
    %dma_wait3A_606 = tpu.memref_squeeze %dma_wait3A_605 : memref<1x32xi32, #tpu.memory_space<vmem>> -> memref<32xi32, #tpu.memory_space<vmem>>
    %dma_wait3A_607 = arith.constant 0 : i32
    %dma_wait3A_608 = arith.constant 0 : i32
    %dma_wait3A_609 = tpu.memref_slice %arg3[%dma_wait3A_607, %dma_wait3A_608] : memref<100000x512xf32, #tpu.memory_space<hbm>> -> memref<100000x512xf32, #tpu.memory_space<hbm>>
    tpu.wait_indirect_dma semaphore(%arg14 : memref<!tpu.dma_semaphore, #tpu.memory_space<semaphore_mem>>) src(%dma_wait3A_609 : memref<100000x512xf32, #tpu.memory_space<hbm>>) dst(%arg8 : memref<32x512xf32, #tpu.memory_space<vmem>>)
    %dma_start3A_610 = arith.constant 14 : i32
    %dma_start3A_611 = arith.constant 0 : i32
    %dma_start3A_612 = arith.constant 0 : i32
    %dma_start3A_613 = tpu.memref_slice %arg8[%dma_start3A_611, %dma_start3A_612] : memref<32x512xf32, #tpu.memory_space<vmem>> -> memref<32x512xf32, #tpu.memory_space<vmem>>
    %dma_start3A_614 = arith.constant 0 : i32
    %dma_start3A_615 = tpu.memref_slice %arg4[%dma_start3A_610, %mul3A_2, %dma_start3A_614] : memref<50x1024x512xf32, #tpu.memory_space<hbm>> -> memref<1x32x512xf32, #tpu.memory_space<hbm>>
    %dma_start3A_616 = tpu.memref_squeeze %dma_start3A_615 : memref<1x32x512xf32, #tpu.memory_space<hbm>> -> memref<32x512xf32, #tpu.memory_space<hbm>>
    %dma_start3A_617 = arith.constant 0 : i32
    %dma_start3A_618 = tpu.memref_slice %arg4[%dma_start3A_610, %mul3A_2, %dma_start3A_617] : memref<50x1024x512xf32, #tpu.memory_space<hbm>> -> memref<1x32x512xf32, #tpu.memory_space<hbm>>
    %dma_start3A_619 = tpu.memref_squeeze %dma_start3A_618 : memref<1x32x512xf32, #tpu.memory_space<hbm>> -> memref<32x512xf32, #tpu.memory_space<hbm>>
    %dma_start3A_620 = arith.constant 0 : i32
    %dma_start3A_621 = arith.constant 0 : i32
    %dma_start3A_622 = tpu.memref_slice %arg8[%dma_start3A_620, %dma_start3A_621] : memref<32x512xf32, #tpu.memory_space<vmem>> -> memref<32x512xf32, #tpu.memory_space<vmem>>
    tpu.enqueue_dma source(%dma_start3A_622 : memref<32x512xf32, #tpu.memory_space<vmem>>) target(%dma_start3A_619 : memref<32x512xf32, #tpu.memory_space<hbm>>) target_semaphore(%arg20 : memref<!tpu.dma_semaphore, #tpu.memory_space<semaphore_mem>>)
    %dma_wait3A_623 = arith.constant 14 : i32
    %dma_wait3A_624 = arith.constant 0 : i32
    %dma_wait3A_625 = arith.constant 0 : i32
    %dma_wait3A_626 = tpu.memref_slice %arg8[%dma_wait3A_624, %dma_wait3A_625] : memref<32x512xf32, #tpu.memory_space<vmem>> -> memref<32x512xf32, #tpu.memory_space<vmem>>
    %dma_wait3A_627 = arith.constant 0 : i32
    %dma_wait3A_628 = tpu.memref_slice %arg4[%dma_wait3A_623, %mul3A_2, %dma_wait3A_627] : memref<50x1024x512xf32, #tpu.memory_space<hbm>> -> memref<1x32x512xf32, #tpu.memory_space<hbm>>
    %dma_wait3A_629 = tpu.memref_squeeze %dma_wait3A_628 : memref<1x32x512xf32, #tpu.memory_space<hbm>> -> memref<32x512xf32, #tpu.memory_space<hbm>>
    %dma_wait3A_630 = arith.constant 0 : i32
    %dma_wait3A_631 = tpu.memref_slice %arg4[%dma_wait3A_623, %mul3A_2, %dma_wait3A_630] : memref<50x1024x512xf32, #tpu.memory_space<hbm>> -> memref<1x32x512xf32, #tpu.memory_space<hbm>>
    %dma_wait3A_632 = tpu.memref_squeeze %dma_wait3A_631 : memref<1x32x512xf32, #tpu.memory_space<hbm>> -> memref<32x512xf32, #tpu.memory_space<hbm>>
    %dma_wait3A_633 = arith.constant 0 : i32
    %dma_wait3A_634 = arith.constant 0 : i32
    %dma_wait3A_635 = tpu.memref_slice %arg8[%dma_wait3A_633, %dma_wait3A_634] : memref<32x512xf32, #tpu.memory_space<vmem>> -> memref<32x512xf32, #tpu.memory_space<vmem>>
    tpu.wait_dma2 semaphore(%arg20 : memref<!tpu.dma_semaphore, #tpu.memory_space<semaphore_mem>>) src(%dma_wait3A_635 : memref<32x512xf32, #tpu.memory_space<vmem>>) dst(%dma_wait3A_632 : memref<32x512xf32, #tpu.memory_space<hbm>>)
    %dma_start3A_636 = arith.constant 20 : i32
    %dma_start3A_637 = arith.constant 0 : i32
    %dma_start3A_638 = tpu.memref_slice %arg5[%dma_start3A_636, %dma_start3A_637] : memref<50x32xi32, #tpu.memory_space<vmem>> -> memref<1x32xi32, #tpu.memory_space<vmem>>
    %dma_start3A_639 = tpu.memref_squeeze %dma_start3A_638 : memref<1x32xi32, #tpu.memory_space<vmem>> -> memref<32xi32, #tpu.memory_space<vmem>>
    %dma_start3A_640 = arith.constant 0 : i32
    %dma_start3A_641 = arith.constant 0 : i32
    %dma_start3A_642 = tpu.memref_slice %arg3[%dma_start3A_640, %dma_start3A_641] : memref<100000x512xf32, #tpu.memory_space<hbm>> -> memref<100000x512xf32, #tpu.memory_space<hbm>>
    tpu.enqueue_indirect_dma source(%dma_start3A_642 : memref<100000x512xf32, #tpu.memory_space<hbm>>) target(%arg8 : memref<32x512xf32, #tpu.memory_space<vmem>>) offsets(%dma_start3A_639 : memref<32xi32, #tpu.memory_space<vmem>>) semaphore(%arg14 : memref<!tpu.dma_semaphore, #tpu.memory_space<semaphore_mem>>)
    %dma_wait3A_643 = arith.constant 15 : i32
    %dma_wait3A_644 = arith.constant 0 : i32
    %dma_wait3A_645 = tpu.memref_slice %arg5[%dma_wait3A_643, %dma_wait3A_644] : memref<50x32xi32, #tpu.memory_space<vmem>> -> memref<1x32xi32, #tpu.memory_space<vmem>>
    %dma_wait3A_646 = tpu.memref_squeeze %dma_wait3A_645 : memref<1x32xi32, #tpu.memory_space<vmem>> -> memref<32xi32, #tpu.memory_space<vmem>>
    %dma_wait3A_647 = arith.constant 0 : i32
    %dma_wait3A_648 = arith.constant 0 : i32
    %dma_wait3A_649 = tpu.memref_slice %arg3[%dma_wait3A_647, %dma_wait3A_648] : memref<100000x512xf32, #tpu.memory_space<hbm>> -> memref<100000x512xf32, #tpu.memory_space<hbm>>
    tpu.wait_indirect_dma semaphore(%arg15 : memref<!tpu.dma_semaphore, #tpu.memory_space<semaphore_mem>>) src(%dma_wait3A_649 : memref<100000x512xf32, #tpu.memory_space<hbm>>) dst(%arg9 : memref<32x512xf32, #tpu.memory_space<vmem>>)
    %dma_start3A_650 = arith.constant 15 : i32
    %dma_start3A_651 = arith.constant 0 : i32
    %dma_start3A_652 = arith.constant 0 : i32
    %dma_start3A_653 = tpu.memref_slice %arg9[%dma_start3A_651, %dma_start3A_652] : memref<32x512xf32, #tpu.memory_space<vmem>> -> memref<32x512xf32, #tpu.memory_space<vmem>>
    %dma_start3A_654 = arith.constant 0 : i32
    %dma_start3A_655 = tpu.memref_slice %arg4[%dma_start3A_650, %mul3A_2, %dma_start3A_654] : memref<50x1024x512xf32, #tpu.memory_space<hbm>> -> memref<1x32x512xf32, #tpu.memory_space<hbm>>
    %dma_start3A_656 = tpu.memref_squeeze %dma_start3A_655 : memref<1x32x512xf32, #tpu.memory_space<hbm>> -> memref<32x512xf32, #tpu.memory_space<hbm>>
    %dma_start3A_657 = arith.constant 0 : i32
    %dma_start3A_658 = tpu.memref_slice %arg4[%dma_start3A_650, %mul3A_2, %dma_start3A_657] : memref<50x1024x512xf32, #tpu.memory_space<hbm>> -> memref<1x32x512xf32, #tpu.memory_space<hbm>>
    %dma_start3A_659 = tpu.memref_squeeze %dma_start3A_658 : memref<1x32x512xf32, #tpu.memory_space<hbm>> -> memref<32x512xf32, #tpu.memory_space<hbm>>
    %dma_start3A_660 = arith.constant 0 : i32
    %dma_start3A_661 = arith.constant 0 : i32
    %dma_start3A_662 = tpu.memref_slice %arg9[%dma_start3A_660, %dma_start3A_661] : memref<32x512xf32, #tpu.memory_space<vmem>> -> memref<32x512xf32, #tpu.memory_space<vmem>>
    tpu.enqueue_dma source(%dma_start3A_662 : memref<32x512xf32, #tpu.memory_space<vmem>>) target(%dma_start3A_659 : memref<32x512xf32, #tpu.memory_space<hbm>>) target_semaphore(%arg21 : memref<!tpu.dma_semaphore, #tpu.memory_space<semaphore_mem>>)
    %dma_wait3A_663 = arith.constant 15 : i32
    %dma_wait3A_664 = arith.constant 0 : i32
    %dma_wait3A_665 = arith.constant 0 : i32
    %dma_wait3A_666 = tpu.memref_slice %arg9[%dma_wait3A_664, %dma_wait3A_665] : memref<32x512xf32, #tpu.memory_space<vmem>> -> memref<32x512xf32, #tpu.memory_space<vmem>>
    %dma_wait3A_667 = arith.constant 0 : i32
    %dma_wait3A_668 = tpu.memref_slice %arg4[%dma_wait3A_663, %mul3A_2, %dma_wait3A_667] : memref<50x1024x512xf32, #tpu.memory_space<hbm>> -> memref<1x32x512xf32, #tpu.memory_space<hbm>>
    %dma_wait3A_669 = tpu.memref_squeeze %dma_wait3A_668 : memref<1x32x512xf32, #tpu.memory_space<hbm>> -> memref<32x512xf32, #tpu.memory_space<hbm>>
    %dma_wait3A_670 = arith.constant 0 : i32
    %dma_wait3A_671 = tpu.memref_slice %arg4[%dma_wait3A_663, %mul3A_2, %dma_wait3A_670] : memref<50x1024x512xf32, #tpu.memory_space<hbm>> -> memref<1x32x512xf32, #tpu.memory_space<hbm>>
    %dma_wait3A_672 = tpu.memref_squeeze %dma_wait3A_671 : memref<1x32x512xf32, #tpu.memory_space<hbm>> -> memref<32x512xf32, #tpu.memory_space<hbm>>
    %dma_wait3A_673 = arith.constant 0 : i32
    %dma_wait3A_674 = arith.constant 0 : i32
    %dma_wait3A_675 = tpu.memref_slice %arg9[%dma_wait3A_673, %dma_wait3A_674] : memref<32x512xf32, #tpu.memory_space<vmem>> -> memref<32x512xf32, #tpu.memory_space<vmem>>
    tpu.wait_dma2 semaphore(%arg21 : memref<!tpu.dma_semaphore, #tpu.memory_space<semaphore_mem>>) src(%dma_wait3A_675 : memref<32x512xf32, #tpu.memory_space<vmem>>) dst(%dma_wait3A_672 : memref<32x512xf32, #tpu.memory_space<hbm>>)
    %dma_start3A_676 = arith.constant 21 : i32
    %dma_start3A_677 = arith.constant 0 : i32
    %dma_start3A_678 = tpu.memref_slice %arg5[%dma_start3A_676, %dma_start3A_677] : memref<50x32xi32, #tpu.memory_space<vmem>> -> memref<1x32xi32, #tpu.memory_space<vmem>>
    %dma_start3A_679 = tpu.memref_squeeze %dma_start3A_678 : memref<1x32xi32, #tpu.memory_space<vmem>> -> memref<32xi32, #tpu.memory_space<vmem>>
    %dma_start3A_680 = arith.constant 0 : i32
    %dma_start3A_681 = arith.constant 0 : i32
    %dma_start3A_682 = tpu.memref_slice %arg3[%dma_start3A_680, %dma_start3A_681] : memref<100000x512xf32, #tpu.memory_space<hbm>> -> memref<100000x512xf32, #tpu.memory_space<hbm>>
    tpu.enqueue_indirect_dma source(%dma_start3A_682 : memref<100000x512xf32, #tpu.memory_space<hbm>>) target(%arg9 : memref<32x512xf32, #tpu.memory_space<vmem>>) offsets(%dma_start3A_679 : memref<32xi32, #tpu.memory_space<vmem>>) semaphore(%arg15 : memref<!tpu.dma_semaphore, #tpu.memory_space<semaphore_mem>>)
    %dma_wait3A_683 = arith.constant 16 : i32
    %dma_wait3A_684 = arith.constant 0 : i32
    %dma_wait3A_685 = tpu.memref_slice %arg5[%dma_wait3A_683, %dma_wait3A_684] : memref<50x32xi32, #tpu.memory_space<vmem>> -> memref<1x32xi32, #tpu.memory_space<vmem>>
    %dma_wait3A_686 = tpu.memref_squeeze %dma_wait3A_685 : memref<1x32xi32, #tpu.memory_space<vmem>> -> memref<32xi32, #tpu.memory_space<vmem>>
    %dma_wait3A_687 = arith.constant 0 : i32
    %dma_wait3A_688 = arith.constant 0 : i32
    %dma_wait3A_689 = tpu.memref_slice %arg3[%dma_wait3A_687, %dma_wait3A_688] : memref<100000x512xf32, #tpu.memory_space<hbm>> -> memref<100000x512xf32, #tpu.memory_space<hbm>>
    tpu.wait_indirect_dma semaphore(%arg16 : memref<!tpu.dma_semaphore, #tpu.memory_space<semaphore_mem>>) src(%dma_wait3A_689 : memref<100000x512xf32, #tpu.memory_space<hbm>>) dst(%arg10 : memref<32x512xf32, #tpu.memory_space<vmem>>)
    %dma_start3A_690 = arith.constant 16 : i32
    %dma_start3A_691 = arith.constant 0 : i32
    %dma_start3A_692 = arith.constant 0 : i32
    %dma_start3A_693 = tpu.memref_slice %arg10[%dma_start3A_691, %dma_start3A_692] : memref<32x512xf32, #tpu.memory_space<vmem>> -> memref<32x512xf32, #tpu.memory_space<vmem>>
    %dma_start3A_694 = arith.constant 0 : i32
    %dma_start3A_695 = tpu.memref_slice %arg4[%dma_start3A_690, %mul3A_2, %dma_start3A_694] : memref<50x1024x512xf32, #tpu.memory_space<hbm>> -> memref<1x32x512xf32, #tpu.memory_space<hbm>>
    %dma_start3A_696 = tpu.memref_squeeze %dma_start3A_695 : memref<1x32x512xf32, #tpu.memory_space<hbm>> -> memref<32x512xf32, #tpu.memory_space<hbm>>
    %dma_start3A_697 = arith.constant 0 : i32
    %dma_start3A_698 = tpu.memref_slice %arg4[%dma_start3A_690, %mul3A_2, %dma_start3A_697] : memref<50x1024x512xf32, #tpu.memory_space<hbm>> -> memref<1x32x512xf32, #tpu.memory_space<hbm>>
    %dma_start3A_699 = tpu.memref_squeeze %dma_start3A_698 : memref<1x32x512xf32, #tpu.memory_space<hbm>> -> memref<32x512xf32, #tpu.memory_space<hbm>>
    %dma_start3A_700 = arith.constant 0 : i32
    %dma_start3A_701 = arith.constant 0 : i32
    %dma_start3A_702 = tpu.memref_slice %arg10[%dma_start3A_700, %dma_start3A_701] : memref<32x512xf32, #tpu.memory_space<vmem>> -> memref<32x512xf32, #tpu.memory_space<vmem>>
    tpu.enqueue_dma source(%dma_start3A_702 : memref<32x512xf32, #tpu.memory_space<vmem>>) target(%dma_start3A_699 : memref<32x512xf32, #tpu.memory_space<hbm>>) target_semaphore(%arg22 : memref<!tpu.dma_semaphore, #tpu.memory_space<semaphore_mem>>)
    %dma_wait3A_703 = arith.constant 16 : i32
    %dma_wait3A_704 = arith.constant 0 : i32
    %dma_wait3A_705 = arith.constant 0 : i32
    %dma_wait3A_706 = tpu.memref_slice %arg10[%dma_wait3A_704, %dma_wait3A_705] : memref<32x512xf32, #tpu.memory_space<vmem>> -> memref<32x512xf32, #tpu.memory_space<vmem>>
    %dma_wait3A_707 = arith.constant 0 : i32
    %dma_wait3A_708 = tpu.memref_slice %arg4[%dma_wait3A_703, %mul3A_2, %dma_wait3A_707] : memref<50x1024x512xf32, #tpu.memory_space<hbm>> -> memref<1x32x512xf32, #tpu.memory_space<hbm>>
    %dma_wait3A_709 = tpu.memref_squeeze %dma_wait3A_708 : memref<1x32x512xf32, #tpu.memory_space<hbm>> -> memref<32x512xf32, #tpu.memory_space<hbm>>
    %dma_wait3A_710 = arith.constant 0 : i32
    %dma_wait3A_711 = tpu.memref_slice %arg4[%dma_wait3A_703, %mul3A_2, %dma_wait3A_710] : memref<50x1024x512xf32, #tpu.memory_space<hbm>> -> memref<1x32x512xf32, #tpu.memory_space<hbm>>
    %dma_wait3A_712 = tpu.memref_squeeze %dma_wait3A_711 : memref<1x32x512xf32, #tpu.memory_space<hbm>> -> memref<32x512xf32, #tpu.memory_space<hbm>>
    %dma_wait3A_713 = arith.constant 0 : i32
    %dma_wait3A_714 = arith.constant 0 : i32
    %dma_wait3A_715 = tpu.memref_slice %arg10[%dma_wait3A_713, %dma_wait3A_714] : memref<32x512xf32, #tpu.memory_space<vmem>> -> memref<32x512xf32, #tpu.memory_space<vmem>>
    tpu.wait_dma2 semaphore(%arg22 : memref<!tpu.dma_semaphore, #tpu.memory_space<semaphore_mem>>) src(%dma_wait3A_715 : memref<32x512xf32, #tpu.memory_space<vmem>>) dst(%dma_wait3A_712 : memref<32x512xf32, #tpu.memory_space<hbm>>)
    %dma_start3A_716 = arith.constant 22 : i32
    %dma_start3A_717 = arith.constant 0 : i32
    %dma_start3A_718 = tpu.memref_slice %arg5[%dma_start3A_716, %dma_start3A_717] : memref<50x32xi32, #tpu.memory_space<vmem>> -> memref<1x32xi32, #tpu.memory_space<vmem>>
    %dma_start3A_719 = tpu.memref_squeeze %dma_start3A_718 : memref<1x32xi32, #tpu.memory_space<vmem>> -> memref<32xi32, #tpu.memory_space<vmem>>
    %dma_start3A_720 = arith.constant 0 : i32
    %dma_start3A_721 = arith.constant 0 : i32
    %dma_start3A_722 = tpu.memref_slice %arg3[%dma_start3A_720, %dma_start3A_721] : memref<100000x512xf32, #tpu.memory_space<hbm>> -> memref<100000x512xf32, #tpu.memory_space<hbm>>
    tpu.enqueue_indirect_dma source(%dma_start3A_722 : memref<100000x512xf32, #tpu.memory_space<hbm>>) target(%arg10 : memref<32x512xf32, #tpu.memory_space<vmem>>) offsets(%dma_start3A_719 : memref<32xi32, #tpu.memory_space<vmem>>) semaphore(%arg16 : memref<!tpu.dma_semaphore, #tpu.memory_space<semaphore_mem>>)
    %dma_wait3A_723 = arith.constant 17 : i32
    %dma_wait3A_724 = arith.constant 0 : i32
    %dma_wait3A_725 = tpu.memref_slice %arg5[%dma_wait3A_723, %dma_wait3A_724] : memref<50x32xi32, #tpu.memory_space<vmem>> -> memref<1x32xi32, #tpu.memory_space<vmem>>
    %dma_wait3A_726 = tpu.memref_squeeze %dma_wait3A_725 : memref<1x32xi32, #tpu.memory_space<vmem>> -> memref<32xi32, #tpu.memory_space<vmem>>
    %dma_wait3A_727 = arith.constant 0 : i32
    %dma_wait3A_728 = arith.constant 0 : i32
    %dma_wait3A_729 = tpu.memref_slice %arg3[%dma_wait3A_727, %dma_wait3A_728] : memref<100000x512xf32, #tpu.memory_space<hbm>> -> memref<100000x512xf32, #tpu.memory_space<hbm>>
    tpu.wait_indirect_dma semaphore(%arg17 : memref<!tpu.dma_semaphore, #tpu.memory_space<semaphore_mem>>) src(%dma_wait3A_729 : memref<100000x512xf32, #tpu.memory_space<hbm>>) dst(%arg11 : memref<32x512xf32, #tpu.memory_space<vmem>>)
    %dma_start3A_730 = arith.constant 17 : i32
    %dma_start3A_731 = arith.constant 0 : i32
    %dma_start3A_732 = arith.constant 0 : i32
    %dma_start3A_733 = tpu.memref_slice %arg11[%dma_start3A_731, %dma_start3A_732] : memref<32x512xf32, #tpu.memory_space<vmem>> -> memref<32x512xf32, #tpu.memory_space<vmem>>
    %dma_start3A_734 = arith.constant 0 : i32
    %dma_start3A_735 = tpu.memref_slice %arg4[%dma_start3A_730, %mul3A_2, %dma_start3A_734] : memref<50x1024x512xf32, #tpu.memory_space<hbm>> -> memref<1x32x512xf32, #tpu.memory_space<hbm>>
    %dma_start3A_736 = tpu.memref_squeeze %dma_start3A_735 : memref<1x32x512xf32, #tpu.memory_space<hbm>> -> memref<32x512xf32, #tpu.memory_space<hbm>>
    %dma_start3A_737 = arith.constant 0 : i32
    %dma_start3A_738 = tpu.memref_slice %arg4[%dma_start3A_730, %mul3A_2, %dma_start3A_737] : memref<50x1024x512xf32, #tpu.memory_space<hbm>> -> memref<1x32x512xf32, #tpu.memory_space<hbm>>
    %dma_start3A_739 = tpu.memref_squeeze %dma_start3A_738 : memref<1x32x512xf32, #tpu.memory_space<hbm>> -> memref<32x512xf32, #tpu.memory_space<hbm>>
    %dma_start3A_740 = arith.constant 0 : i32
    %dma_start3A_741 = arith.constant 0 : i32
    %dma_start3A_742 = tpu.memref_slice %arg11[%dma_start3A_740, %dma_start3A_741] : memref<32x512xf32, #tpu.memory_space<vmem>> -> memref<32x512xf32, #tpu.memory_space<vmem>>
    tpu.enqueue_dma source(%dma_start3A_742 : memref<32x512xf32, #tpu.memory_space<vmem>>) target(%dma_start3A_739 : memref<32x512xf32, #tpu.memory_space<hbm>>) target_semaphore(%arg23 : memref<!tpu.dma_semaphore, #tpu.memory_space<semaphore_mem>>)
    %dma_wait3A_743 = arith.constant 17 : i32
    %dma_wait3A_744 = arith.constant 0 : i32
    %dma_wait3A_745 = arith.constant 0 : i32
    %dma_wait3A_746 = tpu.memref_slice %arg11[%dma_wait3A_744, %dma_wait3A_745] : memref<32x512xf32, #tpu.memory_space<vmem>> -> memref<32x512xf32, #tpu.memory_space<vmem>>
    %dma_wait3A_747 = arith.constant 0 : i32
    %dma_wait3A_748 = tpu.memref_slice %arg4[%dma_wait3A_743, %mul3A_2, %dma_wait3A_747] : memref<50x1024x512xf32, #tpu.memory_space<hbm>> -> memref<1x32x512xf32, #tpu.memory_space<hbm>>
    %dma_wait3A_749 = tpu.memref_squeeze %dma_wait3A_748 : memref<1x32x512xf32, #tpu.memory_space<hbm>> -> memref<32x512xf32, #tpu.memory_space<hbm>>
    %dma_wait3A_750 = arith.constant 0 : i32
    %dma_wait3A_751 = tpu.memref_slice %arg4[%dma_wait3A_743, %mul3A_2, %dma_wait3A_750] : memref<50x1024x512xf32, #tpu.memory_space<hbm>> -> memref<1x32x512xf32, #tpu.memory_space<hbm>>
    %dma_wait3A_752 = tpu.memref_squeeze %dma_wait3A_751 : memref<1x32x512xf32, #tpu.memory_space<hbm>> -> memref<32x512xf32, #tpu.memory_space<hbm>>
    %dma_wait3A_753 = arith.constant 0 : i32
    %dma_wait3A_754 = arith.constant 0 : i32
    %dma_wait3A_755 = tpu.memref_slice %arg11[%dma_wait3A_753, %dma_wait3A_754] : memref<32x512xf32, #tpu.memory_space<vmem>> -> memref<32x512xf32, #tpu.memory_space<vmem>>
    tpu.wait_dma2 semaphore(%arg23 : memref<!tpu.dma_semaphore, #tpu.memory_space<semaphore_mem>>) src(%dma_wait3A_755 : memref<32x512xf32, #tpu.memory_space<vmem>>) dst(%dma_wait3A_752 : memref<32x512xf32, #tpu.memory_space<hbm>>)
    %dma_start3A_756 = arith.constant 23 : i32
    %dma_start3A_757 = arith.constant 0 : i32
    %dma_start3A_758 = tpu.memref_slice %arg5[%dma_start3A_756, %dma_start3A_757] : memref<50x32xi32, #tpu.memory_space<vmem>> -> memref<1x32xi32, #tpu.memory_space<vmem>>
    %dma_start3A_759 = tpu.memref_squeeze %dma_start3A_758 : memref<1x32xi32, #tpu.memory_space<vmem>> -> memref<32xi32, #tpu.memory_space<vmem>>
    %dma_start3A_760 = arith.constant 0 : i32
    %dma_start3A_761 = arith.constant 0 : i32
    %dma_start3A_762 = tpu.memref_slice %arg3[%dma_start3A_760, %dma_start3A_761] : memref<100000x512xf32, #tpu.memory_space<hbm>> -> memref<100000x512xf32, #tpu.memory_space<hbm>>
    tpu.enqueue_indirect_dma source(%dma_start3A_762 : memref<100000x512xf32, #tpu.memory_space<hbm>>) target(%arg11 : memref<32x512xf32, #tpu.memory_space<vmem>>) offsets(%dma_start3A_759 : memref<32xi32, #tpu.memory_space<vmem>>) semaphore(%arg17 : memref<!tpu.dma_semaphore, #tpu.memory_space<semaphore_mem>>)
    %dma_wait3A_763 = arith.constant 18 : i32
    %dma_wait3A_764 = arith.constant 0 : i32
    %dma_wait3A_765 = tpu.memref_slice %arg5[%dma_wait3A_763, %dma_wait3A_764] : memref<50x32xi32, #tpu.memory_space<vmem>> -> memref<1x32xi32, #tpu.memory_space<vmem>>
    %dma_wait3A_766 = tpu.memref_squeeze %dma_wait3A_765 : memref<1x32xi32, #tpu.memory_space<vmem>> -> memref<32xi32, #tpu.memory_space<vmem>>
    %dma_wait3A_767 = arith.constant 0 : i32
    %dma_wait3A_768 = arith.constant 0 : i32
    %dma_wait3A_769 = tpu.memref_slice %arg3[%dma_wait3A_767, %dma_wait3A_768] : memref<100000x512xf32, #tpu.memory_space<hbm>> -> memref<100000x512xf32, #tpu.memory_space<hbm>>
    tpu.wait_indirect_dma semaphore(%arg12 : memref<!tpu.dma_semaphore, #tpu.memory_space<semaphore_mem>>) src(%dma_wait3A_769 : memref<100000x512xf32, #tpu.memory_space<hbm>>) dst(%arg6 : memref<32x512xf32, #tpu.memory_space<vmem>>)
    %dma_start3A_770 = arith.constant 18 : i32
    %dma_start3A_771 = arith.constant 0 : i32
    %dma_start3A_772 = arith.constant 0 : i32
    %dma_start3A_773 = tpu.memref_slice %arg6[%dma_start3A_771, %dma_start3A_772] : memref<32x512xf32, #tpu.memory_space<vmem>> -> memref<32x512xf32, #tpu.memory_space<vmem>>
    %dma_start3A_774 = arith.constant 0 : i32
    %dma_start3A_775 = tpu.memref_slice %arg4[%dma_start3A_770, %mul3A_2, %dma_start3A_774] : memref<50x1024x512xf32, #tpu.memory_space<hbm>> -> memref<1x32x512xf32, #tpu.memory_space<hbm>>
    %dma_start3A_776 = tpu.memref_squeeze %dma_start3A_775 : memref<1x32x512xf32, #tpu.memory_space<hbm>> -> memref<32x512xf32, #tpu.memory_space<hbm>>
    %dma_start3A_777 = arith.constant 0 : i32
    %dma_start3A_778 = tpu.memref_slice %arg4[%dma_start3A_770, %mul3A_2, %dma_start3A_777] : memref<50x1024x512xf32, #tpu.memory_space<hbm>> -> memref<1x32x512xf32, #tpu.memory_space<hbm>>
    %dma_start3A_779 = tpu.memref_squeeze %dma_start3A_778 : memref<1x32x512xf32, #tpu.memory_space<hbm>> -> memref<32x512xf32, #tpu.memory_space<hbm>>
    %dma_start3A_780 = arith.constant 0 : i32
    %dma_start3A_781 = arith.constant 0 : i32
    %dma_start3A_782 = tpu.memref_slice %arg6[%dma_start3A_780, %dma_start3A_781] : memref<32x512xf32, #tpu.memory_space<vmem>> -> memref<32x512xf32, #tpu.memory_space<vmem>>
    tpu.enqueue_dma source(%dma_start3A_782 : memref<32x512xf32, #tpu.memory_space<vmem>>) target(%dma_start3A_779 : memref<32x512xf32, #tpu.memory_space<hbm>>) target_semaphore(%arg18 : memref<!tpu.dma_semaphore, #tpu.memory_space<semaphore_mem>>)
    %dma_wait3A_783 = arith.constant 18 : i32
    %dma_wait3A_784 = arith.constant 0 : i32
    %dma_wait3A_785 = arith.constant 0 : i32
    %dma_wait3A_786 = tpu.memref_slice %arg6[%dma_wait3A_784, %dma_wait3A_785] : memref<32x512xf32, #tpu.memory_space<vmem>> -> memref<32x512xf32, #tpu.memory_space<vmem>>
    %dma_wait3A_787 = arith.constant 0 : i32
    %dma_wait3A_788 = tpu.memref_slice %arg4[%dma_wait3A_783, %mul3A_2, %dma_wait3A_787] : memref<50x1024x512xf32, #tpu.memory_space<hbm>> -> memref<1x32x512xf32, #tpu.memory_space<hbm>>
    %dma_wait3A_789 = tpu.memref_squeeze %dma_wait3A_788 : memref<1x32x512xf32, #tpu.memory_space<hbm>> -> memref<32x512xf32, #tpu.memory_space<hbm>>
    %dma_wait3A_790 = arith.constant 0 : i32
    %dma_wait3A_791 = tpu.memref_slice %arg4[%dma_wait3A_783, %mul3A_2, %dma_wait3A_790] : memref<50x1024x512xf32, #tpu.memory_space<hbm>> -> memref<1x32x512xf32, #tpu.memory_space<hbm>>
    %dma_wait3A_792 = tpu.memref_squeeze %dma_wait3A_791 : memref<1x32x512xf32, #tpu.memory_space<hbm>> -> memref<32x512xf32, #tpu.memory_space<hbm>>
    %dma_wait3A_793 = arith.constant 0 : i32
    %dma_wait3A_794 = arith.constant 0 : i32
    %dma_wait3A_795 = tpu.memref_slice %arg6[%dma_wait3A_793, %dma_wait3A_794] : memref<32x512xf32, #tpu.memory_space<vmem>> -> memref<32x512xf32, #tpu.memory_space<vmem>>
    tpu.wait_dma2 semaphore(%arg18 : memref<!tpu.dma_semaphore, #tpu.memory_space<semaphore_mem>>) src(%dma_wait3A_795 : memref<32x512xf32, #tpu.memory_space<vmem>>) dst(%dma_wait3A_792 : memref<32x512xf32, #tpu.memory_space<hbm>>)
    %dma_start3A_796 = arith.constant 24 : i32
    %dma_start3A_797 = arith.constant 0 : i32
    %dma_start3A_798 = tpu.memref_slice %arg5[%dma_start3A_796, %dma_start3A_797] : memref<50x32xi32, #tpu.memory_space<vmem>> -> memref<1x32xi32, #tpu.memory_space<vmem>>
    %dma_start3A_799 = tpu.memref_squeeze %dma_start3A_798 : memref<1x32xi32, #tpu.memory_space<vmem>> -> memref<32xi32, #tpu.memory_space<vmem>>
    %dma_start3A_800 = arith.constant 0 : i32
    %dma_start3A_801 = arith.constant 0 : i32
    %dma_start3A_802 = tpu.memref_slice %arg3[%dma_start3A_800, %dma_start3A_801] : memref<100000x512xf32, #tpu.memory_space<hbm>> -> memref<100000x512xf32, #tpu.memory_space<hbm>>
    tpu.enqueue_indirect_dma source(%dma_start3A_802 : memref<100000x512xf32, #tpu.memory_space<hbm>>) target(%arg6 : memref<32x512xf32, #tpu.memory_space<vmem>>) offsets(%dma_start3A_799 : memref<32xi32, #tpu.memory_space<vmem>>) semaphore(%arg12 : memref<!tpu.dma_semaphore, #tpu.memory_space<semaphore_mem>>)
    %dma_wait3A_803 = arith.constant 19 : i32
    %dma_wait3A_804 = arith.constant 0 : i32
    %dma_wait3A_805 = tpu.memref_slice %arg5[%dma_wait3A_803, %dma_wait3A_804] : memref<50x32xi32, #tpu.memory_space<vmem>> -> memref<1x32xi32, #tpu.memory_space<vmem>>
    %dma_wait3A_806 = tpu.memref_squeeze %dma_wait3A_805 : memref<1x32xi32, #tpu.memory_space<vmem>> -> memref<32xi32, #tpu.memory_space<vmem>>
    %dma_wait3A_807 = arith.constant 0 : i32
    %dma_wait3A_808 = arith.constant 0 : i32
    %dma_wait3A_809 = tpu.memref_slice %arg3[%dma_wait3A_807, %dma_wait3A_808] : memref<100000x512xf32, #tpu.memory_space<hbm>> -> memref<100000x512xf32, #tpu.memory_space<hbm>>
    tpu.wait_indirect_dma semaphore(%arg13 : memref<!tpu.dma_semaphore, #tpu.memory_space<semaphore_mem>>) src(%dma_wait3A_809 : memref<100000x512xf32, #tpu.memory_space<hbm>>) dst(%arg7 : memref<32x512xf32, #tpu.memory_space<vmem>>)
    %dma_start3A_810 = arith.constant 19 : i32
    %dma_start3A_811 = arith.constant 0 : i32
    %dma_start3A_812 = arith.constant 0 : i32
    %dma_start3A_813 = tpu.memref_slice %arg7[%dma_start3A_811, %dma_start3A_812] : memref<32x512xf32, #tpu.memory_space<vmem>> -> memref<32x512xf32, #tpu.memory_space<vmem>>
    %dma_start3A_814 = arith.constant 0 : i32
    %dma_start3A_815 = tpu.memref_slice %arg4[%dma_start3A_810, %mul3A_2, %dma_start3A_814] : memref<50x1024x512xf32, #tpu.memory_space<hbm>> -> memref<1x32x512xf32, #tpu.memory_space<hbm>>
    %dma_start3A_816 = tpu.memref_squeeze %dma_start3A_815 : memref<1x32x512xf32, #tpu.memory_space<hbm>> -> memref<32x512xf32, #tpu.memory_space<hbm>>
    %dma_start3A_817 = arith.constant 0 : i32
    %dma_start3A_818 = tpu.memref_slice %arg4[%dma_start3A_810, %mul3A_2, %dma_start3A_817] : memref<50x1024x512xf32, #tpu.memory_space<hbm>> -> memref<1x32x512xf32, #tpu.memory_space<hbm>>
    %dma_start3A_819 = tpu.memref_squeeze %dma_start3A_818 : memref<1x32x512xf32, #tpu.memory_space<hbm>> -> memref<32x512xf32, #tpu.memory_space<hbm>>
    %dma_start3A_820 = arith.constant 0 : i32
    %dma_start3A_821 = arith.constant 0 : i32
    %dma_start3A_822 = tpu.memref_slice %arg7[%dma_start3A_820, %dma_start3A_821] : memref<32x512xf32, #tpu.memory_space<vmem>> -> memref<32x512xf32, #tpu.memory_space<vmem>>
    tpu.enqueue_dma source(%dma_start3A_822 : memref<32x512xf32, #tpu.memory_space<vmem>>) target(%dma_start3A_819 : memref<32x512xf32, #tpu.memory_space<hbm>>) target_semaphore(%arg19 : memref<!tpu.dma_semaphore, #tpu.memory_space<semaphore_mem>>)
    %dma_wait3A_823 = arith.constant 19 : i32
    %dma_wait3A_824 = arith.constant 0 : i32
    %dma_wait3A_825 = arith.constant 0 : i32
    %dma_wait3A_826 = tpu.memref_slice %arg7[%dma_wait3A_824, %dma_wait3A_825] : memref<32x512xf32, #tpu.memory_space<vmem>> -> memref<32x512xf32, #tpu.memory_space<vmem>>
    %dma_wait3A_827 = arith.constant 0 : i32
    %dma_wait3A_828 = tpu.memref_slice %arg4[%dma_wait3A_823, %mul3A_2, %dma_wait3A_827] : memref<50x1024x512xf32, #tpu.memory_space<hbm>> -> memref<1x32x512xf32, #tpu.memory_space<hbm>>
    %dma_wait3A_829 = tpu.memref_squeeze %dma_wait3A_828 : memref<1x32x512xf32, #tpu.memory_space<hbm>> -> memref<32x512xf32, #tpu.memory_space<hbm>>
    %dma_wait3A_830 = arith.constant 0 : i32
    %dma_wait3A_831 = tpu.memref_slice %arg4[%dma_wait3A_823, %mul3A_2, %dma_wait3A_830] : memref<50x1024x512xf32, #tpu.memory_space<hbm>> -> memref<1x32x512xf32, #tpu.memory_space<hbm>>
    %dma_wait3A_832 = tpu.memref_squeeze %dma_wait3A_831 : memref<1x32x512xf32, #tpu.memory_space<hbm>> -> memref<32x512xf32, #tpu.memory_space<hbm>>
    %dma_wait3A_833 = arith.constant 0 : i32
    %dma_wait3A_834 = arith.constant 0 : i32
    %dma_wait3A_835 = tpu.memref_slice %arg7[%dma_wait3A_833, %dma_wait3A_834] : memref<32x512xf32, #tpu.memory_space<vmem>> -> memref<32x512xf32, #tpu.memory_space<vmem>>
    tpu.wait_dma2 semaphore(%arg19 : memref<!tpu.dma_semaphore, #tpu.memory_space<semaphore_mem>>) src(%dma_wait3A_835 : memref<32x512xf32, #tpu.memory_space<vmem>>) dst(%dma_wait3A_832 : memref<32x512xf32, #tpu.memory_space<hbm>>)
    %dma_start3A_836 = arith.constant 25 : i32
    %dma_start3A_837 = arith.constant 0 : i32
    %dma_start3A_838 = tpu.memref_slice %arg5[%dma_start3A_836, %dma_start3A_837] : memref<50x32xi32, #tpu.memory_space<vmem>> -> memref<1x32xi32, #tpu.memory_space<vmem>>
    %dma_start3A_839 = tpu.memref_squeeze %dma_start3A_838 : memref<1x32xi32, #tpu.memory_space<vmem>> -> memref<32xi32, #tpu.memory_space<vmem>>
    %dma_start3A_840 = arith.constant 0 : i32
    %dma_start3A_841 = arith.constant 0 : i32
    %dma_start3A_842 = tpu.memref_slice %arg3[%dma_start3A_840, %dma_start3A_841] : memref<100000x512xf32, #tpu.memory_space<hbm>> -> memref<100000x512xf32, #tpu.memory_space<hbm>>
    tpu.enqueue_indirect_dma source(%dma_start3A_842 : memref<100000x512xf32, #tpu.memory_space<hbm>>) target(%arg7 : memref<32x512xf32, #tpu.memory_space<vmem>>) offsets(%dma_start3A_839 : memref<32xi32, #tpu.memory_space<vmem>>) semaphore(%arg13 : memref<!tpu.dma_semaphore, #tpu.memory_space<semaphore_mem>>)
    %dma_wait3A_843 = arith.constant 20 : i32
    %dma_wait3A_844 = arith.constant 0 : i32
    %dma_wait3A_845 = tpu.memref_slice %arg5[%dma_wait3A_843, %dma_wait3A_844] : memref<50x32xi32, #tpu.memory_space<vmem>> -> memref<1x32xi32, #tpu.memory_space<vmem>>
    %dma_wait3A_846 = tpu.memref_squeeze %dma_wait3A_845 : memref<1x32xi32, #tpu.memory_space<vmem>> -> memref<32xi32, #tpu.memory_space<vmem>>
    %dma_wait3A_847 = arith.constant 0 : i32
    %dma_wait3A_848 = arith.constant 0 : i32
    %dma_wait3A_849 = tpu.memref_slice %arg3[%dma_wait3A_847, %dma_wait3A_848] : memref<100000x512xf32, #tpu.memory_space<hbm>> -> memref<100000x512xf32, #tpu.memory_space<hbm>>
    tpu.wait_indirect_dma semaphore(%arg14 : memref<!tpu.dma_semaphore, #tpu.memory_space<semaphore_mem>>) src(%dma_wait3A_849 : memref<100000x512xf32, #tpu.memory_space<hbm>>) dst(%arg8 : memref<32x512xf32, #tpu.memory_space<vmem>>)
    %dma_start3A_850 = arith.constant 20 : i32
    %dma_start3A_851 = arith.constant 0 : i32
    %dma_start3A_852 = arith.constant 0 : i32
    %dma_start3A_853 = tpu.memref_slice %arg8[%dma_start3A_851, %dma_start3A_852] : memref<32x512xf32, #tpu.memory_space<vmem>> -> memref<32x512xf32, #tpu.memory_space<vmem>>
    %dma_start3A_854 = arith.constant 0 : i32
    %dma_start3A_855 = tpu.memref_slice %arg4[%dma_start3A_850, %mul3A_2, %dma_start3A_854] : memref<50x1024x512xf32, #tpu.memory_space<hbm>> -> memref<1x32x512xf32, #tpu.memory_space<hbm>>
    %dma_start3A_856 = tpu.memref_squeeze %dma_start3A_855 : memref<1x32x512xf32, #tpu.memory_space<hbm>> -> memref<32x512xf32, #tpu.memory_space<hbm>>
    %dma_start3A_857 = arith.constant 0 : i32
    %dma_start3A_858 = tpu.memref_slice %arg4[%dma_start3A_850, %mul3A_2, %dma_start3A_857] : memref<50x1024x512xf32, #tpu.memory_space<hbm>> -> memref<1x32x512xf32, #tpu.memory_space<hbm>>
    %dma_start3A_859 = tpu.memref_squeeze %dma_start3A_858 : memref<1x32x512xf32, #tpu.memory_space<hbm>> -> memref<32x512xf32, #tpu.memory_space<hbm>>
    %dma_start3A_860 = arith.constant 0 : i32
    %dma_start3A_861 = arith.constant 0 : i32
    %dma_start3A_862 = tpu.memref_slice %arg8[%dma_start3A_860, %dma_start3A_861] : memref<32x512xf32, #tpu.memory_space<vmem>> -> memref<32x512xf32, #tpu.memory_space<vmem>>
    tpu.enqueue_dma source(%dma_start3A_862 : memref<32x512xf32, #tpu.memory_space<vmem>>) target(%dma_start3A_859 : memref<32x512xf32, #tpu.memory_space<hbm>>) target_semaphore(%arg20 : memref<!tpu.dma_semaphore, #tpu.memory_space<semaphore_mem>>)
    %dma_wait3A_863 = arith.constant 20 : i32
    %dma_wait3A_864 = arith.constant 0 : i32
    %dma_wait3A_865 = arith.constant 0 : i32
    %dma_wait3A_866 = tpu.memref_slice %arg8[%dma_wait3A_864, %dma_wait3A_865] : memref<32x512xf32, #tpu.memory_space<vmem>> -> memref<32x512xf32, #tpu.memory_space<vmem>>
    %dma_wait3A_867 = arith.constant 0 : i32
    %dma_wait3A_868 = tpu.memref_slice %arg4[%dma_wait3A_863, %mul3A_2, %dma_wait3A_867] : memref<50x1024x512xf32, #tpu.memory_space<hbm>> -> memref<1x32x512xf32, #tpu.memory_space<hbm>>
    %dma_wait3A_869 = tpu.memref_squeeze %dma_wait3A_868 : memref<1x32x512xf32, #tpu.memory_space<hbm>> -> memref<32x512xf32, #tpu.memory_space<hbm>>
    %dma_wait3A_870 = arith.constant 0 : i32
    %dma_wait3A_871 = tpu.memref_slice %arg4[%dma_wait3A_863, %mul3A_2, %dma_wait3A_870] : memref<50x1024x512xf32, #tpu.memory_space<hbm>> -> memref<1x32x512xf32, #tpu.memory_space<hbm>>
    %dma_wait3A_872 = tpu.memref_squeeze %dma_wait3A_871 : memref<1x32x512xf32, #tpu.memory_space<hbm>> -> memref<32x512xf32, #tpu.memory_space<hbm>>
    %dma_wait3A_873 = arith.constant 0 : i32
    %dma_wait3A_874 = arith.constant 0 : i32
    %dma_wait3A_875 = tpu.memref_slice %arg8[%dma_wait3A_873, %dma_wait3A_874] : memref<32x512xf32, #tpu.memory_space<vmem>> -> memref<32x512xf32, #tpu.memory_space<vmem>>
    tpu.wait_dma2 semaphore(%arg20 : memref<!tpu.dma_semaphore, #tpu.memory_space<semaphore_mem>>) src(%dma_wait3A_875 : memref<32x512xf32, #tpu.memory_space<vmem>>) dst(%dma_wait3A_872 : memref<32x512xf32, #tpu.memory_space<hbm>>)
    %dma_start3A_876 = arith.constant 26 : i32
    %dma_start3A_877 = arith.constant 0 : i32
    %dma_start3A_878 = tpu.memref_slice %arg5[%dma_start3A_876, %dma_start3A_877] : memref<50x32xi32, #tpu.memory_space<vmem>> -> memref<1x32xi32, #tpu.memory_space<vmem>>
    %dma_start3A_879 = tpu.memref_squeeze %dma_start3A_878 : memref<1x32xi32, #tpu.memory_space<vmem>> -> memref<32xi32, #tpu.memory_space<vmem>>
    %dma_start3A_880 = arith.constant 0 : i32
    %dma_start3A_881 = arith.constant 0 : i32
    %dma_start3A_882 = tpu.memref_slice %arg3[%dma_start3A_880, %dma_start3A_881] : memref<100000x512xf32, #tpu.memory_space<hbm>> -> memref<100000x512xf32, #tpu.memory_space<hbm>>
    tpu.enqueue_indirect_dma source(%dma_start3A_882 : memref<100000x512xf32, #tpu.memory_space<hbm>>) target(%arg8 : memref<32x512xf32, #tpu.memory_space<vmem>>) offsets(%dma_start3A_879 : memref<32xi32, #tpu.memory_space<vmem>>) semaphore(%arg14 : memref<!tpu.dma_semaphore, #tpu.memory_space<semaphore_mem>>)
    %dma_wait3A_883 = arith.constant 21 : i32
    %dma_wait3A_884 = arith.constant 0 : i32
    %dma_wait3A_885 = tpu.memref_slice %arg5[%dma_wait3A_883, %dma_wait3A_884] : memref<50x32xi32, #tpu.memory_space<vmem>> -> memref<1x32xi32, #tpu.memory_space<vmem>>
    %dma_wait3A_886 = tpu.memref_squeeze %dma_wait3A_885 : memref<1x32xi32, #tpu.memory_space<vmem>> -> memref<32xi32, #tpu.memory_space<vmem>>
    %dma_wait3A_887 = arith.constant 0 : i32
    %dma_wait3A_888 = arith.constant 0 : i32
    %dma_wait3A_889 = tpu.memref_slice %arg3[%dma_wait3A_887, %dma_wait3A_888] : memref<100000x512xf32, #tpu.memory_space<hbm>> -> memref<100000x512xf32, #tpu.memory_space<hbm>>
    tpu.wait_indirect_dma semaphore(%arg15 : memref<!tpu.dma_semaphore, #tpu.memory_space<semaphore_mem>>) src(%dma_wait3A_889 : memref<100000x512xf32, #tpu.memory_space<hbm>>) dst(%arg9 : memref<32x512xf32, #tpu.memory_space<vmem>>)
    %dma_start3A_890 = arith.constant 21 : i32
    %dma_start3A_891 = arith.constant 0 : i32
    %dma_start3A_892 = arith.constant 0 : i32
    %dma_start3A_893 = tpu.memref_slice %arg9[%dma_start3A_891, %dma_start3A_892] : memref<32x512xf32, #tpu.memory_space<vmem>> -> memref<32x512xf32, #tpu.memory_space<vmem>>
    %dma_start3A_894 = arith.constant 0 : i32
    %dma_start3A_895 = tpu.memref_slice %arg4[%dma_start3A_890, %mul3A_2, %dma_start3A_894] : memref<50x1024x512xf32, #tpu.memory_space<hbm>> -> memref<1x32x512xf32, #tpu.memory_space<hbm>>
    %dma_start3A_896 = tpu.memref_squeeze %dma_start3A_895 : memref<1x32x512xf32, #tpu.memory_space<hbm>> -> memref<32x512xf32, #tpu.memory_space<hbm>>
    %dma_start3A_897 = arith.constant 0 : i32
    %dma_start3A_898 = tpu.memref_slice %arg4[%dma_start3A_890, %mul3A_2, %dma_start3A_897] : memref<50x1024x512xf32, #tpu.memory_space<hbm>> -> memref<1x32x512xf32, #tpu.memory_space<hbm>>
    %dma_start3A_899 = tpu.memref_squeeze %dma_start3A_898 : memref<1x32x512xf32, #tpu.memory_space<hbm>> -> memref<32x512xf32, #tpu.memory_space<hbm>>
    %dma_start3A_900 = arith.constant 0 : i32
    %dma_start3A_901 = arith.constant 0 : i32
    %dma_start3A_902 = tpu.memref_slice %arg9[%dma_start3A_900, %dma_start3A_901] : memref<32x512xf32, #tpu.memory_space<vmem>> -> memref<32x512xf32, #tpu.memory_space<vmem>>
    tpu.enqueue_dma source(%dma_start3A_902 : memref<32x512xf32, #tpu.memory_space<vmem>>) target(%dma_start3A_899 : memref<32x512xf32, #tpu.memory_space<hbm>>) target_semaphore(%arg21 : memref<!tpu.dma_semaphore, #tpu.memory_space<semaphore_mem>>)
    %dma_wait3A_903 = arith.constant 21 : i32
    %dma_wait3A_904 = arith.constant 0 : i32
    %dma_wait3A_905 = arith.constant 0 : i32
    %dma_wait3A_906 = tpu.memref_slice %arg9[%dma_wait3A_904, %dma_wait3A_905] : memref<32x512xf32, #tpu.memory_space<vmem>> -> memref<32x512xf32, #tpu.memory_space<vmem>>
    %dma_wait3A_907 = arith.constant 0 : i32
    %dma_wait3A_908 = tpu.memref_slice %arg4[%dma_wait3A_903, %mul3A_2, %dma_wait3A_907] : memref<50x1024x512xf32, #tpu.memory_space<hbm>> -> memref<1x32x512xf32, #tpu.memory_space<hbm>>
    %dma_wait3A_909 = tpu.memref_squeeze %dma_wait3A_908 : memref<1x32x512xf32, #tpu.memory_space<hbm>> -> memref<32x512xf32, #tpu.memory_space<hbm>>
    %dma_wait3A_910 = arith.constant 0 : i32
    %dma_wait3A_911 = tpu.memref_slice %arg4[%dma_wait3A_903, %mul3A_2, %dma_wait3A_910] : memref<50x1024x512xf32, #tpu.memory_space<hbm>> -> memref<1x32x512xf32, #tpu.memory_space<hbm>>
    %dma_wait3A_912 = tpu.memref_squeeze %dma_wait3A_911 : memref<1x32x512xf32, #tpu.memory_space<hbm>> -> memref<32x512xf32, #tpu.memory_space<hbm>>
    %dma_wait3A_913 = arith.constant 0 : i32
    %dma_wait3A_914 = arith.constant 0 : i32
    %dma_wait3A_915 = tpu.memref_slice %arg9[%dma_wait3A_913, %dma_wait3A_914] : memref<32x512xf32, #tpu.memory_space<vmem>> -> memref<32x512xf32, #tpu.memory_space<vmem>>
    tpu.wait_dma2 semaphore(%arg21 : memref<!tpu.dma_semaphore, #tpu.memory_space<semaphore_mem>>) src(%dma_wait3A_915 : memref<32x512xf32, #tpu.memory_space<vmem>>) dst(%dma_wait3A_912 : memref<32x512xf32, #tpu.memory_space<hbm>>)
    %dma_start3A_916 = arith.constant 27 : i32
    %dma_start3A_917 = arith.constant 0 : i32
    %dma_start3A_918 = tpu.memref_slice %arg5[%dma_start3A_916, %dma_start3A_917] : memref<50x32xi32, #tpu.memory_space<vmem>> -> memref<1x32xi32, #tpu.memory_space<vmem>>
    %dma_start3A_919 = tpu.memref_squeeze %dma_start3A_918 : memref<1x32xi32, #tpu.memory_space<vmem>> -> memref<32xi32, #tpu.memory_space<vmem>>
    %dma_start3A_920 = arith.constant 0 : i32
    %dma_start3A_921 = arith.constant 0 : i32
    %dma_start3A_922 = tpu.memref_slice %arg3[%dma_start3A_920, %dma_start3A_921] : memref<100000x512xf32, #tpu.memory_space<hbm>> -> memref<100000x512xf32, #tpu.memory_space<hbm>>
    tpu.enqueue_indirect_dma source(%dma_start3A_922 : memref<100000x512xf32, #tpu.memory_space<hbm>>) target(%arg9 : memref<32x512xf32, #tpu.memory_space<vmem>>) offsets(%dma_start3A_919 : memref<32xi32, #tpu.memory_space<vmem>>) semaphore(%arg15 : memref<!tpu.dma_semaphore, #tpu.memory_space<semaphore_mem>>)
    %dma_wait3A_923 = arith.constant 22 : i32
    %dma_wait3A_924 = arith.constant 0 : i32
    %dma_wait3A_925 = tpu.memref_slice %arg5[%dma_wait3A_923, %dma_wait3A_924] : memref<50x32xi32, #tpu.memory_space<vmem>> -> memref<1x32xi32, #tpu.memory_space<vmem>>
    %dma_wait3A_926 = tpu.memref_squeeze %dma_wait3A_925 : memref<1x32xi32, #tpu.memory_space<vmem>> -> memref<32xi32, #tpu.memory_space<vmem>>
    %dma_wait3A_927 = arith.constant 0 : i32
    %dma_wait3A_928 = arith.constant 0 : i32
    %dma_wait3A_929 = tpu.memref_slice %arg3[%dma_wait3A_927, %dma_wait3A_928] : memref<100000x512xf32, #tpu.memory_space<hbm>> -> memref<100000x512xf32, #tpu.memory_space<hbm>>
    tpu.wait_indirect_dma semaphore(%arg16 : memref<!tpu.dma_semaphore, #tpu.memory_space<semaphore_mem>>) src(%dma_wait3A_929 : memref<100000x512xf32, #tpu.memory_space<hbm>>) dst(%arg10 : memref<32x512xf32, #tpu.memory_space<vmem>>)
    %dma_start3A_930 = arith.constant 22 : i32
    %dma_start3A_931 = arith.constant 0 : i32
    %dma_start3A_932 = arith.constant 0 : i32
    %dma_start3A_933 = tpu.memref_slice %arg10[%dma_start3A_931, %dma_start3A_932] : memref<32x512xf32, #tpu.memory_space<vmem>> -> memref<32x512xf32, #tpu.memory_space<vmem>>
    %dma_start3A_934 = arith.constant 0 : i32
    %dma_start3A_935 = tpu.memref_slice %arg4[%dma_start3A_930, %mul3A_2, %dma_start3A_934] : memref<50x1024x512xf32, #tpu.memory_space<hbm>> -> memref<1x32x512xf32, #tpu.memory_space<hbm>>
    %dma_start3A_936 = tpu.memref_squeeze %dma_start3A_935 : memref<1x32x512xf32, #tpu.memory_space<hbm>> -> memref<32x512xf32, #tpu.memory_space<hbm>>
    %dma_start3A_937 = arith.constant 0 : i32
    %dma_start3A_938 = tpu.memref_slice %arg4[%dma_start3A_930, %mul3A_2, %dma_start3A_937] : memref<50x1024x512xf32, #tpu.memory_space<hbm>> -> memref<1x32x512xf32, #tpu.memory_space<hbm>>
    %dma_start3A_939 = tpu.memref_squeeze %dma_start3A_938 : memref<1x32x512xf32, #tpu.memory_space<hbm>> -> memref<32x512xf32, #tpu.memory_space<hbm>>
    %dma_start3A_940 = arith.constant 0 : i32
    %dma_start3A_941 = arith.constant 0 : i32
    %dma_start3A_942 = tpu.memref_slice %arg10[%dma_start3A_940, %dma_start3A_941] : memref<32x512xf32, #tpu.memory_space<vmem>> -> memref<32x512xf32, #tpu.memory_space<vmem>>
    tpu.enqueue_dma source(%dma_start3A_942 : memref<32x512xf32, #tpu.memory_space<vmem>>) target(%dma_start3A_939 : memref<32x512xf32, #tpu.memory_space<hbm>>) target_semaphore(%arg22 : memref<!tpu.dma_semaphore, #tpu.memory_space<semaphore_mem>>)
    %dma_wait3A_943 = arith.constant 22 : i32
    %dma_wait3A_944 = arith.constant 0 : i32
    %dma_wait3A_945 = arith.constant 0 : i32
    %dma_wait3A_946 = tpu.memref_slice %arg10[%dma_wait3A_944, %dma_wait3A_945] : memref<32x512xf32, #tpu.memory_space<vmem>> -> memref<32x512xf32, #tpu.memory_space<vmem>>
    %dma_wait3A_947 = arith.constant 0 : i32
    %dma_wait3A_948 = tpu.memref_slice %arg4[%dma_wait3A_943, %mul3A_2, %dma_wait3A_947] : memref<50x1024x512xf32, #tpu.memory_space<hbm>> -> memref<1x32x512xf32, #tpu.memory_space<hbm>>
    %dma_wait3A_949 = tpu.memref_squeeze %dma_wait3A_948 : memref<1x32x512xf32, #tpu.memory_space<hbm>> -> memref<32x512xf32, #tpu.memory_space<hbm>>
    %dma_wait3A_950 = arith.constant 0 : i32
    %dma_wait3A_951 = tpu.memref_slice %arg4[%dma_wait3A_943, %mul3A_2, %dma_wait3A_950] : memref<50x1024x512xf32, #tpu.memory_space<hbm>> -> memref<1x32x512xf32, #tpu.memory_space<hbm>>
    %dma_wait3A_952 = tpu.memref_squeeze %dma_wait3A_951 : memref<1x32x512xf32, #tpu.memory_space<hbm>> -> memref<32x512xf32, #tpu.memory_space<hbm>>
    %dma_wait3A_953 = arith.constant 0 : i32
    %dma_wait3A_954 = arith.constant 0 : i32
    %dma_wait3A_955 = tpu.memref_slice %arg10[%dma_wait3A_953, %dma_wait3A_954] : memref<32x512xf32, #tpu.memory_space<vmem>> -> memref<32x512xf32, #tpu.memory_space<vmem>>
    tpu.wait_dma2 semaphore(%arg22 : memref<!tpu.dma_semaphore, #tpu.memory_space<semaphore_mem>>) src(%dma_wait3A_955 : memref<32x512xf32, #tpu.memory_space<vmem>>) dst(%dma_wait3A_952 : memref<32x512xf32, #tpu.memory_space<hbm>>)
    %dma_start3A_956 = arith.constant 28 : i32
    %dma_start3A_957 = arith.constant 0 : i32
    %dma_start3A_958 = tpu.memref_slice %arg5[%dma_start3A_956, %dma_start3A_957] : memref<50x32xi32, #tpu.memory_space<vmem>> -> memref<1x32xi32, #tpu.memory_space<vmem>>
    %dma_start3A_959 = tpu.memref_squeeze %dma_start3A_958 : memref<1x32xi32, #tpu.memory_space<vmem>> -> memref<32xi32, #tpu.memory_space<vmem>>
    %dma_start3A_960 = arith.constant 0 : i32
    %dma_start3A_961 = arith.constant 0 : i32
    %dma_start3A_962 = tpu.memref_slice %arg3[%dma_start3A_960, %dma_start3A_961] : memref<100000x512xf32, #tpu.memory_space<hbm>> -> memref<100000x512xf32, #tpu.memory_space<hbm>>
    tpu.enqueue_indirect_dma source(%dma_start3A_962 : memref<100000x512xf32, #tpu.memory_space<hbm>>) target(%arg10 : memref<32x512xf32, #tpu.memory_space<vmem>>) offsets(%dma_start3A_959 : memref<32xi32, #tpu.memory_space<vmem>>) semaphore(%arg16 : memref<!tpu.dma_semaphore, #tpu.memory_space<semaphore_mem>>)
    %dma_wait3A_963 = arith.constant 23 : i32
    %dma_wait3A_964 = arith.constant 0 : i32
    %dma_wait3A_965 = tpu.memref_slice %arg5[%dma_wait3A_963, %dma_wait3A_964] : memref<50x32xi32, #tpu.memory_space<vmem>> -> memref<1x32xi32, #tpu.memory_space<vmem>>
    %dma_wait3A_966 = tpu.memref_squeeze %dma_wait3A_965 : memref<1x32xi32, #tpu.memory_space<vmem>> -> memref<32xi32, #tpu.memory_space<vmem>>
    %dma_wait3A_967 = arith.constant 0 : i32
    %dma_wait3A_968 = arith.constant 0 : i32
    %dma_wait3A_969 = tpu.memref_slice %arg3[%dma_wait3A_967, %dma_wait3A_968] : memref<100000x512xf32, #tpu.memory_space<hbm>> -> memref<100000x512xf32, #tpu.memory_space<hbm>>
    tpu.wait_indirect_dma semaphore(%arg17 : memref<!tpu.dma_semaphore, #tpu.memory_space<semaphore_mem>>) src(%dma_wait3A_969 : memref<100000x512xf32, #tpu.memory_space<hbm>>) dst(%arg11 : memref<32x512xf32, #tpu.memory_space<vmem>>)
    %dma_start3A_970 = arith.constant 23 : i32
    %dma_start3A_971 = arith.constant 0 : i32
    %dma_start3A_972 = arith.constant 0 : i32
    %dma_start3A_973 = tpu.memref_slice %arg11[%dma_start3A_971, %dma_start3A_972] : memref<32x512xf32, #tpu.memory_space<vmem>> -> memref<32x512xf32, #tpu.memory_space<vmem>>
    %dma_start3A_974 = arith.constant 0 : i32
    %dma_start3A_975 = tpu.memref_slice %arg4[%dma_start3A_970, %mul3A_2, %dma_start3A_974] : memref<50x1024x512xf32, #tpu.memory_space<hbm>> -> memref<1x32x512xf32, #tpu.memory_space<hbm>>
    %dma_start3A_976 = tpu.memref_squeeze %dma_start3A_975 : memref<1x32x512xf32, #tpu.memory_space<hbm>> -> memref<32x512xf32, #tpu.memory_space<hbm>>
    %dma_start3A_977 = arith.constant 0 : i32
    %dma_start3A_978 = tpu.memref_slice %arg4[%dma_start3A_970, %mul3A_2, %dma_start3A_977] : memref<50x1024x512xf32, #tpu.memory_space<hbm>> -> memref<1x32x512xf32, #tpu.memory_space<hbm>>
    %dma_start3A_979 = tpu.memref_squeeze %dma_start3A_978 : memref<1x32x512xf32, #tpu.memory_space<hbm>> -> memref<32x512xf32, #tpu.memory_space<hbm>>
    %dma_start3A_980 = arith.constant 0 : i32
    %dma_start3A_981 = arith.constant 0 : i32
    %dma_start3A_982 = tpu.memref_slice %arg11[%dma_start3A_980, %dma_start3A_981] : memref<32x512xf32, #tpu.memory_space<vmem>> -> memref<32x512xf32, #tpu.memory_space<vmem>>
    tpu.enqueue_dma source(%dma_start3A_982 : memref<32x512xf32, #tpu.memory_space<vmem>>) target(%dma_start3A_979 : memref<32x512xf32, #tpu.memory_space<hbm>>) target_semaphore(%arg23 : memref<!tpu.dma_semaphore, #tpu.memory_space<semaphore_mem>>)
    %dma_wait3A_983 = arith.constant 23 : i32
    %dma_wait3A_984 = arith.constant 0 : i32
    %dma_wait3A_985 = arith.constant 0 : i32
    %dma_wait3A_986 = tpu.memref_slice %arg11[%dma_wait3A_984, %dma_wait3A_985] : memref<32x512xf32, #tpu.memory_space<vmem>> -> memref<32x512xf32, #tpu.memory_space<vmem>>
    %dma_wait3A_987 = arith.constant 0 : i32
    %dma_wait3A_988 = tpu.memref_slice %arg4[%dma_wait3A_983, %mul3A_2, %dma_wait3A_987] : memref<50x1024x512xf32, #tpu.memory_space<hbm>> -> memref<1x32x512xf32, #tpu.memory_space<hbm>>
    %dma_wait3A_989 = tpu.memref_squeeze %dma_wait3A_988 : memref<1x32x512xf32, #tpu.memory_space<hbm>> -> memref<32x512xf32, #tpu.memory_space<hbm>>
    %dma_wait3A_990 = arith.constant 0 : i32
    %dma_wait3A_991 = tpu.memref_slice %arg4[%dma_wait3A_983, %mul3A_2, %dma_wait3A_990] : memref<50x1024x512xf32, #tpu.memory_space<hbm>> -> memref<1x32x512xf32, #tpu.memory_space<hbm>>
    %dma_wait3A_992 = tpu.memref_squeeze %dma_wait3A_991 : memref<1x32x512xf32, #tpu.memory_space<hbm>> -> memref<32x512xf32, #tpu.memory_space<hbm>>
    %dma_wait3A_993 = arith.constant 0 : i32
    %dma_wait3A_994 = arith.constant 0 : i32
    %dma_wait3A_995 = tpu.memref_slice %arg11[%dma_wait3A_993, %dma_wait3A_994] : memref<32x512xf32, #tpu.memory_space<vmem>> -> memref<32x512xf32, #tpu.memory_space<vmem>>
    tpu.wait_dma2 semaphore(%arg23 : memref<!tpu.dma_semaphore, #tpu.memory_space<semaphore_mem>>) src(%dma_wait3A_995 : memref<32x512xf32, #tpu.memory_space<vmem>>) dst(%dma_wait3A_992 : memref<32x512xf32, #tpu.memory_space<hbm>>)
    %dma_start3A_996 = arith.constant 29 : i32
    %dma_start3A_997 = arith.constant 0 : i32
    %dma_start3A_998 = tpu.memref_slice %arg5[%dma_start3A_996, %dma_start3A_997] : memref<50x32xi32, #tpu.memory_space<vmem>> -> memref<1x32xi32, #tpu.memory_space<vmem>>
    %dma_start3A_999 = tpu.memref_squeeze %dma_start3A_998 : memref<1x32xi32, #tpu.memory_space<vmem>> -> memref<32xi32, #tpu.memory_space<vmem>>
    %dma_start3A_1000 = arith.constant 0 : i32
    %dma_start3A_1001 = arith.constant 0 : i32
    %dma_start3A_1002 = tpu.memref_slice %arg3[%dma_start3A_1000, %dma_start3A_1001] : memref<100000x512xf32, #tpu.memory_space<hbm>> -> memref<100000x512xf32, #tpu.memory_space<hbm>>
    tpu.enqueue_indirect_dma source(%dma_start3A_1002 : memref<100000x512xf32, #tpu.memory_space<hbm>>) target(%arg11 : memref<32x512xf32, #tpu.memory_space<vmem>>) offsets(%dma_start3A_999 : memref<32xi32, #tpu.memory_space<vmem>>) semaphore(%arg17 : memref<!tpu.dma_semaphore, #tpu.memory_space<semaphore_mem>>)
    %dma_wait3A_1003 = arith.constant 24 : i32
    %dma_wait3A_1004 = arith.constant 0 : i32
    %dma_wait3A_1005 = tpu.memref_slice %arg5[%dma_wait3A_1003, %dma_wait3A_1004] : memref<50x32xi32, #tpu.memory_space<vmem>> -> memref<1x32xi32, #tpu.memory_space<vmem>>
    %dma_wait3A_1006 = tpu.memref_squeeze %dma_wait3A_1005 : memref<1x32xi32, #tpu.memory_space<vmem>> -> memref<32xi32, #tpu.memory_space<vmem>>
    %dma_wait3A_1007 = arith.constant 0 : i32
    %dma_wait3A_1008 = arith.constant 0 : i32
    %dma_wait3A_1009 = tpu.memref_slice %arg3[%dma_wait3A_1007, %dma_wait3A_1008] : memref<100000x512xf32, #tpu.memory_space<hbm>> -> memref<100000x512xf32, #tpu.memory_space<hbm>>
    tpu.wait_indirect_dma semaphore(%arg12 : memref<!tpu.dma_semaphore, #tpu.memory_space<semaphore_mem>>) src(%dma_wait3A_1009 : memref<100000x512xf32, #tpu.memory_space<hbm>>) dst(%arg6 : memref<32x512xf32, #tpu.memory_space<vmem>>)
    %dma_start3A_1010 = arith.constant 24 : i32
    %dma_start3A_1011 = arith.constant 0 : i32
    %dma_start3A_1012 = arith.constant 0 : i32
    %dma_start3A_1013 = tpu.memref_slice %arg6[%dma_start3A_1011, %dma_start3A_1012] : memref<32x512xf32, #tpu.memory_space<vmem>> -> memref<32x512xf32, #tpu.memory_space<vmem>>
    %dma_start3A_1014 = arith.constant 0 : i32
    %dma_start3A_1015 = tpu.memref_slice %arg4[%dma_start3A_1010, %mul3A_2, %dma_start3A_1014] : memref<50x1024x512xf32, #tpu.memory_space<hbm>> -> memref<1x32x512xf32, #tpu.memory_space<hbm>>
    %dma_start3A_1016 = tpu.memref_squeeze %dma_start3A_1015 : memref<1x32x512xf32, #tpu.memory_space<hbm>> -> memref<32x512xf32, #tpu.memory_space<hbm>>
    %dma_start3A_1017 = arith.constant 0 : i32
    %dma_start3A_1018 = tpu.memref_slice %arg4[%dma_start3A_1010, %mul3A_2, %dma_start3A_1017] : memref<50x1024x512xf32, #tpu.memory_space<hbm>> -> memref<1x32x512xf32, #tpu.memory_space<hbm>>
    %dma_start3A_1019 = tpu.memref_squeeze %dma_start3A_1018 : memref<1x32x512xf32, #tpu.memory_space<hbm>> -> memref<32x512xf32, #tpu.memory_space<hbm>>
    %dma_start3A_1020 = arith.constant 0 : i32
    %dma_start3A_1021 = arith.constant 0 : i32
    %dma_start3A_1022 = tpu.memref_slice %arg6[%dma_start3A_1020, %dma_start3A_1021] : memref<32x512xf32, #tpu.memory_space<vmem>> -> memref<32x512xf32, #tpu.memory_space<vmem>>
    tpu.enqueue_dma source(%dma_start3A_1022 : memref<32x512xf32, #tpu.memory_space<vmem>>) target(%dma_start3A_1019 : memref<32x512xf32, #tpu.memory_space<hbm>>) target_semaphore(%arg18 : memref<!tpu.dma_semaphore, #tpu.memory_space<semaphore_mem>>)
    %dma_wait3A_1023 = arith.constant 24 : i32
    %dma_wait3A_1024 = arith.constant 0 : i32
    %dma_wait3A_1025 = arith.constant 0 : i32
    %dma_wait3A_1026 = tpu.memref_slice %arg6[%dma_wait3A_1024, %dma_wait3A_1025] : memref<32x512xf32, #tpu.memory_space<vmem>> -> memref<32x512xf32, #tpu.memory_space<vmem>>
    %dma_wait3A_1027 = arith.constant 0 : i32
    %dma_wait3A_1028 = tpu.memref_slice %arg4[%dma_wait3A_1023, %mul3A_2, %dma_wait3A_1027] : memref<50x1024x512xf32, #tpu.memory_space<hbm>> -> memref<1x32x512xf32, #tpu.memory_space<hbm>>
    %dma_wait3A_1029 = tpu.memref_squeeze %dma_wait3A_1028 : memref<1x32x512xf32, #tpu.memory_space<hbm>> -> memref<32x512xf32, #tpu.memory_space<hbm>>
    %dma_wait3A_1030 = arith.constant 0 : i32
    %dma_wait3A_1031 = tpu.memref_slice %arg4[%dma_wait3A_1023, %mul3A_2, %dma_wait3A_1030] : memref<50x1024x512xf32, #tpu.memory_space<hbm>> -> memref<1x32x512xf32, #tpu.memory_space<hbm>>
    %dma_wait3A_1032 = tpu.memref_squeeze %dma_wait3A_1031 : memref<1x32x512xf32, #tpu.memory_space<hbm>> -> memref<32x512xf32, #tpu.memory_space<hbm>>
    %dma_wait3A_1033 = arith.constant 0 : i32
    %dma_wait3A_1034 = arith.constant 0 : i32
    %dma_wait3A_1035 = tpu.memref_slice %arg6[%dma_wait3A_1033, %dma_wait3A_1034] : memref<32x512xf32, #tpu.memory_space<vmem>> -> memref<32x512xf32, #tpu.memory_space<vmem>>
    tpu.wait_dma2 semaphore(%arg18 : memref<!tpu.dma_semaphore, #tpu.memory_space<semaphore_mem>>) src(%dma_wait3A_1035 : memref<32x512xf32, #tpu.memory_space<vmem>>) dst(%dma_wait3A_1032 : memref<32x512xf32, #tpu.memory_space<hbm>>)
    %dma_start3A_1036 = arith.constant 30 : i32
    %dma_start3A_1037 = arith.constant 0 : i32
    %dma_start3A_1038 = tpu.memref_slice %arg5[%dma_start3A_1036, %dma_start3A_1037] : memref<50x32xi32, #tpu.memory_space<vmem>> -> memref<1x32xi32, #tpu.memory_space<vmem>>
    %dma_start3A_1039 = tpu.memref_squeeze %dma_start3A_1038 : memref<1x32xi32, #tpu.memory_space<vmem>> -> memref<32xi32, #tpu.memory_space<vmem>>
    %dma_start3A_1040 = arith.constant 0 : i32
    %dma_start3A_1041 = arith.constant 0 : i32
    %dma_start3A_1042 = tpu.memref_slice %arg3[%dma_start3A_1040, %dma_start3A_1041] : memref<100000x512xf32, #tpu.memory_space<hbm>> -> memref<100000x512xf32, #tpu.memory_space<hbm>>
    tpu.enqueue_indirect_dma source(%dma_start3A_1042 : memref<100000x512xf32, #tpu.memory_space<hbm>>) target(%arg6 : memref<32x512xf32, #tpu.memory_space<vmem>>) offsets(%dma_start3A_1039 : memref<32xi32, #tpu.memory_space<vmem>>) semaphore(%arg12 : memref<!tpu.dma_semaphore, #tpu.memory_space<semaphore_mem>>)
    %dma_wait3A_1043 = arith.constant 25 : i32
    %dma_wait3A_1044 = arith.constant 0 : i32
    %dma_wait3A_1045 = tpu.memref_slice %arg5[%dma_wait3A_1043, %dma_wait3A_1044] : memref<50x32xi32, #tpu.memory_space<vmem>> -> memref<1x32xi32, #tpu.memory_space<vmem>>
    %dma_wait3A_1046 = tpu.memref_squeeze %dma_wait3A_1045 : memref<1x32xi32, #tpu.memory_space<vmem>> -> memref<32xi32, #tpu.memory_space<vmem>>
    %dma_wait3A_1047 = arith.constant 0 : i32
    %dma_wait3A_1048 = arith.constant 0 : i32
    %dma_wait3A_1049 = tpu.memref_slice %arg3[%dma_wait3A_1047, %dma_wait3A_1048] : memref<100000x512xf32, #tpu.memory_space<hbm>> -> memref<100000x512xf32, #tpu.memory_space<hbm>>
    tpu.wait_indirect_dma semaphore(%arg13 : memref<!tpu.dma_semaphore, #tpu.memory_space<semaphore_mem>>) src(%dma_wait3A_1049 : memref<100000x512xf32, #tpu.memory_space<hbm>>) dst(%arg7 : memref<32x512xf32, #tpu.memory_space<vmem>>)
    %dma_start3A_1050 = arith.constant 25 : i32
    %dma_start3A_1051 = arith.constant 0 : i32
    %dma_start3A_1052 = arith.constant 0 : i32
    %dma_start3A_1053 = tpu.memref_slice %arg7[%dma_start3A_1051, %dma_start3A_1052] : memref<32x512xf32, #tpu.memory_space<vmem>> -> memref<32x512xf32, #tpu.memory_space<vmem>>
    %dma_start3A_1054 = arith.constant 0 : i32
    %dma_start3A_1055 = tpu.memref_slice %arg4[%dma_start3A_1050, %mul3A_2, %dma_start3A_1054] : memref<50x1024x512xf32, #tpu.memory_space<hbm>> -> memref<1x32x512xf32, #tpu.memory_space<hbm>>
    %dma_start3A_1056 = tpu.memref_squeeze %dma_start3A_1055 : memref<1x32x512xf32, #tpu.memory_space<hbm>> -> memref<32x512xf32, #tpu.memory_space<hbm>>
    %dma_start3A_1057 = arith.constant 0 : i32
    %dma_start3A_1058 = tpu.memref_slice %arg4[%dma_start3A_1050, %mul3A_2, %dma_start3A_1057] : memref<50x1024x512xf32, #tpu.memory_space<hbm>> -> memref<1x32x512xf32, #tpu.memory_space<hbm>>
    %dma_start3A_1059 = tpu.memref_squeeze %dma_start3A_1058 : memref<1x32x512xf32, #tpu.memory_space<hbm>> -> memref<32x512xf32, #tpu.memory_space<hbm>>
    %dma_start3A_1060 = arith.constant 0 : i32
    %dma_start3A_1061 = arith.constant 0 : i32
    %dma_start3A_1062 = tpu.memref_slice %arg7[%dma_start3A_1060, %dma_start3A_1061] : memref<32x512xf32, #tpu.memory_space<vmem>> -> memref<32x512xf32, #tpu.memory_space<vmem>>
    tpu.enqueue_dma source(%dma_start3A_1062 : memref<32x512xf32, #tpu.memory_space<vmem>>) target(%dma_start3A_1059 : memref<32x512xf32, #tpu.memory_space<hbm>>) target_semaphore(%arg19 : memref<!tpu.dma_semaphore, #tpu.memory_space<semaphore_mem>>)
    %dma_wait3A_1063 = arith.constant 25 : i32
    %dma_wait3A_1064 = arith.constant 0 : i32
    %dma_wait3A_1065 = arith.constant 0 : i32
    %dma_wait3A_1066 = tpu.memref_slice %arg7[%dma_wait3A_1064, %dma_wait3A_1065] : memref<32x512xf32, #tpu.memory_space<vmem>> -> memref<32x512xf32, #tpu.memory_space<vmem>>
    %dma_wait3A_1067 = arith.constant 0 : i32
    %dma_wait3A_1068 = tpu.memref_slice %arg4[%dma_wait3A_1063, %mul3A_2, %dma_wait3A_1067] : memref<50x1024x512xf32, #tpu.memory_space<hbm>> -> memref<1x32x512xf32, #tpu.memory_space<hbm>>
    %dma_wait3A_1069 = tpu.memref_squeeze %dma_wait3A_1068 : memref<1x32x512xf32, #tpu.memory_space<hbm>> -> memref<32x512xf32, #tpu.memory_space<hbm>>
    %dma_wait3A_1070 = arith.constant 0 : i32
    %dma_wait3A_1071 = tpu.memref_slice %arg4[%dma_wait3A_1063, %mul3A_2, %dma_wait3A_1070] : memref<50x1024x512xf32, #tpu.memory_space<hbm>> -> memref<1x32x512xf32, #tpu.memory_space<hbm>>
    %dma_wait3A_1072 = tpu.memref_squeeze %dma_wait3A_1071 : memref<1x32x512xf32, #tpu.memory_space<hbm>> -> memref<32x512xf32, #tpu.memory_space<hbm>>
    %dma_wait3A_1073 = arith.constant 0 : i32
    %dma_wait3A_1074 = arith.constant 0 : i32
    %dma_wait3A_1075 = tpu.memref_slice %arg7[%dma_wait3A_1073, %dma_wait3A_1074] : memref<32x512xf32, #tpu.memory_space<vmem>> -> memref<32x512xf32, #tpu.memory_space<vmem>>
    tpu.wait_dma2 semaphore(%arg19 : memref<!tpu.dma_semaphore, #tpu.memory_space<semaphore_mem>>) src(%dma_wait3A_1075 : memref<32x512xf32, #tpu.memory_space<vmem>>) dst(%dma_wait3A_1072 : memref<32x512xf32, #tpu.memory_space<hbm>>)
    %dma_start3A_1076 = arith.constant 31 : i32
    %dma_start3A_1077 = arith.constant 0 : i32
    %dma_start3A_1078 = tpu.memref_slice %arg5[%dma_start3A_1076, %dma_start3A_1077] : memref<50x32xi32, #tpu.memory_space<vmem>> -> memref<1x32xi32, #tpu.memory_space<vmem>>
    %dma_start3A_1079 = tpu.memref_squeeze %dma_start3A_1078 : memref<1x32xi32, #tpu.memory_space<vmem>> -> memref<32xi32, #tpu.memory_space<vmem>>
    %dma_start3A_1080 = arith.constant 0 : i32
    %dma_start3A_1081 = arith.constant 0 : i32
    %dma_start3A_1082 = tpu.memref_slice %arg3[%dma_start3A_1080, %dma_start3A_1081] : memref<100000x512xf32, #tpu.memory_space<hbm>> -> memref<100000x512xf32, #tpu.memory_space<hbm>>
    tpu.enqueue_indirect_dma source(%dma_start3A_1082 : memref<100000x512xf32, #tpu.memory_space<hbm>>) target(%arg7 : memref<32x512xf32, #tpu.memory_space<vmem>>) offsets(%dma_start3A_1079 : memref<32xi32, #tpu.memory_space<vmem>>) semaphore(%arg13 : memref<!tpu.dma_semaphore, #tpu.memory_space<semaphore_mem>>)
    %dma_wait3A_1083 = arith.constant 26 : i32
    %dma_wait3A_1084 = arith.constant 0 : i32
    %dma_wait3A_1085 = tpu.memref_slice %arg5[%dma_wait3A_1083, %dma_wait3A_1084] : memref<50x32xi32, #tpu.memory_space<vmem>> -> memref<1x32xi32, #tpu.memory_space<vmem>>
    %dma_wait3A_1086 = tpu.memref_squeeze %dma_wait3A_1085 : memref<1x32xi32, #tpu.memory_space<vmem>> -> memref<32xi32, #tpu.memory_space<vmem>>
    %dma_wait3A_1087 = arith.constant 0 : i32
    %dma_wait3A_1088 = arith.constant 0 : i32
    %dma_wait3A_1089 = tpu.memref_slice %arg3[%dma_wait3A_1087, %dma_wait3A_1088] : memref<100000x512xf32, #tpu.memory_space<hbm>> -> memref<100000x512xf32, #tpu.memory_space<hbm>>
    tpu.wait_indirect_dma semaphore(%arg14 : memref<!tpu.dma_semaphore, #tpu.memory_space<semaphore_mem>>) src(%dma_wait3A_1089 : memref<100000x512xf32, #tpu.memory_space<hbm>>) dst(%arg8 : memref<32x512xf32, #tpu.memory_space<vmem>>)
    %dma_start3A_1090 = arith.constant 26 : i32
    %dma_start3A_1091 = arith.constant 0 : i32
    %dma_start3A_1092 = arith.constant 0 : i32
    %dma_start3A_1093 = tpu.memref_slice %arg8[%dma_start3A_1091, %dma_start3A_1092] : memref<32x512xf32, #tpu.memory_space<vmem>> -> memref<32x512xf32, #tpu.memory_space<vmem>>
    %dma_start3A_1094 = arith.constant 0 : i32
    %dma_start3A_1095 = tpu.memref_slice %arg4[%dma_start3A_1090, %mul3A_2, %dma_start3A_1094] : memref<50x1024x512xf32, #tpu.memory_space<hbm>> -> memref<1x32x512xf32, #tpu.memory_space<hbm>>
    %dma_start3A_1096 = tpu.memref_squeeze %dma_start3A_1095 : memref<1x32x512xf32, #tpu.memory_space<hbm>> -> memref<32x512xf32, #tpu.memory_space<hbm>>
    %dma_start3A_1097 = arith.constant 0 : i32
    %dma_start3A_1098 = tpu.memref_slice %arg4[%dma_start3A_1090, %mul3A_2, %dma_start3A_1097] : memref<50x1024x512xf32, #tpu.memory_space<hbm>> -> memref<1x32x512xf32, #tpu.memory_space<hbm>>
    %dma_start3A_1099 = tpu.memref_squeeze %dma_start3A_1098 : memref<1x32x512xf32, #tpu.memory_space<hbm>> -> memref<32x512xf32, #tpu.memory_space<hbm>>
    %dma_start3A_1100 = arith.constant 0 : i32
    %dma_start3A_1101 = arith.constant 0 : i32
    %dma_start3A_1102 = tpu.memref_slice %arg8[%dma_start3A_1100, %dma_start3A_1101] : memref<32x512xf32, #tpu.memory_space<vmem>> -> memref<32x512xf32, #tpu.memory_space<vmem>>
    tpu.enqueue_dma source(%dma_start3A_1102 : memref<32x512xf32, #tpu.memory_space<vmem>>) target(%dma_start3A_1099 : memref<32x512xf32, #tpu.memory_space<hbm>>) target_semaphore(%arg20 : memref<!tpu.dma_semaphore, #tpu.memory_space<semaphore_mem>>)
    %dma_wait3A_1103 = arith.constant 26 : i32
    %dma_wait3A_1104 = arith.constant 0 : i32
    %dma_wait3A_1105 = arith.constant 0 : i32
    %dma_wait3A_1106 = tpu.memref_slice %arg8[%dma_wait3A_1104, %dma_wait3A_1105] : memref<32x512xf32, #tpu.memory_space<vmem>> -> memref<32x512xf32, #tpu.memory_space<vmem>>
    %dma_wait3A_1107 = arith.constant 0 : i32
    %dma_wait3A_1108 = tpu.memref_slice %arg4[%dma_wait3A_1103, %mul3A_2, %dma_wait3A_1107] : memref<50x1024x512xf32, #tpu.memory_space<hbm>> -> memref<1x32x512xf32, #tpu.memory_space<hbm>>
    %dma_wait3A_1109 = tpu.memref_squeeze %dma_wait3A_1108 : memref<1x32x512xf32, #tpu.memory_space<hbm>> -> memref<32x512xf32, #tpu.memory_space<hbm>>
    %dma_wait3A_1110 = arith.constant 0 : i32
    %dma_wait3A_1111 = tpu.memref_slice %arg4[%dma_wait3A_1103, %mul3A_2, %dma_wait3A_1110] : memref<50x1024x512xf32, #tpu.memory_space<hbm>> -> memref<1x32x512xf32, #tpu.memory_space<hbm>>
    %dma_wait3A_1112 = tpu.memref_squeeze %dma_wait3A_1111 : memref<1x32x512xf32, #tpu.memory_space<hbm>> -> memref<32x512xf32, #tpu.memory_space<hbm>>
    %dma_wait3A_1113 = arith.constant 0 : i32
    %dma_wait3A_1114 = arith.constant 0 : i32
    %dma_wait3A_1115 = tpu.memref_slice %arg8[%dma_wait3A_1113, %dma_wait3A_1114] : memref<32x512xf32, #tpu.memory_space<vmem>> -> memref<32x512xf32, #tpu.memory_space<vmem>>
    tpu.wait_dma2 semaphore(%arg20 : memref<!tpu.dma_semaphore, #tpu.memory_space<semaphore_mem>>) src(%dma_wait3A_1115 : memref<32x512xf32, #tpu.memory_space<vmem>>) dst(%dma_wait3A_1112 : memref<32x512xf32, #tpu.memory_space<hbm>>)
    %dma_start3A_1116 = arith.constant 32 : i32
    %dma_start3A_1117 = arith.constant 0 : i32
    %dma_start3A_1118 = tpu.memref_slice %arg5[%dma_start3A_1116, %dma_start3A_1117] : memref<50x32xi32, #tpu.memory_space<vmem>> -> memref<1x32xi32, #tpu.memory_space<vmem>>
    %dma_start3A_1119 = tpu.memref_squeeze %dma_start3A_1118 : memref<1x32xi32, #tpu.memory_space<vmem>> -> memref<32xi32, #tpu.memory_space<vmem>>
    %dma_start3A_1120 = arith.constant 0 : i32
    %dma_start3A_1121 = arith.constant 0 : i32
    %dma_start3A_1122 = tpu.memref_slice %arg3[%dma_start3A_1120, %dma_start3A_1121] : memref<100000x512xf32, #tpu.memory_space<hbm>> -> memref<100000x512xf32, #tpu.memory_space<hbm>>
    tpu.enqueue_indirect_dma source(%dma_start3A_1122 : memref<100000x512xf32, #tpu.memory_space<hbm>>) target(%arg8 : memref<32x512xf32, #tpu.memory_space<vmem>>) offsets(%dma_start3A_1119 : memref<32xi32, #tpu.memory_space<vmem>>) semaphore(%arg14 : memref<!tpu.dma_semaphore, #tpu.memory_space<semaphore_mem>>)
    %dma_wait3A_1123 = arith.constant 27 : i32
    %dma_wait3A_1124 = arith.constant 0 : i32
    %dma_wait3A_1125 = tpu.memref_slice %arg5[%dma_wait3A_1123, %dma_wait3A_1124] : memref<50x32xi32, #tpu.memory_space<vmem>> -> memref<1x32xi32, #tpu.memory_space<vmem>>
    %dma_wait3A_1126 = tpu.memref_squeeze %dma_wait3A_1125 : memref<1x32xi32, #tpu.memory_space<vmem>> -> memref<32xi32, #tpu.memory_space<vmem>>
    %dma_wait3A_1127 = arith.constant 0 : i32
    %dma_wait3A_1128 = arith.constant 0 : i32
    %dma_wait3A_1129 = tpu.memref_slice %arg3[%dma_wait3A_1127, %dma_wait3A_1128] : memref<100000x512xf32, #tpu.memory_space<hbm>> -> memref<100000x512xf32, #tpu.memory_space<hbm>>
    tpu.wait_indirect_dma semaphore(%arg15 : memref<!tpu.dma_semaphore, #tpu.memory_space<semaphore_mem>>) src(%dma_wait3A_1129 : memref<100000x512xf32, #tpu.memory_space<hbm>>) dst(%arg9 : memref<32x512xf32, #tpu.memory_space<vmem>>)
    %dma_start3A_1130 = arith.constant 27 : i32
    %dma_start3A_1131 = arith.constant 0 : i32
    %dma_start3A_1132 = arith.constant 0 : i32
    %dma_start3A_1133 = tpu.memref_slice %arg9[%dma_start3A_1131, %dma_start3A_1132] : memref<32x512xf32, #tpu.memory_space<vmem>> -> memref<32x512xf32, #tpu.memory_space<vmem>>
    %dma_start3A_1134 = arith.constant 0 : i32
    %dma_start3A_1135 = tpu.memref_slice %arg4[%dma_start3A_1130, %mul3A_2, %dma_start3A_1134] : memref<50x1024x512xf32, #tpu.memory_space<hbm>> -> memref<1x32x512xf32, #tpu.memory_space<hbm>>
    %dma_start3A_1136 = tpu.memref_squeeze %dma_start3A_1135 : memref<1x32x512xf32, #tpu.memory_space<hbm>> -> memref<32x512xf32, #tpu.memory_space<hbm>>
    %dma_start3A_1137 = arith.constant 0 : i32
    %dma_start3A_1138 = tpu.memref_slice %arg4[%dma_start3A_1130, %mul3A_2, %dma_start3A_1137] : memref<50x1024x512xf32, #tpu.memory_space<hbm>> -> memref<1x32x512xf32, #tpu.memory_space<hbm>>
    %dma_start3A_1139 = tpu.memref_squeeze %dma_start3A_1138 : memref<1x32x512xf32, #tpu.memory_space<hbm>> -> memref<32x512xf32, #tpu.memory_space<hbm>>
    %dma_start3A_1140 = arith.constant 0 : i32
    %dma_start3A_1141 = arith.constant 0 : i32
    %dma_start3A_1142 = tpu.memref_slice %arg9[%dma_start3A_1140, %dma_start3A_1141] : memref<32x512xf32, #tpu.memory_space<vmem>> -> memref<32x512xf32, #tpu.memory_space<vmem>>
    tpu.enqueue_dma source(%dma_start3A_1142 : memref<32x512xf32, #tpu.memory_space<vmem>>) target(%dma_start3A_1139 : memref<32x512xf32, #tpu.memory_space<hbm>>) target_semaphore(%arg21 : memref<!tpu.dma_semaphore, #tpu.memory_space<semaphore_mem>>)
    %dma_wait3A_1143 = arith.constant 27 : i32
    %dma_wait3A_1144 = arith.constant 0 : i32
    %dma_wait3A_1145 = arith.constant 0 : i32
    %dma_wait3A_1146 = tpu.memref_slice %arg9[%dma_wait3A_1144, %dma_wait3A_1145] : memref<32x512xf32, #tpu.memory_space<vmem>> -> memref<32x512xf32, #tpu.memory_space<vmem>>
    %dma_wait3A_1147 = arith.constant 0 : i32
    %dma_wait3A_1148 = tpu.memref_slice %arg4[%dma_wait3A_1143, %mul3A_2, %dma_wait3A_1147] : memref<50x1024x512xf32, #tpu.memory_space<hbm>> -> memref<1x32x512xf32, #tpu.memory_space<hbm>>
    %dma_wait3A_1149 = tpu.memref_squeeze %dma_wait3A_1148 : memref<1x32x512xf32, #tpu.memory_space<hbm>> -> memref<32x512xf32, #tpu.memory_space<hbm>>
    %dma_wait3A_1150 = arith.constant 0 : i32
    %dma_wait3A_1151 = tpu.memref_slice %arg4[%dma_wait3A_1143, %mul3A_2, %dma_wait3A_1150] : memref<50x1024x512xf32, #tpu.memory_space<hbm>> -> memref<1x32x512xf32, #tpu.memory_space<hbm>>
    %dma_wait3A_1152 = tpu.memref_squeeze %dma_wait3A_1151 : memref<1x32x512xf32, #tpu.memory_space<hbm>> -> memref<32x512xf32, #tpu.memory_space<hbm>>
    %dma_wait3A_1153 = arith.constant 0 : i32
    %dma_wait3A_1154 = arith.constant 0 : i32
    %dma_wait3A_1155 = tpu.memref_slice %arg9[%dma_wait3A_1153, %dma_wait3A_1154] : memref<32x512xf32, #tpu.memory_space<vmem>> -> memref<32x512xf32, #tpu.memory_space<vmem>>
    tpu.wait_dma2 semaphore(%arg21 : memref<!tpu.dma_semaphore, #tpu.memory_space<semaphore_mem>>) src(%dma_wait3A_1155 : memref<32x512xf32, #tpu.memory_space<vmem>>) dst(%dma_wait3A_1152 : memref<32x512xf32, #tpu.memory_space<hbm>>)
    %dma_start3A_1156 = arith.constant 33 : i32
    %dma_start3A_1157 = arith.constant 0 : i32
    %dma_start3A_1158 = tpu.memref_slice %arg5[%dma_start3A_1156, %dma_start3A_1157] : memref<50x32xi32, #tpu.memory_space<vmem>> -> memref<1x32xi32, #tpu.memory_space<vmem>>
    %dma_start3A_1159 = tpu.memref_squeeze %dma_start3A_1158 : memref<1x32xi32, #tpu.memory_space<vmem>> -> memref<32xi32, #tpu.memory_space<vmem>>
    %dma_start3A_1160 = arith.constant 0 : i32
    %dma_start3A_1161 = arith.constant 0 : i32
    %dma_start3A_1162 = tpu.memref_slice %arg3[%dma_start3A_1160, %dma_start3A_1161] : memref<100000x512xf32, #tpu.memory_space<hbm>> -> memref<100000x512xf32, #tpu.memory_space<hbm>>
    tpu.enqueue_indirect_dma source(%dma_start3A_1162 : memref<100000x512xf32, #tpu.memory_space<hbm>>) target(%arg9 : memref<32x512xf32, #tpu.memory_space<vmem>>) offsets(%dma_start3A_1159 : memref<32xi32, #tpu.memory_space<vmem>>) semaphore(%arg15 : memref<!tpu.dma_semaphore, #tpu.memory_space<semaphore_mem>>)
    %dma_wait3A_1163 = arith.constant 28 : i32
    %dma_wait3A_1164 = arith.constant 0 : i32
    %dma_wait3A_1165 = tpu.memref_slice %arg5[%dma_wait3A_1163, %dma_wait3A_1164] : memref<50x32xi32, #tpu.memory_space<vmem>> -> memref<1x32xi32, #tpu.memory_space<vmem>>
    %dma_wait3A_1166 = tpu.memref_squeeze %dma_wait3A_1165 : memref<1x32xi32, #tpu.memory_space<vmem>> -> memref<32xi32, #tpu.memory_space<vmem>>
    %dma_wait3A_1167 = arith.constant 0 : i32
    %dma_wait3A_1168 = arith.constant 0 : i32
    %dma_wait3A_1169 = tpu.memref_slice %arg3[%dma_wait3A_1167, %dma_wait3A_1168] : memref<100000x512xf32, #tpu.memory_space<hbm>> -> memref<100000x512xf32, #tpu.memory_space<hbm>>
    tpu.wait_indirect_dma semaphore(%arg16 : memref<!tpu.dma_semaphore, #tpu.memory_space<semaphore_mem>>) src(%dma_wait3A_1169 : memref<100000x512xf32, #tpu.memory_space<hbm>>) dst(%arg10 : memref<32x512xf32, #tpu.memory_space<vmem>>)
    %dma_start3A_1170 = arith.constant 28 : i32
    %dma_start3A_1171 = arith.constant 0 : i32
    %dma_start3A_1172 = arith.constant 0 : i32
    %dma_start3A_1173 = tpu.memref_slice %arg10[%dma_start3A_1171, %dma_start3A_1172] : memref<32x512xf32, #tpu.memory_space<vmem>> -> memref<32x512xf32, #tpu.memory_space<vmem>>
    %dma_start3A_1174 = arith.constant 0 : i32
    %dma_start3A_1175 = tpu.memref_slice %arg4[%dma_start3A_1170, %mul3A_2, %dma_start3A_1174] : memref<50x1024x512xf32, #tpu.memory_space<hbm>> -> memref<1x32x512xf32, #tpu.memory_space<hbm>>
    %dma_start3A_1176 = tpu.memref_squeeze %dma_start3A_1175 : memref<1x32x512xf32, #tpu.memory_space<hbm>> -> memref<32x512xf32, #tpu.memory_space<hbm>>
    %dma_start3A_1177 = arith.constant 0 : i32
    %dma_start3A_1178 = tpu.memref_slice %arg4[%dma_start3A_1170, %mul3A_2, %dma_start3A_1177] : memref<50x1024x512xf32, #tpu.memory_space<hbm>> -> memref<1x32x512xf32, #tpu.memory_space<hbm>>
    %dma_start3A_1179 = tpu.memref_squeeze %dma_start3A_1178 : memref<1x32x512xf32, #tpu.memory_space<hbm>> -> memref<32x512xf32, #tpu.memory_space<hbm>>
    %dma_start3A_1180 = arith.constant 0 : i32
    %dma_start3A_1181 = arith.constant 0 : i32
    %dma_start3A_1182 = tpu.memref_slice %arg10[%dma_start3A_1180, %dma_start3A_1181] : memref<32x512xf32, #tpu.memory_space<vmem>> -> memref<32x512xf32, #tpu.memory_space<vmem>>
    tpu.enqueue_dma source(%dma_start3A_1182 : memref<32x512xf32, #tpu.memory_space<vmem>>) target(%dma_start3A_1179 : memref<32x512xf32, #tpu.memory_space<hbm>>) target_semaphore(%arg22 : memref<!tpu.dma_semaphore, #tpu.memory_space<semaphore_mem>>)
    %dma_wait3A_1183 = arith.constant 28 : i32
    %dma_wait3A_1184 = arith.constant 0 : i32
    %dma_wait3A_1185 = arith.constant 0 : i32
    %dma_wait3A_1186 = tpu.memref_slice %arg10[%dma_wait3A_1184, %dma_wait3A_1185] : memref<32x512xf32, #tpu.memory_space<vmem>> -> memref<32x512xf32, #tpu.memory_space<vmem>>
    %dma_wait3A_1187 = arith.constant 0 : i32
    %dma_wait3A_1188 = tpu.memref_slice %arg4[%dma_wait3A_1183, %mul3A_2, %dma_wait3A_1187] : memref<50x1024x512xf32, #tpu.memory_space<hbm>> -> memref<1x32x512xf32, #tpu.memory_space<hbm>>
    %dma_wait3A_1189 = tpu.memref_squeeze %dma_wait3A_1188 : memref<1x32x512xf32, #tpu.memory_space<hbm>> -> memref<32x512xf32, #tpu.memory_space<hbm>>
    %dma_wait3A_1190 = arith.constant 0 : i32
    %dma_wait3A_1191 = tpu.memref_slice %arg4[%dma_wait3A_1183, %mul3A_2, %dma_wait3A_1190] : memref<50x1024x512xf32, #tpu.memory_space<hbm>> -> memref<1x32x512xf32, #tpu.memory_space<hbm>>
    %dma_wait3A_1192 = tpu.memref_squeeze %dma_wait3A_1191 : memref<1x32x512xf32, #tpu.memory_space<hbm>> -> memref<32x512xf32, #tpu.memory_space<hbm>>
    %dma_wait3A_1193 = arith.constant 0 : i32
    %dma_wait3A_1194 = arith.constant 0 : i32
    %dma_wait3A_1195 = tpu.memref_slice %arg10[%dma_wait3A_1193, %dma_wait3A_1194] : memref<32x512xf32, #tpu.memory_space<vmem>> -> memref<32x512xf32, #tpu.memory_space<vmem>>
    tpu.wait_dma2 semaphore(%arg22 : memref<!tpu.dma_semaphore, #tpu.memory_space<semaphore_mem>>) src(%dma_wait3A_1195 : memref<32x512xf32, #tpu.memory_space<vmem>>) dst(%dma_wait3A_1192 : memref<32x512xf32, #tpu.memory_space<hbm>>)
    %dma_start3A_1196 = arith.constant 34 : i32
    %dma_start3A_1197 = arith.constant 0 : i32
    %dma_start3A_1198 = tpu.memref_slice %arg5[%dma_start3A_1196, %dma_start3A_1197] : memref<50x32xi32, #tpu.memory_space<vmem>> -> memref<1x32xi32, #tpu.memory_space<vmem>>
    %dma_start3A_1199 = tpu.memref_squeeze %dma_start3A_1198 : memref<1x32xi32, #tpu.memory_space<vmem>> -> memref<32xi32, #tpu.memory_space<vmem>>
    %dma_start3A_1200 = arith.constant 0 : i32
    %dma_start3A_1201 = arith.constant 0 : i32
    %dma_start3A_1202 = tpu.memref_slice %arg3[%dma_start3A_1200, %dma_start3A_1201] : memref<100000x512xf32, #tpu.memory_space<hbm>> -> memref<100000x512xf32, #tpu.memory_space<hbm>>
    tpu.enqueue_indirect_dma source(%dma_start3A_1202 : memref<100000x512xf32, #tpu.memory_space<hbm>>) target(%arg10 : memref<32x512xf32, #tpu.memory_space<vmem>>) offsets(%dma_start3A_1199 : memref<32xi32, #tpu.memory_space<vmem>>) semaphore(%arg16 : memref<!tpu.dma_semaphore, #tpu.memory_space<semaphore_mem>>)
    %dma_wait3A_1203 = arith.constant 29 : i32
    %dma_wait3A_1204 = arith.constant 0 : i32
    %dma_wait3A_1205 = tpu.memref_slice %arg5[%dma_wait3A_1203, %dma_wait3A_1204] : memref<50x32xi32, #tpu.memory_space<vmem>> -> memref<1x32xi32, #tpu.memory_space<vmem>>
    %dma_wait3A_1206 = tpu.memref_squeeze %dma_wait3A_1205 : memref<1x32xi32, #tpu.memory_space<vmem>> -> memref<32xi32, #tpu.memory_space<vmem>>
    %dma_wait3A_1207 = arith.constant 0 : i32
    %dma_wait3A_1208 = arith.constant 0 : i32
    %dma_wait3A_1209 = tpu.memref_slice %arg3[%dma_wait3A_1207, %dma_wait3A_1208] : memref<100000x512xf32, #tpu.memory_space<hbm>> -> memref<100000x512xf32, #tpu.memory_space<hbm>>
    tpu.wait_indirect_dma semaphore(%arg17 : memref<!tpu.dma_semaphore, #tpu.memory_space<semaphore_mem>>) src(%dma_wait3A_1209 : memref<100000x512xf32, #tpu.memory_space<hbm>>) dst(%arg11 : memref<32x512xf32, #tpu.memory_space<vmem>>)
    %dma_start3A_1210 = arith.constant 29 : i32
    %dma_start3A_1211 = arith.constant 0 : i32
    %dma_start3A_1212 = arith.constant 0 : i32
    %dma_start3A_1213 = tpu.memref_slice %arg11[%dma_start3A_1211, %dma_start3A_1212] : memref<32x512xf32, #tpu.memory_space<vmem>> -> memref<32x512xf32, #tpu.memory_space<vmem>>
    %dma_start3A_1214 = arith.constant 0 : i32
    %dma_start3A_1215 = tpu.memref_slice %arg4[%dma_start3A_1210, %mul3A_2, %dma_start3A_1214] : memref<50x1024x512xf32, #tpu.memory_space<hbm>> -> memref<1x32x512xf32, #tpu.memory_space<hbm>>
    %dma_start3A_1216 = tpu.memref_squeeze %dma_start3A_1215 : memref<1x32x512xf32, #tpu.memory_space<hbm>> -> memref<32x512xf32, #tpu.memory_space<hbm>>
    %dma_start3A_1217 = arith.constant 0 : i32
    %dma_start3A_1218 = tpu.memref_slice %arg4[%dma_start3A_1210, %mul3A_2, %dma_start3A_1217] : memref<50x1024x512xf32, #tpu.memory_space<hbm>> -> memref<1x32x512xf32, #tpu.memory_space<hbm>>
    %dma_start3A_1219 = tpu.memref_squeeze %dma_start3A_1218 : memref<1x32x512xf32, #tpu.memory_space<hbm>> -> memref<32x512xf32, #tpu.memory_space<hbm>>
    %dma_start3A_1220 = arith.constant 0 : i32
    %dma_start3A_1221 = arith.constant 0 : i32
    %dma_start3A_1222 = tpu.memref_slice %arg11[%dma_start3A_1220, %dma_start3A_1221] : memref<32x512xf32, #tpu.memory_space<vmem>> -> memref<32x512xf32, #tpu.memory_space<vmem>>
    tpu.enqueue_dma source(%dma_start3A_1222 : memref<32x512xf32, #tpu.memory_space<vmem>>) target(%dma_start3A_1219 : memref<32x512xf32, #tpu.memory_space<hbm>>) target_semaphore(%arg23 : memref<!tpu.dma_semaphore, #tpu.memory_space<semaphore_mem>>)
    %dma_wait3A_1223 = arith.constant 29 : i32
    %dma_wait3A_1224 = arith.constant 0 : i32
    %dma_wait3A_1225 = arith.constant 0 : i32
    %dma_wait3A_1226 = tpu.memref_slice %arg11[%dma_wait3A_1224, %dma_wait3A_1225] : memref<32x512xf32, #tpu.memory_space<vmem>> -> memref<32x512xf32, #tpu.memory_space<vmem>>
    %dma_wait3A_1227 = arith.constant 0 : i32
    %dma_wait3A_1228 = tpu.memref_slice %arg4[%dma_wait3A_1223, %mul3A_2, %dma_wait3A_1227] : memref<50x1024x512xf32, #tpu.memory_space<hbm>> -> memref<1x32x512xf32, #tpu.memory_space<hbm>>
    %dma_wait3A_1229 = tpu.memref_squeeze %dma_wait3A_1228 : memref<1x32x512xf32, #tpu.memory_space<hbm>> -> memref<32x512xf32, #tpu.memory_space<hbm>>
    %dma_wait3A_1230 = arith.constant 0 : i32
    %dma_wait3A_1231 = tpu.memref_slice %arg4[%dma_wait3A_1223, %mul3A_2, %dma_wait3A_1230] : memref<50x1024x512xf32, #tpu.memory_space<hbm>> -> memref<1x32x512xf32, #tpu.memory_space<hbm>>
    %dma_wait3A_1232 = tpu.memref_squeeze %dma_wait3A_1231 : memref<1x32x512xf32, #tpu.memory_space<hbm>> -> memref<32x512xf32, #tpu.memory_space<hbm>>
    %dma_wait3A_1233 = arith.constant 0 : i32
    %dma_wait3A_1234 = arith.constant 0 : i32
    %dma_wait3A_1235 = tpu.memref_slice %arg11[%dma_wait3A_1233, %dma_wait3A_1234] : memref<32x512xf32, #tpu.memory_space<vmem>> -> memref<32x512xf32, #tpu.memory_space<vmem>>
    tpu.wait_dma2 semaphore(%arg23 : memref<!tpu.dma_semaphore, #tpu.memory_space<semaphore_mem>>) src(%dma_wait3A_1235 : memref<32x512xf32, #tpu.memory_space<vmem>>) dst(%dma_wait3A_1232 : memref<32x512xf32, #tpu.memory_space<hbm>>)
    %dma_start3A_1236 = arith.constant 35 : i32
    %dma_start3A_1237 = arith.constant 0 : i32
    %dma_start3A_1238 = tpu.memref_slice %arg5[%dma_start3A_1236, %dma_start3A_1237] : memref<50x32xi32, #tpu.memory_space<vmem>> -> memref<1x32xi32, #tpu.memory_space<vmem>>
    %dma_start3A_1239 = tpu.memref_squeeze %dma_start3A_1238 : memref<1x32xi32, #tpu.memory_space<vmem>> -> memref<32xi32, #tpu.memory_space<vmem>>
    %dma_start3A_1240 = arith.constant 0 : i32
    %dma_start3A_1241 = arith.constant 0 : i32
    %dma_start3A_1242 = tpu.memref_slice %arg3[%dma_start3A_1240, %dma_start3A_1241] : memref<100000x512xf32, #tpu.memory_space<hbm>> -> memref<100000x512xf32, #tpu.memory_space<hbm>>
    tpu.enqueue_indirect_dma source(%dma_start3A_1242 : memref<100000x512xf32, #tpu.memory_space<hbm>>) target(%arg11 : memref<32x512xf32, #tpu.memory_space<vmem>>) offsets(%dma_start3A_1239 : memref<32xi32, #tpu.memory_space<vmem>>) semaphore(%arg17 : memref<!tpu.dma_semaphore, #tpu.memory_space<semaphore_mem>>)
    %dma_wait3A_1243 = arith.constant 30 : i32
    %dma_wait3A_1244 = arith.constant 0 : i32
    %dma_wait3A_1245 = tpu.memref_slice %arg5[%dma_wait3A_1243, %dma_wait3A_1244] : memref<50x32xi32, #tpu.memory_space<vmem>> -> memref<1x32xi32, #tpu.memory_space<vmem>>
    %dma_wait3A_1246 = tpu.memref_squeeze %dma_wait3A_1245 : memref<1x32xi32, #tpu.memory_space<vmem>> -> memref<32xi32, #tpu.memory_space<vmem>>
    %dma_wait3A_1247 = arith.constant 0 : i32
    %dma_wait3A_1248 = arith.constant 0 : i32
    %dma_wait3A_1249 = tpu.memref_slice %arg3[%dma_wait3A_1247, %dma_wait3A_1248] : memref<100000x512xf32, #tpu.memory_space<hbm>> -> memref<100000x512xf32, #tpu.memory_space<hbm>>
    tpu.wait_indirect_dma semaphore(%arg12 : memref<!tpu.dma_semaphore, #tpu.memory_space<semaphore_mem>>) src(%dma_wait3A_1249 : memref<100000x512xf32, #tpu.memory_space<hbm>>) dst(%arg6 : memref<32x512xf32, #tpu.memory_space<vmem>>)
    %dma_start3A_1250 = arith.constant 30 : i32
    %dma_start3A_1251 = arith.constant 0 : i32
    %dma_start3A_1252 = arith.constant 0 : i32
    %dma_start3A_1253 = tpu.memref_slice %arg6[%dma_start3A_1251, %dma_start3A_1252] : memref<32x512xf32, #tpu.memory_space<vmem>> -> memref<32x512xf32, #tpu.memory_space<vmem>>
    %dma_start3A_1254 = arith.constant 0 : i32
    %dma_start3A_1255 = tpu.memref_slice %arg4[%dma_start3A_1250, %mul3A_2, %dma_start3A_1254] : memref<50x1024x512xf32, #tpu.memory_space<hbm>> -> memref<1x32x512xf32, #tpu.memory_space<hbm>>
    %dma_start3A_1256 = tpu.memref_squeeze %dma_start3A_1255 : memref<1x32x512xf32, #tpu.memory_space<hbm>> -> memref<32x512xf32, #tpu.memory_space<hbm>>
    %dma_start3A_1257 = arith.constant 0 : i32
    %dma_start3A_1258 = tpu.memref_slice %arg4[%dma_start3A_1250, %mul3A_2, %dma_start3A_1257] : memref<50x1024x512xf32, #tpu.memory_space<hbm>> -> memref<1x32x512xf32, #tpu.memory_space<hbm>>
    %dma_start3A_1259 = tpu.memref_squeeze %dma_start3A_1258 : memref<1x32x512xf32, #tpu.memory_space<hbm>> -> memref<32x512xf32, #tpu.memory_space<hbm>>
    %dma_start3A_1260 = arith.constant 0 : i32
    %dma_start3A_1261 = arith.constant 0 : i32
    %dma_start3A_1262 = tpu.memref_slice %arg6[%dma_start3A_1260, %dma_start3A_1261] : memref<32x512xf32, #tpu.memory_space<vmem>> -> memref<32x512xf32, #tpu.memory_space<vmem>>
    tpu.enqueue_dma source(%dma_start3A_1262 : memref<32x512xf32, #tpu.memory_space<vmem>>) target(%dma_start3A_1259 : memref<32x512xf32, #tpu.memory_space<hbm>>) target_semaphore(%arg18 : memref<!tpu.dma_semaphore, #tpu.memory_space<semaphore_mem>>)
    %dma_wait3A_1263 = arith.constant 30 : i32
    %dma_wait3A_1264 = arith.constant 0 : i32
    %dma_wait3A_1265 = arith.constant 0 : i32
    %dma_wait3A_1266 = tpu.memref_slice %arg6[%dma_wait3A_1264, %dma_wait3A_1265] : memref<32x512xf32, #tpu.memory_space<vmem>> -> memref<32x512xf32, #tpu.memory_space<vmem>>
    %dma_wait3A_1267 = arith.constant 0 : i32
    %dma_wait3A_1268 = tpu.memref_slice %arg4[%dma_wait3A_1263, %mul3A_2, %dma_wait3A_1267] : memref<50x1024x512xf32, #tpu.memory_space<hbm>> -> memref<1x32x512xf32, #tpu.memory_space<hbm>>
    %dma_wait3A_1269 = tpu.memref_squeeze %dma_wait3A_1268 : memref<1x32x512xf32, #tpu.memory_space<hbm>> -> memref<32x512xf32, #tpu.memory_space<hbm>>
    %dma_wait3A_1270 = arith.constant 0 : i32
    %dma_wait3A_1271 = tpu.memref_slice %arg4[%dma_wait3A_1263, %mul3A_2, %dma_wait3A_1270] : memref<50x1024x512xf32, #tpu.memory_space<hbm>> -> memref<1x32x512xf32, #tpu.memory_space<hbm>>
    %dma_wait3A_1272 = tpu.memref_squeeze %dma_wait3A_1271 : memref<1x32x512xf32, #tpu.memory_space<hbm>> -> memref<32x512xf32, #tpu.memory_space<hbm>>
    %dma_wait3A_1273 = arith.constant 0 : i32
    %dma_wait3A_1274 = arith.constant 0 : i32
    %dma_wait3A_1275 = tpu.memref_slice %arg6[%dma_wait3A_1273, %dma_wait3A_1274] : memref<32x512xf32, #tpu.memory_space<vmem>> -> memref<32x512xf32, #tpu.memory_space<vmem>>
    tpu.wait_dma2 semaphore(%arg18 : memref<!tpu.dma_semaphore, #tpu.memory_space<semaphore_mem>>) src(%dma_wait3A_1275 : memref<32x512xf32, #tpu.memory_space<vmem>>) dst(%dma_wait3A_1272 : memref<32x512xf32, #tpu.memory_space<hbm>>)
    %dma_start3A_1276 = arith.constant 36 : i32
    %dma_start3A_1277 = arith.constant 0 : i32
    %dma_start3A_1278 = tpu.memref_slice %arg5[%dma_start3A_1276, %dma_start3A_1277] : memref<50x32xi32, #tpu.memory_space<vmem>> -> memref<1x32xi32, #tpu.memory_space<vmem>>
    %dma_start3A_1279 = tpu.memref_squeeze %dma_start3A_1278 : memref<1x32xi32, #tpu.memory_space<vmem>> -> memref<32xi32, #tpu.memory_space<vmem>>
    %dma_start3A_1280 = arith.constant 0 : i32
    %dma_start3A_1281 = arith.constant 0 : i32
    %dma_start3A_1282 = tpu.memref_slice %arg3[%dma_start3A_1280, %dma_start3A_1281] : memref<100000x512xf32, #tpu.memory_space<hbm>> -> memref<100000x512xf32, #tpu.memory_space<hbm>>
    tpu.enqueue_indirect_dma source(%dma_start3A_1282 : memref<100000x512xf32, #tpu.memory_space<hbm>>) target(%arg6 : memref<32x512xf32, #tpu.memory_space<vmem>>) offsets(%dma_start3A_1279 : memref<32xi32, #tpu.memory_space<vmem>>) semaphore(%arg12 : memref<!tpu.dma_semaphore, #tpu.memory_space<semaphore_mem>>)
    %dma_wait3A_1283 = arith.constant 31 : i32
    %dma_wait3A_1284 = arith.constant 0 : i32
    %dma_wait3A_1285 = tpu.memref_slice %arg5[%dma_wait3A_1283, %dma_wait3A_1284] : memref<50x32xi32, #tpu.memory_space<vmem>> -> memref<1x32xi32, #tpu.memory_space<vmem>>
    %dma_wait3A_1286 = tpu.memref_squeeze %dma_wait3A_1285 : memref<1x32xi32, #tpu.memory_space<vmem>> -> memref<32xi32, #tpu.memory_space<vmem>>
    %dma_wait3A_1287 = arith.constant 0 : i32
    %dma_wait3A_1288 = arith.constant 0 : i32
    %dma_wait3A_1289 = tpu.memref_slice %arg3[%dma_wait3A_1287, %dma_wait3A_1288] : memref<100000x512xf32, #tpu.memory_space<hbm>> -> memref<100000x512xf32, #tpu.memory_space<hbm>>
    tpu.wait_indirect_dma semaphore(%arg13 : memref<!tpu.dma_semaphore, #tpu.memory_space<semaphore_mem>>) src(%dma_wait3A_1289 : memref<100000x512xf32, #tpu.memory_space<hbm>>) dst(%arg7 : memref<32x512xf32, #tpu.memory_space<vmem>>)
    %dma_start3A_1290 = arith.constant 31 : i32
    %dma_start3A_1291 = arith.constant 0 : i32
    %dma_start3A_1292 = arith.constant 0 : i32
    %dma_start3A_1293 = tpu.memref_slice %arg7[%dma_start3A_1291, %dma_start3A_1292] : memref<32x512xf32, #tpu.memory_space<vmem>> -> memref<32x512xf32, #tpu.memory_space<vmem>>
    %dma_start3A_1294 = arith.constant 0 : i32
    %dma_start3A_1295 = tpu.memref_slice %arg4[%dma_start3A_1290, %mul3A_2, %dma_start3A_1294] : memref<50x1024x512xf32, #tpu.memory_space<hbm>> -> memref<1x32x512xf32, #tpu.memory_space<hbm>>
    %dma_start3A_1296 = tpu.memref_squeeze %dma_start3A_1295 : memref<1x32x512xf32, #tpu.memory_space<hbm>> -> memref<32x512xf32, #tpu.memory_space<hbm>>
    %dma_start3A_1297 = arith.constant 0 : i32
    %dma_start3A_1298 = tpu.memref_slice %arg4[%dma_start3A_1290, %mul3A_2, %dma_start3A_1297] : memref<50x1024x512xf32, #tpu.memory_space<hbm>> -> memref<1x32x512xf32, #tpu.memory_space<hbm>>
    %dma_start3A_1299 = tpu.memref_squeeze %dma_start3A_1298 : memref<1x32x512xf32, #tpu.memory_space<hbm>> -> memref<32x512xf32, #tpu.memory_space<hbm>>
    %dma_start3A_1300 = arith.constant 0 : i32
    %dma_start3A_1301 = arith.constant 0 : i32
    %dma_start3A_1302 = tpu.memref_slice %arg7[%dma_start3A_1300, %dma_start3A_1301] : memref<32x512xf32, #tpu.memory_space<vmem>> -> memref<32x512xf32, #tpu.memory_space<vmem>>
    tpu.enqueue_dma source(%dma_start3A_1302 : memref<32x512xf32, #tpu.memory_space<vmem>>) target(%dma_start3A_1299 : memref<32x512xf32, #tpu.memory_space<hbm>>) target_semaphore(%arg19 : memref<!tpu.dma_semaphore, #tpu.memory_space<semaphore_mem>>)
    %dma_wait3A_1303 = arith.constant 31 : i32
    %dma_wait3A_1304 = arith.constant 0 : i32
    %dma_wait3A_1305 = arith.constant 0 : i32
    %dma_wait3A_1306 = tpu.memref_slice %arg7[%dma_wait3A_1304, %dma_wait3A_1305] : memref<32x512xf32, #tpu.memory_space<vmem>> -> memref<32x512xf32, #tpu.memory_space<vmem>>
    %dma_wait3A_1307 = arith.constant 0 : i32
    %dma_wait3A_1308 = tpu.memref_slice %arg4[%dma_wait3A_1303, %mul3A_2, %dma_wait3A_1307] : memref<50x1024x512xf32, #tpu.memory_space<hbm>> -> memref<1x32x512xf32, #tpu.memory_space<hbm>>
    %dma_wait3A_1309 = tpu.memref_squeeze %dma_wait3A_1308 : memref<1x32x512xf32, #tpu.memory_space<hbm>> -> memref<32x512xf32, #tpu.memory_space<hbm>>
    %dma_wait3A_1310 = arith.constant 0 : i32
    %dma_wait3A_1311 = tpu.memref_slice %arg4[%dma_wait3A_1303, %mul3A_2, %dma_wait3A_1310] : memref<50x1024x512xf32, #tpu.memory_space<hbm>> -> memref<1x32x512xf32, #tpu.memory_space<hbm>>
    %dma_wait3A_1312 = tpu.memref_squeeze %dma_wait3A_1311 : memref<1x32x512xf32, #tpu.memory_space<hbm>> -> memref<32x512xf32, #tpu.memory_space<hbm>>
    %dma_wait3A_1313 = arith.constant 0 : i32
    %dma_wait3A_1314 = arith.constant 0 : i32
    %dma_wait3A_1315 = tpu.memref_slice %arg7[%dma_wait3A_1313, %dma_wait3A_1314] : memref<32x512xf32, #tpu.memory_space<vmem>> -> memref<32x512xf32, #tpu.memory_space<vmem>>
    tpu.wait_dma2 semaphore(%arg19 : memref<!tpu.dma_semaphore, #tpu.memory_space<semaphore_mem>>) src(%dma_wait3A_1315 : memref<32x512xf32, #tpu.memory_space<vmem>>) dst(%dma_wait3A_1312 : memref<32x512xf32, #tpu.memory_space<hbm>>)
    %dma_start3A_1316 = arith.constant 37 : i32
    %dma_start3A_1317 = arith.constant 0 : i32
    %dma_start3A_1318 = tpu.memref_slice %arg5[%dma_start3A_1316, %dma_start3A_1317] : memref<50x32xi32, #tpu.memory_space<vmem>> -> memref<1x32xi32, #tpu.memory_space<vmem>>
    %dma_start3A_1319 = tpu.memref_squeeze %dma_start3A_1318 : memref<1x32xi32, #tpu.memory_space<vmem>> -> memref<32xi32, #tpu.memory_space<vmem>>
    %dma_start3A_1320 = arith.constant 0 : i32
    %dma_start3A_1321 = arith.constant 0 : i32
    %dma_start3A_1322 = tpu.memref_slice %arg3[%dma_start3A_1320, %dma_start3A_1321] : memref<100000x512xf32, #tpu.memory_space<hbm>> -> memref<100000x512xf32, #tpu.memory_space<hbm>>
    tpu.enqueue_indirect_dma source(%dma_start3A_1322 : memref<100000x512xf32, #tpu.memory_space<hbm>>) target(%arg7 : memref<32x512xf32, #tpu.memory_space<vmem>>) offsets(%dma_start3A_1319 : memref<32xi32, #tpu.memory_space<vmem>>) semaphore(%arg13 : memref<!tpu.dma_semaphore, #tpu.memory_space<semaphore_mem>>)
    %dma_wait3A_1323 = arith.constant 32 : i32
    %dma_wait3A_1324 = arith.constant 0 : i32
    %dma_wait3A_1325 = tpu.memref_slice %arg5[%dma_wait3A_1323, %dma_wait3A_1324] : memref<50x32xi32, #tpu.memory_space<vmem>> -> memref<1x32xi32, #tpu.memory_space<vmem>>
    %dma_wait3A_1326 = tpu.memref_squeeze %dma_wait3A_1325 : memref<1x32xi32, #tpu.memory_space<vmem>> -> memref<32xi32, #tpu.memory_space<vmem>>
    %dma_wait3A_1327 = arith.constant 0 : i32
    %dma_wait3A_1328 = arith.constant 0 : i32
    %dma_wait3A_1329 = tpu.memref_slice %arg3[%dma_wait3A_1327, %dma_wait3A_1328] : memref<100000x512xf32, #tpu.memory_space<hbm>> -> memref<100000x512xf32, #tpu.memory_space<hbm>>
    tpu.wait_indirect_dma semaphore(%arg14 : memref<!tpu.dma_semaphore, #tpu.memory_space<semaphore_mem>>) src(%dma_wait3A_1329 : memref<100000x512xf32, #tpu.memory_space<hbm>>) dst(%arg8 : memref<32x512xf32, #tpu.memory_space<vmem>>)
    %dma_start3A_1330 = arith.constant 32 : i32
    %dma_start3A_1331 = arith.constant 0 : i32
    %dma_start3A_1332 = arith.constant 0 : i32
    %dma_start3A_1333 = tpu.memref_slice %arg8[%dma_start3A_1331, %dma_start3A_1332] : memref<32x512xf32, #tpu.memory_space<vmem>> -> memref<32x512xf32, #tpu.memory_space<vmem>>
    %dma_start3A_1334 = arith.constant 0 : i32
    %dma_start3A_1335 = tpu.memref_slice %arg4[%dma_start3A_1330, %mul3A_2, %dma_start3A_1334] : memref<50x1024x512xf32, #tpu.memory_space<hbm>> -> memref<1x32x512xf32, #tpu.memory_space<hbm>>
    %dma_start3A_1336 = tpu.memref_squeeze %dma_start3A_1335 : memref<1x32x512xf32, #tpu.memory_space<hbm>> -> memref<32x512xf32, #tpu.memory_space<hbm>>
    %dma_start3A_1337 = arith.constant 0 : i32
    %dma_start3A_1338 = tpu.memref_slice %arg4[%dma_start3A_1330, %mul3A_2, %dma_start3A_1337] : memref<50x1024x512xf32, #tpu.memory_space<hbm>> -> memref<1x32x512xf32, #tpu.memory_space<hbm>>
    %dma_start3A_1339 = tpu.memref_squeeze %dma_start3A_1338 : memref<1x32x512xf32, #tpu.memory_space<hbm>> -> memref<32x512xf32, #tpu.memory_space<hbm>>
    %dma_start3A_1340 = arith.constant 0 : i32
    %dma_start3A_1341 = arith.constant 0 : i32
    %dma_start3A_1342 = tpu.memref_slice %arg8[%dma_start3A_1340, %dma_start3A_1341] : memref<32x512xf32, #tpu.memory_space<vmem>> -> memref<32x512xf32, #tpu.memory_space<vmem>>
    tpu.enqueue_dma source(%dma_start3A_1342 : memref<32x512xf32, #tpu.memory_space<vmem>>) target(%dma_start3A_1339 : memref<32x512xf32, #tpu.memory_space<hbm>>) target_semaphore(%arg20 : memref<!tpu.dma_semaphore, #tpu.memory_space<semaphore_mem>>)
    %dma_wait3A_1343 = arith.constant 32 : i32
    %dma_wait3A_1344 = arith.constant 0 : i32
    %dma_wait3A_1345 = arith.constant 0 : i32
    %dma_wait3A_1346 = tpu.memref_slice %arg8[%dma_wait3A_1344, %dma_wait3A_1345] : memref<32x512xf32, #tpu.memory_space<vmem>> -> memref<32x512xf32, #tpu.memory_space<vmem>>
    %dma_wait3A_1347 = arith.constant 0 : i32
    %dma_wait3A_1348 = tpu.memref_slice %arg4[%dma_wait3A_1343, %mul3A_2, %dma_wait3A_1347] : memref<50x1024x512xf32, #tpu.memory_space<hbm>> -> memref<1x32x512xf32, #tpu.memory_space<hbm>>
    %dma_wait3A_1349 = tpu.memref_squeeze %dma_wait3A_1348 : memref<1x32x512xf32, #tpu.memory_space<hbm>> -> memref<32x512xf32, #tpu.memory_space<hbm>>
    %dma_wait3A_1350 = arith.constant 0 : i32
    %dma_wait3A_1351 = tpu.memref_slice %arg4[%dma_wait3A_1343, %mul3A_2, %dma_wait3A_1350] : memref<50x1024x512xf32, #tpu.memory_space<hbm>> -> memref<1x32x512xf32, #tpu.memory_space<hbm>>
    %dma_wait3A_1352 = tpu.memref_squeeze %dma_wait3A_1351 : memref<1x32x512xf32, #tpu.memory_space<hbm>> -> memref<32x512xf32, #tpu.memory_space<hbm>>
    %dma_wait3A_1353 = arith.constant 0 : i32
    %dma_wait3A_1354 = arith.constant 0 : i32
    %dma_wait3A_1355 = tpu.memref_slice %arg8[%dma_wait3A_1353, %dma_wait3A_1354] : memref<32x512xf32, #tpu.memory_space<vmem>> -> memref<32x512xf32, #tpu.memory_space<vmem>>
    tpu.wait_dma2 semaphore(%arg20 : memref<!tpu.dma_semaphore, #tpu.memory_space<semaphore_mem>>) src(%dma_wait3A_1355 : memref<32x512xf32, #tpu.memory_space<vmem>>) dst(%dma_wait3A_1352 : memref<32x512xf32, #tpu.memory_space<hbm>>)
    %dma_start3A_1356 = arith.constant 38 : i32
    %dma_start3A_1357 = arith.constant 0 : i32
    %dma_start3A_1358 = tpu.memref_slice %arg5[%dma_start3A_1356, %dma_start3A_1357] : memref<50x32xi32, #tpu.memory_space<vmem>> -> memref<1x32xi32, #tpu.memory_space<vmem>>
    %dma_start3A_1359 = tpu.memref_squeeze %dma_start3A_1358 : memref<1x32xi32, #tpu.memory_space<vmem>> -> memref<32xi32, #tpu.memory_space<vmem>>
    %dma_start3A_1360 = arith.constant 0 : i32
    %dma_start3A_1361 = arith.constant 0 : i32
    %dma_start3A_1362 = tpu.memref_slice %arg3[%dma_start3A_1360, %dma_start3A_1361] : memref<100000x512xf32, #tpu.memory_space<hbm>> -> memref<100000x512xf32, #tpu.memory_space<hbm>>
    tpu.enqueue_indirect_dma source(%dma_start3A_1362 : memref<100000x512xf32, #tpu.memory_space<hbm>>) target(%arg8 : memref<32x512xf32, #tpu.memory_space<vmem>>) offsets(%dma_start3A_1359 : memref<32xi32, #tpu.memory_space<vmem>>) semaphore(%arg14 : memref<!tpu.dma_semaphore, #tpu.memory_space<semaphore_mem>>)
    %dma_wait3A_1363 = arith.constant 33 : i32
    %dma_wait3A_1364 = arith.constant 0 : i32
    %dma_wait3A_1365 = tpu.memref_slice %arg5[%dma_wait3A_1363, %dma_wait3A_1364] : memref<50x32xi32, #tpu.memory_space<vmem>> -> memref<1x32xi32, #tpu.memory_space<vmem>>
    %dma_wait3A_1366 = tpu.memref_squeeze %dma_wait3A_1365 : memref<1x32xi32, #tpu.memory_space<vmem>> -> memref<32xi32, #tpu.memory_space<vmem>>
    %dma_wait3A_1367 = arith.constant 0 : i32
    %dma_wait3A_1368 = arith.constant 0 : i32
    %dma_wait3A_1369 = tpu.memref_slice %arg3[%dma_wait3A_1367, %dma_wait3A_1368] : memref<100000x512xf32, #tpu.memory_space<hbm>> -> memref<100000x512xf32, #tpu.memory_space<hbm>>
    tpu.wait_indirect_dma semaphore(%arg15 : memref<!tpu.dma_semaphore, #tpu.memory_space<semaphore_mem>>) src(%dma_wait3A_1369 : memref<100000x512xf32, #tpu.memory_space<hbm>>) dst(%arg9 : memref<32x512xf32, #tpu.memory_space<vmem>>)
    %dma_start3A_1370 = arith.constant 33 : i32
    %dma_start3A_1371 = arith.constant 0 : i32
    %dma_start3A_1372 = arith.constant 0 : i32
    %dma_start3A_1373 = tpu.memref_slice %arg9[%dma_start3A_1371, %dma_start3A_1372] : memref<32x512xf32, #tpu.memory_space<vmem>> -> memref<32x512xf32, #tpu.memory_space<vmem>>
    %dma_start3A_1374 = arith.constant 0 : i32
    %dma_start3A_1375 = tpu.memref_slice %arg4[%dma_start3A_1370, %mul3A_2, %dma_start3A_1374] : memref<50x1024x512xf32, #tpu.memory_space<hbm>> -> memref<1x32x512xf32, #tpu.memory_space<hbm>>
    %dma_start3A_1376 = tpu.memref_squeeze %dma_start3A_1375 : memref<1x32x512xf32, #tpu.memory_space<hbm>> -> memref<32x512xf32, #tpu.memory_space<hbm>>
    %dma_start3A_1377 = arith.constant 0 : i32
    %dma_start3A_1378 = tpu.memref_slice %arg4[%dma_start3A_1370, %mul3A_2, %dma_start3A_1377] : memref<50x1024x512xf32, #tpu.memory_space<hbm>> -> memref<1x32x512xf32, #tpu.memory_space<hbm>>
    %dma_start3A_1379 = tpu.memref_squeeze %dma_start3A_1378 : memref<1x32x512xf32, #tpu.memory_space<hbm>> -> memref<32x512xf32, #tpu.memory_space<hbm>>
    %dma_start3A_1380 = arith.constant 0 : i32
    %dma_start3A_1381 = arith.constant 0 : i32
    %dma_start3A_1382 = tpu.memref_slice %arg9[%dma_start3A_1380, %dma_start3A_1381] : memref<32x512xf32, #tpu.memory_space<vmem>> -> memref<32x512xf32, #tpu.memory_space<vmem>>
    tpu.enqueue_dma source(%dma_start3A_1382 : memref<32x512xf32, #tpu.memory_space<vmem>>) target(%dma_start3A_1379 : memref<32x512xf32, #tpu.memory_space<hbm>>) target_semaphore(%arg21 : memref<!tpu.dma_semaphore, #tpu.memory_space<semaphore_mem>>)
    %dma_wait3A_1383 = arith.constant 33 : i32
    %dma_wait3A_1384 = arith.constant 0 : i32
    %dma_wait3A_1385 = arith.constant 0 : i32
    %dma_wait3A_1386 = tpu.memref_slice %arg9[%dma_wait3A_1384, %dma_wait3A_1385] : memref<32x512xf32, #tpu.memory_space<vmem>> -> memref<32x512xf32, #tpu.memory_space<vmem>>
    %dma_wait3A_1387 = arith.constant 0 : i32
    %dma_wait3A_1388 = tpu.memref_slice %arg4[%dma_wait3A_1383, %mul3A_2, %dma_wait3A_1387] : memref<50x1024x512xf32, #tpu.memory_space<hbm>> -> memref<1x32x512xf32, #tpu.memory_space<hbm>>
    %dma_wait3A_1389 = tpu.memref_squeeze %dma_wait3A_1388 : memref<1x32x512xf32, #tpu.memory_space<hbm>> -> memref<32x512xf32, #tpu.memory_space<hbm>>
    %dma_wait3A_1390 = arith.constant 0 : i32
    %dma_wait3A_1391 = tpu.memref_slice %arg4[%dma_wait3A_1383, %mul3A_2, %dma_wait3A_1390] : memref<50x1024x512xf32, #tpu.memory_space<hbm>> -> memref<1x32x512xf32, #tpu.memory_space<hbm>>
    %dma_wait3A_1392 = tpu.memref_squeeze %dma_wait3A_1391 : memref<1x32x512xf32, #tpu.memory_space<hbm>> -> memref<32x512xf32, #tpu.memory_space<hbm>>
    %dma_wait3A_1393 = arith.constant 0 : i32
    %dma_wait3A_1394 = arith.constant 0 : i32
    %dma_wait3A_1395 = tpu.memref_slice %arg9[%dma_wait3A_1393, %dma_wait3A_1394] : memref<32x512xf32, #tpu.memory_space<vmem>> -> memref<32x512xf32, #tpu.memory_space<vmem>>
    tpu.wait_dma2 semaphore(%arg21 : memref<!tpu.dma_semaphore, #tpu.memory_space<semaphore_mem>>) src(%dma_wait3A_1395 : memref<32x512xf32, #tpu.memory_space<vmem>>) dst(%dma_wait3A_1392 : memref<32x512xf32, #tpu.memory_space<hbm>>)
    %dma_start3A_1396 = arith.constant 39 : i32
    %dma_start3A_1397 = arith.constant 0 : i32
    %dma_start3A_1398 = tpu.memref_slice %arg5[%dma_start3A_1396, %dma_start3A_1397] : memref<50x32xi32, #tpu.memory_space<vmem>> -> memref<1x32xi32, #tpu.memory_space<vmem>>
    %dma_start3A_1399 = tpu.memref_squeeze %dma_start3A_1398 : memref<1x32xi32, #tpu.memory_space<vmem>> -> memref<32xi32, #tpu.memory_space<vmem>>
    %dma_start3A_1400 = arith.constant 0 : i32
    %dma_start3A_1401 = arith.constant 0 : i32
    %dma_start3A_1402 = tpu.memref_slice %arg3[%dma_start3A_1400, %dma_start3A_1401] : memref<100000x512xf32, #tpu.memory_space<hbm>> -> memref<100000x512xf32, #tpu.memory_space<hbm>>
    tpu.enqueue_indirect_dma source(%dma_start3A_1402 : memref<100000x512xf32, #tpu.memory_space<hbm>>) target(%arg9 : memref<32x512xf32, #tpu.memory_space<vmem>>) offsets(%dma_start3A_1399 : memref<32xi32, #tpu.memory_space<vmem>>) semaphore(%arg15 : memref<!tpu.dma_semaphore, #tpu.memory_space<semaphore_mem>>)
    %dma_wait3A_1403 = arith.constant 34 : i32
    %dma_wait3A_1404 = arith.constant 0 : i32
    %dma_wait3A_1405 = tpu.memref_slice %arg5[%dma_wait3A_1403, %dma_wait3A_1404] : memref<50x32xi32, #tpu.memory_space<vmem>> -> memref<1x32xi32, #tpu.memory_space<vmem>>
    %dma_wait3A_1406 = tpu.memref_squeeze %dma_wait3A_1405 : memref<1x32xi32, #tpu.memory_space<vmem>> -> memref<32xi32, #tpu.memory_space<vmem>>
    %dma_wait3A_1407 = arith.constant 0 : i32
    %dma_wait3A_1408 = arith.constant 0 : i32
    %dma_wait3A_1409 = tpu.memref_slice %arg3[%dma_wait3A_1407, %dma_wait3A_1408] : memref<100000x512xf32, #tpu.memory_space<hbm>> -> memref<100000x512xf32, #tpu.memory_space<hbm>>
    tpu.wait_indirect_dma semaphore(%arg16 : memref<!tpu.dma_semaphore, #tpu.memory_space<semaphore_mem>>) src(%dma_wait3A_1409 : memref<100000x512xf32, #tpu.memory_space<hbm>>) dst(%arg10 : memref<32x512xf32, #tpu.memory_space<vmem>>)
    %dma_start3A_1410 = arith.constant 34 : i32
    %dma_start3A_1411 = arith.constant 0 : i32
    %dma_start3A_1412 = arith.constant 0 : i32
    %dma_start3A_1413 = tpu.memref_slice %arg10[%dma_start3A_1411, %dma_start3A_1412] : memref<32x512xf32, #tpu.memory_space<vmem>> -> memref<32x512xf32, #tpu.memory_space<vmem>>
    %dma_start3A_1414 = arith.constant 0 : i32
    %dma_start3A_1415 = tpu.memref_slice %arg4[%dma_start3A_1410, %mul3A_2, %dma_start3A_1414] : memref<50x1024x512xf32, #tpu.memory_space<hbm>> -> memref<1x32x512xf32, #tpu.memory_space<hbm>>
    %dma_start3A_1416 = tpu.memref_squeeze %dma_start3A_1415 : memref<1x32x512xf32, #tpu.memory_space<hbm>> -> memref<32x512xf32, #tpu.memory_space<hbm>>
    %dma_start3A_1417 = arith.constant 0 : i32
    %dma_start3A_1418 = tpu.memref_slice %arg4[%dma_start3A_1410, %mul3A_2, %dma_start3A_1417] : memref<50x1024x512xf32, #tpu.memory_space<hbm>> -> memref<1x32x512xf32, #tpu.memory_space<hbm>>
    %dma_start3A_1419 = tpu.memref_squeeze %dma_start3A_1418 : memref<1x32x512xf32, #tpu.memory_space<hbm>> -> memref<32x512xf32, #tpu.memory_space<hbm>>
    %dma_start3A_1420 = arith.constant 0 : i32
    %dma_start3A_1421 = arith.constant 0 : i32
    %dma_start3A_1422 = tpu.memref_slice %arg10[%dma_start3A_1420, %dma_start3A_1421] : memref<32x512xf32, #tpu.memory_space<vmem>> -> memref<32x512xf32, #tpu.memory_space<vmem>>
    tpu.enqueue_dma source(%dma_start3A_1422 : memref<32x512xf32, #tpu.memory_space<vmem>>) target(%dma_start3A_1419 : memref<32x512xf32, #tpu.memory_space<hbm>>) target_semaphore(%arg22 : memref<!tpu.dma_semaphore, #tpu.memory_space<semaphore_mem>>)
    %dma_wait3A_1423 = arith.constant 34 : i32
    %dma_wait3A_1424 = arith.constant 0 : i32
    %dma_wait3A_1425 = arith.constant 0 : i32
    %dma_wait3A_1426 = tpu.memref_slice %arg10[%dma_wait3A_1424, %dma_wait3A_1425] : memref<32x512xf32, #tpu.memory_space<vmem>> -> memref<32x512xf32, #tpu.memory_space<vmem>>
    %dma_wait3A_1427 = arith.constant 0 : i32
    %dma_wait3A_1428 = tpu.memref_slice %arg4[%dma_wait3A_1423, %mul3A_2, %dma_wait3A_1427] : memref<50x1024x512xf32, #tpu.memory_space<hbm>> -> memref<1x32x512xf32, #tpu.memory_space<hbm>>
    %dma_wait3A_1429 = tpu.memref_squeeze %dma_wait3A_1428 : memref<1x32x512xf32, #tpu.memory_space<hbm>> -> memref<32x512xf32, #tpu.memory_space<hbm>>
    %dma_wait3A_1430 = arith.constant 0 : i32
    %dma_wait3A_1431 = tpu.memref_slice %arg4[%dma_wait3A_1423, %mul3A_2, %dma_wait3A_1430] : memref<50x1024x512xf32, #tpu.memory_space<hbm>> -> memref<1x32x512xf32, #tpu.memory_space<hbm>>
    %dma_wait3A_1432 = tpu.memref_squeeze %dma_wait3A_1431 : memref<1x32x512xf32, #tpu.memory_space<hbm>> -> memref<32x512xf32, #tpu.memory_space<hbm>>
    %dma_wait3A_1433 = arith.constant 0 : i32
    %dma_wait3A_1434 = arith.constant 0 : i32
    %dma_wait3A_1435 = tpu.memref_slice %arg10[%dma_wait3A_1433, %dma_wait3A_1434] : memref<32x512xf32, #tpu.memory_space<vmem>> -> memref<32x512xf32, #tpu.memory_space<vmem>>
    tpu.wait_dma2 semaphore(%arg22 : memref<!tpu.dma_semaphore, #tpu.memory_space<semaphore_mem>>) src(%dma_wait3A_1435 : memref<32x512xf32, #tpu.memory_space<vmem>>) dst(%dma_wait3A_1432 : memref<32x512xf32, #tpu.memory_space<hbm>>)
    %dma_start3A_1436 = arith.constant 40 : i32
    %dma_start3A_1437 = arith.constant 0 : i32
    %dma_start3A_1438 = tpu.memref_slice %arg5[%dma_start3A_1436, %dma_start3A_1437] : memref<50x32xi32, #tpu.memory_space<vmem>> -> memref<1x32xi32, #tpu.memory_space<vmem>>
    %dma_start3A_1439 = tpu.memref_squeeze %dma_start3A_1438 : memref<1x32xi32, #tpu.memory_space<vmem>> -> memref<32xi32, #tpu.memory_space<vmem>>
    %dma_start3A_1440 = arith.constant 0 : i32
    %dma_start3A_1441 = arith.constant 0 : i32
    %dma_start3A_1442 = tpu.memref_slice %arg3[%dma_start3A_1440, %dma_start3A_1441] : memref<100000x512xf32, #tpu.memory_space<hbm>> -> memref<100000x512xf32, #tpu.memory_space<hbm>>
    tpu.enqueue_indirect_dma source(%dma_start3A_1442 : memref<100000x512xf32, #tpu.memory_space<hbm>>) target(%arg10 : memref<32x512xf32, #tpu.memory_space<vmem>>) offsets(%dma_start3A_1439 : memref<32xi32, #tpu.memory_space<vmem>>) semaphore(%arg16 : memref<!tpu.dma_semaphore, #tpu.memory_space<semaphore_mem>>)
    %dma_wait3A_1443 = arith.constant 35 : i32
    %dma_wait3A_1444 = arith.constant 0 : i32
    %dma_wait3A_1445 = tpu.memref_slice %arg5[%dma_wait3A_1443, %dma_wait3A_1444] : memref<50x32xi32, #tpu.memory_space<vmem>> -> memref<1x32xi32, #tpu.memory_space<vmem>>
    %dma_wait3A_1446 = tpu.memref_squeeze %dma_wait3A_1445 : memref<1x32xi32, #tpu.memory_space<vmem>> -> memref<32xi32, #tpu.memory_space<vmem>>
    %dma_wait3A_1447 = arith.constant 0 : i32
    %dma_wait3A_1448 = arith.constant 0 : i32
    %dma_wait3A_1449 = tpu.memref_slice %arg3[%dma_wait3A_1447, %dma_wait3A_1448] : memref<100000x512xf32, #tpu.memory_space<hbm>> -> memref<100000x512xf32, #tpu.memory_space<hbm>>
    tpu.wait_indirect_dma semaphore(%arg17 : memref<!tpu.dma_semaphore, #tpu.memory_space<semaphore_mem>>) src(%dma_wait3A_1449 : memref<100000x512xf32, #tpu.memory_space<hbm>>) dst(%arg11 : memref<32x512xf32, #tpu.memory_space<vmem>>)
    %dma_start3A_1450 = arith.constant 35 : i32
    %dma_start3A_1451 = arith.constant 0 : i32
    %dma_start3A_1452 = arith.constant 0 : i32
    %dma_start3A_1453 = tpu.memref_slice %arg11[%dma_start3A_1451, %dma_start3A_1452] : memref<32x512xf32, #tpu.memory_space<vmem>> -> memref<32x512xf32, #tpu.memory_space<vmem>>
    %dma_start3A_1454 = arith.constant 0 : i32
    %dma_start3A_1455 = tpu.memref_slice %arg4[%dma_start3A_1450, %mul3A_2, %dma_start3A_1454] : memref<50x1024x512xf32, #tpu.memory_space<hbm>> -> memref<1x32x512xf32, #tpu.memory_space<hbm>>
    %dma_start3A_1456 = tpu.memref_squeeze %dma_start3A_1455 : memref<1x32x512xf32, #tpu.memory_space<hbm>> -> memref<32x512xf32, #tpu.memory_space<hbm>>
    %dma_start3A_1457 = arith.constant 0 : i32
    %dma_start3A_1458 = tpu.memref_slice %arg4[%dma_start3A_1450, %mul3A_2, %dma_start3A_1457] : memref<50x1024x512xf32, #tpu.memory_space<hbm>> -> memref<1x32x512xf32, #tpu.memory_space<hbm>>
    %dma_start3A_1459 = tpu.memref_squeeze %dma_start3A_1458 : memref<1x32x512xf32, #tpu.memory_space<hbm>> -> memref<32x512xf32, #tpu.memory_space<hbm>>
    %dma_start3A_1460 = arith.constant 0 : i32
    %dma_start3A_1461 = arith.constant 0 : i32
    %dma_start3A_1462 = tpu.memref_slice %arg11[%dma_start3A_1460, %dma_start3A_1461] : memref<32x512xf32, #tpu.memory_space<vmem>> -> memref<32x512xf32, #tpu.memory_space<vmem>>
    tpu.enqueue_dma source(%dma_start3A_1462 : memref<32x512xf32, #tpu.memory_space<vmem>>) target(%dma_start3A_1459 : memref<32x512xf32, #tpu.memory_space<hbm>>) target_semaphore(%arg23 : memref<!tpu.dma_semaphore, #tpu.memory_space<semaphore_mem>>)
    %dma_wait3A_1463 = arith.constant 35 : i32
    %dma_wait3A_1464 = arith.constant 0 : i32
    %dma_wait3A_1465 = arith.constant 0 : i32
    %dma_wait3A_1466 = tpu.memref_slice %arg11[%dma_wait3A_1464, %dma_wait3A_1465] : memref<32x512xf32, #tpu.memory_space<vmem>> -> memref<32x512xf32, #tpu.memory_space<vmem>>
    %dma_wait3A_1467 = arith.constant 0 : i32
    %dma_wait3A_1468 = tpu.memref_slice %arg4[%dma_wait3A_1463, %mul3A_2, %dma_wait3A_1467] : memref<50x1024x512xf32, #tpu.memory_space<hbm>> -> memref<1x32x512xf32, #tpu.memory_space<hbm>>
    %dma_wait3A_1469 = tpu.memref_squeeze %dma_wait3A_1468 : memref<1x32x512xf32, #tpu.memory_space<hbm>> -> memref<32x512xf32, #tpu.memory_space<hbm>>
    %dma_wait3A_1470 = arith.constant 0 : i32
    %dma_wait3A_1471 = tpu.memref_slice %arg4[%dma_wait3A_1463, %mul3A_2, %dma_wait3A_1470] : memref<50x1024x512xf32, #tpu.memory_space<hbm>> -> memref<1x32x512xf32, #tpu.memory_space<hbm>>
    %dma_wait3A_1472 = tpu.memref_squeeze %dma_wait3A_1471 : memref<1x32x512xf32, #tpu.memory_space<hbm>> -> memref<32x512xf32, #tpu.memory_space<hbm>>
    %dma_wait3A_1473 = arith.constant 0 : i32
    %dma_wait3A_1474 = arith.constant 0 : i32
    %dma_wait3A_1475 = tpu.memref_slice %arg11[%dma_wait3A_1473, %dma_wait3A_1474] : memref<32x512xf32, #tpu.memory_space<vmem>> -> memref<32x512xf32, #tpu.memory_space<vmem>>
    tpu.wait_dma2 semaphore(%arg23 : memref<!tpu.dma_semaphore, #tpu.memory_space<semaphore_mem>>) src(%dma_wait3A_1475 : memref<32x512xf32, #tpu.memory_space<vmem>>) dst(%dma_wait3A_1472 : memref<32x512xf32, #tpu.memory_space<hbm>>)
    %dma_start3A_1476 = arith.constant 41 : i32
    %dma_start3A_1477 = arith.constant 0 : i32
    %dma_start3A_1478 = tpu.memref_slice %arg5[%dma_start3A_1476, %dma_start3A_1477] : memref<50x32xi32, #tpu.memory_space<vmem>> -> memref<1x32xi32, #tpu.memory_space<vmem>>
    %dma_start3A_1479 = tpu.memref_squeeze %dma_start3A_1478 : memref<1x32xi32, #tpu.memory_space<vmem>> -> memref<32xi32, #tpu.memory_space<vmem>>
    %dma_start3A_1480 = arith.constant 0 : i32
    %dma_start3A_1481 = arith.constant 0 : i32
    %dma_start3A_1482 = tpu.memref_slice %arg3[%dma_start3A_1480, %dma_start3A_1481] : memref<100000x512xf32, #tpu.memory_space<hbm>> -> memref<100000x512xf32, #tpu.memory_space<hbm>>
    tpu.enqueue_indirect_dma source(%dma_start3A_1482 : memref<100000x512xf32, #tpu.memory_space<hbm>>) target(%arg11 : memref<32x512xf32, #tpu.memory_space<vmem>>) offsets(%dma_start3A_1479 : memref<32xi32, #tpu.memory_space<vmem>>) semaphore(%arg17 : memref<!tpu.dma_semaphore, #tpu.memory_space<semaphore_mem>>)
    %dma_wait3A_1483 = arith.constant 36 : i32
    %dma_wait3A_1484 = arith.constant 0 : i32
    %dma_wait3A_1485 = tpu.memref_slice %arg5[%dma_wait3A_1483, %dma_wait3A_1484] : memref<50x32xi32, #tpu.memory_space<vmem>> -> memref<1x32xi32, #tpu.memory_space<vmem>>
    %dma_wait3A_1486 = tpu.memref_squeeze %dma_wait3A_1485 : memref<1x32xi32, #tpu.memory_space<vmem>> -> memref<32xi32, #tpu.memory_space<vmem>>
    %dma_wait3A_1487 = arith.constant 0 : i32
    %dma_wait3A_1488 = arith.constant 0 : i32
    %dma_wait3A_1489 = tpu.memref_slice %arg3[%dma_wait3A_1487, %dma_wait3A_1488] : memref<100000x512xf32, #tpu.memory_space<hbm>> -> memref<100000x512xf32, #tpu.memory_space<hbm>>
    tpu.wait_indirect_dma semaphore(%arg12 : memref<!tpu.dma_semaphore, #tpu.memory_space<semaphore_mem>>) src(%dma_wait3A_1489 : memref<100000x512xf32, #tpu.memory_space<hbm>>) dst(%arg6 : memref<32x512xf32, #tpu.memory_space<vmem>>)
    %dma_start3A_1490 = arith.constant 36 : i32
    %dma_start3A_1491 = arith.constant 0 : i32
    %dma_start3A_1492 = arith.constant 0 : i32
    %dma_start3A_1493 = tpu.memref_slice %arg6[%dma_start3A_1491, %dma_start3A_1492] : memref<32x512xf32, #tpu.memory_space<vmem>> -> memref<32x512xf32, #tpu.memory_space<vmem>>
    %dma_start3A_1494 = arith.constant 0 : i32
    %dma_start3A_1495 = tpu.memref_slice %arg4[%dma_start3A_1490, %mul3A_2, %dma_start3A_1494] : memref<50x1024x512xf32, #tpu.memory_space<hbm>> -> memref<1x32x512xf32, #tpu.memory_space<hbm>>
    %dma_start3A_1496 = tpu.memref_squeeze %dma_start3A_1495 : memref<1x32x512xf32, #tpu.memory_space<hbm>> -> memref<32x512xf32, #tpu.memory_space<hbm>>
    %dma_start3A_1497 = arith.constant 0 : i32
    %dma_start3A_1498 = tpu.memref_slice %arg4[%dma_start3A_1490, %mul3A_2, %dma_start3A_1497] : memref<50x1024x512xf32, #tpu.memory_space<hbm>> -> memref<1x32x512xf32, #tpu.memory_space<hbm>>
    %dma_start3A_1499 = tpu.memref_squeeze %dma_start3A_1498 : memref<1x32x512xf32, #tpu.memory_space<hbm>> -> memref<32x512xf32, #tpu.memory_space<hbm>>
    %dma_start3A_1500 = arith.constant 0 : i32
    %dma_start3A_1501 = arith.constant 0 : i32
    %dma_start3A_1502 = tpu.memref_slice %arg6[%dma_start3A_1500, %dma_start3A_1501] : memref<32x512xf32, #tpu.memory_space<vmem>> -> memref<32x512xf32, #tpu.memory_space<vmem>>
    tpu.enqueue_dma source(%dma_start3A_1502 : memref<32x512xf32, #tpu.memory_space<vmem>>) target(%dma_start3A_1499 : memref<32x512xf32, #tpu.memory_space<hbm>>) target_semaphore(%arg18 : memref<!tpu.dma_semaphore, #tpu.memory_space<semaphore_mem>>)
    %dma_wait3A_1503 = arith.constant 36 : i32
    %dma_wait3A_1504 = arith.constant 0 : i32
    %dma_wait3A_1505 = arith.constant 0 : i32
    %dma_wait3A_1506 = tpu.memref_slice %arg6[%dma_wait3A_1504, %dma_wait3A_1505] : memref<32x512xf32, #tpu.memory_space<vmem>> -> memref<32x512xf32, #tpu.memory_space<vmem>>
    %dma_wait3A_1507 = arith.constant 0 : i32
    %dma_wait3A_1508 = tpu.memref_slice %arg4[%dma_wait3A_1503, %mul3A_2, %dma_wait3A_1507] : memref<50x1024x512xf32, #tpu.memory_space<hbm>> -> memref<1x32x512xf32, #tpu.memory_space<hbm>>
    %dma_wait3A_1509 = tpu.memref_squeeze %dma_wait3A_1508 : memref<1x32x512xf32, #tpu.memory_space<hbm>> -> memref<32x512xf32, #tpu.memory_space<hbm>>
    %dma_wait3A_1510 = arith.constant 0 : i32
    %dma_wait3A_1511 = tpu.memref_slice %arg4[%dma_wait3A_1503, %mul3A_2, %dma_wait3A_1510] : memref<50x1024x512xf32, #tpu.memory_space<hbm>> -> memref<1x32x512xf32, #tpu.memory_space<hbm>>
    %dma_wait3A_1512 = tpu.memref_squeeze %dma_wait3A_1511 : memref<1x32x512xf32, #tpu.memory_space<hbm>> -> memref<32x512xf32, #tpu.memory_space<hbm>>
    %dma_wait3A_1513 = arith.constant 0 : i32
    %dma_wait3A_1514 = arith.constant 0 : i32
    %dma_wait3A_1515 = tpu.memref_slice %arg6[%dma_wait3A_1513, %dma_wait3A_1514] : memref<32x512xf32, #tpu.memory_space<vmem>> -> memref<32x512xf32, #tpu.memory_space<vmem>>
    tpu.wait_dma2 semaphore(%arg18 : memref<!tpu.dma_semaphore, #tpu.memory_space<semaphore_mem>>) src(%dma_wait3A_1515 : memref<32x512xf32, #tpu.memory_space<vmem>>) dst(%dma_wait3A_1512 : memref<32x512xf32, #tpu.memory_space<hbm>>)
    %dma_start3A_1516 = arith.constant 42 : i32
    %dma_start3A_1517 = arith.constant 0 : i32
    %dma_start3A_1518 = tpu.memref_slice %arg5[%dma_start3A_1516, %dma_start3A_1517] : memref<50x32xi32, #tpu.memory_space<vmem>> -> memref<1x32xi32, #tpu.memory_space<vmem>>
    %dma_start3A_1519 = tpu.memref_squeeze %dma_start3A_1518 : memref<1x32xi32, #tpu.memory_space<vmem>> -> memref<32xi32, #tpu.memory_space<vmem>>
    %dma_start3A_1520 = arith.constant 0 : i32
    %dma_start3A_1521 = arith.constant 0 : i32
    %dma_start3A_1522 = tpu.memref_slice %arg3[%dma_start3A_1520, %dma_start3A_1521] : memref<100000x512xf32, #tpu.memory_space<hbm>> -> memref<100000x512xf32, #tpu.memory_space<hbm>>
    tpu.enqueue_indirect_dma source(%dma_start3A_1522 : memref<100000x512xf32, #tpu.memory_space<hbm>>) target(%arg6 : memref<32x512xf32, #tpu.memory_space<vmem>>) offsets(%dma_start3A_1519 : memref<32xi32, #tpu.memory_space<vmem>>) semaphore(%arg12 : memref<!tpu.dma_semaphore, #tpu.memory_space<semaphore_mem>>)
    %dma_wait3A_1523 = arith.constant 37 : i32
    %dma_wait3A_1524 = arith.constant 0 : i32
    %dma_wait3A_1525 = tpu.memref_slice %arg5[%dma_wait3A_1523, %dma_wait3A_1524] : memref<50x32xi32, #tpu.memory_space<vmem>> -> memref<1x32xi32, #tpu.memory_space<vmem>>
    %dma_wait3A_1526 = tpu.memref_squeeze %dma_wait3A_1525 : memref<1x32xi32, #tpu.memory_space<vmem>> -> memref<32xi32, #tpu.memory_space<vmem>>
    %dma_wait3A_1527 = arith.constant 0 : i32
    %dma_wait3A_1528 = arith.constant 0 : i32
    %dma_wait3A_1529 = tpu.memref_slice %arg3[%dma_wait3A_1527, %dma_wait3A_1528] : memref<100000x512xf32, #tpu.memory_space<hbm>> -> memref<100000x512xf32, #tpu.memory_space<hbm>>
    tpu.wait_indirect_dma semaphore(%arg13 : memref<!tpu.dma_semaphore, #tpu.memory_space<semaphore_mem>>) src(%dma_wait3A_1529 : memref<100000x512xf32, #tpu.memory_space<hbm>>) dst(%arg7 : memref<32x512xf32, #tpu.memory_space<vmem>>)
    %dma_start3A_1530 = arith.constant 37 : i32
    %dma_start3A_1531 = arith.constant 0 : i32
    %dma_start3A_1532 = arith.constant 0 : i32
    %dma_start3A_1533 = tpu.memref_slice %arg7[%dma_start3A_1531, %dma_start3A_1532] : memref<32x512xf32, #tpu.memory_space<vmem>> -> memref<32x512xf32, #tpu.memory_space<vmem>>
    %dma_start3A_1534 = arith.constant 0 : i32
    %dma_start3A_1535 = tpu.memref_slice %arg4[%dma_start3A_1530, %mul3A_2, %dma_start3A_1534] : memref<50x1024x512xf32, #tpu.memory_space<hbm>> -> memref<1x32x512xf32, #tpu.memory_space<hbm>>
    %dma_start3A_1536 = tpu.memref_squeeze %dma_start3A_1535 : memref<1x32x512xf32, #tpu.memory_space<hbm>> -> memref<32x512xf32, #tpu.memory_space<hbm>>
    %dma_start3A_1537 = arith.constant 0 : i32
    %dma_start3A_1538 = tpu.memref_slice %arg4[%dma_start3A_1530, %mul3A_2, %dma_start3A_1537] : memref<50x1024x512xf32, #tpu.memory_space<hbm>> -> memref<1x32x512xf32, #tpu.memory_space<hbm>>
    %dma_start3A_1539 = tpu.memref_squeeze %dma_start3A_1538 : memref<1x32x512xf32, #tpu.memory_space<hbm>> -> memref<32x512xf32, #tpu.memory_space<hbm>>
    %dma_start3A_1540 = arith.constant 0 : i32
    %dma_start3A_1541 = arith.constant 0 : i32
    %dma_start3A_1542 = tpu.memref_slice %arg7[%dma_start3A_1540, %dma_start3A_1541] : memref<32x512xf32, #tpu.memory_space<vmem>> -> memref<32x512xf32, #tpu.memory_space<vmem>>
    tpu.enqueue_dma source(%dma_start3A_1542 : memref<32x512xf32, #tpu.memory_space<vmem>>) target(%dma_start3A_1539 : memref<32x512xf32, #tpu.memory_space<hbm>>) target_semaphore(%arg19 : memref<!tpu.dma_semaphore, #tpu.memory_space<semaphore_mem>>)
    %dma_wait3A_1543 = arith.constant 37 : i32
    %dma_wait3A_1544 = arith.constant 0 : i32
    %dma_wait3A_1545 = arith.constant 0 : i32
    %dma_wait3A_1546 = tpu.memref_slice %arg7[%dma_wait3A_1544, %dma_wait3A_1545] : memref<32x512xf32, #tpu.memory_space<vmem>> -> memref<32x512xf32, #tpu.memory_space<vmem>>
    %dma_wait3A_1547 = arith.constant 0 : i32
    %dma_wait3A_1548 = tpu.memref_slice %arg4[%dma_wait3A_1543, %mul3A_2, %dma_wait3A_1547] : memref<50x1024x512xf32, #tpu.memory_space<hbm>> -> memref<1x32x512xf32, #tpu.memory_space<hbm>>
    %dma_wait3A_1549 = tpu.memref_squeeze %dma_wait3A_1548 : memref<1x32x512xf32, #tpu.memory_space<hbm>> -> memref<32x512xf32, #tpu.memory_space<hbm>>
    %dma_wait3A_1550 = arith.constant 0 : i32
    %dma_wait3A_1551 = tpu.memref_slice %arg4[%dma_wait3A_1543, %mul3A_2, %dma_wait3A_1550] : memref<50x1024x512xf32, #tpu.memory_space<hbm>> -> memref<1x32x512xf32, #tpu.memory_space<hbm>>
    %dma_wait3A_1552 = tpu.memref_squeeze %dma_wait3A_1551 : memref<1x32x512xf32, #tpu.memory_space<hbm>> -> memref<32x512xf32, #tpu.memory_space<hbm>>
    %dma_wait3A_1553 = arith.constant 0 : i32
    %dma_wait3A_1554 = arith.constant 0 : i32
    %dma_wait3A_1555 = tpu.memref_slice %arg7[%dma_wait3A_1553, %dma_wait3A_1554] : memref<32x512xf32, #tpu.memory_space<vmem>> -> memref<32x512xf32, #tpu.memory_space<vmem>>
    tpu.wait_dma2 semaphore(%arg19 : memref<!tpu.dma_semaphore, #tpu.memory_space<semaphore_mem>>) src(%dma_wait3A_1555 : memref<32x512xf32, #tpu.memory_space<vmem>>) dst(%dma_wait3A_1552 : memref<32x512xf32, #tpu.memory_space<hbm>>)
    %dma_start3A_1556 = arith.constant 43 : i32
    %dma_start3A_1557 = arith.constant 0 : i32
    %dma_start3A_1558 = tpu.memref_slice %arg5[%dma_start3A_1556, %dma_start3A_1557] : memref<50x32xi32, #tpu.memory_space<vmem>> -> memref<1x32xi32, #tpu.memory_space<vmem>>
    %dma_start3A_1559 = tpu.memref_squeeze %dma_start3A_1558 : memref<1x32xi32, #tpu.memory_space<vmem>> -> memref<32xi32, #tpu.memory_space<vmem>>
    %dma_start3A_1560 = arith.constant 0 : i32
    %dma_start3A_1561 = arith.constant 0 : i32
    %dma_start3A_1562 = tpu.memref_slice %arg3[%dma_start3A_1560, %dma_start3A_1561] : memref<100000x512xf32, #tpu.memory_space<hbm>> -> memref<100000x512xf32, #tpu.memory_space<hbm>>
    tpu.enqueue_indirect_dma source(%dma_start3A_1562 : memref<100000x512xf32, #tpu.memory_space<hbm>>) target(%arg7 : memref<32x512xf32, #tpu.memory_space<vmem>>) offsets(%dma_start3A_1559 : memref<32xi32, #tpu.memory_space<vmem>>) semaphore(%arg13 : memref<!tpu.dma_semaphore, #tpu.memory_space<semaphore_mem>>)
    %dma_wait3A_1563 = arith.constant 38 : i32
    %dma_wait3A_1564 = arith.constant 0 : i32
    %dma_wait3A_1565 = tpu.memref_slice %arg5[%dma_wait3A_1563, %dma_wait3A_1564] : memref<50x32xi32, #tpu.memory_space<vmem>> -> memref<1x32xi32, #tpu.memory_space<vmem>>
    %dma_wait3A_1566 = tpu.memref_squeeze %dma_wait3A_1565 : memref<1x32xi32, #tpu.memory_space<vmem>> -> memref<32xi32, #tpu.memory_space<vmem>>
    %dma_wait3A_1567 = arith.constant 0 : i32
    %dma_wait3A_1568 = arith.constant 0 : i32
    %dma_wait3A_1569 = tpu.memref_slice %arg3[%dma_wait3A_1567, %dma_wait3A_1568] : memref<100000x512xf32, #tpu.memory_space<hbm>> -> memref<100000x512xf32, #tpu.memory_space<hbm>>
    tpu.wait_indirect_dma semaphore(%arg14 : memref<!tpu.dma_semaphore, #tpu.memory_space<semaphore_mem>>) src(%dma_wait3A_1569 : memref<100000x512xf32, #tpu.memory_space<hbm>>) dst(%arg8 : memref<32x512xf32, #tpu.memory_space<vmem>>)
    %dma_start3A_1570 = arith.constant 38 : i32
    %dma_start3A_1571 = arith.constant 0 : i32
    %dma_start3A_1572 = arith.constant 0 : i32
    %dma_start3A_1573 = tpu.memref_slice %arg8[%dma_start3A_1571, %dma_start3A_1572] : memref<32x512xf32, #tpu.memory_space<vmem>> -> memref<32x512xf32, #tpu.memory_space<vmem>>
    %dma_start3A_1574 = arith.constant 0 : i32
    %dma_start3A_1575 = tpu.memref_slice %arg4[%dma_start3A_1570, %mul3A_2, %dma_start3A_1574] : memref<50x1024x512xf32, #tpu.memory_space<hbm>> -> memref<1x32x512xf32, #tpu.memory_space<hbm>>
    %dma_start3A_1576 = tpu.memref_squeeze %dma_start3A_1575 : memref<1x32x512xf32, #tpu.memory_space<hbm>> -> memref<32x512xf32, #tpu.memory_space<hbm>>
    %dma_start3A_1577 = arith.constant 0 : i32
    %dma_start3A_1578 = tpu.memref_slice %arg4[%dma_start3A_1570, %mul3A_2, %dma_start3A_1577] : memref<50x1024x512xf32, #tpu.memory_space<hbm>> -> memref<1x32x512xf32, #tpu.memory_space<hbm>>
    %dma_start3A_1579 = tpu.memref_squeeze %dma_start3A_1578 : memref<1x32x512xf32, #tpu.memory_space<hbm>> -> memref<32x512xf32, #tpu.memory_space<hbm>>
    %dma_start3A_1580 = arith.constant 0 : i32
    %dma_start3A_1581 = arith.constant 0 : i32
    %dma_start3A_1582 = tpu.memref_slice %arg8[%dma_start3A_1580, %dma_start3A_1581] : memref<32x512xf32, #tpu.memory_space<vmem>> -> memref<32x512xf32, #tpu.memory_space<vmem>>
    tpu.enqueue_dma source(%dma_start3A_1582 : memref<32x512xf32, #tpu.memory_space<vmem>>) target(%dma_start3A_1579 : memref<32x512xf32, #tpu.memory_space<hbm>>) target_semaphore(%arg20 : memref<!tpu.dma_semaphore, #tpu.memory_space<semaphore_mem>>)
    %dma_wait3A_1583 = arith.constant 38 : i32
    %dma_wait3A_1584 = arith.constant 0 : i32
    %dma_wait3A_1585 = arith.constant 0 : i32
    %dma_wait3A_1586 = tpu.memref_slice %arg8[%dma_wait3A_1584, %dma_wait3A_1585] : memref<32x512xf32, #tpu.memory_space<vmem>> -> memref<32x512xf32, #tpu.memory_space<vmem>>
    %dma_wait3A_1587 = arith.constant 0 : i32
    %dma_wait3A_1588 = tpu.memref_slice %arg4[%dma_wait3A_1583, %mul3A_2, %dma_wait3A_1587] : memref<50x1024x512xf32, #tpu.memory_space<hbm>> -> memref<1x32x512xf32, #tpu.memory_space<hbm>>
    %dma_wait3A_1589 = tpu.memref_squeeze %dma_wait3A_1588 : memref<1x32x512xf32, #tpu.memory_space<hbm>> -> memref<32x512xf32, #tpu.memory_space<hbm>>
    %dma_wait3A_1590 = arith.constant 0 : i32
    %dma_wait3A_1591 = tpu.memref_slice %arg4[%dma_wait3A_1583, %mul3A_2, %dma_wait3A_1590] : memref<50x1024x512xf32, #tpu.memory_space<hbm>> -> memref<1x32x512xf32, #tpu.memory_space<hbm>>
    %dma_wait3A_1592 = tpu.memref_squeeze %dma_wait3A_1591 : memref<1x32x512xf32, #tpu.memory_space<hbm>> -> memref<32x512xf32, #tpu.memory_space<hbm>>
    %dma_wait3A_1593 = arith.constant 0 : i32
    %dma_wait3A_1594 = arith.constant 0 : i32
    %dma_wait3A_1595 = tpu.memref_slice %arg8[%dma_wait3A_1593, %dma_wait3A_1594] : memref<32x512xf32, #tpu.memory_space<vmem>> -> memref<32x512xf32, #tpu.memory_space<vmem>>
    tpu.wait_dma2 semaphore(%arg20 : memref<!tpu.dma_semaphore, #tpu.memory_space<semaphore_mem>>) src(%dma_wait3A_1595 : memref<32x512xf32, #tpu.memory_space<vmem>>) dst(%dma_wait3A_1592 : memref<32x512xf32, #tpu.memory_space<hbm>>)
    %dma_start3A_1596 = arith.constant 44 : i32
    %dma_start3A_1597 = arith.constant 0 : i32
    %dma_start3A_1598 = tpu.memref_slice %arg5[%dma_start3A_1596, %dma_start3A_1597] : memref<50x32xi32, #tpu.memory_space<vmem>> -> memref<1x32xi32, #tpu.memory_space<vmem>>
    %dma_start3A_1599 = tpu.memref_squeeze %dma_start3A_1598 : memref<1x32xi32, #tpu.memory_space<vmem>> -> memref<32xi32, #tpu.memory_space<vmem>>
    %dma_start3A_1600 = arith.constant 0 : i32
    %dma_start3A_1601 = arith.constant 0 : i32
    %dma_start3A_1602 = tpu.memref_slice %arg3[%dma_start3A_1600, %dma_start3A_1601] : memref<100000x512xf32, #tpu.memory_space<hbm>> -> memref<100000x512xf32, #tpu.memory_space<hbm>>
    tpu.enqueue_indirect_dma source(%dma_start3A_1602 : memref<100000x512xf32, #tpu.memory_space<hbm>>) target(%arg8 : memref<32x512xf32, #tpu.memory_space<vmem>>) offsets(%dma_start3A_1599 : memref<32xi32, #tpu.memory_space<vmem>>) semaphore(%arg14 : memref<!tpu.dma_semaphore, #tpu.memory_space<semaphore_mem>>)
    %dma_wait3A_1603 = arith.constant 39 : i32
    %dma_wait3A_1604 = arith.constant 0 : i32
    %dma_wait3A_1605 = tpu.memref_slice %arg5[%dma_wait3A_1603, %dma_wait3A_1604] : memref<50x32xi32, #tpu.memory_space<vmem>> -> memref<1x32xi32, #tpu.memory_space<vmem>>
    %dma_wait3A_1606 = tpu.memref_squeeze %dma_wait3A_1605 : memref<1x32xi32, #tpu.memory_space<vmem>> -> memref<32xi32, #tpu.memory_space<vmem>>
    %dma_wait3A_1607 = arith.constant 0 : i32
    %dma_wait3A_1608 = arith.constant 0 : i32
    %dma_wait3A_1609 = tpu.memref_slice %arg3[%dma_wait3A_1607, %dma_wait3A_1608] : memref<100000x512xf32, #tpu.memory_space<hbm>> -> memref<100000x512xf32, #tpu.memory_space<hbm>>
    tpu.wait_indirect_dma semaphore(%arg15 : memref<!tpu.dma_semaphore, #tpu.memory_space<semaphore_mem>>) src(%dma_wait3A_1609 : memref<100000x512xf32, #tpu.memory_space<hbm>>) dst(%arg9 : memref<32x512xf32, #tpu.memory_space<vmem>>)
    %dma_start3A_1610 = arith.constant 39 : i32
    %dma_start3A_1611 = arith.constant 0 : i32
    %dma_start3A_1612 = arith.constant 0 : i32
    %dma_start3A_1613 = tpu.memref_slice %arg9[%dma_start3A_1611, %dma_start3A_1612] : memref<32x512xf32, #tpu.memory_space<vmem>> -> memref<32x512xf32, #tpu.memory_space<vmem>>
    %dma_start3A_1614 = arith.constant 0 : i32
    %dma_start3A_1615 = tpu.memref_slice %arg4[%dma_start3A_1610, %mul3A_2, %dma_start3A_1614] : memref<50x1024x512xf32, #tpu.memory_space<hbm>> -> memref<1x32x512xf32, #tpu.memory_space<hbm>>
    %dma_start3A_1616 = tpu.memref_squeeze %dma_start3A_1615 : memref<1x32x512xf32, #tpu.memory_space<hbm>> -> memref<32x512xf32, #tpu.memory_space<hbm>>
    %dma_start3A_1617 = arith.constant 0 : i32
    %dma_start3A_1618 = tpu.memref_slice %arg4[%dma_start3A_1610, %mul3A_2, %dma_start3A_1617] : memref<50x1024x512xf32, #tpu.memory_space<hbm>> -> memref<1x32x512xf32, #tpu.memory_space<hbm>>
    %dma_start3A_1619 = tpu.memref_squeeze %dma_start3A_1618 : memref<1x32x512xf32, #tpu.memory_space<hbm>> -> memref<32x512xf32, #tpu.memory_space<hbm>>
    %dma_start3A_1620 = arith.constant 0 : i32
    %dma_start3A_1621 = arith.constant 0 : i32
    %dma_start3A_1622 = tpu.memref_slice %arg9[%dma_start3A_1620, %dma_start3A_1621] : memref<32x512xf32, #tpu.memory_space<vmem>> -> memref<32x512xf32, #tpu.memory_space<vmem>>
    tpu.enqueue_dma source(%dma_start3A_1622 : memref<32x512xf32, #tpu.memory_space<vmem>>) target(%dma_start3A_1619 : memref<32x512xf32, #tpu.memory_space<hbm>>) target_semaphore(%arg21 : memref<!tpu.dma_semaphore, #tpu.memory_space<semaphore_mem>>)
    %dma_wait3A_1623 = arith.constant 39 : i32
    %dma_wait3A_1624 = arith.constant 0 : i32
    %dma_wait3A_1625 = arith.constant 0 : i32
    %dma_wait3A_1626 = tpu.memref_slice %arg9[%dma_wait3A_1624, %dma_wait3A_1625] : memref<32x512xf32, #tpu.memory_space<vmem>> -> memref<32x512xf32, #tpu.memory_space<vmem>>
    %dma_wait3A_1627 = arith.constant 0 : i32
    %dma_wait3A_1628 = tpu.memref_slice %arg4[%dma_wait3A_1623, %mul3A_2, %dma_wait3A_1627] : memref<50x1024x512xf32, #tpu.memory_space<hbm>> -> memref<1x32x512xf32, #tpu.memory_space<hbm>>
    %dma_wait3A_1629 = tpu.memref_squeeze %dma_wait3A_1628 : memref<1x32x512xf32, #tpu.memory_space<hbm>> -> memref<32x512xf32, #tpu.memory_space<hbm>>
    %dma_wait3A_1630 = arith.constant 0 : i32
    %dma_wait3A_1631 = tpu.memref_slice %arg4[%dma_wait3A_1623, %mul3A_2, %dma_wait3A_1630] : memref<50x1024x512xf32, #tpu.memory_space<hbm>> -> memref<1x32x512xf32, #tpu.memory_space<hbm>>
    %dma_wait3A_1632 = tpu.memref_squeeze %dma_wait3A_1631 : memref<1x32x512xf32, #tpu.memory_space<hbm>> -> memref<32x512xf32, #tpu.memory_space<hbm>>
    %dma_wait3A_1633 = arith.constant 0 : i32
    %dma_wait3A_1634 = arith.constant 0 : i32
    %dma_wait3A_1635 = tpu.memref_slice %arg9[%dma_wait3A_1633, %dma_wait3A_1634] : memref<32x512xf32, #tpu.memory_space<vmem>> -> memref<32x512xf32, #tpu.memory_space<vmem>>
    tpu.wait_dma2 semaphore(%arg21 : memref<!tpu.dma_semaphore, #tpu.memory_space<semaphore_mem>>) src(%dma_wait3A_1635 : memref<32x512xf32, #tpu.memory_space<vmem>>) dst(%dma_wait3A_1632 : memref<32x512xf32, #tpu.memory_space<hbm>>)
    %dma_start3A_1636 = arith.constant 45 : i32
    %dma_start3A_1637 = arith.constant 0 : i32
    %dma_start3A_1638 = tpu.memref_slice %arg5[%dma_start3A_1636, %dma_start3A_1637] : memref<50x32xi32, #tpu.memory_space<vmem>> -> memref<1x32xi32, #tpu.memory_space<vmem>>
    %dma_start3A_1639 = tpu.memref_squeeze %dma_start3A_1638 : memref<1x32xi32, #tpu.memory_space<vmem>> -> memref<32xi32, #tpu.memory_space<vmem>>
    %dma_start3A_1640 = arith.constant 0 : i32
    %dma_start3A_1641 = arith.constant 0 : i32
    %dma_start3A_1642 = tpu.memref_slice %arg3[%dma_start3A_1640, %dma_start3A_1641] : memref<100000x512xf32, #tpu.memory_space<hbm>> -> memref<100000x512xf32, #tpu.memory_space<hbm>>
    tpu.enqueue_indirect_dma source(%dma_start3A_1642 : memref<100000x512xf32, #tpu.memory_space<hbm>>) target(%arg9 : memref<32x512xf32, #tpu.memory_space<vmem>>) offsets(%dma_start3A_1639 : memref<32xi32, #tpu.memory_space<vmem>>) semaphore(%arg15 : memref<!tpu.dma_semaphore, #tpu.memory_space<semaphore_mem>>)
    %dma_wait3A_1643 = arith.constant 40 : i32
    %dma_wait3A_1644 = arith.constant 0 : i32
    %dma_wait3A_1645 = tpu.memref_slice %arg5[%dma_wait3A_1643, %dma_wait3A_1644] : memref<50x32xi32, #tpu.memory_space<vmem>> -> memref<1x32xi32, #tpu.memory_space<vmem>>
    %dma_wait3A_1646 = tpu.memref_squeeze %dma_wait3A_1645 : memref<1x32xi32, #tpu.memory_space<vmem>> -> memref<32xi32, #tpu.memory_space<vmem>>
    %dma_wait3A_1647 = arith.constant 0 : i32
    %dma_wait3A_1648 = arith.constant 0 : i32
    %dma_wait3A_1649 = tpu.memref_slice %arg3[%dma_wait3A_1647, %dma_wait3A_1648] : memref<100000x512xf32, #tpu.memory_space<hbm>> -> memref<100000x512xf32, #tpu.memory_space<hbm>>
    tpu.wait_indirect_dma semaphore(%arg16 : memref<!tpu.dma_semaphore, #tpu.memory_space<semaphore_mem>>) src(%dma_wait3A_1649 : memref<100000x512xf32, #tpu.memory_space<hbm>>) dst(%arg10 : memref<32x512xf32, #tpu.memory_space<vmem>>)
    %dma_start3A_1650 = arith.constant 40 : i32
    %dma_start3A_1651 = arith.constant 0 : i32
    %dma_start3A_1652 = arith.constant 0 : i32
    %dma_start3A_1653 = tpu.memref_slice %arg10[%dma_start3A_1651, %dma_start3A_1652] : memref<32x512xf32, #tpu.memory_space<vmem>> -> memref<32x512xf32, #tpu.memory_space<vmem>>
    %dma_start3A_1654 = arith.constant 0 : i32
    %dma_start3A_1655 = tpu.memref_slice %arg4[%dma_start3A_1650, %mul3A_2, %dma_start3A_1654] : memref<50x1024x512xf32, #tpu.memory_space<hbm>> -> memref<1x32x512xf32, #tpu.memory_space<hbm>>
    %dma_start3A_1656 = tpu.memref_squeeze %dma_start3A_1655 : memref<1x32x512xf32, #tpu.memory_space<hbm>> -> memref<32x512xf32, #tpu.memory_space<hbm>>
    %dma_start3A_1657 = arith.constant 0 : i32
    %dma_start3A_1658 = tpu.memref_slice %arg4[%dma_start3A_1650, %mul3A_2, %dma_start3A_1657] : memref<50x1024x512xf32, #tpu.memory_space<hbm>> -> memref<1x32x512xf32, #tpu.memory_space<hbm>>
    %dma_start3A_1659 = tpu.memref_squeeze %dma_start3A_1658 : memref<1x32x512xf32, #tpu.memory_space<hbm>> -> memref<32x512xf32, #tpu.memory_space<hbm>>
    %dma_start3A_1660 = arith.constant 0 : i32
    %dma_start3A_1661 = arith.constant 0 : i32
    %dma_start3A_1662 = tpu.memref_slice %arg10[%dma_start3A_1660, %dma_start3A_1661] : memref<32x512xf32, #tpu.memory_space<vmem>> -> memref<32x512xf32, #tpu.memory_space<vmem>>
    tpu.enqueue_dma source(%dma_start3A_1662 : memref<32x512xf32, #tpu.memory_space<vmem>>) target(%dma_start3A_1659 : memref<32x512xf32, #tpu.memory_space<hbm>>) target_semaphore(%arg22 : memref<!tpu.dma_semaphore, #tpu.memory_space<semaphore_mem>>)
    %dma_wait3A_1663 = arith.constant 40 : i32
    %dma_wait3A_1664 = arith.constant 0 : i32
    %dma_wait3A_1665 = arith.constant 0 : i32
    %dma_wait3A_1666 = tpu.memref_slice %arg10[%dma_wait3A_1664, %dma_wait3A_1665] : memref<32x512xf32, #tpu.memory_space<vmem>> -> memref<32x512xf32, #tpu.memory_space<vmem>>
    %dma_wait3A_1667 = arith.constant 0 : i32
    %dma_wait3A_1668 = tpu.memref_slice %arg4[%dma_wait3A_1663, %mul3A_2, %dma_wait3A_1667] : memref<50x1024x512xf32, #tpu.memory_space<hbm>> -> memref<1x32x512xf32, #tpu.memory_space<hbm>>
    %dma_wait3A_1669 = tpu.memref_squeeze %dma_wait3A_1668 : memref<1x32x512xf32, #tpu.memory_space<hbm>> -> memref<32x512xf32, #tpu.memory_space<hbm>>
    %dma_wait3A_1670 = arith.constant 0 : i32
    %dma_wait3A_1671 = tpu.memref_slice %arg4[%dma_wait3A_1663, %mul3A_2, %dma_wait3A_1670] : memref<50x1024x512xf32, #tpu.memory_space<hbm>> -> memref<1x32x512xf32, #tpu.memory_space<hbm>>
    %dma_wait3A_1672 = tpu.memref_squeeze %dma_wait3A_1671 : memref<1x32x512xf32, #tpu.memory_space<hbm>> -> memref<32x512xf32, #tpu.memory_space<hbm>>
    %dma_wait3A_1673 = arith.constant 0 : i32
    %dma_wait3A_1674 = arith.constant 0 : i32
    %dma_wait3A_1675 = tpu.memref_slice %arg10[%dma_wait3A_1673, %dma_wait3A_1674] : memref<32x512xf32, #tpu.memory_space<vmem>> -> memref<32x512xf32, #tpu.memory_space<vmem>>
    tpu.wait_dma2 semaphore(%arg22 : memref<!tpu.dma_semaphore, #tpu.memory_space<semaphore_mem>>) src(%dma_wait3A_1675 : memref<32x512xf32, #tpu.memory_space<vmem>>) dst(%dma_wait3A_1672 : memref<32x512xf32, #tpu.memory_space<hbm>>)
    %dma_start3A_1676 = arith.constant 46 : i32
    %dma_start3A_1677 = arith.constant 0 : i32
    %dma_start3A_1678 = tpu.memref_slice %arg5[%dma_start3A_1676, %dma_start3A_1677] : memref<50x32xi32, #tpu.memory_space<vmem>> -> memref<1x32xi32, #tpu.memory_space<vmem>>
    %dma_start3A_1679 = tpu.memref_squeeze %dma_start3A_1678 : memref<1x32xi32, #tpu.memory_space<vmem>> -> memref<32xi32, #tpu.memory_space<vmem>>
    %dma_start3A_1680 = arith.constant 0 : i32
    %dma_start3A_1681 = arith.constant 0 : i32
    %dma_start3A_1682 = tpu.memref_slice %arg3[%dma_start3A_1680, %dma_start3A_1681] : memref<100000x512xf32, #tpu.memory_space<hbm>> -> memref<100000x512xf32, #tpu.memory_space<hbm>>
    tpu.enqueue_indirect_dma source(%dma_start3A_1682 : memref<100000x512xf32, #tpu.memory_space<hbm>>) target(%arg10 : memref<32x512xf32, #tpu.memory_space<vmem>>) offsets(%dma_start3A_1679 : memref<32xi32, #tpu.memory_space<vmem>>) semaphore(%arg16 : memref<!tpu.dma_semaphore, #tpu.memory_space<semaphore_mem>>)
    %dma_wait3A_1683 = arith.constant 41 : i32
    %dma_wait3A_1684 = arith.constant 0 : i32
    %dma_wait3A_1685 = tpu.memref_slice %arg5[%dma_wait3A_1683, %dma_wait3A_1684] : memref<50x32xi32, #tpu.memory_space<vmem>> -> memref<1x32xi32, #tpu.memory_space<vmem>>
    %dma_wait3A_1686 = tpu.memref_squeeze %dma_wait3A_1685 : memref<1x32xi32, #tpu.memory_space<vmem>> -> memref<32xi32, #tpu.memory_space<vmem>>
    %dma_wait3A_1687 = arith.constant 0 : i32
    %dma_wait3A_1688 = arith.constant 0 : i32
    %dma_wait3A_1689 = tpu.memref_slice %arg3[%dma_wait3A_1687, %dma_wait3A_1688] : memref<100000x512xf32, #tpu.memory_space<hbm>> -> memref<100000x512xf32, #tpu.memory_space<hbm>>
    tpu.wait_indirect_dma semaphore(%arg17 : memref<!tpu.dma_semaphore, #tpu.memory_space<semaphore_mem>>) src(%dma_wait3A_1689 : memref<100000x512xf32, #tpu.memory_space<hbm>>) dst(%arg11 : memref<32x512xf32, #tpu.memory_space<vmem>>)
    %dma_start3A_1690 = arith.constant 41 : i32
    %dma_start3A_1691 = arith.constant 0 : i32
    %dma_start3A_1692 = arith.constant 0 : i32
    %dma_start3A_1693 = tpu.memref_slice %arg11[%dma_start3A_1691, %dma_start3A_1692] : memref<32x512xf32, #tpu.memory_space<vmem>> -> memref<32x512xf32, #tpu.memory_space<vmem>>
    %dma_start3A_1694 = arith.constant 0 : i32
    %dma_start3A_1695 = tpu.memref_slice %arg4[%dma_start3A_1690, %mul3A_2, %dma_start3A_1694] : memref<50x1024x512xf32, #tpu.memory_space<hbm>> -> memref<1x32x512xf32, #tpu.memory_space<hbm>>
    %dma_start3A_1696 = tpu.memref_squeeze %dma_start3A_1695 : memref<1x32x512xf32, #tpu.memory_space<hbm>> -> memref<32x512xf32, #tpu.memory_space<hbm>>
    %dma_start3A_1697 = arith.constant 0 : i32
    %dma_start3A_1698 = tpu.memref_slice %arg4[%dma_start3A_1690, %mul3A_2, %dma_start3A_1697] : memref<50x1024x512xf32, #tpu.memory_space<hbm>> -> memref<1x32x512xf32, #tpu.memory_space<hbm>>
    %dma_start3A_1699 = tpu.memref_squeeze %dma_start3A_1698 : memref<1x32x512xf32, #tpu.memory_space<hbm>> -> memref<32x512xf32, #tpu.memory_space<hbm>>
    %dma_start3A_1700 = arith.constant 0 : i32
    %dma_start3A_1701 = arith.constant 0 : i32
    %dma_start3A_1702 = tpu.memref_slice %arg11[%dma_start3A_1700, %dma_start3A_1701] : memref<32x512xf32, #tpu.memory_space<vmem>> -> memref<32x512xf32, #tpu.memory_space<vmem>>
    tpu.enqueue_dma source(%dma_start3A_1702 : memref<32x512xf32, #tpu.memory_space<vmem>>) target(%dma_start3A_1699 : memref<32x512xf32, #tpu.memory_space<hbm>>) target_semaphore(%arg23 : memref<!tpu.dma_semaphore, #tpu.memory_space<semaphore_mem>>)
    %dma_wait3A_1703 = arith.constant 41 : i32
    %dma_wait3A_1704 = arith.constant 0 : i32
    %dma_wait3A_1705 = arith.constant 0 : i32
    %dma_wait3A_1706 = tpu.memref_slice %arg11[%dma_wait3A_1704, %dma_wait3A_1705] : memref<32x512xf32, #tpu.memory_space<vmem>> -> memref<32x512xf32, #tpu.memory_space<vmem>>
    %dma_wait3A_1707 = arith.constant 0 : i32
    %dma_wait3A_1708 = tpu.memref_slice %arg4[%dma_wait3A_1703, %mul3A_2, %dma_wait3A_1707] : memref<50x1024x512xf32, #tpu.memory_space<hbm>> -> memref<1x32x512xf32, #tpu.memory_space<hbm>>
    %dma_wait3A_1709 = tpu.memref_squeeze %dma_wait3A_1708 : memref<1x32x512xf32, #tpu.memory_space<hbm>> -> memref<32x512xf32, #tpu.memory_space<hbm>>
    %dma_wait3A_1710 = arith.constant 0 : i32
    %dma_wait3A_1711 = tpu.memref_slice %arg4[%dma_wait3A_1703, %mul3A_2, %dma_wait3A_1710] : memref<50x1024x512xf32, #tpu.memory_space<hbm>> -> memref<1x32x512xf32, #tpu.memory_space<hbm>>
    %dma_wait3A_1712 = tpu.memref_squeeze %dma_wait3A_1711 : memref<1x32x512xf32, #tpu.memory_space<hbm>> -> memref<32x512xf32, #tpu.memory_space<hbm>>
    %dma_wait3A_1713 = arith.constant 0 : i32
    %dma_wait3A_1714 = arith.constant 0 : i32
    %dma_wait3A_1715 = tpu.memref_slice %arg11[%dma_wait3A_1713, %dma_wait3A_1714] : memref<32x512xf32, #tpu.memory_space<vmem>> -> memref<32x512xf32, #tpu.memory_space<vmem>>
    tpu.wait_dma2 semaphore(%arg23 : memref<!tpu.dma_semaphore, #tpu.memory_space<semaphore_mem>>) src(%dma_wait3A_1715 : memref<32x512xf32, #tpu.memory_space<vmem>>) dst(%dma_wait3A_1712 : memref<32x512xf32, #tpu.memory_space<hbm>>)
    %dma_start3A_1716 = arith.constant 47 : i32
    %dma_start3A_1717 = arith.constant 0 : i32
    %dma_start3A_1718 = tpu.memref_slice %arg5[%dma_start3A_1716, %dma_start3A_1717] : memref<50x32xi32, #tpu.memory_space<vmem>> -> memref<1x32xi32, #tpu.memory_space<vmem>>
    %dma_start3A_1719 = tpu.memref_squeeze %dma_start3A_1718 : memref<1x32xi32, #tpu.memory_space<vmem>> -> memref<32xi32, #tpu.memory_space<vmem>>
    %dma_start3A_1720 = arith.constant 0 : i32
    %dma_start3A_1721 = arith.constant 0 : i32
    %dma_start3A_1722 = tpu.memref_slice %arg3[%dma_start3A_1720, %dma_start3A_1721] : memref<100000x512xf32, #tpu.memory_space<hbm>> -> memref<100000x512xf32, #tpu.memory_space<hbm>>
    tpu.enqueue_indirect_dma source(%dma_start3A_1722 : memref<100000x512xf32, #tpu.memory_space<hbm>>) target(%arg11 : memref<32x512xf32, #tpu.memory_space<vmem>>) offsets(%dma_start3A_1719 : memref<32xi32, #tpu.memory_space<vmem>>) semaphore(%arg17 : memref<!tpu.dma_semaphore, #tpu.memory_space<semaphore_mem>>)
    %dma_wait3A_1723 = arith.constant 42 : i32
    %dma_wait3A_1724 = arith.constant 0 : i32
    %dma_wait3A_1725 = tpu.memref_slice %arg5[%dma_wait3A_1723, %dma_wait3A_1724] : memref<50x32xi32, #tpu.memory_space<vmem>> -> memref<1x32xi32, #tpu.memory_space<vmem>>
    %dma_wait3A_1726 = tpu.memref_squeeze %dma_wait3A_1725 : memref<1x32xi32, #tpu.memory_space<vmem>> -> memref<32xi32, #tpu.memory_space<vmem>>
    %dma_wait3A_1727 = arith.constant 0 : i32
    %dma_wait3A_1728 = arith.constant 0 : i32
    %dma_wait3A_1729 = tpu.memref_slice %arg3[%dma_wait3A_1727, %dma_wait3A_1728] : memref<100000x512xf32, #tpu.memory_space<hbm>> -> memref<100000x512xf32, #tpu.memory_space<hbm>>
    tpu.wait_indirect_dma semaphore(%arg12 : memref<!tpu.dma_semaphore, #tpu.memory_space<semaphore_mem>>) src(%dma_wait3A_1729 : memref<100000x512xf32, #tpu.memory_space<hbm>>) dst(%arg6 : memref<32x512xf32, #tpu.memory_space<vmem>>)
    %dma_start3A_1730 = arith.constant 42 : i32
    %dma_start3A_1731 = arith.constant 0 : i32
    %dma_start3A_1732 = arith.constant 0 : i32
    %dma_start3A_1733 = tpu.memref_slice %arg6[%dma_start3A_1731, %dma_start3A_1732] : memref<32x512xf32, #tpu.memory_space<vmem>> -> memref<32x512xf32, #tpu.memory_space<vmem>>
    %dma_start3A_1734 = arith.constant 0 : i32
    %dma_start3A_1735 = tpu.memref_slice %arg4[%dma_start3A_1730, %mul3A_2, %dma_start3A_1734] : memref<50x1024x512xf32, #tpu.memory_space<hbm>> -> memref<1x32x512xf32, #tpu.memory_space<hbm>>
    %dma_start3A_1736 = tpu.memref_squeeze %dma_start3A_1735 : memref<1x32x512xf32, #tpu.memory_space<hbm>> -> memref<32x512xf32, #tpu.memory_space<hbm>>
    %dma_start3A_1737 = arith.constant 0 : i32
    %dma_start3A_1738 = tpu.memref_slice %arg4[%dma_start3A_1730, %mul3A_2, %dma_start3A_1737] : memref<50x1024x512xf32, #tpu.memory_space<hbm>> -> memref<1x32x512xf32, #tpu.memory_space<hbm>>
    %dma_start3A_1739 = tpu.memref_squeeze %dma_start3A_1738 : memref<1x32x512xf32, #tpu.memory_space<hbm>> -> memref<32x512xf32, #tpu.memory_space<hbm>>
    %dma_start3A_1740 = arith.constant 0 : i32
    %dma_start3A_1741 = arith.constant 0 : i32
    %dma_start3A_1742 = tpu.memref_slice %arg6[%dma_start3A_1740, %dma_start3A_1741] : memref<32x512xf32, #tpu.memory_space<vmem>> -> memref<32x512xf32, #tpu.memory_space<vmem>>
    tpu.enqueue_dma source(%dma_start3A_1742 : memref<32x512xf32, #tpu.memory_space<vmem>>) target(%dma_start3A_1739 : memref<32x512xf32, #tpu.memory_space<hbm>>) target_semaphore(%arg18 : memref<!tpu.dma_semaphore, #tpu.memory_space<semaphore_mem>>)
    %dma_wait3A_1743 = arith.constant 42 : i32
    %dma_wait3A_1744 = arith.constant 0 : i32
    %dma_wait3A_1745 = arith.constant 0 : i32
    %dma_wait3A_1746 = tpu.memref_slice %arg6[%dma_wait3A_1744, %dma_wait3A_1745] : memref<32x512xf32, #tpu.memory_space<vmem>> -> memref<32x512xf32, #tpu.memory_space<vmem>>
    %dma_wait3A_1747 = arith.constant 0 : i32
    %dma_wait3A_1748 = tpu.memref_slice %arg4[%dma_wait3A_1743, %mul3A_2, %dma_wait3A_1747] : memref<50x1024x512xf32, #tpu.memory_space<hbm>> -> memref<1x32x512xf32, #tpu.memory_space<hbm>>
    %dma_wait3A_1749 = tpu.memref_squeeze %dma_wait3A_1748 : memref<1x32x512xf32, #tpu.memory_space<hbm>> -> memref<32x512xf32, #tpu.memory_space<hbm>>
    %dma_wait3A_1750 = arith.constant 0 : i32
    %dma_wait3A_1751 = tpu.memref_slice %arg4[%dma_wait3A_1743, %mul3A_2, %dma_wait3A_1750] : memref<50x1024x512xf32, #tpu.memory_space<hbm>> -> memref<1x32x512xf32, #tpu.memory_space<hbm>>
    %dma_wait3A_1752 = tpu.memref_squeeze %dma_wait3A_1751 : memref<1x32x512xf32, #tpu.memory_space<hbm>> -> memref<32x512xf32, #tpu.memory_space<hbm>>
    %dma_wait3A_1753 = arith.constant 0 : i32
    %dma_wait3A_1754 = arith.constant 0 : i32
    %dma_wait3A_1755 = tpu.memref_slice %arg6[%dma_wait3A_1753, %dma_wait3A_1754] : memref<32x512xf32, #tpu.memory_space<vmem>> -> memref<32x512xf32, #tpu.memory_space<vmem>>
    tpu.wait_dma2 semaphore(%arg18 : memref<!tpu.dma_semaphore, #tpu.memory_space<semaphore_mem>>) src(%dma_wait3A_1755 : memref<32x512xf32, #tpu.memory_space<vmem>>) dst(%dma_wait3A_1752 : memref<32x512xf32, #tpu.memory_space<hbm>>)
    %dma_start3A_1756 = arith.constant 48 : i32
    %dma_start3A_1757 = arith.constant 0 : i32
    %dma_start3A_1758 = tpu.memref_slice %arg5[%dma_start3A_1756, %dma_start3A_1757] : memref<50x32xi32, #tpu.memory_space<vmem>> -> memref<1x32xi32, #tpu.memory_space<vmem>>
    %dma_start3A_1759 = tpu.memref_squeeze %dma_start3A_1758 : memref<1x32xi32, #tpu.memory_space<vmem>> -> memref<32xi32, #tpu.memory_space<vmem>>
    %dma_start3A_1760 = arith.constant 0 : i32
    %dma_start3A_1761 = arith.constant 0 : i32
    %dma_start3A_1762 = tpu.memref_slice %arg3[%dma_start3A_1760, %dma_start3A_1761] : memref<100000x512xf32, #tpu.memory_space<hbm>> -> memref<100000x512xf32, #tpu.memory_space<hbm>>
    tpu.enqueue_indirect_dma source(%dma_start3A_1762 : memref<100000x512xf32, #tpu.memory_space<hbm>>) target(%arg6 : memref<32x512xf32, #tpu.memory_space<vmem>>) offsets(%dma_start3A_1759 : memref<32xi32, #tpu.memory_space<vmem>>) semaphore(%arg12 : memref<!tpu.dma_semaphore, #tpu.memory_space<semaphore_mem>>)
    %dma_wait3A_1763 = arith.constant 43 : i32
    %dma_wait3A_1764 = arith.constant 0 : i32
    %dma_wait3A_1765 = tpu.memref_slice %arg5[%dma_wait3A_1763, %dma_wait3A_1764] : memref<50x32xi32, #tpu.memory_space<vmem>> -> memref<1x32xi32, #tpu.memory_space<vmem>>
    %dma_wait3A_1766 = tpu.memref_squeeze %dma_wait3A_1765 : memref<1x32xi32, #tpu.memory_space<vmem>> -> memref<32xi32, #tpu.memory_space<vmem>>
    %dma_wait3A_1767 = arith.constant 0 : i32
    %dma_wait3A_1768 = arith.constant 0 : i32
    %dma_wait3A_1769 = tpu.memref_slice %arg3[%dma_wait3A_1767, %dma_wait3A_1768] : memref<100000x512xf32, #tpu.memory_space<hbm>> -> memref<100000x512xf32, #tpu.memory_space<hbm>>
    tpu.wait_indirect_dma semaphore(%arg13 : memref<!tpu.dma_semaphore, #tpu.memory_space<semaphore_mem>>) src(%dma_wait3A_1769 : memref<100000x512xf32, #tpu.memory_space<hbm>>) dst(%arg7 : memref<32x512xf32, #tpu.memory_space<vmem>>)
    %dma_start3A_1770 = arith.constant 43 : i32
    %dma_start3A_1771 = arith.constant 0 : i32
    %dma_start3A_1772 = arith.constant 0 : i32
    %dma_start3A_1773 = tpu.memref_slice %arg7[%dma_start3A_1771, %dma_start3A_1772] : memref<32x512xf32, #tpu.memory_space<vmem>> -> memref<32x512xf32, #tpu.memory_space<vmem>>
    %dma_start3A_1774 = arith.constant 0 : i32
    %dma_start3A_1775 = tpu.memref_slice %arg4[%dma_start3A_1770, %mul3A_2, %dma_start3A_1774] : memref<50x1024x512xf32, #tpu.memory_space<hbm>> -> memref<1x32x512xf32, #tpu.memory_space<hbm>>
    %dma_start3A_1776 = tpu.memref_squeeze %dma_start3A_1775 : memref<1x32x512xf32, #tpu.memory_space<hbm>> -> memref<32x512xf32, #tpu.memory_space<hbm>>
    %dma_start3A_1777 = arith.constant 0 : i32
    %dma_start3A_1778 = tpu.memref_slice %arg4[%dma_start3A_1770, %mul3A_2, %dma_start3A_1777] : memref<50x1024x512xf32, #tpu.memory_space<hbm>> -> memref<1x32x512xf32, #tpu.memory_space<hbm>>
    %dma_start3A_1779 = tpu.memref_squeeze %dma_start3A_1778 : memref<1x32x512xf32, #tpu.memory_space<hbm>> -> memref<32x512xf32, #tpu.memory_space<hbm>>
    %dma_start3A_1780 = arith.constant 0 : i32
    %dma_start3A_1781 = arith.constant 0 : i32
    %dma_start3A_1782 = tpu.memref_slice %arg7[%dma_start3A_1780, %dma_start3A_1781] : memref<32x512xf32, #tpu.memory_space<vmem>> -> memref<32x512xf32, #tpu.memory_space<vmem>>
    tpu.enqueue_dma source(%dma_start3A_1782 : memref<32x512xf32, #tpu.memory_space<vmem>>) target(%dma_start3A_1779 : memref<32x512xf32, #tpu.memory_space<hbm>>) target_semaphore(%arg19 : memref<!tpu.dma_semaphore, #tpu.memory_space<semaphore_mem>>)
    %dma_wait3A_1783 = arith.constant 43 : i32
    %dma_wait3A_1784 = arith.constant 0 : i32
    %dma_wait3A_1785 = arith.constant 0 : i32
    %dma_wait3A_1786 = tpu.memref_slice %arg7[%dma_wait3A_1784, %dma_wait3A_1785] : memref<32x512xf32, #tpu.memory_space<vmem>> -> memref<32x512xf32, #tpu.memory_space<vmem>>
    %dma_wait3A_1787 = arith.constant 0 : i32
    %dma_wait3A_1788 = tpu.memref_slice %arg4[%dma_wait3A_1783, %mul3A_2, %dma_wait3A_1787] : memref<50x1024x512xf32, #tpu.memory_space<hbm>> -> memref<1x32x512xf32, #tpu.memory_space<hbm>>
    %dma_wait3A_1789 = tpu.memref_squeeze %dma_wait3A_1788 : memref<1x32x512xf32, #tpu.memory_space<hbm>> -> memref<32x512xf32, #tpu.memory_space<hbm>>
    %dma_wait3A_1790 = arith.constant 0 : i32
    %dma_wait3A_1791 = tpu.memref_slice %arg4[%dma_wait3A_1783, %mul3A_2, %dma_wait3A_1790] : memref<50x1024x512xf32, #tpu.memory_space<hbm>> -> memref<1x32x512xf32, #tpu.memory_space<hbm>>
    %dma_wait3A_1792 = tpu.memref_squeeze %dma_wait3A_1791 : memref<1x32x512xf32, #tpu.memory_space<hbm>> -> memref<32x512xf32, #tpu.memory_space<hbm>>
    %dma_wait3A_1793 = arith.constant 0 : i32
    %dma_wait3A_1794 = arith.constant 0 : i32
    %dma_wait3A_1795 = tpu.memref_slice %arg7[%dma_wait3A_1793, %dma_wait3A_1794] : memref<32x512xf32, #tpu.memory_space<vmem>> -> memref<32x512xf32, #tpu.memory_space<vmem>>
    tpu.wait_dma2 semaphore(%arg19 : memref<!tpu.dma_semaphore, #tpu.memory_space<semaphore_mem>>) src(%dma_wait3A_1795 : memref<32x512xf32, #tpu.memory_space<vmem>>) dst(%dma_wait3A_1792 : memref<32x512xf32, #tpu.memory_space<hbm>>)
    %dma_start3A_1796 = arith.constant 49 : i32
    %dma_start3A_1797 = arith.constant 0 : i32
    %dma_start3A_1798 = tpu.memref_slice %arg5[%dma_start3A_1796, %dma_start3A_1797] : memref<50x32xi32, #tpu.memory_space<vmem>> -> memref<1x32xi32, #tpu.memory_space<vmem>>
    %dma_start3A_1799 = tpu.memref_squeeze %dma_start3A_1798 : memref<1x32xi32, #tpu.memory_space<vmem>> -> memref<32xi32, #tpu.memory_space<vmem>>
    %dma_start3A_1800 = arith.constant 0 : i32
    %dma_start3A_1801 = arith.constant 0 : i32
    %dma_start3A_1802 = tpu.memref_slice %arg3[%dma_start3A_1800, %dma_start3A_1801] : memref<100000x512xf32, #tpu.memory_space<hbm>> -> memref<100000x512xf32, #tpu.memory_space<hbm>>
    tpu.enqueue_indirect_dma source(%dma_start3A_1802 : memref<100000x512xf32, #tpu.memory_space<hbm>>) target(%arg7 : memref<32x512xf32, #tpu.memory_space<vmem>>) offsets(%dma_start3A_1799 : memref<32xi32, #tpu.memory_space<vmem>>) semaphore(%arg13 : memref<!tpu.dma_semaphore, #tpu.memory_space<semaphore_mem>>)
    %dma_wait3A_1803 = arith.constant 44 : i32
    %dma_wait3A_1804 = arith.constant 0 : i32
    %dma_wait3A_1805 = tpu.memref_slice %arg5[%dma_wait3A_1803, %dma_wait3A_1804] : memref<50x32xi32, #tpu.memory_space<vmem>> -> memref<1x32xi32, #tpu.memory_space<vmem>>
    %dma_wait3A_1806 = tpu.memref_squeeze %dma_wait3A_1805 : memref<1x32xi32, #tpu.memory_space<vmem>> -> memref<32xi32, #tpu.memory_space<vmem>>
    %dma_wait3A_1807 = arith.constant 0 : i32
    %dma_wait3A_1808 = arith.constant 0 : i32
    %dma_wait3A_1809 = tpu.memref_slice %arg3[%dma_wait3A_1807, %dma_wait3A_1808] : memref<100000x512xf32, #tpu.memory_space<hbm>> -> memref<100000x512xf32, #tpu.memory_space<hbm>>
    tpu.wait_indirect_dma semaphore(%arg14 : memref<!tpu.dma_semaphore, #tpu.memory_space<semaphore_mem>>) src(%dma_wait3A_1809 : memref<100000x512xf32, #tpu.memory_space<hbm>>) dst(%arg8 : memref<32x512xf32, #tpu.memory_space<vmem>>)
    %dma_start3A_1810 = arith.constant 44 : i32
    %dma_start3A_1811 = arith.constant 0 : i32
    %dma_start3A_1812 = arith.constant 0 : i32
    %dma_start3A_1813 = tpu.memref_slice %arg8[%dma_start3A_1811, %dma_start3A_1812] : memref<32x512xf32, #tpu.memory_space<vmem>> -> memref<32x512xf32, #tpu.memory_space<vmem>>
    %dma_start3A_1814 = arith.constant 0 : i32
    %dma_start3A_1815 = tpu.memref_slice %arg4[%dma_start3A_1810, %mul3A_2, %dma_start3A_1814] : memref<50x1024x512xf32, #tpu.memory_space<hbm>> -> memref<1x32x512xf32, #tpu.memory_space<hbm>>
    %dma_start3A_1816 = tpu.memref_squeeze %dma_start3A_1815 : memref<1x32x512xf32, #tpu.memory_space<hbm>> -> memref<32x512xf32, #tpu.memory_space<hbm>>
    %dma_start3A_1817 = arith.constant 0 : i32
    %dma_start3A_1818 = tpu.memref_slice %arg4[%dma_start3A_1810, %mul3A_2, %dma_start3A_1817] : memref<50x1024x512xf32, #tpu.memory_space<hbm>> -> memref<1x32x512xf32, #tpu.memory_space<hbm>>
    %dma_start3A_1819 = tpu.memref_squeeze %dma_start3A_1818 : memref<1x32x512xf32, #tpu.memory_space<hbm>> -> memref<32x512xf32, #tpu.memory_space<hbm>>
    %dma_start3A_1820 = arith.constant 0 : i32
    %dma_start3A_1821 = arith.constant 0 : i32
    %dma_start3A_1822 = tpu.memref_slice %arg8[%dma_start3A_1820, %dma_start3A_1821] : memref<32x512xf32, #tpu.memory_space<vmem>> -> memref<32x512xf32, #tpu.memory_space<vmem>>
    tpu.enqueue_dma source(%dma_start3A_1822 : memref<32x512xf32, #tpu.memory_space<vmem>>) target(%dma_start3A_1819 : memref<32x512xf32, #tpu.memory_space<hbm>>) target_semaphore(%arg20 : memref<!tpu.dma_semaphore, #tpu.memory_space<semaphore_mem>>)
    %dma_wait3A_1823 = arith.constant 45 : i32
    %dma_wait3A_1824 = arith.constant 0 : i32
    %dma_wait3A_1825 = tpu.memref_slice %arg5[%dma_wait3A_1823, %dma_wait3A_1824] : memref<50x32xi32, #tpu.memory_space<vmem>> -> memref<1x32xi32, #tpu.memory_space<vmem>>
    %dma_wait3A_1826 = tpu.memref_squeeze %dma_wait3A_1825 : memref<1x32xi32, #tpu.memory_space<vmem>> -> memref<32xi32, #tpu.memory_space<vmem>>
    %dma_wait3A_1827 = arith.constant 0 : i32
    %dma_wait3A_1828 = arith.constant 0 : i32
    %dma_wait3A_1829 = tpu.memref_slice %arg3[%dma_wait3A_1827, %dma_wait3A_1828] : memref<100000x512xf32, #tpu.memory_space<hbm>> -> memref<100000x512xf32, #tpu.memory_space<hbm>>
    tpu.wait_indirect_dma semaphore(%arg15 : memref<!tpu.dma_semaphore, #tpu.memory_space<semaphore_mem>>) src(%dma_wait3A_1829 : memref<100000x512xf32, #tpu.memory_space<hbm>>) dst(%arg9 : memref<32x512xf32, #tpu.memory_space<vmem>>)
    %dma_start3A_1830 = arith.constant 45 : i32
    %dma_start3A_1831 = arith.constant 0 : i32
    %dma_start3A_1832 = arith.constant 0 : i32
    %dma_start3A_1833 = tpu.memref_slice %arg9[%dma_start3A_1831, %dma_start3A_1832] : memref<32x512xf32, #tpu.memory_space<vmem>> -> memref<32x512xf32, #tpu.memory_space<vmem>>
    %dma_start3A_1834 = arith.constant 0 : i32
    %dma_start3A_1835 = tpu.memref_slice %arg4[%dma_start3A_1830, %mul3A_2, %dma_start3A_1834] : memref<50x1024x512xf32, #tpu.memory_space<hbm>> -> memref<1x32x512xf32, #tpu.memory_space<hbm>>
    %dma_start3A_1836 = tpu.memref_squeeze %dma_start3A_1835 : memref<1x32x512xf32, #tpu.memory_space<hbm>> -> memref<32x512xf32, #tpu.memory_space<hbm>>
    %dma_start3A_1837 = arith.constant 0 : i32
    %dma_start3A_1838 = tpu.memref_slice %arg4[%dma_start3A_1830, %mul3A_2, %dma_start3A_1837] : memref<50x1024x512xf32, #tpu.memory_space<hbm>> -> memref<1x32x512xf32, #tpu.memory_space<hbm>>
    %dma_start3A_1839 = tpu.memref_squeeze %dma_start3A_1838 : memref<1x32x512xf32, #tpu.memory_space<hbm>> -> memref<32x512xf32, #tpu.memory_space<hbm>>
    %dma_start3A_1840 = arith.constant 0 : i32
    %dma_start3A_1841 = arith.constant 0 : i32
    %dma_start3A_1842 = tpu.memref_slice %arg9[%dma_start3A_1840, %dma_start3A_1841] : memref<32x512xf32, #tpu.memory_space<vmem>> -> memref<32x512xf32, #tpu.memory_space<vmem>>
    tpu.enqueue_dma source(%dma_start3A_1842 : memref<32x512xf32, #tpu.memory_space<vmem>>) target(%dma_start3A_1839 : memref<32x512xf32, #tpu.memory_space<hbm>>) target_semaphore(%arg21 : memref<!tpu.dma_semaphore, #tpu.memory_space<semaphore_mem>>)
    %dma_wait3A_1843 = arith.constant 46 : i32
    %dma_wait3A_1844 = arith.constant 0 : i32
    %dma_wait3A_1845 = tpu.memref_slice %arg5[%dma_wait3A_1843, %dma_wait3A_1844] : memref<50x32xi32, #tpu.memory_space<vmem>> -> memref<1x32xi32, #tpu.memory_space<vmem>>
    %dma_wait3A_1846 = tpu.memref_squeeze %dma_wait3A_1845 : memref<1x32xi32, #tpu.memory_space<vmem>> -> memref<32xi32, #tpu.memory_space<vmem>>
    %dma_wait3A_1847 = arith.constant 0 : i32
    %dma_wait3A_1848 = arith.constant 0 : i32
    %dma_wait3A_1849 = tpu.memref_slice %arg3[%dma_wait3A_1847, %dma_wait3A_1848] : memref<100000x512xf32, #tpu.memory_space<hbm>> -> memref<100000x512xf32, #tpu.memory_space<hbm>>
    tpu.wait_indirect_dma semaphore(%arg16 : memref<!tpu.dma_semaphore, #tpu.memory_space<semaphore_mem>>) src(%dma_wait3A_1849 : memref<100000x512xf32, #tpu.memory_space<hbm>>) dst(%arg10 : memref<32x512xf32, #tpu.memory_space<vmem>>)
    %dma_start3A_1850 = arith.constant 46 : i32
    %dma_start3A_1851 = arith.constant 0 : i32
    %dma_start3A_1852 = arith.constant 0 : i32
    %dma_start3A_1853 = tpu.memref_slice %arg10[%dma_start3A_1851, %dma_start3A_1852] : memref<32x512xf32, #tpu.memory_space<vmem>> -> memref<32x512xf32, #tpu.memory_space<vmem>>
    %dma_start3A_1854 = arith.constant 0 : i32
    %dma_start3A_1855 = tpu.memref_slice %arg4[%dma_start3A_1850, %mul3A_2, %dma_start3A_1854] : memref<50x1024x512xf32, #tpu.memory_space<hbm>> -> memref<1x32x512xf32, #tpu.memory_space<hbm>>
    %dma_start3A_1856 = tpu.memref_squeeze %dma_start3A_1855 : memref<1x32x512xf32, #tpu.memory_space<hbm>> -> memref<32x512xf32, #tpu.memory_space<hbm>>
    %dma_start3A_1857 = arith.constant 0 : i32
    %dma_start3A_1858 = tpu.memref_slice %arg4[%dma_start3A_1850, %mul3A_2, %dma_start3A_1857] : memref<50x1024x512xf32, #tpu.memory_space<hbm>> -> memref<1x32x512xf32, #tpu.memory_space<hbm>>
    %dma_start3A_1859 = tpu.memref_squeeze %dma_start3A_1858 : memref<1x32x512xf32, #tpu.memory_space<hbm>> -> memref<32x512xf32, #tpu.memory_space<hbm>>
    %dma_start3A_1860 = arith.constant 0 : i32
    %dma_start3A_1861 = arith.constant 0 : i32
    %dma_start3A_1862 = tpu.memref_slice %arg10[%dma_start3A_1860, %dma_start3A_1861] : memref<32x512xf32, #tpu.memory_space<vmem>> -> memref<32x512xf32, #tpu.memory_space<vmem>>
    tpu.enqueue_dma source(%dma_start3A_1862 : memref<32x512xf32, #tpu.memory_space<vmem>>) target(%dma_start3A_1859 : memref<32x512xf32, #tpu.memory_space<hbm>>) target_semaphore(%arg22 : memref<!tpu.dma_semaphore, #tpu.memory_space<semaphore_mem>>)
    %dma_wait3A_1863 = arith.constant 47 : i32
    %dma_wait3A_1864 = arith.constant 0 : i32
    %dma_wait3A_1865 = tpu.memref_slice %arg5[%dma_wait3A_1863, %dma_wait3A_1864] : memref<50x32xi32, #tpu.memory_space<vmem>> -> memref<1x32xi32, #tpu.memory_space<vmem>>
    %dma_wait3A_1866 = tpu.memref_squeeze %dma_wait3A_1865 : memref<1x32xi32, #tpu.memory_space<vmem>> -> memref<32xi32, #tpu.memory_space<vmem>>
    %dma_wait3A_1867 = arith.constant 0 : i32
    %dma_wait3A_1868 = arith.constant 0 : i32
    %dma_wait3A_1869 = tpu.memref_slice %arg3[%dma_wait3A_1867, %dma_wait3A_1868] : memref<100000x512xf32, #tpu.memory_space<hbm>> -> memref<100000x512xf32, #tpu.memory_space<hbm>>
    tpu.wait_indirect_dma semaphore(%arg17 : memref<!tpu.dma_semaphore, #tpu.memory_space<semaphore_mem>>) src(%dma_wait3A_1869 : memref<100000x512xf32, #tpu.memory_space<hbm>>) dst(%arg11 : memref<32x512xf32, #tpu.memory_space<vmem>>)
    %dma_start3A_1870 = arith.constant 47 : i32
    %dma_start3A_1871 = arith.constant 0 : i32
    %dma_start3A_1872 = arith.constant 0 : i32
    %dma_start3A_1873 = tpu.memref_slice %arg11[%dma_start3A_1871, %dma_start3A_1872] : memref<32x512xf32, #tpu.memory_space<vmem>> -> memref<32x512xf32, #tpu.memory_space<vmem>>
    %dma_start3A_1874 = arith.constant 0 : i32
    %dma_start3A_1875 = tpu.memref_slice %arg4[%dma_start3A_1870, %mul3A_2, %dma_start3A_1874] : memref<50x1024x512xf32, #tpu.memory_space<hbm>> -> memref<1x32x512xf32, #tpu.memory_space<hbm>>
    %dma_start3A_1876 = tpu.memref_squeeze %dma_start3A_1875 : memref<1x32x512xf32, #tpu.memory_space<hbm>> -> memref<32x512xf32, #tpu.memory_space<hbm>>
    %dma_start3A_1877 = arith.constant 0 : i32
    %dma_start3A_1878 = tpu.memref_slice %arg4[%dma_start3A_1870, %mul3A_2, %dma_start3A_1877] : memref<50x1024x512xf32, #tpu.memory_space<hbm>> -> memref<1x32x512xf32, #tpu.memory_space<hbm>>
    %dma_start3A_1879 = tpu.memref_squeeze %dma_start3A_1878 : memref<1x32x512xf32, #tpu.memory_space<hbm>> -> memref<32x512xf32, #tpu.memory_space<hbm>>
    %dma_start3A_1880 = arith.constant 0 : i32
    %dma_start3A_1881 = arith.constant 0 : i32
    %dma_start3A_1882 = tpu.memref_slice %arg11[%dma_start3A_1880, %dma_start3A_1881] : memref<32x512xf32, #tpu.memory_space<vmem>> -> memref<32x512xf32, #tpu.memory_space<vmem>>
    tpu.enqueue_dma source(%dma_start3A_1882 : memref<32x512xf32, #tpu.memory_space<vmem>>) target(%dma_start3A_1879 : memref<32x512xf32, #tpu.memory_space<hbm>>) target_semaphore(%arg23 : memref<!tpu.dma_semaphore, #tpu.memory_space<semaphore_mem>>)
    %dma_wait3A_1883 = arith.constant 48 : i32
    %dma_wait3A_1884 = arith.constant 0 : i32
    %dma_wait3A_1885 = tpu.memref_slice %arg5[%dma_wait3A_1883, %dma_wait3A_1884] : memref<50x32xi32, #tpu.memory_space<vmem>> -> memref<1x32xi32, #tpu.memory_space<vmem>>
    %dma_wait3A_1886 = tpu.memref_squeeze %dma_wait3A_1885 : memref<1x32xi32, #tpu.memory_space<vmem>> -> memref<32xi32, #tpu.memory_space<vmem>>
    %dma_wait3A_1887 = arith.constant 0 : i32
    %dma_wait3A_1888 = arith.constant 0 : i32
    %dma_wait3A_1889 = tpu.memref_slice %arg3[%dma_wait3A_1887, %dma_wait3A_1888] : memref<100000x512xf32, #tpu.memory_space<hbm>> -> memref<100000x512xf32, #tpu.memory_space<hbm>>
    tpu.wait_indirect_dma semaphore(%arg12 : memref<!tpu.dma_semaphore, #tpu.memory_space<semaphore_mem>>) src(%dma_wait3A_1889 : memref<100000x512xf32, #tpu.memory_space<hbm>>) dst(%arg6 : memref<32x512xf32, #tpu.memory_space<vmem>>)
    %dma_start3A_1890 = arith.constant 48 : i32
    %dma_start3A_1891 = arith.constant 0 : i32
    %dma_start3A_1892 = arith.constant 0 : i32
    %dma_start3A_1893 = tpu.memref_slice %arg6[%dma_start3A_1891, %dma_start3A_1892] : memref<32x512xf32, #tpu.memory_space<vmem>> -> memref<32x512xf32, #tpu.memory_space<vmem>>
    %dma_start3A_1894 = arith.constant 0 : i32
    %dma_start3A_1895 = tpu.memref_slice %arg4[%dma_start3A_1890, %mul3A_2, %dma_start3A_1894] : memref<50x1024x512xf32, #tpu.memory_space<hbm>> -> memref<1x32x512xf32, #tpu.memory_space<hbm>>
    %dma_start3A_1896 = tpu.memref_squeeze %dma_start3A_1895 : memref<1x32x512xf32, #tpu.memory_space<hbm>> -> memref<32x512xf32, #tpu.memory_space<hbm>>
    %dma_start3A_1897 = arith.constant 0 : i32
    %dma_start3A_1898 = tpu.memref_slice %arg4[%dma_start3A_1890, %mul3A_2, %dma_start3A_1897] : memref<50x1024x512xf32, #tpu.memory_space<hbm>> -> memref<1x32x512xf32, #tpu.memory_space<hbm>>
    %dma_start3A_1899 = tpu.memref_squeeze %dma_start3A_1898 : memref<1x32x512xf32, #tpu.memory_space<hbm>> -> memref<32x512xf32, #tpu.memory_space<hbm>>
    %dma_start3A_1900 = arith.constant 0 : i32
    %dma_start3A_1901 = arith.constant 0 : i32
    %dma_start3A_1902 = tpu.memref_slice %arg6[%dma_start3A_1900, %dma_start3A_1901] : memref<32x512xf32, #tpu.memory_space<vmem>> -> memref<32x512xf32, #tpu.memory_space<vmem>>
    tpu.enqueue_dma source(%dma_start3A_1902 : memref<32x512xf32, #tpu.memory_space<vmem>>) target(%dma_start3A_1899 : memref<32x512xf32, #tpu.memory_space<hbm>>) target_semaphore(%arg18 : memref<!tpu.dma_semaphore, #tpu.memory_space<semaphore_mem>>)
    %dma_wait3A_1903 = arith.constant 49 : i32
    %dma_wait3A_1904 = arith.constant 0 : i32
    %dma_wait3A_1905 = tpu.memref_slice %arg5[%dma_wait3A_1903, %dma_wait3A_1904] : memref<50x32xi32, #tpu.memory_space<vmem>> -> memref<1x32xi32, #tpu.memory_space<vmem>>
    %dma_wait3A_1906 = tpu.memref_squeeze %dma_wait3A_1905 : memref<1x32xi32, #tpu.memory_space<vmem>> -> memref<32xi32, #tpu.memory_space<vmem>>
    %dma_wait3A_1907 = arith.constant 0 : i32
    %dma_wait3A_1908 = arith.constant 0 : i32
    %dma_wait3A_1909 = tpu.memref_slice %arg3[%dma_wait3A_1907, %dma_wait3A_1908] : memref<100000x512xf32, #tpu.memory_space<hbm>> -> memref<100000x512xf32, #tpu.memory_space<hbm>>
    tpu.wait_indirect_dma semaphore(%arg13 : memref<!tpu.dma_semaphore, #tpu.memory_space<semaphore_mem>>) src(%dma_wait3A_1909 : memref<100000x512xf32, #tpu.memory_space<hbm>>) dst(%arg7 : memref<32x512xf32, #tpu.memory_space<vmem>>)
    %dma_start3A_1910 = arith.constant 49 : i32
    %dma_start3A_1911 = arith.constant 0 : i32
    %dma_start3A_1912 = arith.constant 0 : i32
    %dma_start3A_1913 = tpu.memref_slice %arg7[%dma_start3A_1911, %dma_start3A_1912] : memref<32x512xf32, #tpu.memory_space<vmem>> -> memref<32x512xf32, #tpu.memory_space<vmem>>
    %dma_start3A_1914 = arith.constant 0 : i32
    %dma_start3A_1915 = tpu.memref_slice %arg4[%dma_start3A_1910, %mul3A_2, %dma_start3A_1914] : memref<50x1024x512xf32, #tpu.memory_space<hbm>> -> memref<1x32x512xf32, #tpu.memory_space<hbm>>
    %dma_start3A_1916 = tpu.memref_squeeze %dma_start3A_1915 : memref<1x32x512xf32, #tpu.memory_space<hbm>> -> memref<32x512xf32, #tpu.memory_space<hbm>>
    %dma_start3A_1917 = arith.constant 0 : i32
    %dma_start3A_1918 = tpu.memref_slice %arg4[%dma_start3A_1910, %mul3A_2, %dma_start3A_1917] : memref<50x1024x512xf32, #tpu.memory_space<hbm>> -> memref<1x32x512xf32, #tpu.memory_space<hbm>>
    %dma_start3A_1919 = tpu.memref_squeeze %dma_start3A_1918 : memref<1x32x512xf32, #tpu.memory_space<hbm>> -> memref<32x512xf32, #tpu.memory_space<hbm>>
    %dma_start3A_1920 = arith.constant 0 : i32
    %dma_start3A_1921 = arith.constant 0 : i32
    %dma_start3A_1922 = tpu.memref_slice %arg7[%dma_start3A_1920, %dma_start3A_1921] : memref<32x512xf32, #tpu.memory_space<vmem>> -> memref<32x512xf32, #tpu.memory_space<vmem>>
    tpu.enqueue_dma source(%dma_start3A_1922 : memref<32x512xf32, #tpu.memory_space<vmem>>) target(%dma_start3A_1919 : memref<32x512xf32, #tpu.memory_space<hbm>>) target_semaphore(%arg19 : memref<!tpu.dma_semaphore, #tpu.memory_space<semaphore_mem>>)
    %dma_wait3A_1923 = arith.constant 44 : i32
    %dma_wait3A_1924 = arith.constant 0 : i32
    %dma_wait3A_1925 = arith.constant 0 : i32
    %dma_wait3A_1926 = tpu.memref_slice %arg8[%dma_wait3A_1924, %dma_wait3A_1925] : memref<32x512xf32, #tpu.memory_space<vmem>> -> memref<32x512xf32, #tpu.memory_space<vmem>>
    %dma_wait3A_1927 = arith.constant 0 : i32
    %dma_wait3A_1928 = tpu.memref_slice %arg4[%dma_wait3A_1923, %mul3A_2, %dma_wait3A_1927] : memref<50x1024x512xf32, #tpu.memory_space<hbm>> -> memref<1x32x512xf32, #tpu.memory_space<hbm>>
    %dma_wait3A_1929 = tpu.memref_squeeze %dma_wait3A_1928 : memref<1x32x512xf32, #tpu.memory_space<hbm>> -> memref<32x512xf32, #tpu.memory_space<hbm>>
    %dma_wait3A_1930 = arith.constant 0 : i32
    %dma_wait3A_1931 = tpu.memref_slice %arg4[%dma_wait3A_1923, %mul3A_2, %dma_wait3A_1930] : memref<50x1024x512xf32, #tpu.memory_space<hbm>> -> memref<1x32x512xf32, #tpu.memory_space<hbm>>
    %dma_wait3A_1932 = tpu.memref_squeeze %dma_wait3A_1931 : memref<1x32x512xf32, #tpu.memory_space<hbm>> -> memref<32x512xf32, #tpu.memory_space<hbm>>
    %dma_wait3A_1933 = arith.constant 0 : i32
    %dma_wait3A_1934 = arith.constant 0 : i32
    %dma_wait3A_1935 = tpu.memref_slice %arg8[%dma_wait3A_1933, %dma_wait3A_1934] : memref<32x512xf32, #tpu.memory_space<vmem>> -> memref<32x512xf32, #tpu.memory_space<vmem>>
    tpu.wait_dma2 semaphore(%arg20 : memref<!tpu.dma_semaphore, #tpu.memory_space<semaphore_mem>>) src(%dma_wait3A_1935 : memref<32x512xf32, #tpu.memory_space<vmem>>) dst(%dma_wait3A_1932 : memref<32x512xf32, #tpu.memory_space<hbm>>)
    %dma_wait3A_1936 = arith.constant 45 : i32
    %dma_wait3A_1937 = arith.constant 0 : i32
    %dma_wait3A_1938 = arith.constant 0 : i32
    %dma_wait3A_1939 = tpu.memref_slice %arg9[%dma_wait3A_1937, %dma_wait3A_1938] : memref<32x512xf32, #tpu.memory_space<vmem>> -> memref<32x512xf32, #tpu.memory_space<vmem>>
    %dma_wait3A_1940 = arith.constant 0 : i32
    %dma_wait3A_1941 = tpu.memref_slice %arg4[%dma_wait3A_1936, %mul3A_2, %dma_wait3A_1940] : memref<50x1024x512xf32, #tpu.memory_space<hbm>> -> memref<1x32x512xf32, #tpu.memory_space<hbm>>
    %dma_wait3A_1942 = tpu.memref_squeeze %dma_wait3A_1941 : memref<1x32x512xf32, #tpu.memory_space<hbm>> -> memref<32x512xf32, #tpu.memory_space<hbm>>
    %dma_wait3A_1943 = arith.constant 0 : i32
    %dma_wait3A_1944 = tpu.memref_slice %arg4[%dma_wait3A_1936, %mul3A_2, %dma_wait3A_1943] : memref<50x1024x512xf32, #tpu.memory_space<hbm>> -> memref<1x32x512xf32, #tpu.memory_space<hbm>>
    %dma_wait3A_1945 = tpu.memref_squeeze %dma_wait3A_1944 : memref<1x32x512xf32, #tpu.memory_space<hbm>> -> memref<32x512xf32, #tpu.memory_space<hbm>>
    %dma_wait3A_1946 = arith.constant 0 : i32
    %dma_wait3A_1947 = arith.constant 0 : i32
    %dma_wait3A_1948 = tpu.memref_slice %arg9[%dma_wait3A_1946, %dma_wait3A_1947] : memref<32x512xf32, #tpu.memory_space<vmem>> -> memref<32x512xf32, #tpu.memory_space<vmem>>
    tpu.wait_dma2 semaphore(%arg21 : memref<!tpu.dma_semaphore, #tpu.memory_space<semaphore_mem>>) src(%dma_wait3A_1948 : memref<32x512xf32, #tpu.memory_space<vmem>>) dst(%dma_wait3A_1945 : memref<32x512xf32, #tpu.memory_space<hbm>>)
    %dma_wait3A_1949 = arith.constant 46 : i32
    %dma_wait3A_1950 = arith.constant 0 : i32
    %dma_wait3A_1951 = arith.constant 0 : i32
    %dma_wait3A_1952 = tpu.memref_slice %arg10[%dma_wait3A_1950, %dma_wait3A_1951] : memref<32x512xf32, #tpu.memory_space<vmem>> -> memref<32x512xf32, #tpu.memory_space<vmem>>
    %dma_wait3A_1953 = arith.constant 0 : i32
    %dma_wait3A_1954 = tpu.memref_slice %arg4[%dma_wait3A_1949, %mul3A_2, %dma_wait3A_1953] : memref<50x1024x512xf32, #tpu.memory_space<hbm>> -> memref<1x32x512xf32, #tpu.memory_space<hbm>>
    %dma_wait3A_1955 = tpu.memref_squeeze %dma_wait3A_1954 : memref<1x32x512xf32, #tpu.memory_space<hbm>> -> memref<32x512xf32, #tpu.memory_space<hbm>>
    %dma_wait3A_1956 = arith.constant 0 : i32
    %dma_wait3A_1957 = tpu.memref_slice %arg4[%dma_wait3A_1949, %mul3A_2, %dma_wait3A_1956] : memref<50x1024x512xf32, #tpu.memory_space<hbm>> -> memref<1x32x512xf32, #tpu.memory_space<hbm>>
    %dma_wait3A_1958 = tpu.memref_squeeze %dma_wait3A_1957 : memref<1x32x512xf32, #tpu.memory_space<hbm>> -> memref<32x512xf32, #tpu.memory_space<hbm>>
    %dma_wait3A_1959 = arith.constant 0 : i32
    %dma_wait3A_1960 = arith.constant 0 : i32
    %dma_wait3A_1961 = tpu.memref_slice %arg10[%dma_wait3A_1959, %dma_wait3A_1960] : memref<32x512xf32, #tpu.memory_space<vmem>> -> memref<32x512xf32, #tpu.memory_space<vmem>>
    tpu.wait_dma2 semaphore(%arg22 : memref<!tpu.dma_semaphore, #tpu.memory_space<semaphore_mem>>) src(%dma_wait3A_1961 : memref<32x512xf32, #tpu.memory_space<vmem>>) dst(%dma_wait3A_1958 : memref<32x512xf32, #tpu.memory_space<hbm>>)
    %dma_wait3A_1962 = arith.constant 47 : i32
    %dma_wait3A_1963 = arith.constant 0 : i32
    %dma_wait3A_1964 = arith.constant 0 : i32
    %dma_wait3A_1965 = tpu.memref_slice %arg11[%dma_wait3A_1963, %dma_wait3A_1964] : memref<32x512xf32, #tpu.memory_space<vmem>> -> memref<32x512xf32, #tpu.memory_space<vmem>>
    %dma_wait3A_1966 = arith.constant 0 : i32
    %dma_wait3A_1967 = tpu.memref_slice %arg4[%dma_wait3A_1962, %mul3A_2, %dma_wait3A_1966] : memref<50x1024x512xf32, #tpu.memory_space<hbm>> -> memref<1x32x512xf32, #tpu.memory_space<hbm>>
    %dma_wait3A_1968 = tpu.memref_squeeze %dma_wait3A_1967 : memref<1x32x512xf32, #tpu.memory_space<hbm>> -> memref<32x512xf32, #tpu.memory_space<hbm>>
    %dma_wait3A_1969 = arith.constant 0 : i32
    %dma_wait3A_1970 = tpu.memref_slice %arg4[%dma_wait3A_1962, %mul3A_2, %dma_wait3A_1969] : memref<50x1024x512xf32, #tpu.memory_space<hbm>> -> memref<1x32x512xf32, #tpu.memory_space<hbm>>
    %dma_wait3A_1971 = tpu.memref_squeeze %dma_wait3A_1970 : memref<1x32x512xf32, #tpu.memory_space<hbm>> -> memref<32x512xf32, #tpu.memory_space<hbm>>
    %dma_wait3A_1972 = arith.constant 0 : i32
    %dma_wait3A_1973 = arith.constant 0 : i32
    %dma_wait3A_1974 = tpu.memref_slice %arg11[%dma_wait3A_1972, %dma_wait3A_1973] : memref<32x512xf32, #tpu.memory_space<vmem>> -> memref<32x512xf32, #tpu.memory_space<vmem>>
    tpu.wait_dma2 semaphore(%arg23 : memref<!tpu.dma_semaphore, #tpu.memory_space<semaphore_mem>>) src(%dma_wait3A_1974 : memref<32x512xf32, #tpu.memory_space<vmem>>) dst(%dma_wait3A_1971 : memref<32x512xf32, #tpu.memory_space<hbm>>)
    %dma_wait3A_1975 = arith.constant 48 : i32
    %dma_wait3A_1976 = arith.constant 0 : i32
    %dma_wait3A_1977 = arith.constant 0 : i32
    %dma_wait3A_1978 = tpu.memref_slice %arg6[%dma_wait3A_1976, %dma_wait3A_1977] : memref<32x512xf32, #tpu.memory_space<vmem>> -> memref<32x512xf32, #tpu.memory_space<vmem>>
    %dma_wait3A_1979 = arith.constant 0 : i32
    %dma_wait3A_1980 = tpu.memref_slice %arg4[%dma_wait3A_1975, %mul3A_2, %dma_wait3A_1979] : memref<50x1024x512xf32, #tpu.memory_space<hbm>> -> memref<1x32x512xf32, #tpu.memory_space<hbm>>
    %dma_wait3A_1981 = tpu.memref_squeeze %dma_wait3A_1980 : memref<1x32x512xf32, #tpu.memory_space<hbm>> -> memref<32x512xf32, #tpu.memory_space<hbm>>
    %dma_wait3A_1982 = arith.constant 0 : i32
    %dma_wait3A_1983 = tpu.memref_slice %arg4[%dma_wait3A_1975, %mul3A_2, %dma_wait3A_1982] : memref<50x1024x512xf32, #tpu.memory_space<hbm>> -> memref<1x32x512xf32, #tpu.memory_space<hbm>>
    %dma_wait3A_1984 = tpu.memref_squeeze %dma_wait3A_1983 : memref<1x32x512xf32, #tpu.memory_space<hbm>> -> memref<32x512xf32, #tpu.memory_space<hbm>>
    %dma_wait3A_1985 = arith.constant 0 : i32
    %dma_wait3A_1986 = arith.constant 0 : i32
    %dma_wait3A_1987 = tpu.memref_slice %arg6[%dma_wait3A_1985, %dma_wait3A_1986] : memref<32x512xf32, #tpu.memory_space<vmem>> -> memref<32x512xf32, #tpu.memory_space<vmem>>
    tpu.wait_dma2 semaphore(%arg18 : memref<!tpu.dma_semaphore, #tpu.memory_space<semaphore_mem>>) src(%dma_wait3A_1987 : memref<32x512xf32, #tpu.memory_space<vmem>>) dst(%dma_wait3A_1984 : memref<32x512xf32, #tpu.memory_space<hbm>>)
    %dma_wait3A_1988 = arith.constant 49 : i32
    %dma_wait3A_1989 = arith.constant 0 : i32
    %dma_wait3A_1990 = arith.constant 0 : i32
    %dma_wait3A_1991 = tpu.memref_slice %arg7[%dma_wait3A_1989, %dma_wait3A_1990] : memref<32x512xf32, #tpu.memory_space<vmem>> -> memref<32x512xf32, #tpu.memory_space<vmem>>
    %dma_wait3A_1992 = arith.constant 0 : i32
    %dma_wait3A_1993 = tpu.memref_slice %arg4[%dma_wait3A_1988, %mul3A_2, %dma_wait3A_1992] : memref<50x1024x512xf32, #tpu.memory_space<hbm>> -> memref<1x32x512xf32, #tpu.memory_space<hbm>>
    %dma_wait3A_1994 = tpu.memref_squeeze %dma_wait3A_1993 : memref<1x32x512xf32, #tpu.memory_space<hbm>> -> memref<32x512xf32, #tpu.memory_space<hbm>>
    %dma_wait3A_1995 = arith.constant 0 : i32
    %dma_wait3A_1996 = tpu.memref_slice %arg4[%dma_wait3A_1988, %mul3A_2, %dma_wait3A_1995] : memref<50x1024x512xf32, #tpu.memory_space<hbm>> -> memref<1x32x512xf32, #tpu.memory_space<hbm>>
    %dma_wait3A_1997 = tpu.memref_squeeze %dma_wait3A_1996 : memref<1x32x512xf32, #tpu.memory_space<hbm>> -> memref<32x512xf32, #tpu.memory_space<hbm>>
    %dma_wait3A_1998 = arith.constant 0 : i32
    %dma_wait3A_1999 = arith.constant 0 : i32
    %dma_wait3A_2000 = tpu.memref_slice %arg7[%dma_wait3A_1998, %dma_wait3A_1999] : memref<32x512xf32, #tpu.memory_space<vmem>> -> memref<32x512xf32, #tpu.memory_space<vmem>>
    tpu.wait_dma2 semaphore(%arg19 : memref<!tpu.dma_semaphore, #tpu.memory_space<semaphore_mem>>) src(%dma_wait3A_2000 : memref<32x512xf32, #tpu.memory_space<vmem>>) dst(%dma_wait3A_1997 : memref<32x512xf32, #tpu.memory_space<hbm>>)
    return
  }
}

</mosaic_0001>

<sc_bundles>
// kernel: kernel.3.cloned.1.call-start
scs
__scs_entry_jumppad:
0x0: {  	(pc) =	sbr.rel $0x88, $3  }
0x1: {  	(tag) =	ssettag $0x0;
	lr =	simm.s32 $0x1  }
0x2: {  	[smem:$0x3F9F] =	sst lr;
	_ =	strace $0xD0000000  }
0x3: {  	_ = 	snop  }
0x4: {  	_ = 	snop  }
0x5: {  	_ = 	snop  }
0x6: {  	_ = 	snop  }
0x7: {  	_ = 	snop  }
__scs_overlays_trampoline_lowered:
0x8: {  	[smem:$0x3FAE] =	sst s0  }
0x9: {  	[smem:$0x3FAF] =	sst s1  }
0xa: {  	[smem:$0x3FB0] =	sst s2  }
0xb: {  	[smem:$0x3FB1] =	sst s3  }
0xc: {  	[smem:$0x3FB2] =	sst s4  }
0xd: {  	[smem:$0x3FB3] =	sst s5  }
0xe: {  	[smem:$0x3FB4] =	sst s6  }
0xf: {  	[smem:$0x3FB5] =	sst s7  }
0x10: {  	[smem:$0x3FB6] =	sst s8  }
0x11: {  	[smem:$0x3FB7] =	sst s9;
	s0 =	simm.s32 @!p0 $0x0  }
0x12: {  	s1 =	sld [smem:$0x3F9D];
	s0 =	simm.s32 @p0 $0x1  }
0x13: {  	[smem:$0x3FB8] =	sst s0;
	s0 =	simm.s32 @!p1 $0x0  }
0x14: {  	s2 =	sld [smem:$0x3F9C];
	s0 =	simm.s32 @p1 $0x1  }
0x15: {  	[smem:$0x3FB9] =	sst s0;
	s0 =	simm.s32 @!p2 $0x0  }
0x16: {  	s3 =	sld [smem:$0x3FDB];
	s0 =	simm.s32 @p2 $0x1  }
0x17: {  	s4 =	simm.s32 $0x1BF5;
	[smem:$0x3FBB] =	sst s0  }
0x18: {  	s0 =	sld [smem:$0x3F9E];
	_ =	swait.ge [sflag:s4], $0x0  }
0x19: {  	s7 =	sld [smem:$0x3F9F]  }
0x1a: {  	s8 =	sadd.s32 $0xFFFFE003, lr  }
0x1b: {  	s9 =	sadd.s32 $0xFFFFFEF7, lr;
	s5 =	simm.s32 $0xFFFFFFFF;
	p2 =	slt.u32 s8, $0xFFFFF086  }
0x1c: {  	p1 =	slt.u32 s9, $0xF7A;
	s5 =	simm.s32 @!p2 $0x0  }
0x1d: {  	s5 =	simm.s32 @p1 $0x1;
	p0 =	seq.s32 s7, s2  }
0x1e: {  	s7 =	smul.u32 @!p0 $0xF7A, s2;
	p2 =	seq.s32 @!p0 s5, $0x0  }
0x1f: {  	s9 =	smul.u32 $0xF7A, s1;
	s8 =	simm.s32 @!p0 $0x1BF5;
	p2 =	por !p2, p0  }
0x20: {  	[sflag:s8] =	ssyncset.s32 @!p0 $0xFFFFF086;
	s6 =	sadd.s32 @!p0 s3, s7;
	s7 =	simm.s32 @!p0 $0x108  }
0x21: {  	s3 =	sadd.s32 s3, s9;
	s6 =	sadd.s32 @!p0 $0x88, s6;
	s7 =	simm.s32 @p2 $0x1082  }
0x22: {  	[simem:s7], [sflag:s8] =	dma.local @!p0 [hbm:s6], $0xF7A  }
0x23: {  	s9 =	sor.u32 $0xD0000000, s2;
	s6 =	simm.s32 $0x108;
	_ =	swait.ge @!p0 [sflag:s8], $0x0  }
0x24: {  	s3 =	sadd.s32 $0x88, s3;
	s6 =	simm.s32 @!p1 $0x1082;
	[sflag:s4] =	ssyncset.s32 $0xFFFFF086  }
0x25: {  	[simem:s6], [sflag:s4] =	dma.local [hbm:s3], $0xF7A  }
0x26: {  	[smem:$0x3F9F] =	sst s1;
	(tag) =	ssettag s2;
	_ =	strace s9  }
0x27: {  	s1 =	sld [smem:$0x3FAF]  }
0x28: {  	s2 =	sld [smem:$0x3FB0]  }
0x29: {  	s4 =	sld [smem:$0x3FB2]  }
0x2a: {  	p0 =	seq.s32 s5, $0x0;
	s5 =	sld [smem:$0x3FB3]  }
0x2b: {  	s6 =	sld [smem:$0x3FB4]  }
0x2c: {  	s7 =	sld [smem:$0x3FB5]  }
0x2d: {  	s3 =	simm.s32 $0x108;
	s8 =	sld [smem:$0x3FB6]  }
0x2e: {  	s3 =	simm.s32 @!p0 $0x1082;
	s9 =	sld [smem:$0x3FB7]  }
0x2f: {  	lr =	sadd.s32 s0, s3;
	s0 =	sld [smem:$0x3FAE]  }
0x30: {  	s3 =	sld [smem:$0x3FB1]  }
0x31: {  	[smem:$0x3FBA] =	sst s10  }
0x32: {  	s10 =	sld [smem:$0x3FB8];
	_ =	sdelay $0x3  }
0x33: {  	p0 =	seq.s32 s10, $0x1;
	s10 =	sld [smem:$0x3FBA];
	_ =	sdelay $0x3  }
0x34: {  	[smem:$0x3FBA] =	sst s10  }
0x35: {  	s10 =	sld [smem:$0x3FB9];
	_ =	sdelay $0x3  }
0x36: {  	p1 =	seq.s32 s10, $0x1;
	s10 =	sld [smem:$0x3FBA];
	_ =	sdelay $0x3  }
0x37: {  	[smem:$0x3FBA] =	sst s10  }
0x38: {  	s10 =	sld [smem:$0x3FBB]  }
0x39: {  	_ = 	snop;
	(pc) =	sbr.ind lr, $3  }
0x3a: {  	_ = 	snop  }
0x3b: {  	_ = 	snop  }
0x3c: {  	p2 =	seq.s32 s10, $0x1;
	s10 =	sld [smem:$0x3FBA]  }
0x3d: {  	_ =	shalt  }
0x3e: {  	_ =	shalt  }
0x3f: {  	_ =	shalt  }
0x40: {  	_ =	shalt  }
0x41: {  	_ =	shalt  }
0x42: {  	_ =	shalt  }
0x43: {  	_ =	shalt  }
0x44: {  	_ =	shalt  }
0x45: {  	_ =	shalt  }
0x46: {  	_ =	shalt  }
0x47: {  	_ =	shalt  }
0x48: {  	_ =	shalt  }
0x49: {  	_ =	shalt  }
0x4a: {  	_ =	shalt  }
0x4b: {  	_ =	shalt  }
0x4c: {  	_ =	shalt  }
0x4d: {  	_ =	shalt  }
0x4e: {  	_ =	shalt  }
0x4f: {  	_ =	shalt  }
0x50: {  	_ =	shalt  }
0x51: {  	_ =	shalt  }
0x52: {  	_ =	shalt  }
0x53: {  	_ =	shalt  }
0x54: {  	_ =	shalt  }
0x55: {  	_ =	shalt  }
0x56: {  	_ =	shalt  }
0x57: {  	_ =	shalt  }
0x58: {  	_ =	shalt  }
0x59: {  	_ =	shalt  }
0x5a: {  	_ =	shalt  }
0x5b: {  	_ =	shalt  }
0x5c: {  	_ =	shalt  }
0x5d: {  	_ =	shalt  }
0x5e: {  	_ =	shalt  }
0x5f: {  	_ =	shalt  }
0x60: {  	_ =	shalt  }
0x61: {  	_ =	shalt  }
0x62: {  	_ =	shalt  }
0x63: {  	_ =	shalt  }
0x64: {  	_ =	shalt  }
0x65: {  	_ =	shalt  }
0x66: {  	_ =	shalt  }
0x67: {  	_ =	shalt  }
0x68: {  	_ =	shalt  }
0x69: {  	_ =	shalt  }
0x6a: {  	_ =	shalt  }
0x6b: {  	_ =	shalt  }
0x6c: {  	_ =	shalt  }
0x6d: {  	_ =	shalt  }
0x6e: {  	_ =	shalt  }
0x6f: {  	_ =	shalt  }
0x70: {  	_ =	shalt  }
0x71: {  	_ =	shalt  }
0x72: {  	_ =	shalt  }
0x73: {  	_ =	shalt  }
0x74: {  	_ =	shalt  }
0x75: {  	_ =	shalt  }
0x76: {  	_ =	shalt  }
0x77: {  	_ =	shalt  }
0x78: {  	_ =	shalt  }
0x79: {  	_ =	shalt  }
0x7a: {  	_ =	shalt  }
0x7b: {  	_ =	shalt  }
0x7c: {  	_ =	shalt  }
0x7d: {  	_ =	shalt  }
0x7e: {  	_ =	shalt  }
0x7f: {  	_ =	shalt  }
0x80: {  	_ =	shalt  }
0x81: {  	_ =	shalt  }
0x82: {  	_ =	shalt  }
0x83: {  	_ =	shalt  }
0x84: {  	_ =	shalt  }
0x85: {  	_ =	shalt  }
0x86: {  	_ =	shalt  }
0x87: {  	_ =	shalt  }
.Lfunc_end0:
.L_simem_size_0:
called_computation_lowered:
.L_overlay_start_0:
0x88: {  	s2 =	sld [smem:$0x3FD9]  }
0x89: {  	s3 =	sld [smem:$0x3FFE];
	_ =	sdelay $0x1  }
0x8a: {  	s1 =	srdreg.scid  }
0x8b: {  	s0 =	sand.u32 $0x1, s1  }
0x8c: {  	s17 =	sshll.u32 s0, $0xA;
	s2 =	sadd.s32 s3, s2  }
0x8d: {  	s2 =	sadd.s32 s2, s17  }
0x8e: {  	[smem:$0x3FC6] =	sst s2  }
0x8f: {  	_ = 	snop  }
0x90: {  	s2 =	sld [smem:$0x3FC8]  }
0x91: {  	s18 =	sld [smem:$0x3FD0];
	(tm) =	ssettm $0x1  }
0x92: {  	s4 =	sld [smem:$0x3FFB];
	_ =	sdelay $0x3  }
0x93: {  	_ =	strace s4  }
0x94: {  	s4 =	sld [smem:$0x3FFC];
	_ =	sdelay $0x3  }
0x95: {  	_ =	strace s4  }
0x96: {  	s4 =	sld [smem:$0x3FFD];
	_ =	sdelay $0x3  }
0x97: {  	_ =	strace s4  }
0x98: {  	_ =	strace $0x8FFFFFFF  }
0x99: {  	s19 =	sld [smem:$0x3FDB];
	_ =	sdelay $0x1  }
0x9a: {  	s5 =	simm.s32 $_scs_section_size  }
0x9b: {  	s6 =	simm.s32 $_size__tile_overlayer_lowered;
	s7 =	simm.s32 $_tile_overlayer_lowered  }
0x9c: {  	s22 =	simm.s32 $0x1BFF;
	s21 =	sshll.u32 s7, $0x1;
	s4 =	sadd.s32 s5, s19  }
0x9d: {  	s8 =	simm.s32 $0x0;
	s20 =	sshll.u32 s6, $0x1;
	s6 =	sadd.s32 s21, s4  }
0x9e: {  	[timem:s8], [sflag:s22] =	dma.local [hbm:s6], s20  }
0x9f: {  	_ =	swait.ge [sflag:s22], s20  }
0xa0: {  	s5 =	ssub.s32 $0x0, s20;
	[sflag:s22] =	ssyncset.done $0x0  }
0xa1: {  	[sflag:s22] =	ssyncadd.s32 s5;
	_ =	sdelay $0x1  }
0xa2: {  	s23 =	simm.s32 $0x1B8B  }
0xa3: {  	_ =	swait.ge [sflag:s23], $0x1  }
0xa4: {  	[sflag:s23] =	ssyncset.done $0x0  }
0xa5: {  	s25 =	simm.s32 $0x1B8E;
	s24 =	sld [smem:$0x3FFE];
	[sflag:s23] =	ssyncadd.s32 $0xFFFFFFFF  }
0xa6: {  	s26 =	simm.s32 $execute0_lowered;
	[smem:$0x3FD2] =	sst s25  }
0xa7: {  	s6 =	sshll.u32 s26, $0x1;
	_ =	strace $0x80000046;
	[dreg:$0x1] =	wrdreg $0xFFFFFFFF  }
0xa8: {  	s28 =	simm.s32 $_size_execute0_lowered;
	s4 =	sadd.s32 s4, s6;
	[dreg:$0x0] =	wrdreg $0x0  }
0xa9: {  	s6 =	sshll.u32 s28, $0x1;
	[dreg:$0x2] =	wrdreg s4  }
0xaa: {  	[dreg:$0x3] =	wrdreg s6  }
0xab: {  	[dreg:$0x4] =	wrdreg $0xC0  }
0xac: {  	_ =	task [dreg:s8], $0x5FFFF  }
0xad: {  	[dreg:$0x1] =	wrdreg $0xFFFFFFFF  }
0xae: {  	[dreg:$0x0] =	wrdreg $0x60  }
0xaf: {  	[dreg:$0x2] =	wrdreg s24  }
0xb0: {  	[dreg:$0x3] =	wrdreg s2  }
0xb1: {  	[dreg:$0x4] =	wrdreg s18  }
0xb2: {  	[dreg:$0x5] =	wrdreg $0x9  }
0xb3: {  	_ =	task.clear_ibuf [dreg:s8], $0x6FFFF;
	_ =	strace $0x90000046  }
0xb4: {  	s29 =	simm.s32 $0x9;
	_ =	strace $0x80000048  }
0xb5: {  	_ =	swait.ge [sflag:s29], $0x1  }
0xb6: {  	[sflag:s29] =	ssyncadd.s32 $0xFFFFFFFF  }
0xb7: {  	_ =	strace $0x90000048  }
0xb8: {  	_ =	sfence  }
0xb9: {  	s30 =	sld [smem:$0x0];
	_ =	sdelay $0x2  }
0xba: {  	s31 =	sshll.u32 s1, $0xD;
	s1 =	sshrl.u32 s1, $0x2  }
0xbb: {  	s3 =	sand.u32 $0x4000, s31;
	s1 =	sadd.s32 s1, s30  }
0xbc: {  	s0 =	sor.u32 s3, s0;
	s1 =	sshll.u32 s1, $0x11  }
0xbd: {  	s0 =	sor.u32 s1, s0  }
0xbe: {  	s0 =	sadd.s32 $0x8F2B, s0  }
0xbf: {  	[sflag:s0] =	ssyncadd.remote.s32 $0x1  }
0xc0: {  	_ =	sfence.sel $0xFFFF  }
0xc1: {  	[dreg:$0x0] =	wrdreg $0xFFFFFFFF;
	(pc) =	sbr.abs _section_cstart, $3  }
0xc2: {  	[dreg:$0x1] =	wrdreg $0xFFFFFFFF  }
0xc3: {  	_ =	task.clear_ibuf [dreg:s8], $0x2FFFF;
	_ =	strace $0x9FFFFFFF  }
0xc4: {  	(tm) =	ssettm $0x7FFFFFFF  }
0xc5: {  	_ =	shalt  }
tec
execute0_lowered:
.L_overlay_start_1:
0x0: {  	(tag) =	ssettag $0x1  }
0x1: {  	s0 =	srdreg.scid;
	s2 =	stileid.u32  }
0x2: {  	s0 =	sand.u32 $0x1, s0;
	s3 =	sshll.u32 s2, $0x1  }
0x3: {  	s1 =	rddreg [dreg:$0x0];
	s4 =	sor.u32 s0, s3  }
0x4: {  	s5 =	rddreg [dreg:$0x2];
	s6 =	smul.u32 $0x380, s4  }
0x5: {  	s2 =	rddreg [dreg:$0x1];
	s3 =	simm.s32 $0x0;
	s4 =	sshll.u32 s4, $0xB  }
0x6: {  	[smem:$0x7FF] =	sst s3;
	s1 =	sadd.s32 s6, s1;
	s6 =	sadd.s32 s5, s4  }
0x7: {  	_ =	strace $0x80000047;
	s1 =	sadd.s32 $0x400, s1;
	[smem:$0x7FC] =	sst s6  }
0x8: {  	s21 =	sadd.s32 $0x10000, s6;
	[dreg:$0x4] =	wrdreg s1  }
0x9: {  	s22 =	sadd.s32 $0x20000, s6;
	[dreg:$0x5] =	wrdreg s21  }
0xa: {  	s23 =	sadd.s32 $0x30000, s6;
	[dreg:$0x6] =	wrdreg s22  }
0xb: {  	s24 =	sadd.s32 $0x40000, s6;
	[dreg:$0x7] =	wrdreg s23  }
0xc: {  	s25 =	sadd.s32 $0x50000, s6;
	[dreg:$0x8] =	wrdreg s24  }
0xd: {  	s26 =	sadd.s32 $0x60000, s6;
	[dreg:$0x9] =	wrdreg s25  }
0xe: {  	s4 =	sadd.s32 $0x70000, s6;
	[dreg:$0xa] =	wrdreg s26  }
0xf: {  	s5 =	sadd.s32 $0x80000, s6;
	[dreg:$0xb] =	wrdreg s4  }
0x10: {  	s7 =	sadd.s32 $0x90000, s6;
	[dreg:$0xc] =	wrdreg s5  }
0x11: {  	s8 =	sadd.s32 $0xA0000, s6;
	[dreg:$0xd] =	wrdreg s7  }
0x12: {  	s9 =	sadd.s32 $0xB0000, s6;
	[dreg:$0xe] =	wrdreg s8  }
0x13: {  	s10 =	sadd.s32 $0xC0000, s6;
	[dreg:$0xf] =	wrdreg s9  }
0x14: {  	s11 =	sadd.s32 $0xD0000, s6;
	[dreg:$0x10] =	wrdreg s10  }
0x15: {  	s12 =	sadd.s32 $0xE0000, s6;
	[dreg:$0x11] =	wrdreg s11  }
0x16: {  	s13 =	sadd.s32 $0xF0000, s6;
	[dreg:$0x12] =	wrdreg s12  }
0x17: {  	s14 =	sadd.s32 $0x100000, s6;
	[dreg:$0x13] =	wrdreg s13  }
0x18: {  	s15 =	sadd.s32 $0x110000, s6;
	[dreg:$0x14] =	wrdreg s14  }
0x19: {  	s16 =	sadd.s32 $0x120000, s6;
	[dreg:$0x15] =	wrdreg s15  }
0x1a: {  	s17 =	sadd.s32 $0x130000, s6;
	[dreg:$0x16] =	wrdreg s16  }
0x1b: {  	s18 =	sadd.s32 $0x140000, s6;
	[dreg:$0x17] =	wrdreg s17  }
0x1c: {  	s19 =	sadd.s32 $0x150000, s6;
	[dreg:$0x18] =	wrdreg s18  }
0x1d: {  	s20 =	sadd.s32 $0x160000, s6;
	[dreg:$0x19] =	wrdreg s19  }
0x1e: {  	[dreg:$0x1a] =	wrdreg s20;
	s21 =	sadd.s32 $0x170000, s6  }
0x1f: {  	s22 =	sadd.s32 $0x180000, s6;
	[dreg:$0x1b] =	wrdreg s21  }
0x20: {  	s23 =	sadd.s32 $0x190000, s6;
	[dreg:$0x1c] =	wrdreg s22  }
0x21: {  	s24 =	sadd.s32 $0x1A0000, s6;
	[dreg:$0x1d] =	wrdreg s23  }
0x22: {  	s25 =	sadd.s32 $0x1B0000, s6;
	[dreg:$0x1e] =	wrdreg s24  }
0x23: {  	s26 =	sadd.s32 $0x1C0000, s6;
	[dreg:$0x1f] =	wrdreg s25  }
0x24: {  	s4 =	sadd.s32 $0x1D0000, s6;
	[smem:$0x7E7] =	sst s26  }
0x25: {  	s5 =	sadd.s32 $0x1E0000, s6;
	[smem:$0x7E8] =	sst s4  }
0x26: {  	s7 =	sadd.s32 $0x1F0000, s6;
	[smem:$0x7E9] =	sst s5  }
0x27: {  	s8 =	sadd.s32 $0x200000, s6;
	[smem:$0x7EA] =	sst s7  }
0x28: {  	s9 =	sadd.s32 $0x210000, s6;
	[smem:$0x7EB] =	sst s8  }
0x29: {  	s10 =	sadd.s32 $0x220000, s6;
	[smem:$0x7EC] =	sst s9  }
0x2a: {  	s11 =	sadd.s32 $0x230000, s6;
	[smem:$0x7ED] =	sst s10  }
0x2b: {  	s12 =	sadd.s32 $0x240000, s6;
	[smem:$0x7EE] =	sst s11  }
0x2c: {  	s13 =	sadd.s32 $0x250000, s6;
	[smem:$0x7EF] =	sst s12  }
0x2d: {  	s14 =	sadd.s32 $0x260000, s6;
	[smem:$0x7F0] =	sst s13  }
0x2e: {  	s15 =	sadd.s32 $0x270000, s6;
	[smem:$0x7F1] =	sst s14  }
0x2f: {  	s16 =	sadd.s32 $0x280000, s6;
	[smem:$0x7F2] =	sst s15  }
0x30: {  	s28 =	simm.s32 $0x9;
	s17 =	sadd.s32 $0x290000, s6;
	[smem:$0x7F3] =	sst s16  }
0x31: {  	s29 =	simm.s32 $0x4;
	s18 =	sadd.s32 $0x2A0000, s6;
	[smem:$0x7F4] =	sst s17  }
0x32: {  	s31 =	simm.s32 $0xDC00;
	s19 =	sadd.s32 $0x2B0000, s6;
	[smem:$0x7F5] =	sst s18  }
0x33: {  	s30 =	simm.s32 $0x11C00;
	s20 =	sadd.s32 $0x2C0000, s6;
	[smem:$0x7F6] =	sst s19  }
0x34: {  	s0 =	ssub.s32 $0x2, s0;
	s1 =	simm.s32 $0x1;
	[smem:$0x7F7] =	sst s20  }
0x35: {  	s21 =	sadd.s32 $0x2D0000, s6;
	s22 =	sadd.s32 $0x2E0000, s6;
	s23 =	sshrl.u32 s0, $0x1  }
0x36: {  	s24 =	sadd.s32 $0x2F0000, s6;
	s25 =	sadd.s32 $0x300000, s6;
	s5 =	sadd.s32 $0x100, s2  }
0x37: {  	s26 =	sadd.s32 $0x310000, s6;
	s7 =	simm.s32 $0x7;
	s4 =	simm.s32 $0x2  }
0x38: {  	s9 =	simm.s32 $0xA;
	s10 =	simm.s32 $0x5;
	[smem:$0x7F8] =	sst s21  }
0x39: {  	s11 =	simm.s32 $0xB;
	s12 =	simm.s32 $0x6;
	[smem:$0x7F9] =	sst s22  }
0x3a: {  	s13 =	simm.s32 $0xC;
	s16 =	simm.s32 $0x1C00;
	[smem:$0x7FA] =	sst s24  }
0x3b: {  	v2 =	vlaneseq.u32;
	s8 =	simm.s32 $0x5C00;
	s17 =	simm.s32 $0x9C00;
	[smem:$0x7FB] =	sst s25  }
0x3c: {  	vm0 =	vmmov $0xffff;
	v1 =	vshrl.u32 v2, $0x3;
	s15 =	simm.s32 $0x15C00;
	s0 =	ssub.s32 s0, s23;
	[smem:$0x7FD] =	sst s26  }
0x3d: {  	v0 =	vand.u32 $0x7, v2;
	v2 =	vor.u32 $0x8, v2;
	v1 =	vmul.u32 $0x8, v1;
	s25 =	simm.s32 $0x8;
	s26 =	simm.s32 $0x3;
	s6 =	smax.u32 s0, $0x1  }
.LBB2_1:
0x3e: {  	[smem:$0x7E6] =	sst s6  }
0x3f: {  	s14 =	rddreg [dreg:$0x4];
	s23 =	simm.s32 $0xD  }
0x40: {  	[tilespmem:s3], [sflag:$0xD] =	stream.linear.gather [hbm4b:s14+s3], $0x1900, $0x38;
	[tilespmem:$0x19C00] =	vst v63  }
0x41: {  	_ =	swait.ge [sflag:s23], $0x1900  }
0x42: {  	[sflag:s23] =	ssyncset.done $0x0  }
0x43: {  	[sflag:s23] =	ssyncadd.s32 $0xFFFFE700  }
0x44: {  	v3 =	vld [tilespmem:$0x0];
	_ =	sdelay $0x4  }
0x45: {  	v4 =	vshll.u32 v3, $0x2  }
0x46: {  	v3 =	vand.u32 $0x7, v3;
	v4 =	vand.u32 $0xFFFFFFE0, v4  }
0x47: {  	v3 =	vor.u32 v3, v4  }
0x48: {  	v4 =	vperm.xlane v3, v0;
	_ =	sdelay $0x1  }
0x49: {  	v4 =	vadd.s32 v1, v4;
	_ =	sdelay $0x1  }
0x4a: {  	v3 =	vperm.xlane v3, v2;
	_ =	sdelay $0x1  }
0x4b: {  	v3 =	vadd.s32 v1, v3  }
0x4c: {  	[tilespmem:s16], [sflag:$0x1] =	stream.indirect_vreg.gather [hbm4b:s2+s3], $0x80, v4, vm0, $0xb8;
	[tilespmem:$0x19C00] =	vst v63  }
0x4d: {  	s24 =	simm.s32 $0x2400  }
0x4e: {  	[tilespmem:s24], [sflag:$0x1] =	stream.indirect_vreg.gather [hbm4b:s5+s3], $0x80, v4, vm0, $0xb8;
	[tilespmem:$0x19C00] =	vst v63  }
0x4f: {  	s0 =	simm.s32 $0x2C00  }
0x50: {  	[tilespmem:s0], [sflag:$0x1] =	stream.indirect_vreg.gather [hbm4b:s2+s3], $0x80, v3, vm0, $0xb8;
	[tilespmem:$0x19C00] =	vst v63  }
0x51: {  	s14 =	simm.s32 $0x3400  }
0x52: {  	[tilespmem:s14], [sflag:$0x1] =	stream.indirect_vreg.gather [hbm4b:s5+s3], $0x80, v3, vm0, $0xb8;
	[tilespmem:$0x19C00] =	vst v63  }
0x53: {  	v3 =	vld [tilespmem:$0x10];
	_ =	sdelay $0x4  }
0x54: {  	v21 =	vshll.u32 v3, $0x2  }
0x55: {  	v3 =	vand.u32 $0x7, v3;
	v4 =	vand.u32 $0xFFFFFFE0, v21  }
0x56: {  	v3 =	vor.u32 v3, v4  }
0x57: {  	v4 =	vperm.xlane v3, v0;
	_ =	sdelay $0x1  }
0x58: {  	v4 =	vadd.s32 v1, v4;
	_ =	sdelay $0x1  }
0x59: {  	v3 =	vperm.xlane v3, v2;
	_ =	sdelay $0x1  }
0x5a: {  	s18 =	simm.s32 $0x3C00;
	v3 =	vadd.s32 v1, v3  }
0x5b: {  	[tilespmem:s18], [sflag:$0x1] =	stream.indirect_vreg.gather [hbm4b:s2+s3], $0x80, v4, vm0, $0xb8;
	[tilespmem:$0x19C00] =	vst v63  }
0x5c: {  	s19 =	simm.s32 $0x4400  }
0x5d: {  	[tilespmem:s19], [sflag:$0x1] =	stream.indirect_vreg.gather [hbm4b:s5+s3], $0x80, v4, vm0, $0xb8;
	[tilespmem:$0x19C00] =	vst v63  }
0x5e: {  	s20 =	simm.s32 $0x4C00  }
0x5f: {  	[tilespmem:s20], [sflag:$0x1] =	stream.indirect_vreg.gather [hbm4b:s2+s3], $0x80, v3, vm0, $0xb8;
	[tilespmem:$0x19C00] =	vst v63  }
0x60: {  	s23 =	simm.s32 $0x5400  }
0x61: {  	[tilespmem:s23], [sflag:$0x1] =	stream.indirect_vreg.gather [hbm4b:s5+s3], $0x80, v3, vm0, $0xb8;
	[tilespmem:$0x19C00] =	vst v63  }
0x62: {  	v3 =	vld [tilespmem:$0x80];
	_ =	sdelay $0x4  }
0x63: {  	v22 =	vshll.u32 v3, $0x2  }
0x64: {  	v3 =	vand.u32 $0x7, v3;
	v4 =	vand.u32 $0xFFFFFFE0, v22  }
0x65: {  	v3 =	vor.u32 v3, v4  }
0x66: {  	v4 =	vperm.xlane v3, v0;
	_ =	sdelay $0x1  }
0x67: {  	v4 =	vadd.s32 v1, v4;
	_ =	sdelay $0x1  }
0x68: {  	v3 =	vperm.xlane v3, v2;
	_ =	sdelay $0x1  }
0x69: {  	v3 =	vadd.s32 v1, v3  }
0x6a: {  	[tilespmem:s8], [sflag:$0x2] =	stream.indirect_vreg.gather [hbm4b:s2+s3], $0x80, v4, vm0, $0xb8;
	[tilespmem:$0x19C00] =	vst v63  }
0x6b: {  	s24 =	simm.s32 $0x6400  }
0x6c: {  	[tilespmem:s24], [sflag:$0x2] =	stream.indirect_vreg.gather [hbm4b:s5+s3], $0x80, v4, vm0, $0xb8;
	[tilespmem:$0x19C00] =	vst v63  }
0x6d: {  	s18 =	simm.s32 $0x6C00  }
0x6e: {  	[tilespmem:s18], [sflag:$0x2] =	stream.indirect_vreg.gather [hbm4b:s2+s3], $0x80, v3, vm0, $0xb8;
	[tilespmem:$0x19C00] =	vst v63  }
0x6f: {  	s19 =	simm.s32 $0x7400  }
0x70: {  	[tilespmem:s19], [sflag:$0x2] =	stream.indirect_vreg.gather [hbm4b:s5+s3], $0x80, v3, vm0, $0xb8;
	[tilespmem:$0x19C00] =	vst v63  }
0x71: {  	v3 =	vld [tilespmem:$0x90];
	_ =	sdelay $0x4  }
0x72: {  	v23 =	vshll.u32 v3, $0x2  }
0x73: {  	v3 =	vand.u32 $0x7, v3;
	v4 =	vand.u32 $0xFFFFFFE0, v23  }
0x74: {  	v3 =	vor.u32 v3, v4  }
0x75: {  	v4 =	vperm.xlane v3, v0;
	_ =	sdelay $0x1  }
0x76: {  	v4 =	vadd.s32 v1, v4;
	_ =	sdelay $0x1  }
0x77: {  	v3 =	vperm.xlane v3, v2;
	_ =	sdelay $0x1  }
0x78: {  	s20 =	simm.s32 $0x7C00;
	v3 =	vadd.s32 v1, v3  }
0x79: {  	[tilespmem:s20], [sflag:$0x2] =	stream.indirect_vreg.gather [hbm4b:s2+s3], $0x80, v4, vm0, $0xb8;
	[tilespmem:$0x19C00] =	vst v63  }
0x7a: {  	s24 =	simm.s32 $0x8400  }
0x7b: {  	[tilespmem:s24], [sflag:$0x2] =	stream.indirect_vreg.gather [hbm4b:s5+s3], $0x80, v4, vm0, $0xb8;
	[tilespmem:$0x19C00] =	vst v63  }
0x7c: {  	s18 =	simm.s32 $0x8C00  }
0x7d: {  	[tilespmem:s18], [sflag:$0x2] =	stream.indirect_vreg.gather [hbm4b:s2+s3], $0x80, v3, vm0, $0xb8;
	[tilespmem:$0x19C00] =	vst v63  }
0x7e: {  	s20 =	simm.s32 $0x9400  }
0x7f: {  	[tilespmem:s20], [sflag:$0x2] =	stream.indirect_vreg.gather [hbm4b:s5+s3], $0x80, v3, vm0, $0xb8;
	[tilespmem:$0x19C00] =	vst v63  }
0x80: {  	v3 =	vld [tilespmem:$0x100];
	_ =	sdelay $0x4  }
0x81: {  	v24 =	vshll.u32 v3, $0x2  }
0x82: {  	v3 =	vand.u32 $0x7, v3;
	v4 =	vand.u32 $0xFFFFFFE0, v24  }
0x83: {  	v3 =	vor.u32 v3, v4  }
0x84: {  	v4 =	vperm.xlane v3, v0;
	_ =	sdelay $0x1  }
0x85: {  	v4 =	vadd.s32 v1, v4;
	_ =	sdelay $0x1  }
0x86: {  	v3 =	vperm.xlane v3, v2;
	_ =	sdelay $0x1  }
0x87: {  	v3 =	vadd.s32 v1, v3  }
0x88: {  	[tilespmem:s17], [sflag:$0x3] =	stream.indirect_vreg.gather [hbm4b:s2+s3], $0x80, v4, vm0, $0xb8;
	[tilespmem:$0x19C00] =	vst v63  }
0x89: {  	s24 =	simm.s32 $0xA400  }
0x8a: {  	[tilespmem:s24], [sflag:$0x3] =	stream.indirect_vreg.gather [hbm4b:s5+s3], $0x80, v4, vm0, $0xb8;
	[tilespmem:$0x19C00] =	vst v63  }
0x8b: {  	s24 =	simm.s32 $0xAC00  }
0x8c: {  	[tilespmem:s24], [sflag:$0x3] =	stream.indirect_vreg.gather [hbm4b:s2+s3], $0x80, v3, vm0, $0xb8;
	[tilespmem:$0x19C00] =	vst v63  }
0x8d: {  	s24 =	simm.s32 $0xB400  }
0x8e: {  	[tilespmem:s24], [sflag:$0x3] =	stream.indirect_vreg.gather [hbm4b:s5+s3], $0x80, v3, vm0, $0xb8;
	[tilespmem:$0x19C00] =	vst v63  }
0x8f: {  	v3 =	vld [tilespmem:$0x110];
	_ =	sdelay $0x4  }
0x90: {  	v25 =	vshll.u32 v3, $0x2  }
0x91: {  	v3 =	vand.u32 $0x7, v3;
	v4 =	vand.u32 $0xFFFFFFE0, v25  }
0x92: {  	v3 =	vor.u32 v3, v4  }
0x93: {  	v4 =	vperm.xlane v3, v0;
	_ =	sdelay $0x1  }
0x94: {  	v4 =	vadd.s32 v1, v4;
	_ =	sdelay $0x1  }
0x95: {  	v3 =	vperm.xlane v3, v2;
	_ =	sdelay $0x1  }
0x96: {  	s24 =	simm.s32 $0xBC00;
	v3 =	vadd.s32 v1, v3  }
0x97: {  	[tilespmem:s24], [sflag:$0x3] =	stream.indirect_vreg.gather [hbm4b:s2+s3], $0x80, v4, vm0, $0xb8;
	[tilespmem:$0x19C00] =	vst v63  }
0x98: {  	s24 =	simm.s32 $0xC400  }
0x99: {  	[tilespmem:s24], [sflag:$0x3] =	stream.indirect_vreg.gather [hbm4b:s5+s3], $0x80, v4, vm0, $0xb8;
	[tilespmem:$0x19C00] =	vst v63  }
0x9a: {  	s24 =	simm.s32 $0xCC00  }
0x9b: {  	[tilespmem:s24], [sflag:$0x3] =	stream.indirect_vreg.gather [hbm4b:s2+s3], $0x80, v3, vm0, $0xb8;
	[tilespmem:$0x19C00] =	vst v63  }
0x9c: {  	s24 =	simm.s32 $0xD400  }
0x9d: {  	[tilespmem:s24], [sflag:$0x3] =	stream.indirect_vreg.gather [hbm4b:s5+s3], $0x80, v3, vm0, $0xb8;
	[tilespmem:$0x19C00] =	vst v63  }
0x9e: {  	v3 =	vld [tilespmem:$0x180];
	_ =	sdelay $0x4  }
0x9f: {  	v26 =	vshll.u32 v3, $0x2  }
0xa0: {  	v3 =	vand.u32 $0x7, v3;
	v4 =	vand.u32 $0xFFFFFFE0, v26  }
0xa1: {  	v3 =	vor.u32 v3, v4  }
0xa2: {  	v4 =	vperm.xlane v3, v0;
	_ =	sdelay $0x1  }
0xa3: {  	v4 =	vadd.s32 v1, v4;
	_ =	sdelay $0x1  }
0xa4: {  	v3 =	vperm.xlane v3, v2;
	_ =	sdelay $0x1  }
0xa5: {  	v3 =	vadd.s32 v1, v3  }
0xa6: {  	[tilespmem:s31], [sflag:$0x4] =	stream.indirect_vreg.gather [hbm4b:s2+s3], $0x80, v4, vm0, $0xb8;
	[tilespmem:$0x19C00] =	vst v63  }
0xa7: {  	s24 =	simm.s32 $0xE400  }
0xa8: {  	[tilespmem:s24], [sflag:$0x4] =	stream.indirect_vreg.gather [hbm4b:s5+s3], $0x80, v4, vm0, $0xb8;
	[tilespmem:$0x19C00] =	vst v63  }
0xa9: {  	s24 =	simm.s32 $0xEC00  }
0xaa: {  	[tilespmem:s24], [sflag:$0x4] =	stream.indirect_vreg.gather [hbm4b:s2+s3], $0x80, v3, vm0, $0xb8;
	[tilespmem:$0x19C00] =	vst v63  }
0xab: {  	s24 =	simm.s32 $0xF400  }
0xac: {  	[tilespmem:s24], [sflag:$0x4] =	stream.indirect_vreg.gather [hbm4b:s5+s3], $0x80, v3, vm0, $0xb8;
	[tilespmem:$0x19C00] =	vst v63  }
0xad: {  	v3 =	vld [tilespmem:$0x190];
	_ =	sdelay $0x4  }
0xae: {  	v27 =	vshll.u32 v3, $0x2  }
0xaf: {  	v3 =	vand.u32 $0x7, v3;
	v4 =	vand.u32 $0xFFFFFFE0, v27  }
0xb0: {  	v3 =	vor.u32 v3, v4  }
0xb1: {  	v4 =	vperm.xlane v3, v0;
	_ =	sdelay $0x1  }
0xb2: {  	v4 =	vadd.s32 v1, v4;
	_ =	sdelay $0x1  }
0xb3: {  	v3 =	vperm.xlane v3, v2;
	_ =	sdelay $0x1  }
0xb4: {  	s24 =	simm.s32 $0xFC00;
	v3 =	vadd.s32 v1, v3  }
0xb5: {  	[tilespmem:s24], [sflag:$0x4] =	stream.indirect_vreg.gather [hbm4b:s2+s3], $0x80, v4, vm0, $0xb8;
	[tilespmem:$0x19C00] =	vst v63  }
0xb6: {  	s24 =	simm.s32 $0x10400  }
0xb7: {  	[tilespmem:s24], [sflag:$0x4] =	stream.indirect_vreg.gather [hbm4b:s5+s3], $0x80, v4, vm0, $0xb8;
	[tilespmem:$0x19C00] =	vst v63  }
0xb8: {  	s24 =	simm.s32 $0x10C00  }
0xb9: {  	[tilespmem:s24], [sflag:$0x4] =	stream.indirect_vreg.gather [hbm4b:s2+s3], $0x80, v3, vm0, $0xb8;
	[tilespmem:$0x19C00] =	vst v63  }
0xba: {  	s24 =	simm.s32 $0x11400  }
0xbb: {  	[tilespmem:s24], [sflag:$0x4] =	stream.indirect_vreg.gather [hbm4b:s5+s3], $0x80, v3, vm0, $0xb8;
	[tilespmem:$0x19C00] =	vst v63  }
0xbc: {  	v3 =	vld [tilespmem:$0x200];
	_ =	sdelay $0x4  }
0xbd: {  	v28 =	vshll.u32 v3, $0x2  }
0xbe: {  	v3 =	vand.u32 $0x7, v3;
	v4 =	vand.u32 $0xFFFFFFE0, v28  }
0xbf: {  	v3 =	vor.u32 v3, v4  }
0xc0: {  	v4 =	vperm.xlane v3, v0;
	_ =	sdelay $0x1  }
0xc1: {  	v4 =	vadd.s32 v1, v4;
	_ =	sdelay $0x1  }
0xc2: {  	v3 =	vperm.xlane v3, v2;
	_ =	sdelay $0x1  }
0xc3: {  	v3 =	vadd.s32 v1, v3  }
0xc4: {  	[tilespmem:s30], [sflag:$0x5] =	stream.indirect_vreg.gather [hbm4b:s2+s3], $0x80, v4, vm0, $0xb8;
	[tilespmem:$0x19C00] =	vst v63  }
0xc5: {  	s24 =	simm.s32 $0x12400  }
0xc6: {  	[tilespmem:s24], [sflag:$0x5] =	stream.indirect_vreg.gather [hbm4b:s5+s3], $0x80, v4, vm0, $0xb8;
	[tilespmem:$0x19C00] =	vst v63  }
0xc7: {  	s24 =	simm.s32 $0x12C00  }
0xc8: {  	[tilespmem:s24], [sflag:$0x5] =	stream.indirect_vreg.gather [hbm4b:s2+s3], $0x80, v3, vm0, $0xb8;
	[tilespmem:$0x19C00] =	vst v63  }
0xc9: {  	s24 =	simm.s32 $0x13400  }
0xca: {  	[tilespmem:s24], [sflag:$0x5] =	stream.indirect_vreg.gather [hbm4b:s5+s3], $0x80, v3, vm0, $0xb8;
	[tilespmem:$0x19C00] =	vst v63  }
0xcb: {  	v3 =	vld [tilespmem:$0x210];
	_ =	sdelay $0x4  }
0xcc: {  	v29 =	vshll.u32 v3, $0x2  }
0xcd: {  	v3 =	vand.u32 $0x7, v3;
	v4 =	vand.u32 $0xFFFFFFE0, v29  }
0xce: {  	v3 =	vor.u32 v3, v4  }
0xcf: {  	v4 =	vperm.xlane v3, v0;
	_ =	sdelay $0x1  }
0xd0: {  	v4 =	vadd.s32 v1, v4;
	_ =	sdelay $0x1  }
0xd1: {  	v3 =	vperm.xlane v3, v2;
	_ =	sdelay $0x1  }
0xd2: {  	s24 =	simm.s32 $0x13C00;
	v3 =	vadd.s32 v1, v3  }
0xd3: {  	[tilespmem:s24], [sflag:$0x5] =	stream.indirect_vreg.gather [hbm4b:s2+s3], $0x80, v4, vm0, $0xb8;
	[tilespmem:$0x19C00] =	vst v63  }
0xd4: {  	s24 =	simm.s32 $0x14400  }
0xd5: {  	[tilespmem:s24], [sflag:$0x5] =	stream.indirect_vreg.gather [hbm4b:s5+s3], $0x80, v4, vm0, $0xb8;
	[tilespmem:$0x19C00] =	vst v63  }
0xd6: {  	s24 =	simm.s32 $0x14C00  }
0xd7: {  	[tilespmem:s24], [sflag:$0x5] =	stream.indirect_vreg.gather [hbm4b:s2+s3], $0x80, v3, vm0, $0xb8;
	[tilespmem:$0x19C00] =	vst v63  }
0xd8: {  	s24 =	simm.s32 $0x15400  }
0xd9: {  	[tilespmem:s24], [sflag:$0x5] =	stream.indirect_vreg.gather [hbm4b:s5+s3], $0x80, v3, vm0, $0xb8;
	[tilespmem:$0x19C00] =	vst v63  }
0xda: {  	v3 =	vld [tilespmem:$0x280];
	_ =	sdelay $0x4  }
0xdb: {  	v30 =	vshll.u32 v3, $0x2  }
0xdc: {  	v3 =	vand.u32 $0x7, v3;
	v4 =	vand.u32 $0xFFFFFFE0, v30  }
0xdd: {  	v3 =	vor.u32 v3, v4  }
0xde: {  	v4 =	vperm.xlane v3, v0;
	_ =	sdelay $0x1  }
0xdf: {  	v4 =	vadd.s32 v1, v4;
	_ =	sdelay $0x1  }
0xe0: {  	v3 =	vperm.xlane v3, v2;
	_ =	sdelay $0x1  }
0xe1: {  	v3 =	vadd.s32 v1, v3  }
0xe2: {  	[tilespmem:s15], [sflag:$0x6] =	stream.indirect_vreg.gather [hbm4b:s2+s3], $0x80, v4, vm0, $0xb8;
	[tilespmem:$0x19C00] =	vst v63  }
0xe3: {  	s24 =	simm.s32 $0x16400  }
0xe4: {  	[tilespmem:s24], [sflag:$0x6] =	stream.indirect_vreg.gather [hbm4b:s5+s3], $0x80, v4, vm0, $0xb8;
	[tilespmem:$0x19C00] =	vst v63  }
0xe5: {  	s24 =	simm.s32 $0x16C00  }
0xe6: {  	[tilespmem:s24], [sflag:$0x6] =	stream.indirect_vreg.gather [hbm4b:s2+s3], $0x80, v3, vm0, $0xb8;
	[tilespmem:$0x19C00] =	vst v63  }
0xe7: {  	s24 =	simm.s32 $0x17400  }
0xe8: {  	[tilespmem:s24], [sflag:$0x6] =	stream.indirect_vreg.gather [hbm4b:s5+s3], $0x80, v3, vm0, $0xb8;
	[tilespmem:$0x19C00] =	vst v63  }
0xe9: {  	v3 =	vld [tilespmem:$0x290];
	_ =	sdelay $0x4  }
0xea: {  	v31 =	vshll.u32 v3, $0x2  }
0xeb: {  	v3 =	vand.u32 $0x7, v3;
	v4 =	vand.u32 $0xFFFFFFE0, v31  }
0xec: {  	v3 =	vor.u32 v3, v4  }
0xed: {  	v4 =	vperm.xlane v3, v0;
	_ =	sdelay $0x1  }
0xee: {  	v4 =	vadd.s32 v1, v4;
	_ =	sdelay $0x1  }
0xef: {  	v3 =	vperm.xlane v3, v2;
	_ =	sdelay $0x1  }
0xf0: {  	s24 =	simm.s32 $0x17C00;
	v3 =	vadd.s32 v1, v3  }
0xf1: {  	[tilespmem:s24], [sflag:$0x6] =	stream.indirect_vreg.gather [hbm4b:s2+s3], $0x80, v4, vm0, $0xb8;
	[tilespmem:$0x19C00] =	vst v63  }
0xf2: {  	s24 =	simm.s32 $0x18400  }
0xf3: {  	[tilespmem:s24], [sflag:$0x6] =	stream.indirect_vreg.gather [hbm4b:s5+s3], $0x80, v4, vm0, $0xb8;
	[tilespmem:$0x19C00] =	vst v63  }
0xf4: {  	s24 =	simm.s32 $0x18C00  }
0xf5: {  	[tilespmem:s24], [sflag:$0x6] =	stream.indirect_vreg.gather [hbm4b:s2+s3], $0x80, v3, vm0, $0xb8;
	[tilespmem:$0x19C00] =	vst v63  }
0xf6: {  	s24 =	simm.s32 $0x19400  }
0xf7: {  	[tilespmem:s24], [sflag:$0x6] =	stream.indirect_vreg.gather [hbm4b:s5+s3], $0x80, v3, vm0, $0xb8;
	[tilespmem:$0x19C00] =	vst v63  }
0xf8: {  	_ =	swait.ge [sflag:s1], $0x4000  }
0xf9: {  	s24 =	sld [smem:$0x7FC]  }
0xfa: {  	[sflag:s1] =	ssyncset.done $0x0  }
0xfb: {  	[sflag:s1] =	ssyncadd.s32 $0xFFFFC000  }
0xfc: {  	[hbm4b:s24+s3] =	stream.linear.scatter [tilespmem:s16], [sflag:$0x7], $0x4000, $0x38;
	[tilespmem:$0x19C00] =	vst v63  }
0xfd: {  	_ =	swait.ge [sflag:s7], $0x4000  }
0xfe: {  	[sflag:s7] =	ssyncset.done $0x0  }
0xff: {  	[sflag:s7] =	ssyncadd.s32 $0xFFFFC000  }
0x100: {  	v3 =	vld [tilespmem:$0x300];
	_ =	sdelay $0x4  }
0x101: {  	v32 =	vshll.u32 v3, $0x2  }
0x102: {  	v3 =	vand.u32 $0x7, v3;
	v4 =	vand.u32 $0xFFFFFFE0, v32  }
0x103: {  	v3 =	vor.u32 v3, v4  }
0x104: {  	v4 =	vperm.xlane v3, v0;
	_ =	sdelay $0x1  }
0x105: {  	v4 =	vadd.s32 v1, v4;
	_ =	sdelay $0x1  }
0x106: {  	v3 =	vperm.xlane v3, v2;
	_ =	sdelay $0x1  }
0x107: {  	v3 =	vadd.s32 v1, v3  }
0x108: {  	[tilespmem:s16], [sflag:$0x1] =	stream.indirect_vreg.gather [hbm4b:s2+s3], $0x80, v4, vm0, $0xb8;
	[tilespmem:$0x19C00] =	vst v63  }
0x109: {  	s21 =	simm.s32 $0x2400  }
0x10a: {  	[tilespmem:s21], [sflag:$0x1] =	stream.indirect_vreg.gather [hbm4b:s5+s3], $0x80, v4, vm0, $0xb8;
	[tilespmem:$0x19C00] =	vst v63  }
0x10b: {  	s22 =	simm.s32 $0x2C00  }
0x10c: {  	[tilespmem:s22], [sflag:$0x1] =	stream.indirect_vreg.gather [hbm4b:s2+s3], $0x80, v3, vm0, $0xb8;
	[tilespmem:$0x19C00] =	vst v63  }
0x10d: {  	s0 =	simm.s32 $0x3400  }
0x10e: {  	[tilespmem:s0], [sflag:$0x1] =	stream.indirect_vreg.gather [hbm4b:s5+s3], $0x80, v3, vm0, $0xb8;
	[tilespmem:$0x19C00] =	vst v63  }
0x10f: {  	v3 =	vld [tilespmem:$0x310];
	_ =	sdelay $0x4  }
0x110: {  	v33 =	vshll.u32 v3, $0x2  }
0x111: {  	v3 =	vand.u32 $0x7, v3;
	v4 =	vand.u32 $0xFFFFFFE0, v33  }
0x112: {  	v3 =	vor.u32 v3, v4  }
0x113: {  	v4 =	vperm.xlane v3, v0;
	_ =	sdelay $0x1  }
0x114: {  	v4 =	vadd.s32 v1, v4;
	_ =	sdelay $0x1  }
0x115: {  	v3 =	vperm.xlane v3, v2;
	_ =	sdelay $0x1  }
0x116: {  	s22 =	simm.s32 $0x3C00;
	v3 =	vadd.s32 v1, v3  }
0x117: {  	[tilespmem:s22], [sflag:$0x1] =	stream.indirect_vreg.gather [hbm4b:s2+s3], $0x80, v4, vm0, $0xb8;
	[tilespmem:$0x19C00] =	vst v63  }
0x118: {  	s24 =	simm.s32 $0x4400  }
0x119: {  	[tilespmem:s24], [sflag:$0x1] =	stream.indirect_vreg.gather [hbm4b:s5+s3], $0x80, v4, vm0, $0xb8;
	[tilespmem:$0x19C00] =	vst v63  }
0x11a: {  	s0 =	simm.s32 $0x4C00  }
0x11b: {  	[tilespmem:s0], [sflag:$0x1] =	stream.indirect_vreg.gather [hbm4b:s2+s3], $0x80, v3, vm0, $0xb8;
	[tilespmem:$0x19C00] =	vst v63  }
0x11c: {  	s6 =	simm.s32 $0x5400  }
0x11d: {  	[tilespmem:s6], [sflag:$0x1] =	stream.indirect_vreg.gather [hbm4b:s5+s3], $0x80, v3, vm0, $0xb8;
	[tilespmem:$0x19C00] =	vst v63  }
0x11e: {  	_ =	swait.ge [sflag:s4], $0x4000  }
0x11f: {  	[sflag:s4] =	ssyncset.done $0x0  }
0x120: {  	s6 =	rddreg [dreg:$0x5];
	[sflag:s4] =	ssyncadd.s32 $0xFFFFC000  }
0x121: {  	[hbm4b:s6+s3] =	stream.linear.scatter [tilespmem:s8], [sflag:$0x8], $0x4000, $0x38;
	[tilespmem:$0x19C00] =	vst v63  }
0x122: {  	_ =	swait.ge [sflag:s25], $0x4000  }
0x123: {  	[sflag:s25] =	ssyncset.done $0x0  }
0x124: {  	[sflag:s25] =	ssyncadd.s32 $0xFFFFC000  }
0x125: {  	v3 =	vld [tilespmem:$0x380];
	_ =	sdelay $0x4  }
0x126: {  	v34 =	vshll.u32 v3, $0x2  }
0x127: {  	v3 =	vand.u32 $0x7, v3;
	v4 =	vand.u32 $0xFFFFFFE0, v34  }
0x128: {  	v3 =	vor.u32 v3, v4  }
0x129: {  	v4 =	vperm.xlane v3, v0;
	_ =	sdelay $0x1  }
0x12a: {  	v4 =	vadd.s32 v1, v4;
	_ =	sdelay $0x1  }
0x12b: {  	v3 =	vperm.xlane v3, v2;
	_ =	sdelay $0x1  }
0x12c: {  	v3 =	vadd.s32 v1, v3  }
0x12d: {  	[tilespmem:s8], [sflag:$0x2] =	stream.indirect_vreg.gather [hbm4b:s2+s3], $0x80, v4, vm0, $0xb8;
	[tilespmem:$0x19C00] =	vst v63  }
0x12e: {  	s21 =	simm.s32 $0x6400  }
0x12f: {  	[tilespmem:s21], [sflag:$0x2] =	stream.indirect_vreg.gather [hbm4b:s5+s3], $0x80, v4, vm0, $0xb8;
	[tilespmem:$0x19C00] =	vst v63  }
0x130: {  	s23 =	simm.s32 $0x6C00  }
0x131: {  	[tilespmem:s23], [sflag:$0x2] =	stream.indirect_vreg.gather [hbm4b:s2+s3], $0x80, v3, vm0, $0xb8;
	[tilespmem:$0x19C00] =	vst v63  }
0x132: {  	s19 =	simm.s32 $0x7400  }
0x133: {  	[tilespmem:s19], [sflag:$0x2] =	stream.indirect_vreg.gather [hbm4b:s5+s3], $0x80, v3, vm0, $0xb8;
	[tilespmem:$0x19C00] =	vst v63  }
0x134: {  	v3 =	vld [tilespmem:$0x390];
	_ =	sdelay $0x4  }
0x135: {  	v35 =	vshll.u32 v3, $0x2  }
0x136: {  	v3 =	vand.u32 $0x7, v3;
	v4 =	vand.u32 $0xFFFFFFE0, v35  }
0x137: {  	v3 =	vor.u32 v3, v4  }
0x138: {  	v4 =	vperm.xlane v3, v0;
	_ =	sdelay $0x1  }
0x139: {  	v4 =	vadd.s32 v1, v4;
	_ =	sdelay $0x1  }
0x13a: {  	v3 =	vperm.xlane v3, v2;
	_ =	sdelay $0x1  }
0x13b: {  	s23 =	simm.s32 $0x7C00;
	v3 =	vadd.s32 v1, v3  }
0x13c: {  	[tilespmem:s23], [sflag:$0x2] =	stream.indirect_vreg.gather [hbm4b:s2+s3], $0x80, v4, vm0, $0xb8;
	[tilespmem:$0x19C00] =	vst v63  }
0x13d: {  	s19 =	simm.s32 $0x8400  }
0x13e: {  	[tilespmem:s19], [sflag:$0x2] =	stream.indirect_vreg.gather [hbm4b:s5+s3], $0x80, v4, vm0, $0xb8;
	[tilespmem:$0x19C00] =	vst v63  }
0x13f: {  	s18 =	simm.s32 $0x8C00  }
0x140: {  	[tilespmem:s18], [sflag:$0x2] =	stream.indirect_vreg.gather [hbm4b:s2+s3], $0x80, v3, vm0, $0xb8;
	[tilespmem:$0x19C00] =	vst v63  }
0x141: {  	s20 =	simm.s32 $0x9400  }
0x142: {  	[tilespmem:s20], [sflag:$0x2] =	stream.indirect_vreg.gather [hbm4b:s5+s3], $0x80, v3, vm0, $0xb8;
	[tilespmem:$0x19C00] =	vst v63  }
0x143: {  	_ =	swait.ge [sflag:s26], $0x4000  }
0x144: {  	[sflag:s26] =	ssyncset.done $0x0  }
0x145: {  	s14 =	rddreg [dreg:$0x6];
	[sflag:s26] =	ssyncadd.s32 $0xFFFFC000  }
0x146: {  	[hbm4b:s14+s3] =	stream.linear.scatter [tilespmem:s17], [sflag:$0x9], $0x4000, $0x38;
	[tilespmem:$0x19C00] =	vst v63  }
0x147: {  	_ =	swait.ge [sflag:s28], $0x4000  }
0x148: {  	[sflag:s28] =	ssyncset.done $0x0  }
0x149: {  	[sflag:s28] =	ssyncadd.s32 $0xFFFFC000  }
0x14a: {  	v3 =	vld [tilespmem:$0x400];
	_ =	sdelay $0x4  }
0x14b: {  	v36 =	vshll.u32 v3, $0x2  }
0x14c: {  	v3 =	vand.u32 $0x7, v3;
	v4 =	vand.u32 $0xFFFFFFE0, v36  }
0x14d: {  	v3 =	vor.u32 v3, v4  }
0x14e: {  	v4 =	vperm.xlane v3, v0;
	_ =	sdelay $0x1  }
0x14f: {  	v4 =	vadd.s32 v1, v4;
	_ =	sdelay $0x1  }
0x150: {  	v3 =	vperm.xlane v3, v2;
	_ =	sdelay $0x1  }
0x151: {  	v3 =	vadd.s32 v1, v3  }
0x152: {  	[tilespmem:s17], [sflag:$0x3] =	stream.indirect_vreg.gather [hbm4b:s2+s3], $0x80, v4, vm0, $0xb8;
	[tilespmem:$0x19C00] =	vst v63  }
0x153: {  	s14 =	simm.s32 $0xA400  }
0x154: {  	[tilespmem:s14], [sflag:$0x3] =	stream.indirect_vreg.gather [hbm4b:s5+s3], $0x80, v4, vm0, $0xb8;
	[tilespmem:$0x19C00] =	vst v63  }
0x155: {  	s14 =	simm.s32 $0xAC00  }
0x156: {  	[tilespmem:s14], [sflag:$0x3] =	stream.indirect_vreg.gather [hbm4b:s2+s3], $0x80, v3, vm0, $0xb8;
	[tilespmem:$0x19C00] =	vst v63  }
0x157: {  	s14 =	simm.s32 $0xB400  }
0x158: {  	[tilespmem:s14], [sflag:$0x3] =	stream.indirect_vreg.gather [hbm4b:s5+s3], $0x80, v3, vm0, $0xb8;
	[tilespmem:$0x19C00] =	vst v63  }
0x159: {  	v3 =	vld [tilespmem:$0x410];
	_ =	sdelay $0x4  }
0x15a: {  	v37 =	vshll.u32 v3, $0x2  }
0x15b: {  	v3 =	vand.u32 $0x7, v3;
	v4 =	vand.u32 $0xFFFFFFE0, v37  }
0x15c: {  	v3 =	vor.u32 v3, v4  }
0x15d: {  	v4 =	vperm.xlane v3, v0;
	_ =	sdelay $0x1  }
0x15e: {  	v4 =	vadd.s32 v1, v4;
	_ =	sdelay $0x1  }
0x15f: {  	v3 =	vperm.xlane v3, v2;
	_ =	sdelay $0x1  }
0x160: {  	s14 =	simm.s32 $0xBC00;
	v3 =	vadd.s32 v1, v3  }
0x161: {  	[tilespmem:s14], [sflag:$0x3] =	stream.indirect_vreg.gather [hbm4b:s2+s3], $0x80, v4, vm0, $0xb8;
	[tilespmem:$0x19C00] =	vst v63  }
0x162: {  	s14 =	simm.s32 $0xC400  }
0x163: {  	[tilespmem:s14], [sflag:$0x3] =	stream.indirect_vreg.gather [hbm4b:s5+s3], $0x80, v4, vm0, $0xb8;
	[tilespmem:$0x19C00] =	vst v63  }
0x164: {  	s14 =	simm.s32 $0xCC00  }
0x165: {  	[tilespmem:s14], [sflag:$0x3] =	stream.indirect_vreg.gather [hbm4b:s2+s3], $0x80, v3, vm0, $0xb8;
	[tilespmem:$0x19C00] =	vst v63  }
0x166: {  	s14 =	simm.s32 $0xD400  }
0x167: {  	[tilespmem:s14], [sflag:$0x3] =	stream.indirect_vreg.gather [hbm4b:s5+s3], $0x80, v3, vm0, $0xb8;
	[tilespmem:$0x19C00] =	vst v63  }
0x168: {  	_ =	swait.ge [sflag:s29], $0x4000  }
0x169: {  	[sflag:s29] =	ssyncset.done $0x0  }
0x16a: {  	s14 =	rddreg [dreg:$0x7];
	[sflag:s29] =	ssyncadd.s32 $0xFFFFC000  }
0x16b: {  	[hbm4b:s14+s3] =	stream.linear.scatter [tilespmem:s31], [sflag:$0xA], $0x4000, $0x38;
	[tilespmem:$0x19C00] =	vst v63  }
0x16c: {  	_ =	swait.ge [sflag:s9], $0x4000  }
0x16d: {  	[sflag:s9] =	ssyncset.done $0x0  }
0x16e: {  	[sflag:s9] =	ssyncadd.s32 $0xFFFFC000  }
0x16f: {  	v3 =	vld [tilespmem:$0x480];
	_ =	sdelay $0x4  }
0x170: {  	v38 =	vshll.u32 v3, $0x2  }
0x171: {  	v3 =	vand.u32 $0x7, v3;
	v4 =	vand.u32 $0xFFFFFFE0, v38  }
0x172: {  	v3 =	vor.u32 v3, v4  }
0x173: {  	v4 =	vperm.xlane v3, v0;
	_ =	sdelay $0x1  }
0x174: {  	v4 =	vadd.s32 v1, v4;
	_ =	sdelay $0x1  }
0x175: {  	v3 =	vperm.xlane v3, v2;
	_ =	sdelay $0x1  }
0x176: {  	v3 =	vadd.s32 v1, v3  }
0x177: {  	[tilespmem:s31], [sflag:$0x4] =	stream.indirect_vreg.gather [hbm4b:s2+s3], $0x80, v4, vm0, $0xb8;
	[tilespmem:$0x19C00] =	vst v63  }
0x178: {  	s14 =	simm.s32 $0xE400  }
0x179: {  	[tilespmem:s14], [sflag:$0x4] =	stream.indirect_vreg.gather [hbm4b:s5+s3], $0x80, v4, vm0, $0xb8;
	[tilespmem:$0x19C00] =	vst v63  }
0x17a: {  	s14 =	simm.s32 $0xEC00  }
0x17b: {  	[tilespmem:s14], [sflag:$0x4] =	stream.indirect_vreg.gather [hbm4b:s2+s3], $0x80, v3, vm0, $0xb8;
	[tilespmem:$0x19C00] =	vst v63  }
0x17c: {  	s14 =	simm.s32 $0xF400  }
0x17d: {  	[tilespmem:s14], [sflag:$0x4] =	stream.indirect_vreg.gather [hbm4b:s5+s3], $0x80, v3, vm0, $0xb8;
	[tilespmem:$0x19C00] =	vst v63  }
0x17e: {  	v3 =	vld [tilespmem:$0x490];
	_ =	sdelay $0x4  }
0x17f: {  	v39 =	vshll.u32 v3, $0x2  }
0x180: {  	v3 =	vand.u32 $0x7, v3;
	v4 =	vand.u32 $0xFFFFFFE0, v39  }
0x181: {  	v3 =	vor.u32 v3, v4  }
0x182: {  	v4 =	vperm.xlane v3, v0;
	_ =	sdelay $0x1  }
0x183: {  	v4 =	vadd.s32 v1, v4;
	_ =	sdelay $0x1  }
0x184: {  	v3 =	vperm.xlane v3, v2;
	_ =	sdelay $0x1  }
0x185: {  	s14 =	simm.s32 $0xFC00;
	v3 =	vadd.s32 v1, v3  }
0x186: {  	[tilespmem:s14], [sflag:$0x4] =	stream.indirect_vreg.gather [hbm4b:s2+s3], $0x80, v4, vm0, $0xb8;
	[tilespmem:$0x19C00] =	vst v63  }
0x187: {  	s14 =	simm.s32 $0x10400  }
0x188: {  	[tilespmem:s14], [sflag:$0x4] =	stream.indirect_vreg.gather [hbm4b:s5+s3], $0x80, v4, vm0, $0xb8;
	[tilespmem:$0x19C00] =	vst v63  }
0x189: {  	s14 =	simm.s32 $0x10C00  }
0x18a: {  	[tilespmem:s14], [sflag:$0x4] =	stream.indirect_vreg.gather [hbm4b:s2+s3], $0x80, v3, vm0, $0xb8;
	[tilespmem:$0x19C00] =	vst v63  }
0x18b: {  	s14 =	simm.s32 $0x11400  }
0x18c: {  	[tilespmem:s14], [sflag:$0x4] =	stream.indirect_vreg.gather [hbm4b:s5+s3], $0x80, v3, vm0, $0xb8;
	[tilespmem:$0x19C00] =	vst v63  }
0x18d: {  	_ =	swait.ge [sflag:s10], $0x4000  }
0x18e: {  	[sflag:s10] =	ssyncset.done $0x0  }
0x18f: {  	s14 =	rddreg [dreg:$0x8];
	[sflag:s10] =	ssyncadd.s32 $0xFFFFC000  }
0x190: {  	[hbm4b:s14+s3] =	stream.linear.scatter [tilespmem:s30], [sflag:$0xB], $0x4000, $0x38;
	[tilespmem:$0x19C00] =	vst v63  }
0x191: {  	_ =	swait.ge [sflag:s11], $0x4000  }
0x192: {  	[sflag:s11] =	ssyncset.done $0x0  }
0x193: {  	[sflag:s11] =	ssyncadd.s32 $0xFFFFC000  }
0x194: {  	v3 =	vld [tilespmem:$0x500];
	_ =	sdelay $0x4  }
0x195: {  	v40 =	vshll.u32 v3, $0x2  }
0x196: {  	v3 =	vand.u32 $0x7, v3;
	v4 =	vand.u32 $0xFFFFFFE0, v40  }
0x197: {  	v3 =	vor.u32 v3, v4  }
0x198: {  	v4 =	vperm.xlane v3, v0;
	_ =	sdelay $0x1  }
0x199: {  	v4 =	vadd.s32 v1, v4;
	_ =	sdelay $0x1  }
0x19a: {  	v3 =	vperm.xlane v3, v2;
	_ =	sdelay $0x1  }
0x19b: {  	v3 =	vadd.s32 v1, v3  }
0x19c: {  	[tilespmem:s30], [sflag:$0x5] =	stream.indirect_vreg.gather [hbm4b:s2+s3], $0x80, v4, vm0, $0xb8;
	[tilespmem:$0x19C00] =	vst v63  }
0x19d: {  	s14 =	simm.s32 $0x12400  }
0x19e: {  	[tilespmem:s14], [sflag:$0x5] =	stream.indirect_vreg.gather [hbm4b:s5+s3], $0x80, v4, vm0, $0xb8;
	[tilespmem:$0x19C00] =	vst v63  }
0x19f: {  	s14 =	simm.s32 $0x12C00  }
0x1a0: {  	[tilespmem:s14], [sflag:$0x5] =	stream.indirect_vreg.gather [hbm4b:s2+s3], $0x80, v3, vm0, $0xb8;
	[tilespmem:$0x19C00] =	vst v63  }
0x1a1: {  	s14 =	simm.s32 $0x13400  }
0x1a2: {  	[tilespmem:s14], [sflag:$0x5] =	stream.indirect_vreg.gather [hbm4b:s5+s3], $0x80, v3, vm0, $0xb8;
	[tilespmem:$0x19C00] =	vst v63  }
0x1a3: {  	v3 =	vld [tilespmem:$0x510];
	_ =	sdelay $0x4  }
0x1a4: {  	v41 =	vshll.u32 v3, $0x2  }
0x1a5: {  	v3 =	vand.u32 $0x7, v3;
	v4 =	vand.u32 $0xFFFFFFE0, v41  }
0x1a6: {  	v3 =	vor.u32 v3, v4  }
0x1a7: {  	v4 =	vperm.xlane v3, v0;
	_ =	sdelay $0x1  }
0x1a8: {  	v4 =	vadd.s32 v1, v4;
	_ =	sdelay $0x1  }
0x1a9: {  	v3 =	vperm.xlane v3, v2;
	_ =	sdelay $0x1  }
0x1aa: {  	s14 =	simm.s32 $0x13C00;
	v3 =	vadd.s32 v1, v3  }
0x1ab: {  	[tilespmem:s14], [sflag:$0x5] =	stream.indirect_vreg.gather [hbm4b:s2+s3], $0x80, v4, vm0, $0xb8;
	[tilespmem:$0x19C00] =	vst v63  }
0x1ac: {  	s14 =	simm.s32 $0x14400  }
0x1ad: {  	[tilespmem:s14], [sflag:$0x5] =	stream.indirect_vreg.gather [hbm4b:s5+s3], $0x80, v4, vm0, $0xb8;
	[tilespmem:$0x19C00] =	vst v63  }
0x1ae: {  	s14 =	simm.s32 $0x14C00  }
0x1af: {  	[tilespmem:s14], [sflag:$0x5] =	stream.indirect_vreg.gather [hbm4b:s2+s3], $0x80, v3, vm0, $0xb8;
	[tilespmem:$0x19C00] =	vst v63  }
0x1b0: {  	s14 =	simm.s32 $0x15400  }
0x1b1: {  	[tilespmem:s14], [sflag:$0x5] =	stream.indirect_vreg.gather [hbm4b:s5+s3], $0x80, v3, vm0, $0xb8;
	[tilespmem:$0x19C00] =	vst v63  }
0x1b2: {  	_ =	swait.ge [sflag:s12], $0x4000  }
0x1b3: {  	[sflag:s12] =	ssyncset.done $0x0  }
0x1b4: {  	s14 =	rddreg [dreg:$0x9];
	[sflag:s12] =	ssyncadd.s32 $0xFFFFC000  }
0x1b5: {  	[hbm4b:s14+s3] =	stream.linear.scatter [tilespmem:s15], [sflag:$0xC], $0x4000, $0x38;
	[tilespmem:$0x19C00] =	vst v63  }
0x1b6: {  	_ =	swait.ge [sflag:s13], $0x4000  }
0x1b7: {  	[sflag:s13] =	ssyncset.done $0x0  }
0x1b8: {  	[sflag:s13] =	ssyncadd.s32 $0xFFFFC000  }
0x1b9: {  	v3 =	vld [tilespmem:$0x580];
	_ =	sdelay $0x4  }
0x1ba: {  	v42 =	vshll.u32 v3, $0x2  }
0x1bb: {  	v3 =	vand.u32 $0x7, v3;
	v4 =	vand.u32 $0xFFFFFFE0, v42  }
0x1bc: {  	v3 =	vor.u32 v3, v4  }
0x1bd: {  	v4 =	vperm.xlane v3, v0;
	_ =	sdelay $0x1  }
0x1be: {  	v4 =	vadd.s32 v1, v4;
	_ =	sdelay $0x1  }
0x1bf: {  	v3 =	vperm.xlane v3, v2;
	_ =	sdelay $0x1  }
0x1c0: {  	v3 =	vadd.s32 v1, v3  }
0x1c1: {  	[tilespmem:s15], [sflag:$0x6] =	stream.indirect_vreg.gather [hbm4b:s2+s3], $0x80, v4, vm0, $0xb8;
	[tilespmem:$0x19C00] =	vst v63  }
0x1c2: {  	s14 =	simm.s32 $0x16400  }
0x1c3: {  	[tilespmem:s14], [sflag:$0x6] =	stream.indirect_vreg.gather [hbm4b:s5+s3], $0x80, v4, vm0, $0xb8;
	[tilespmem:$0x19C00] =	vst v63  }
0x1c4: {  	s14 =	simm.s32 $0x16C00  }
0x1c5: {  	[tilespmem:s14], [sflag:$0x6] =	stream.indirect_vreg.gather [hbm4b:s2+s3], $0x80, v3, vm0, $0xb8;
	[tilespmem:$0x19C00] =	vst v63  }
0x1c6: {  	s14 =	simm.s32 $0x17400  }
0x1c7: {  	[tilespmem:s14], [sflag:$0x6] =	stream.indirect_vreg.gather [hbm4b:s5+s3], $0x80, v3, vm0, $0xb8;
	[tilespmem:$0x19C00] =	vst v63  }
0x1c8: {  	v3 =	vld [tilespmem:$0x590];
	_ =	sdelay $0x4  }
0x1c9: {  	v43 =	vshll.u32 v3, $0x2  }
0x1ca: {  	v3 =	vand.u32 $0x7, v3;
	v4 =	vand.u32 $0xFFFFFFE0, v43  }
0x1cb: {  	v3 =	vor.u32 v3, v4  }
0x1cc: {  	v4 =	vperm.xlane v3, v0;
	_ =	sdelay $0x1  }
0x1cd: {  	v4 =	vadd.s32 v1, v4;
	_ =	sdelay $0x1  }
0x1ce: {  	v3 =	vperm.xlane v3, v2;
	_ =	sdelay $0x1  }
0x1cf: {  	s14 =	simm.s32 $0x17C00;
	v3 =	vadd.s32 v1, v3  }
0x1d0: {  	[tilespmem:s14], [sflag:$0x6] =	stream.indirect_vreg.gather [hbm4b:s2+s3], $0x80, v4, vm0, $0xb8;
	[tilespmem:$0x19C00] =	vst v63  }
0x1d1: {  	s14 =	simm.s32 $0x18400  }
0x1d2: {  	[tilespmem:s14], [sflag:$0x6] =	stream.indirect_vreg.gather [hbm4b:s5+s3], $0x80, v4, vm0, $0xb8;
	[tilespmem:$0x19C00] =	vst v63  }
0x1d3: {  	s14 =	simm.s32 $0x18C00  }
0x1d4: {  	[tilespmem:s14], [sflag:$0x6] =	stream.indirect_vreg.gather [hbm4b:s2+s3], $0x80, v3, vm0, $0xb8;
	[tilespmem:$0x19C00] =	vst v63  }
0x1d5: {  	s14 =	simm.s32 $0x19400  }
0x1d6: {  	[tilespmem:s14], [sflag:$0x6] =	stream.indirect_vreg.gather [hbm4b:s5+s3], $0x80, v3, vm0, $0xb8;
	[tilespmem:$0x19C00] =	vst v63  }
0x1d7: {  	_ =	swait.ge [sflag:s1], $0x4000  }
0x1d8: {  	[sflag:s1] =	ssyncset.done $0x0  }
0x1d9: {  	s14 =	rddreg [dreg:$0xa];
	[sflag:s1] =	ssyncadd.s32 $0xFFFFC000  }
0x1da: {  	[hbm4b:s14+s3] =	stream.linear.scatter [tilespmem:s16], [sflag:$0x7], $0x4000, $0x38;
	[tilespmem:$0x19C00] =	vst v63  }
0x1db: {  	_ =	swait.ge [sflag:s7], $0x4000  }
0x1dc: {  	[sflag:s7] =	ssyncset.done $0x0  }
0x1dd: {  	[sflag:s7] =	ssyncadd.s32 $0xFFFFC000  }
0x1de: {  	v3 =	vld [tilespmem:$0x600];
	_ =	sdelay $0x4  }
0x1df: {  	v44 =	vshll.u32 v3, $0x2  }
0x1e0: {  	v3 =	vand.u32 $0x7, v3;
	v4 =	vand.u32 $0xFFFFFFE0, v44  }
0x1e1: {  	v3 =	vor.u32 v3, v4  }
0x1e2: {  	v4 =	vperm.xlane v3, v0;
	_ =	sdelay $0x1  }
0x1e3: {  	v4 =	vadd.s32 v1, v4;
	_ =	sdelay $0x1  }
0x1e4: {  	v3 =	vperm.xlane v3, v2;
	_ =	sdelay $0x1  }
0x1e5: {  	v3 =	vadd.s32 v1, v3  }
0x1e6: {  	[tilespmem:s16], [sflag:$0x1] =	stream.indirect_vreg.gather [hbm4b:s2+s3], $0x80, v4, vm0, $0xb8;
	[tilespmem:$0x19C00] =	vst v63  }
0x1e7: {  	s14 =	simm.s32 $0x2400  }
0x1e8: {  	[tilespmem:s14], [sflag:$0x1] =	stream.indirect_vreg.gather [hbm4b:s5+s3], $0x80, v4, vm0, $0xb8;
	[tilespmem:$0x19C00] =	vst v63  }
0x1e9: {  	s14 =	simm.s32 $0x2C00  }
0x1ea: {  	[tilespmem:s14], [sflag:$0x1] =	stream.indirect_vreg.gather [hbm4b:s2+s3], $0x80, v3, vm0, $0xb8;
	[tilespmem:$0x19C00] =	vst v63  }
0x1eb: {  	s14 =	simm.s32 $0x3400  }
0x1ec: {  	[tilespmem:s14], [sflag:$0x1] =	stream.indirect_vreg.gather [hbm4b:s5+s3], $0x80, v3, vm0, $0xb8;
	[tilespmem:$0x19C00] =	vst v63  }
0x1ed: {  	v3 =	vld [tilespmem:$0x610];
	_ =	sdelay $0x4  }
0x1ee: {  	v45 =	vshll.u32 v3, $0x2  }
0x1ef: {  	v3 =	vand.u32 $0x7, v3;
	v4 =	vand.u32 $0xFFFFFFE0, v45  }
0x1f0: {  	v3 =	vor.u32 v3, v4  }
0x1f1: {  	v4 =	vperm.xlane v3, v0;
	_ =	sdelay $0x1  }
0x1f2: {  	v4 =	vadd.s32 v1, v4;
	_ =	sdelay $0x1  }
0x1f3: {  	v3 =	vperm.xlane v3, v2;
	_ =	sdelay $0x1  }
0x1f4: {  	v3 =	vadd.s32 v1, v3  }
0x1f5: {  	[tilespmem:s22], [sflag:$0x1] =	stream.indirect_vreg.gather [hbm4b:s2+s3], $0x80, v4, vm0, $0xb8;
	[tilespmem:$0x19C00] =	vst v63  }
0x1f6: {  	_ = 	snop  }
0x1f7: {  	[tilespmem:s24], [sflag:$0x1] =	stream.indirect_vreg.gather [hbm4b:s5+s3], $0x80, v4, vm0, $0xb8;
	[tilespmem:$0x19C00] =	vst v63  }
0x1f8: {  	_ = 	snop  }
0x1f9: {  	[tilespmem:s0], [sflag:$0x1] =	stream.indirect_vreg.gather [hbm4b:s2+s3], $0x80, v3, vm0, $0xb8;
	[tilespmem:$0x19C00] =	vst v63  }
0x1fa: {  	s14 =	simm.s32 $0x5400  }
0x1fb: {  	[tilespmem:s14], [sflag:$0x1] =	stream.indirect_vreg.gather [hbm4b:s5+s3], $0x80, v3, vm0, $0xb8;
	[tilespmem:$0x19C00] =	vst v63  }
0x1fc: {  	_ =	swait.ge [sflag:s4], $0x4000  }
0x1fd: {  	[sflag:s4] =	ssyncset.done $0x0  }
0x1fe: {  	s14 =	rddreg [dreg:$0xb];
	[sflag:s4] =	ssyncadd.s32 $0xFFFFC000  }
0x1ff: {  	[hbm4b:s14+s3] =	stream.linear.scatter [tilespmem:s8], [sflag:$0x8], $0x4000, $0x38;
	[tilespmem:$0x19C00] =	vst v63  }
0x200: {  	_ =	swait.ge [sflag:s25], $0x4000  }
0x201: {  	[sflag:s25] =	ssyncset.done $0x0  }
0x202: {  	[sflag:s25] =	ssyncadd.s32 $0xFFFFC000  }
0x203: {  	v3 =	vld [tilespmem:$0x680];
	_ =	sdelay $0x4  }
0x204: {  	v46 =	vshll.u32 v3, $0x2  }
0x205: {  	v3 =	vand.u32 $0x7, v3;
	v4 =	vand.u32 $0xFFFFFFE0, v46  }
0x206: {  	v3 =	vor.u32 v3, v4  }
0x207: {  	v4 =	vperm.xlane v3, v0;
	_ =	sdelay $0x1  }
0x208: {  	v4 =	vadd.s32 v1, v4;
	_ =	sdelay $0x1  }
0x209: {  	v3 =	vperm.xlane v3, v2;
	_ =	sdelay $0x1  }
0x20a: {  	v3 =	vadd.s32 v1, v3  }
0x20b: {  	[tilespmem:s8], [sflag:$0x2] =	stream.indirect_vreg.gather [hbm4b:s2+s3], $0x80, v4, vm0, $0xb8;
	[tilespmem:$0x19C00] =	vst v63  }
0x20c: {  	s6 =	simm.s32 $0x6400  }
0x20d: {  	[tilespmem:s6], [sflag:$0x2] =	stream.indirect_vreg.gather [hbm4b:s5+s3], $0x80, v4, vm0, $0xb8;
	[tilespmem:$0x19C00] =	vst v63  }
0x20e: {  	s21 =	simm.s32 $0x6C00  }
0x20f: {  	[tilespmem:s21], [sflag:$0x2] =	stream.indirect_vreg.gather [hbm4b:s2+s3], $0x80, v3, vm0, $0xb8;
	[tilespmem:$0x19C00] =	vst v63  }
0x210: {  	s14 =	simm.s32 $0x7400  }
0x211: {  	[tilespmem:s14], [sflag:$0x2] =	stream.indirect_vreg.gather [hbm4b:s5+s3], $0x80, v3, vm0, $0xb8;
	[tilespmem:$0x19C00] =	vst v63  }
0x212: {  	v3 =	vld [tilespmem:$0x690];
	_ =	sdelay $0x4  }
0x213: {  	v47 =	vshll.u32 v3, $0x2  }
0x214: {  	v3 =	vand.u32 $0x7, v3;
	v4 =	vand.u32 $0xFFFFFFE0, v47  }
0x215: {  	v3 =	vor.u32 v3, v4  }
0x216: {  	v4 =	vperm.xlane v3, v0;
	_ =	sdelay $0x1  }
0x217: {  	v4 =	vadd.s32 v1, v4;
	_ =	sdelay $0x1  }
0x218: {  	v3 =	vperm.xlane v3, v2;
	_ =	sdelay $0x1  }
0x219: {  	s23 =	simm.s32 $0x7C00;
	v3 =	vadd.s32 v1, v3  }
0x21a: {  	[tilespmem:s23], [sflag:$0x2] =	stream.indirect_vreg.gather [hbm4b:s2+s3], $0x80, v4, vm0, $0xb8;
	[tilespmem:$0x19C00] =	vst v63  }
0x21b: {  	s19 =	simm.s32 $0x8400  }
0x21c: {  	[tilespmem:s19], [sflag:$0x2] =	stream.indirect_vreg.gather [hbm4b:s5+s3], $0x80, v4, vm0, $0xb8;
	[tilespmem:$0x19C00] =	vst v63  }
0x21d: {  	s18 =	simm.s32 $0x8C00  }
0x21e: {  	[tilespmem:s18], [sflag:$0x2] =	stream.indirect_vreg.gather [hbm4b:s2+s3], $0x80, v3, vm0, $0xb8;
	[tilespmem:$0x19C00] =	vst v63  }
0x21f: {  	s20 =	simm.s32 $0x9400  }
0x220: {  	[tilespmem:s20], [sflag:$0x2] =	stream.indirect_vreg.gather [hbm4b:s5+s3], $0x80, v3, vm0, $0xb8;
	[tilespmem:$0x19C00] =	vst v63  }
0x221: {  	_ =	swait.ge [sflag:s26], $0x4000  }
0x222: {  	[sflag:s26] =	ssyncset.done $0x0  }
0x223: {  	s14 =	rddreg [dreg:$0xc];
	[sflag:s26] =	ssyncadd.s32 $0xFFFFC000  }
0x224: {  	[hbm4b:s14+s3] =	stream.linear.scatter [tilespmem:s17], [sflag:$0x9], $0x4000, $0x38;
	[tilespmem:$0x19C00] =	vst v63  }
0x225: {  	_ =	swait.ge [sflag:s28], $0x4000  }
0x226: {  	[sflag:s28] =	ssyncset.done $0x0  }
0x227: {  	[sflag:s28] =	ssyncadd.s32 $0xFFFFC000  }
0x228: {  	v3 =	vld [tilespmem:$0x700];
	_ =	sdelay $0x4  }
0x229: {  	v48 =	vshll.u32 v3, $0x2  }
0x22a: {  	v3 =	vand.u32 $0x7, v3;
	v4 =	vand.u32 $0xFFFFFFE0, v48  }
0x22b: {  	v3 =	vor.u32 v3, v4  }
0x22c: {  	v4 =	vperm.xlane v3, v0;
	_ =	sdelay $0x1  }
0x22d: {  	v4 =	vadd.s32 v1, v4;
	_ =	sdelay $0x1  }
0x22e: {  	v3 =	vperm.xlane v3, v2;
	_ =	sdelay $0x1  }
0x22f: {  	v3 =	vadd.s32 v1, v3  }
0x230: {  	[tilespmem:s17], [sflag:$0x3] =	stream.indirect_vreg.gather [hbm4b:s2+s3], $0x80, v4, vm0, $0xb8;
	[tilespmem:$0x19C00] =	vst v63  }
0x231: {  	s14 =	simm.s32 $0xA400  }
0x232: {  	[tilespmem:s14], [sflag:$0x3] =	stream.indirect_vreg.gather [hbm4b:s5+s3], $0x80, v4, vm0, $0xb8;
	[tilespmem:$0x19C00] =	vst v63  }
0x233: {  	s14 =	simm.s32 $0xAC00  }
0x234: {  	[tilespmem:s14], [sflag:$0x3] =	stream.indirect_vreg.gather [hbm4b:s2+s3], $0x80, v3, vm0, $0xb8;
	[tilespmem:$0x19C00] =	vst v63  }
0x235: {  	s14 =	simm.s32 $0xB400  }
0x236: {  	[tilespmem:s14], [sflag:$0x3] =	stream.indirect_vreg.gather [hbm4b:s5+s3], $0x80, v3, vm0, $0xb8;
	[tilespmem:$0x19C00] =	vst v63  }
0x237: {  	v3 =	vld [tilespmem:$0x710];
	_ =	sdelay $0x4  }
0x238: {  	v49 =	vshll.u32 v3, $0x2  }
0x239: {  	v3 =	vand.u32 $0x7, v3;
	v4 =	vand.u32 $0xFFFFFFE0, v49  }
0x23a: {  	v3 =	vor.u32 v3, v4  }
0x23b: {  	v4 =	vperm.xlane v3, v0;
	_ =	sdelay $0x1  }
0x23c: {  	v4 =	vadd.s32 v1, v4;
	_ =	sdelay $0x1  }
0x23d: {  	v3 =	vperm.xlane v3, v2;
	_ =	sdelay $0x1  }
0x23e: {  	s14 =	simm.s32 $0xBC00;
	v3 =	vadd.s32 v1, v3  }
0x23f: {  	[tilespmem:s14], [sflag:$0x3] =	stream.indirect_vreg.gather [hbm4b:s2+s3], $0x80, v4, vm0, $0xb8;
	[tilespmem:$0x19C00] =	vst v63  }
0x240: {  	s14 =	simm.s32 $0xC400  }
0x241: {  	[tilespmem:s14], [sflag:$0x3] =	stream.indirect_vreg.gather [hbm4b:s5+s3], $0x80, v4, vm0, $0xb8;
	[tilespmem:$0x19C00] =	vst v63  }
0x242: {  	s14 =	simm.s32 $0xCC00  }
0x243: {  	[tilespmem:s14], [sflag:$0x3] =	stream.indirect_vreg.gather [hbm4b:s2+s3], $0x80, v3, vm0, $0xb8;
	[tilespmem:$0x19C00] =	vst v63  }
0x244: {  	s14 =	simm.s32 $0xD400  }
0x245: {  	[tilespmem:s14], [sflag:$0x3] =	stream.indirect_vreg.gather [hbm4b:s5+s3], $0x80, v3, vm0, $0xb8;
	[tilespmem:$0x19C00] =	vst v63  }
0x246: {  	_ =	swait.ge [sflag:s29], $0x4000  }
0x247: {  	[sflag:s29] =	ssyncset.done $0x0  }
0x248: {  	s14 =	rddreg [dreg:$0xd];
	[sflag:s29] =	ssyncadd.s32 $0xFFFFC000  }
0x249: {  	[hbm4b:s14+s3] =	stream.linear.scatter [tilespmem:s31], [sflag:$0xA], $0x4000, $0x38;
	[tilespmem:$0x19C00] =	vst v63  }
0x24a: {  	_ =	swait.ge [sflag:s9], $0x4000  }
0x24b: {  	[sflag:s9] =	ssyncset.done $0x0  }
0x24c: {  	[sflag:s9] =	ssyncadd.s32 $0xFFFFC000  }
0x24d: {  	v3 =	vld [tilespmem:$0x780];
	_ =	sdelay $0x4  }
0x24e: {  	v50 =	vshll.u32 v3, $0x2  }
0x24f: {  	v3 =	vand.u32 $0x7, v3;
	v4 =	vand.u32 $0xFFFFFFE0, v50  }
0x250: {  	v3 =	vor.u32 v3, v4  }
0x251: {  	v4 =	vperm.xlane v3, v0;
	_ =	sdelay $0x1  }
0x252: {  	v4 =	vadd.s32 v1, v4;
	_ =	sdelay $0x1  }
0x253: {  	v3 =	vperm.xlane v3, v2;
	_ =	sdelay $0x1  }
0x254: {  	v3 =	vadd.s32 v1, v3  }
0x255: {  	[tilespmem:s31], [sflag:$0x4] =	stream.indirect_vreg.gather [hbm4b:s2+s3], $0x80, v4, vm0, $0xb8;
	[tilespmem:$0x19C00] =	vst v63  }
0x256: {  	s14 =	simm.s32 $0xE400  }
0x257: {  	[tilespmem:s14], [sflag:$0x4] =	stream.indirect_vreg.gather [hbm4b:s5+s3], $0x80, v4, vm0, $0xb8;
	[tilespmem:$0x19C00] =	vst v63  }
0x258: {  	s14 =	simm.s32 $0xEC00  }
0x259: {  	[tilespmem:s14], [sflag:$0x4] =	stream.indirect_vreg.gather [hbm4b:s2+s3], $0x80, v3, vm0, $0xb8;
	[tilespmem:$0x19C00] =	vst v63  }
0x25a: {  	s14 =	simm.s32 $0xF400  }
0x25b: {  	[tilespmem:s14], [sflag:$0x4] =	stream.indirect_vreg.gather [hbm4b:s5+s3], $0x80, v3, vm0, $0xb8;
	[tilespmem:$0x19C00] =	vst v63  }
0x25c: {  	v3 =	vld [tilespmem:$0x790];
	_ =	sdelay $0x4  }
0x25d: {  	v51 =	vshll.u32 v3, $0x2  }
0x25e: {  	v3 =	vand.u32 $0x7, v3;
	v4 =	vand.u32 $0xFFFFFFE0, v51  }
0x25f: {  	v3 =	vor.u32 v3, v4  }
0x260: {  	v4 =	vperm.xlane v3, v0;
	_ =	sdelay $0x1  }
0x261: {  	v4 =	vadd.s32 v1, v4;
	_ =	sdelay $0x1  }
0x262: {  	v3 =	vperm.xlane v3, v2;
	_ =	sdelay $0x1  }
0x263: {  	s14 =	simm.s32 $0xFC00;
	v3 =	vadd.s32 v1, v3  }
0x264: {  	[tilespmem:s14], [sflag:$0x4] =	stream.indirect_vreg.gather [hbm4b:s2+s3], $0x80, v4, vm0, $0xb8;
	[tilespmem:$0x19C00] =	vst v63  }
0x265: {  	s14 =	simm.s32 $0x10400  }
0x266: {  	[tilespmem:s14], [sflag:$0x4] =	stream.indirect_vreg.gather [hbm4b:s5+s3], $0x80, v4, vm0, $0xb8;
	[tilespmem:$0x19C00] =	vst v63  }
0x267: {  	s14 =	simm.s32 $0x10C00  }
0x268: {  	[tilespmem:s14], [sflag:$0x4] =	stream.indirect_vreg.gather [hbm4b:s2+s3], $0x80, v3, vm0, $0xb8;
	[tilespmem:$0x19C00] =	vst v63  }
0x269: {  	s14 =	simm.s32 $0x11400  }
0x26a: {  	[tilespmem:s14], [sflag:$0x4] =	stream.indirect_vreg.gather [hbm4b:s5+s3], $0x80, v3, vm0, $0xb8;
	[tilespmem:$0x19C00] =	vst v63  }
0x26b: {  	_ =	swait.ge [sflag:s10], $0x4000  }
0x26c: {  	[sflag:s10] =	ssyncset.done $0x0  }
0x26d: {  	s14 =	rddreg [dreg:$0xe];
	[sflag:s10] =	ssyncadd.s32 $0xFFFFC000  }
0x26e: {  	[hbm4b:s14+s3] =	stream.linear.scatter [tilespmem:s30], [sflag:$0xB], $0x4000, $0x38;
	[tilespmem:$0x19C00] =	vst v63  }
0x26f: {  	_ =	swait.ge [sflag:s11], $0x4000  }
0x270: {  	[sflag:s11] =	ssyncset.done $0x0  }
0x271: {  	[sflag:s11] =	ssyncadd.s32 $0xFFFFC000  }
0x272: {  	v3 =	vld [tilespmem:$0x800];
	_ =	sdelay $0x4  }
0x273: {  	v52 =	vshll.u32 v3, $0x2  }
0x274: {  	v3 =	vand.u32 $0x7, v3;
	v4 =	vand.u32 $0xFFFFFFE0, v52  }
0x275: {  	v3 =	vor.u32 v3, v4  }
0x276: {  	v4 =	vperm.xlane v3, v0;
	_ =	sdelay $0x1  }
0x277: {  	v4 =	vadd.s32 v1, v4;
	_ =	sdelay $0x1  }
0x278: {  	v3 =	vperm.xlane v3, v2;
	_ =	sdelay $0x1  }
0x279: {  	v3 =	vadd.s32 v1, v3  }
0x27a: {  	[tilespmem:s30], [sflag:$0x5] =	stream.indirect_vreg.gather [hbm4b:s2+s3], $0x80, v4, vm0, $0xb8;
	[tilespmem:$0x19C00] =	vst v63  }
0x27b: {  	s14 =	simm.s32 $0x12400  }
0x27c: {  	[tilespmem:s14], [sflag:$0x5] =	stream.indirect_vreg.gather [hbm4b:s5+s3], $0x80, v4, vm0, $0xb8;
	[tilespmem:$0x19C00] =	vst v63  }
0x27d: {  	s14 =	simm.s32 $0x12C00  }
0x27e: {  	[tilespmem:s14], [sflag:$0x5] =	stream.indirect_vreg.gather [hbm4b:s2+s3], $0x80, v3, vm0, $0xb8;
	[tilespmem:$0x19C00] =	vst v63  }
0x27f: {  	s14 =	simm.s32 $0x13400  }
0x280: {  	[tilespmem:s14], [sflag:$0x5] =	stream.indirect_vreg.gather [hbm4b:s5+s3], $0x80, v3, vm0, $0xb8;
	[tilespmem:$0x19C00] =	vst v63  }
0x281: {  	v3 =	vld [tilespmem:$0x810];
	_ =	sdelay $0x4  }
0x282: {  	v53 =	vshll.u32 v3, $0x2  }
0x283: {  	v3 =	vand.u32 $0x7, v3;
	v4 =	vand.u32 $0xFFFFFFE0, v53  }
0x284: {  	v3 =	vor.u32 v3, v4  }
0x285: {  	v4 =	vperm.xlane v3, v0;
	_ =	sdelay $0x1  }
0x286: {  	v4 =	vadd.s32 v1, v4;
	_ =	sdelay $0x1  }
0x287: {  	v3 =	vperm.xlane v3, v2;
	_ =	sdelay $0x1  }
0x288: {  	s14 =	simm.s32 $0x13C00;
	v3 =	vadd.s32 v1, v3  }
0x289: {  	[tilespmem:s14], [sflag:$0x5] =	stream.indirect_vreg.gather [hbm4b:s2+s3], $0x80, v4, vm0, $0xb8;
	[tilespmem:$0x19C00] =	vst v63  }
0x28a: {  	s14 =	simm.s32 $0x14400  }
0x28b: {  	[tilespmem:s14], [sflag:$0x5] =	stream.indirect_vreg.gather [hbm4b:s5+s3], $0x80, v4, vm0, $0xb8;
	[tilespmem:$0x19C00] =	vst v63  }
0x28c: {  	s14 =	simm.s32 $0x14C00  }
0x28d: {  	[tilespmem:s14], [sflag:$0x5] =	stream.indirect_vreg.gather [hbm4b:s2+s3], $0x80, v3, vm0, $0xb8;
	[tilespmem:$0x19C00] =	vst v63  }
0x28e: {  	s14 =	simm.s32 $0x15400  }
0x28f: {  	[tilespmem:s14], [sflag:$0x5] =	stream.indirect_vreg.gather [hbm4b:s5+s3], $0x80, v3, vm0, $0xb8;
	[tilespmem:$0x19C00] =	vst v63  }
0x290: {  	_ =	swait.ge [sflag:s12], $0x4000  }
0x291: {  	[sflag:s12] =	ssyncset.done $0x0  }
0x292: {  	s14 =	rddreg [dreg:$0xf];
	[sflag:s12] =	ssyncadd.s32 $0xFFFFC000  }
0x293: {  	[hbm4b:s14+s3] =	stream.linear.scatter [tilespmem:s15], [sflag:$0xC], $0x4000, $0x38;
	[tilespmem:$0x19C00] =	vst v63  }
0x294: {  	_ =	swait.ge [sflag:s13], $0x4000  }
0x295: {  	[sflag:s13] =	ssyncset.done $0x0  }
0x296: {  	[sflag:s13] =	ssyncadd.s32 $0xFFFFC000  }
0x297: {  	v3 =	vld [tilespmem:$0x880];
	_ =	sdelay $0x4  }
0x298: {  	v54 =	vshll.u32 v3, $0x2  }
0x299: {  	v3 =	vand.u32 $0x7, v3;
	v4 =	vand.u32 $0xFFFFFFE0, v54  }
0x29a: {  	v3 =	vor.u32 v3, v4  }
0x29b: {  	v4 =	vperm.xlane v3, v0;
	_ =	sdelay $0x1  }
0x29c: {  	v4 =	vadd.s32 v1, v4;
	_ =	sdelay $0x1  }
0x29d: {  	v3 =	vperm.xlane v3, v2;
	_ =	sdelay $0x1  }
0x29e: {  	v3 =	vadd.s32 v1, v3  }
0x29f: {  	[tilespmem:s15], [sflag:$0x6] =	stream.indirect_vreg.gather [hbm4b:s2+s3], $0x80, v4, vm0, $0xb8;
	[tilespmem:$0x19C00] =	vst v63  }
0x2a0: {  	s14 =	simm.s32 $0x16400  }
0x2a1: {  	[tilespmem:s14], [sflag:$0x6] =	stream.indirect_vreg.gather [hbm4b:s5+s3], $0x80, v4, vm0, $0xb8;
	[tilespmem:$0x19C00] =	vst v63  }
0x2a2: {  	s14 =	simm.s32 $0x16C00  }
0x2a3: {  	[tilespmem:s14], [sflag:$0x6] =	stream.indirect_vreg.gather [hbm4b:s2+s3], $0x80, v3, vm0, $0xb8;
	[tilespmem:$0x19C00] =	vst v63  }
0x2a4: {  	s14 =	simm.s32 $0x17400  }
0x2a5: {  	[tilespmem:s14], [sflag:$0x6] =	stream.indirect_vreg.gather [hbm4b:s5+s3], $0x80, v3, vm0, $0xb8;
	[tilespmem:$0x19C00] =	vst v63  }
0x2a6: {  	v3 =	vld [tilespmem:$0x890];
	_ =	sdelay $0x4  }
0x2a7: {  	v55 =	vshll.u32 v3, $0x2  }
0x2a8: {  	v3 =	vand.u32 $0x7, v3;
	v4 =	vand.u32 $0xFFFFFFE0, v55  }
0x2a9: {  	v3 =	vor.u32 v3, v4  }
0x2aa: {  	v4 =	vperm.xlane v3, v0;
	_ =	sdelay $0x1  }
0x2ab: {  	v4 =	vadd.s32 v1, v4;
	_ =	sdelay $0x1  }
0x2ac: {  	v3 =	vperm.xlane v3, v2;
	_ =	sdelay $0x1  }
0x2ad: {  	s14 =	simm.s32 $0x17C00;
	v3 =	vadd.s32 v1, v3  }
0x2ae: {  	[tilespmem:s14], [sflag:$0x6] =	stream.indirect_vreg.gather [hbm4b:s2+s3], $0x80, v4, vm0, $0xb8;
	[tilespmem:$0x19C00] =	vst v63  }
0x2af: {  	s14 =	simm.s32 $0x18400  }
0x2b0: {  	[tilespmem:s14], [sflag:$0x6] =	stream.indirect_vreg.gather [hbm4b:s5+s3], $0x80, v4, vm0, $0xb8;
	[tilespmem:$0x19C00] =	vst v63  }
0x2b1: {  	s14 =	simm.s32 $0x18C00  }
0x2b2: {  	[tilespmem:s14], [sflag:$0x6] =	stream.indirect_vreg.gather [hbm4b:s2+s3], $0x80, v3, vm0, $0xb8;
	[tilespmem:$0x19C00] =	vst v63  }
0x2b3: {  	s14 =	simm.s32 $0x19400  }
0x2b4: {  	[tilespmem:s14], [sflag:$0x6] =	stream.indirect_vreg.gather [hbm4b:s5+s3], $0x80, v3, vm0, $0xb8;
	[tilespmem:$0x19C00] =	vst v63  }
0x2b5: {  	_ =	swait.ge [sflag:s1], $0x4000  }
0x2b6: {  	[sflag:s1] =	ssyncset.done $0x0  }
0x2b7: {  	s14 =	rddreg [dreg:$0x10];
	[sflag:s1] =	ssyncadd.s32 $0xFFFFC000  }
0x2b8: {  	[hbm4b:s14+s3] =	stream.linear.scatter [tilespmem:s16], [sflag:$0x7], $0x4000, $0x38;
	[tilespmem:$0x19C00] =	vst v63  }
0x2b9: {  	_ =	swait.ge [sflag:s7], $0x4000  }
0x2ba: {  	[sflag:s7] =	ssyncset.done $0x0  }
0x2bb: {  	[sflag:s7] =	ssyncadd.s32 $0xFFFFC000  }
0x2bc: {  	v3 =	vld [tilespmem:$0x900];
	_ =	sdelay $0x4  }
0x2bd: {  	v56 =	vshll.u32 v3, $0x2  }
0x2be: {  	v3 =	vand.u32 $0x7, v3;
	v4 =	vand.u32 $0xFFFFFFE0, v56  }
0x2bf: {  	v3 =	vor.u32 v3, v4  }
0x2c0: {  	v4 =	vperm.xlane v3, v0;
	_ =	sdelay $0x1  }
0x2c1: {  	v4 =	vadd.s32 v1, v4;
	_ =	sdelay $0x1  }
0x2c2: {  	v3 =	vperm.xlane v3, v2;
	_ =	sdelay $0x1  }
0x2c3: {  	v3 =	vadd.s32 v1, v3  }
0x2c4: {  	[tilespmem:s16], [sflag:$0x1] =	stream.indirect_vreg.gather [hbm4b:s2+s3], $0x80, v4, vm0, $0xb8;
	[tilespmem:$0x19C00] =	vst v63  }
0x2c5: {  	s14 =	simm.s32 $0x2400  }
0x2c6: {  	[tilespmem:s14], [sflag:$0x1] =	stream.indirect_vreg.gather [hbm4b:s5+s3], $0x80, v4, vm0, $0xb8;
	[tilespmem:$0x19C00] =	vst v63  }
0x2c7: {  	s14 =	simm.s32 $0x2C00  }
0x2c8: {  	[tilespmem:s14], [sflag:$0x1] =	stream.indirect_vreg.gather [hbm4b:s2+s3], $0x80, v3, vm0, $0xb8;
	[tilespmem:$0x19C00] =	vst v63  }
0x2c9: {  	s14 =	simm.s32 $0x3400  }
0x2ca: {  	[tilespmem:s14], [sflag:$0x1] =	stream.indirect_vreg.gather [hbm4b:s5+s3], $0x80, v3, vm0, $0xb8;
	[tilespmem:$0x19C00] =	vst v63  }
0x2cb: {  	v3 =	vld [tilespmem:$0x910];
	_ =	sdelay $0x4  }
0x2cc: {  	v57 =	vshll.u32 v3, $0x2  }
0x2cd: {  	v3 =	vand.u32 $0x7, v3;
	v4 =	vand.u32 $0xFFFFFFE0, v57  }
0x2ce: {  	v3 =	vor.u32 v3, v4  }
0x2cf: {  	v4 =	vperm.xlane v3, v0;
	_ =	sdelay $0x1  }
0x2d0: {  	v4 =	vadd.s32 v1, v4;
	_ =	sdelay $0x1  }
0x2d1: {  	v3 =	vperm.xlane v3, v2;
	_ =	sdelay $0x1  }
0x2d2: {  	s22 =	simm.s32 $0x3C00;
	v3 =	vadd.s32 v1, v3  }
0x2d3: {  	[tilespmem:s22], [sflag:$0x1] =	stream.indirect_vreg.gather [hbm4b:s2+s3], $0x80, v4, vm0, $0xb8;
	[tilespmem:$0x19C00] =	vst v63  }
0x2d4: {  	s24 =	simm.s32 $0x4400  }
0x2d5: {  	[tilespmem:s24], [sflag:$0x1] =	stream.indirect_vreg.gather [hbm4b:s5+s3], $0x80, v4, vm0, $0xb8;
	[tilespmem:$0x19C00] =	vst v63  }
0x2d6: {  	s0 =	simm.s32 $0x4C00  }
0x2d7: {  	[tilespmem:s0], [sflag:$0x1] =	stream.indirect_vreg.gather [hbm4b:s2+s3], $0x80, v3, vm0, $0xb8;
	[tilespmem:$0x19C00] =	vst v63  }
0x2d8: {  	s14 =	simm.s32 $0x5400  }
0x2d9: {  	[tilespmem:s14], [sflag:$0x1] =	stream.indirect_vreg.gather [hbm4b:s5+s3], $0x80, v3, vm0, $0xb8;
	[tilespmem:$0x19C00] =	vst v63  }
0x2da: {  	_ =	swait.ge [sflag:s4], $0x4000  }
0x2db: {  	[sflag:s4] =	ssyncset.done $0x0  }
0x2dc: {  	s14 =	rddreg [dreg:$0x11];
	[sflag:s4] =	ssyncadd.s32 $0xFFFFC000  }
0x2dd: {  	[hbm4b:s14+s3] =	stream.linear.scatter [tilespmem:s8], [sflag:$0x8], $0x4000, $0x38;
	[tilespmem:$0x19C00] =	vst v63  }
0x2de: {  	_ =	swait.ge [sflag:s25], $0x4000  }
0x2df: {  	[sflag:s25] =	ssyncset.done $0x0  }
0x2e0: {  	[sflag:s25] =	ssyncadd.s32 $0xFFFFC000  }
0x2e1: {  	v3 =	vld [tilespmem:$0x980];
	_ =	sdelay $0x4  }
0x2e2: {  	v58 =	vshll.u32 v3, $0x2  }
0x2e3: {  	v3 =	vand.u32 $0x7, v3;
	v4 =	vand.u32 $0xFFFFFFE0, v58  }
0x2e4: {  	v3 =	vor.u32 v3, v4  }
0x2e5: {  	v4 =	vperm.xlane v3, v0;
	_ =	sdelay $0x1  }
0x2e6: {  	v4 =	vadd.s32 v1, v4;
	_ =	sdelay $0x1  }
0x2e7: {  	v3 =	vperm.xlane v3, v2;
	_ =	sdelay $0x1  }
0x2e8: {  	v3 =	vadd.s32 v1, v3  }
0x2e9: {  	[tilespmem:s8], [sflag:$0x2] =	stream.indirect_vreg.gather [hbm4b:s2+s3], $0x80, v4, vm0, $0xb8;
	[tilespmem:$0x19C00] =	vst v63  }
0x2ea: {  	s6 =	simm.s32 $0x6400  }
0x2eb: {  	[tilespmem:s6], [sflag:$0x2] =	stream.indirect_vreg.gather [hbm4b:s5+s3], $0x80, v4, vm0, $0xb8;
	[tilespmem:$0x19C00] =	vst v63  }
0x2ec: {  	s21 =	simm.s32 $0x6C00  }
0x2ed: {  	[tilespmem:s21], [sflag:$0x2] =	stream.indirect_vreg.gather [hbm4b:s2+s3], $0x80, v3, vm0, $0xb8;
	[tilespmem:$0x19C00] =	vst v63  }
0x2ee: {  	s14 =	simm.s32 $0x7400  }
0x2ef: {  	[tilespmem:s14], [sflag:$0x2] =	stream.indirect_vreg.gather [hbm4b:s5+s3], $0x80, v3, vm0, $0xb8;
	[tilespmem:$0x19C00] =	vst v63  }
0x2f0: {  	v3 =	vld [tilespmem:$0x990];
	_ =	sdelay $0x4  }
0x2f1: {  	v59 =	vshll.u32 v3, $0x2  }
0x2f2: {  	v3 =	vand.u32 $0x7, v3;
	v4 =	vand.u32 $0xFFFFFFE0, v59  }
0x2f3: {  	v3 =	vor.u32 v3, v4  }
0x2f4: {  	v4 =	vperm.xlane v3, v0;
	_ =	sdelay $0x1  }
0x2f5: {  	v4 =	vadd.s32 v1, v4;
	_ =	sdelay $0x1  }
0x2f6: {  	v3 =	vperm.xlane v3, v2;
	_ =	sdelay $0x1  }
0x2f7: {  	s23 =	simm.s32 $0x7C00;
	v3 =	vadd.s32 v1, v3  }
0x2f8: {  	[tilespmem:s23], [sflag:$0x2] =	stream.indirect_vreg.gather [hbm4b:s2+s3], $0x80, v4, vm0, $0xb8;
	[tilespmem:$0x19C00] =	vst v63  }
0x2f9: {  	s19 =	simm.s32 $0x8400  }
0x2fa: {  	[tilespmem:s19], [sflag:$0x2] =	stream.indirect_vreg.gather [hbm4b:s5+s3], $0x80, v4, vm0, $0xb8;
	[tilespmem:$0x19C00] =	vst v63  }
0x2fb: {  	s18 =	simm.s32 $0x8C00  }
0x2fc: {  	[tilespmem:s18], [sflag:$0x2] =	stream.indirect_vreg.gather [hbm4b:s2+s3], $0x80, v3, vm0, $0xb8;
	[tilespmem:$0x19C00] =	vst v63  }
0x2fd: {  	s20 =	simm.s32 $0x9400  }
0x2fe: {  	[tilespmem:s20], [sflag:$0x2] =	stream.indirect_vreg.gather [hbm4b:s5+s3], $0x80, v3, vm0, $0xb8;
	[tilespmem:$0x19C00] =	vst v63  }
0x2ff: {  	_ =	swait.ge [sflag:s26], $0x4000  }
0x300: {  	[sflag:s26] =	ssyncset.done $0x0  }
0x301: {  	s14 =	rddreg [dreg:$0x12];
	[sflag:s26] =	ssyncadd.s32 $0xFFFFC000  }
0x302: {  	[hbm4b:s14+s3] =	stream.linear.scatter [tilespmem:s17], [sflag:$0x9], $0x4000, $0x38;
	[tilespmem:$0x19C00] =	vst v63  }
0x303: {  	_ =	swait.ge [sflag:s28], $0x4000  }
0x304: {  	[sflag:s28] =	ssyncset.done $0x0  }
0x305: {  	[sflag:s28] =	ssyncadd.s32 $0xFFFFC000  }
0x306: {  	v3 =	vld [tilespmem:$0xA00];
	_ =	sdelay $0x4  }
0x307: {  	v60 =	vshll.u32 v3, $0x2  }
0x308: {  	v3 =	vand.u32 $0x7, v3;
	v4 =	vand.u32 $0xFFFFFFE0, v60  }
0x309: {  	v3 =	vor.u32 v3, v4  }
0x30a: {  	v4 =	vperm.xlane v3, v0;
	_ =	sdelay $0x1  }
0x30b: {  	v4 =	vadd.s32 v1, v4;
	_ =	sdelay $0x1  }
0x30c: {  	v3 =	vperm.xlane v3, v2;
	_ =	sdelay $0x1  }
0x30d: {  	v3 =	vadd.s32 v1, v3  }
0x30e: {  	[tilespmem:s17], [sflag:$0x3] =	stream.indirect_vreg.gather [hbm4b:s2+s3], $0x80, v4, vm0, $0xb8;
	[tilespmem:$0x19C00] =	vst v63  }
0x30f: {  	s14 =	simm.s32 $0xA400  }
0x310: {  	[tilespmem:s14], [sflag:$0x3] =	stream.indirect_vreg.gather [hbm4b:s5+s3], $0x80, v4, vm0, $0xb8;
	[tilespmem:$0x19C00] =	vst v63  }
0x311: {  	s14 =	simm.s32 $0xAC00  }
0x312: {  	[tilespmem:s14], [sflag:$0x3] =	stream.indirect_vreg.gather [hbm4b:s2+s3], $0x80, v3, vm0, $0xb8;
	[tilespmem:$0x19C00] =	vst v63  }
0x313: {  	s14 =	simm.s32 $0xB400  }
0x314: {  	[tilespmem:s14], [sflag:$0x3] =	stream.indirect_vreg.gather [hbm4b:s5+s3], $0x80, v3, vm0, $0xb8;
	[tilespmem:$0x19C00] =	vst v63  }
0x315: {  	v3 =	vld [tilespmem:$0xA10];
	_ =	sdelay $0x4  }
0x316: {  	v61 =	vshll.u32 v3, $0x2  }
0x317: {  	v3 =	vand.u32 $0x7, v3;
	v4 =	vand.u32 $0xFFFFFFE0, v61  }
0x318: {  	v3 =	vor.u32 v3, v4  }
0x319: {  	v4 =	vperm.xlane v3, v0;
	_ =	sdelay $0x1  }
0x31a: {  	v4 =	vadd.s32 v1, v4;
	_ =	sdelay $0x1  }
0x31b: {  	v3 =	vperm.xlane v3, v2;
	_ =	sdelay $0x1  }
0x31c: {  	s14 =	simm.s32 $0xBC00;
	v3 =	vadd.s32 v1, v3  }
0x31d: {  	[tilespmem:s14], [sflag:$0x3] =	stream.indirect_vreg.gather [hbm4b:s2+s3], $0x80, v4, vm0, $0xb8;
	[tilespmem:$0x19C00] =	vst v63  }
0x31e: {  	s14 =	simm.s32 $0xC400  }
0x31f: {  	[tilespmem:s14], [sflag:$0x3] =	stream.indirect_vreg.gather [hbm4b:s5+s3], $0x80, v4, vm0, $0xb8;
	[tilespmem:$0x19C00] =	vst v63  }
0x320: {  	s14 =	simm.s32 $0xCC00  }
0x321: {  	[tilespmem:s14], [sflag:$0x3] =	stream.indirect_vreg.gather [hbm4b:s2+s3], $0x80, v3, vm0, $0xb8;
	[tilespmem:$0x19C00] =	vst v63  }
0x322: {  	s14 =	simm.s32 $0xD400  }
0x323: {  	[tilespmem:s14], [sflag:$0x3] =	stream.indirect_vreg.gather [hbm4b:s5+s3], $0x80, v3, vm0, $0xb8;
	[tilespmem:$0x19C00] =	vst v63  }
0x324: {  	_ =	swait.ge [sflag:s29], $0x4000  }
0x325: {  	[sflag:s29] =	ssyncset.done $0x0  }
0x326: {  	s14 =	rddreg [dreg:$0x13];
	[sflag:s29] =	ssyncadd.s32 $0xFFFFC000  }
0x327: {  	[hbm4b:s14+s3] =	stream.linear.scatter [tilespmem:s31], [sflag:$0xA], $0x4000, $0x38;
	[tilespmem:$0x19C00] =	vst v63  }
0x328: {  	_ =	swait.ge [sflag:s9], $0x4000  }
0x329: {  	[sflag:s9] =	ssyncset.done $0x0  }
0x32a: {  	[sflag:s9] =	ssyncadd.s32 $0xFFFFC000  }
0x32b: {  	v3 =	vld [tilespmem:$0xA80];
	_ =	sdelay $0x4  }
0x32c: {  	v62 =	vshll.u32 v3, $0x2  }
0x32d: {  	v3 =	vand.u32 $0x7, v3;
	v4 =	vand.u32 $0xFFFFFFE0, v62  }
0x32e: {  	v3 =	vor.u32 v3, v4  }
0x32f: {  	v4 =	vperm.xlane v3, v0;
	_ =	sdelay $0x1  }
0x330: {  	v4 =	vadd.s32 v1, v4;
	_ =	sdelay $0x1  }
0x331: {  	v3 =	vperm.xlane v3, v2;
	_ =	sdelay $0x1  }
0x332: {  	v3 =	vadd.s32 v1, v3  }
0x333: {  	[tilespmem:s31], [sflag:$0x4] =	stream.indirect_vreg.gather [hbm4b:s2+s3], $0x80, v4, vm0, $0xb8;
	[tilespmem:$0x19C00] =	vst v63  }
0x334: {  	s14 =	simm.s32 $0xE400  }
0x335: {  	[tilespmem:s14], [sflag:$0x4] =	stream.indirect_vreg.gather [hbm4b:s5+s3], $0x80, v4, vm0, $0xb8;
	[tilespmem:$0x19C00] =	vst v63  }
0x336: {  	s14 =	simm.s32 $0xEC00  }
0x337: {  	[tilespmem:s14], [sflag:$0x4] =	stream.indirect_vreg.gather [hbm4b:s2+s3], $0x80, v3, vm0, $0xb8;
	[tilespmem:$0x19C00] =	vst v63  }
0x338: {  	s14 =	simm.s32 $0xF400  }
0x339: {  	[tilespmem:s14], [sflag:$0x4] =	stream.indirect_vreg.gather [hbm4b:s5+s3], $0x80, v3, vm0, $0xb8;
	[tilespmem:$0x19C00] =	vst v63  }
0x33a: {  	v3 =	vld [tilespmem:$0xA90];
	_ =	sdelay $0x4  }
0x33b: {  	v63 =	vshll.u32 v3, $0x2  }
0x33c: {  	v3 =	vand.u32 $0x7, v3;
	v4 =	vand.u32 $0xFFFFFFE0, v63  }
0x33d: {  	v3 =	vor.u32 v3, v4  }
0x33e: {  	v4 =	vperm.xlane v3, v0;
	_ =	sdelay $0x1  }
0x33f: {  	v4 =	vadd.s32 v1, v4;
	_ =	sdelay $0x1  }
0x340: {  	v3 =	vperm.xlane v3, v2;
	_ =	sdelay $0x1  }
0x341: {  	s14 =	simm.s32 $0xFC00;
	v3 =	vadd.s32 v1, v3  }
0x342: {  	[tilespmem:s14], [sflag:$0x4] =	stream.indirect_vreg.gather [hbm4b:s2+s3], $0x80, v4, vm0, $0xb8;
	[tilespmem:$0x19C00] =	vst v63  }
0x343: {  	s14 =	simm.s32 $0x10400  }
0x344: {  	[tilespmem:s14], [sflag:$0x4] =	stream.indirect_vreg.gather [hbm4b:s5+s3], $0x80, v4, vm0, $0xb8;
	[tilespmem:$0x19C00] =	vst v63  }
0x345: {  	s14 =	simm.s32 $0x10C00  }
0x346: {  	[tilespmem:s14], [sflag:$0x4] =	stream.indirect_vreg.gather [hbm4b:s2+s3], $0x80, v3, vm0, $0xb8;
	[tilespmem:$0x19C00] =	vst v63  }
0x347: {  	s14 =	simm.s32 $0x11400  }
0x348: {  	[tilespmem:s14], [sflag:$0x4] =	stream.indirect_vreg.gather [hbm4b:s5+s3], $0x80, v3, vm0, $0xb8;
	[tilespmem:$0x19C00] =	vst v63  }
0x349: {  	_ =	swait.ge [sflag:s10], $0x4000  }
0x34a: {  	[sflag:s10] =	ssyncset.done $0x0  }
0x34b: {  	s14 =	rddreg [dreg:$0x14];
	[sflag:s10] =	ssyncadd.s32 $0xFFFFC000  }
0x34c: {  	[hbm4b:s14+s3] =	stream.linear.scatter [tilespmem:s30], [sflag:$0xB], $0x4000, $0x38;
	[tilespmem:$0x19C00] =	vst v63  }
0x34d: {  	_ =	swait.ge [sflag:s11], $0x4000  }
0x34e: {  	[sflag:s11] =	ssyncset.done $0x0  }
0x34f: {  	[sflag:s11] =	ssyncadd.s32 $0xFFFFC000  }
0x350: {  	v3 =	vld [tilespmem:$0xB00];
	_ =	sdelay $0x4  }
0x351: {  	v8 =	vshll.u32 v3, $0x2  }
0x352: {  	v3 =	vand.u32 $0x7, v3;
	v4 =	vand.u32 $0xFFFFFFE0, v8  }
0x353: {  	v3 =	vor.u32 v3, v4  }
0x354: {  	v4 =	vperm.xlane v3, v0;
	_ =	sdelay $0x1  }
0x355: {  	v4 =	vadd.s32 v1, v4;
	_ =	sdelay $0x1  }
0x356: {  	v3 =	vperm.xlane v3, v2;
	_ =	sdelay $0x1  }
0x357: {  	v3 =	vadd.s32 v1, v3  }
0x358: {  	[tilespmem:s30], [sflag:$0x5] =	stream.indirect_vreg.gather [hbm4b:s2+s3], $0x80, v4, vm0, $0xb8;
	[tilespmem:$0x19C00] =	vst v63  }
0x359: {  	s14 =	simm.s32 $0x12400  }
0x35a: {  	[tilespmem:s14], [sflag:$0x5] =	stream.indirect_vreg.gather [hbm4b:s5+s3], $0x80, v4, vm0, $0xb8;
	[tilespmem:$0x19C00] =	vst v63  }
0x35b: {  	s14 =	simm.s32 $0x12C00  }
0x35c: {  	[tilespmem:s14], [sflag:$0x5] =	stream.indirect_vreg.gather [hbm4b:s2+s3], $0x80, v3, vm0, $0xb8;
	[tilespmem:$0x19C00] =	vst v63  }
0x35d: {  	s14 =	simm.s32 $0x13400  }
0x35e: {  	[tilespmem:s14], [sflag:$0x5] =	stream.indirect_vreg.gather [hbm4b:s5+s3], $0x80, v3, vm0, $0xb8;
	[tilespmem:$0x19C00] =	vst v63  }
0x35f: {  	v3 =	vld [tilespmem:$0xB10];
	_ =	sdelay $0x4  }
0x360: {  	v9 =	vshll.u32 v3, $0x2  }
0x361: {  	v3 =	vand.u32 $0x7, v3;
	v4 =	vand.u32 $0xFFFFFFE0, v9  }
0x362: {  	v3 =	vor.u32 v3, v4  }
0x363: {  	v4 =	vperm.xlane v3, v0;
	_ =	sdelay $0x1  }
0x364: {  	v4 =	vadd.s32 v1, v4;
	_ =	sdelay $0x1  }
0x365: {  	v3 =	vperm.xlane v3, v2;
	_ =	sdelay $0x1  }
0x366: {  	s14 =	simm.s32 $0x13C00;
	v3 =	vadd.s32 v1, v3  }
0x367: {  	[tilespmem:s14], [sflag:$0x5] =	stream.indirect_vreg.gather [hbm4b:s2+s3], $0x80, v4, vm0, $0xb8;
	[tilespmem:$0x19C00] =	vst v63  }
0x368: {  	s14 =	simm.s32 $0x14400  }
0x369: {  	[tilespmem:s14], [sflag:$0x5] =	stream.indirect_vreg.gather [hbm4b:s5+s3], $0x80, v4, vm0, $0xb8;
	[tilespmem:$0x19C00] =	vst v63  }
0x36a: {  	s14 =	simm.s32 $0x14C00  }
0x36b: {  	[tilespmem:s14], [sflag:$0x5] =	stream.indirect_vreg.gather [hbm4b:s2+s3], $0x80, v3, vm0, $0xb8;
	[tilespmem:$0x19C00] =	vst v63  }
0x36c: {  	s14 =	simm.s32 $0x15400  }
0x36d: {  	[tilespmem:s14], [sflag:$0x5] =	stream.indirect_vreg.gather [hbm4b:s5+s3], $0x80, v3, vm0, $0xb8;
	[tilespmem:$0x19C00] =	vst v63  }
0x36e: {  	_ =	swait.ge [sflag:s12], $0x4000  }
0x36f: {  	[sflag:s12] =	ssyncset.done $0x0  }
0x370: {  	s14 =	rddreg [dreg:$0x15];
	[sflag:s12] =	ssyncadd.s32 $0xFFFFC000  }
0x371: {  	[hbm4b:s14+s3] =	stream.linear.scatter [tilespmem:s15], [sflag:$0xC], $0x4000, $0x38;
	[tilespmem:$0x19C00] =	vst v63  }
0x372: {  	_ =	swait.ge [sflag:s13], $0x4000  }
0x373: {  	[sflag:s13] =	ssyncset.done $0x0  }
0x374: {  	[sflag:s13] =	ssyncadd.s32 $0xFFFFC000  }
0x375: {  	v3 =	vld [tilespmem:$0xB80];
	_ =	sdelay $0x4  }
0x376: {  	v10 =	vshll.u32 v3, $0x2  }
0x377: {  	v3 =	vand.u32 $0x7, v3;
	v4 =	vand.u32 $0xFFFFFFE0, v10  }
0x378: {  	v3 =	vor.u32 v3, v4  }
0x379: {  	v4 =	vperm.xlane v3, v0;
	_ =	sdelay $0x1  }
0x37a: {  	v4 =	vadd.s32 v1, v4;
	_ =	sdelay $0x1  }
0x37b: {  	v3 =	vperm.xlane v3, v2;
	_ =	sdelay $0x1  }
0x37c: {  	v3 =	vadd.s32 v1, v3  }
0x37d: {  	[tilespmem:s15], [sflag:$0x6] =	stream.indirect_vreg.gather [hbm4b:s2+s3], $0x80, v4, vm0, $0xb8;
	[tilespmem:$0x19C00] =	vst v63  }
0x37e: {  	s14 =	simm.s32 $0x16400  }
0x37f: {  	[tilespmem:s14], [sflag:$0x6] =	stream.indirect_vreg.gather [hbm4b:s5+s3], $0x80, v4, vm0, $0xb8;
	[tilespmem:$0x19C00] =	vst v63  }
0x380: {  	s14 =	simm.s32 $0x16C00  }
0x381: {  	[tilespmem:s14], [sflag:$0x6] =	stream.indirect_vreg.gather [hbm4b:s2+s3], $0x80, v3, vm0, $0xb8;
	[tilespmem:$0x19C00] =	vst v63  }
0x382: {  	s14 =	simm.s32 $0x17400  }
0x383: {  	[tilespmem:s14], [sflag:$0x6] =	stream.indirect_vreg.gather [hbm4b:s5+s3], $0x80, v3, vm0, $0xb8;
	[tilespmem:$0x19C00] =	vst v63  }
0x384: {  	v3 =	vld [tilespmem:$0xB90];
	_ =	sdelay $0x4  }
0x385: {  	v11 =	vshll.u32 v3, $0x2  }
0x386: {  	v3 =	vand.u32 $0x7, v3;
	v4 =	vand.u32 $0xFFFFFFE0, v11  }
0x387: {  	v3 =	vor.u32 v3, v4  }
0x388: {  	v4 =	vperm.xlane v3, v0;
	_ =	sdelay $0x1  }
0x389: {  	v4 =	vadd.s32 v1, v4;
	_ =	sdelay $0x1  }
0x38a: {  	v3 =	vperm.xlane v3, v2;
	_ =	sdelay $0x1  }
0x38b: {  	s14 =	simm.s32 $0x17C00;
	v3 =	vadd.s32 v1, v3  }
0x38c: {  	[tilespmem:s14], [sflag:$0x6] =	stream.indirect_vreg.gather [hbm4b:s2+s3], $0x80, v4, vm0, $0xb8;
	[tilespmem:$0x19C00] =	vst v63  }
0x38d: {  	s14 =	simm.s32 $0x18400  }
0x38e: {  	[tilespmem:s14], [sflag:$0x6] =	stream.indirect_vreg.gather [hbm4b:s5+s3], $0x80, v4, vm0, $0xb8;
	[tilespmem:$0x19C00] =	vst v63  }
0x38f: {  	s14 =	simm.s32 $0x18C00  }
0x390: {  	[tilespmem:s14], [sflag:$0x6] =	stream.indirect_vreg.gather [hbm4b:s2+s3], $0x80, v3, vm0, $0xb8;
	[tilespmem:$0x19C00] =	vst v63  }
0x391: {  	s14 =	simm.s32 $0x19400  }
0x392: {  	[tilespmem:s14], [sflag:$0x6] =	stream.indirect_vreg.gather [hbm4b:s5+s3], $0x80, v3, vm0, $0xb8;
	[tilespmem:$0x19C00] =	vst v63  }
0x393: {  	_ =	swait.ge [sflag:s1], $0x4000  }
0x394: {  	[sflag:s1] =	ssyncset.done $0x0  }
0x395: {  	s14 =	rddreg [dreg:$0x16];
	[sflag:s1] =	ssyncadd.s32 $0xFFFFC000  }
0x396: {  	[hbm4b:s14+s3] =	stream.linear.scatter [tilespmem:s16], [sflag:$0x7], $0x4000, $0x38;
	[tilespmem:$0x19C00] =	vst v63  }
0x397: {  	_ =	swait.ge [sflag:s7], $0x4000  }
0x398: {  	[sflag:s7] =	ssyncset.done $0x0  }
0x399: {  	[sflag:s7] =	ssyncadd.s32 $0xFFFFC000  }
0x39a: {  	v3 =	vld [tilespmem:$0xC00];
	_ =	sdelay $0x4  }
0x39b: {  	v12 =	vshll.u32 v3, $0x2  }
0x39c: {  	v3 =	vand.u32 $0x7, v3;
	v4 =	vand.u32 $0xFFFFFFE0, v12  }
0x39d: {  	v3 =	vor.u32 v3, v4  }
0x39e: {  	v4 =	vperm.xlane v3, v0;
	_ =	sdelay $0x1  }
0x39f: {  	v4 =	vadd.s32 v1, v4;
	_ =	sdelay $0x1  }
0x3a0: {  	v3 =	vperm.xlane v3, v2;
	_ =	sdelay $0x1  }
0x3a1: {  	v3 =	vadd.s32 v1, v3  }
0x3a2: {  	[tilespmem:s16], [sflag:$0x1] =	stream.indirect_vreg.gather [hbm4b:s2+s3], $0x80, v4, vm0, $0xb8;
	[tilespmem:$0x19C00] =	vst v63  }
0x3a3: {  	s14 =	simm.s32 $0x2400  }
0x3a4: {  	[tilespmem:s14], [sflag:$0x1] =	stream.indirect_vreg.gather [hbm4b:s5+s3], $0x80, v4, vm0, $0xb8;
	[tilespmem:$0x19C00] =	vst v63  }
0x3a5: {  	s14 =	simm.s32 $0x2C00  }
0x3a6: {  	[tilespmem:s14], [sflag:$0x1] =	stream.indirect_vreg.gather [hbm4b:s2+s3], $0x80, v3, vm0, $0xb8;
	[tilespmem:$0x19C00] =	vst v63  }
0x3a7: {  	s14 =	simm.s32 $0x3400  }
0x3a8: {  	[tilespmem:s14], [sflag:$0x1] =	stream.indirect_vreg.gather [hbm4b:s5+s3], $0x80, v3, vm0, $0xb8;
	[tilespmem:$0x19C00] =	vst v63  }
0x3a9: {  	v3 =	vld [tilespmem:$0xC10];
	_ =	sdelay $0x4  }
0x3aa: {  	v13 =	vshll.u32 v3, $0x2  }
0x3ab: {  	v3 =	vand.u32 $0x7, v3;
	v4 =	vand.u32 $0xFFFFFFE0, v13  }
0x3ac: {  	v3 =	vor.u32 v3, v4  }
0x3ad: {  	v4 =	vperm.xlane v3, v0;
	_ =	sdelay $0x1  }
0x3ae: {  	v4 =	vadd.s32 v1, v4;
	_ =	sdelay $0x1  }
0x3af: {  	v3 =	vperm.xlane v3, v2;
	_ =	sdelay $0x1  }
0x3b0: {  	s22 =	simm.s32 $0x3C00;
	v3 =	vadd.s32 v1, v3  }
0x3b1: {  	[tilespmem:s22], [sflag:$0x1] =	stream.indirect_vreg.gather [hbm4b:s2+s3], $0x80, v4, vm0, $0xb8;
	[tilespmem:$0x19C00] =	vst v63  }
0x3b2: {  	s24 =	simm.s32 $0x4400  }
0x3b3: {  	[tilespmem:s24], [sflag:$0x1] =	stream.indirect_vreg.gather [hbm4b:s5+s3], $0x80, v4, vm0, $0xb8;
	[tilespmem:$0x19C00] =	vst v63  }
0x3b4: {  	s0 =	simm.s32 $0x4C00  }
0x3b5: {  	[tilespmem:s0], [sflag:$0x1] =	stream.indirect_vreg.gather [hbm4b:s2+s3], $0x80, v3, vm0, $0xb8;
	[tilespmem:$0x19C00] =	vst v63  }
0x3b6: {  	s14 =	simm.s32 $0x5400  }
0x3b7: {  	[tilespmem:s14], [sflag:$0x1] =	stream.indirect_vreg.gather [hbm4b:s5+s3], $0x80, v3, vm0, $0xb8;
	[tilespmem:$0x19C00] =	vst v63  }
0x3b8: {  	_ =	swait.ge [sflag:s4], $0x4000  }
0x3b9: {  	[sflag:s4] =	ssyncset.done $0x0  }
0x3ba: {  	s14 =	rddreg [dreg:$0x17];
	[sflag:s4] =	ssyncadd.s32 $0xFFFFC000  }
0x3bb: {  	[hbm4b:s14+s3] =	stream.linear.scatter [tilespmem:s8], [sflag:$0x8], $0x4000, $0x38;
	[tilespmem:$0x19C00] =	vst v63  }
0x3bc: {  	_ =	swait.ge [sflag:s25], $0x4000  }
0x3bd: {  	[sflag:s25] =	ssyncset.done $0x0  }
0x3be: {  	[sflag:s25] =	ssyncadd.s32 $0xFFFFC000  }
0x3bf: {  	v3 =	vld [tilespmem:$0xC80];
	_ =	sdelay $0x4  }
0x3c0: {  	v14 =	vshll.u32 v3, $0x2  }
0x3c1: {  	v3 =	vand.u32 $0x7, v3;
	v4 =	vand.u32 $0xFFFFFFE0, v14  }
0x3c2: {  	v3 =	vor.u32 v3, v4  }
0x3c3: {  	v4 =	vperm.xlane v3, v0;
	_ =	sdelay $0x1  }
0x3c4: {  	v4 =	vadd.s32 v1, v4;
	_ =	sdelay $0x1  }
0x3c5: {  	v3 =	vperm.xlane v3, v2;
	_ =	sdelay $0x1  }
0x3c6: {  	v3 =	vadd.s32 v1, v3  }
0x3c7: {  	[tilespmem:s8], [sflag:$0x2] =	stream.indirect_vreg.gather [hbm4b:s2+s3], $0x80, v4, vm0, $0xb8;
	[tilespmem:$0x19C00] =	vst v63  }
0x3c8: {  	s6 =	simm.s32 $0x6400  }
0x3c9: {  	[tilespmem:s6], [sflag:$0x2] =	stream.indirect_vreg.gather [hbm4b:s5+s3], $0x80, v4, vm0, $0xb8;
	[tilespmem:$0x19C00] =	vst v63  }
0x3ca: {  	s21 =	simm.s32 $0x6C00  }
0x3cb: {  	[tilespmem:s21], [sflag:$0x2] =	stream.indirect_vreg.gather [hbm4b:s2+s3], $0x80, v3, vm0, $0xb8;
	[tilespmem:$0x19C00] =	vst v63  }
0x3cc: {  	s14 =	simm.s32 $0x7400  }
0x3cd: {  	[tilespmem:s14], [sflag:$0x2] =	stream.indirect_vreg.gather [hbm4b:s5+s3], $0x80, v3, vm0, $0xb8;
	[tilespmem:$0x19C00] =	vst v63  }
0x3ce: {  	v3 =	vld [tilespmem:$0xC90];
	_ =	sdelay $0x4  }
0x3cf: {  	v15 =	vshll.u32 v3, $0x2  }
0x3d0: {  	v3 =	vand.u32 $0x7, v3;
	v4 =	vand.u32 $0xFFFFFFE0, v15  }
0x3d1: {  	v3 =	vor.u32 v3, v4  }
0x3d2: {  	v4 =	vperm.xlane v3, v0;
	_ =	sdelay $0x1  }
0x3d3: {  	v4 =	vadd.s32 v1, v4;
	_ =	sdelay $0x1  }
0x3d4: {  	v3 =	vperm.xlane v3, v2;
	_ =	sdelay $0x1  }
0x3d5: {  	s23 =	simm.s32 $0x7C00;
	v3 =	vadd.s32 v1, v3  }
0x3d6: {  	[tilespmem:s23], [sflag:$0x2] =	stream.indirect_vreg.gather [hbm4b:s2+s3], $0x80, v4, vm0, $0xb8;
	[tilespmem:$0x19C00] =	vst v63  }
0x3d7: {  	s19 =	simm.s32 $0x8400  }
0x3d8: {  	[tilespmem:s19], [sflag:$0x2] =	stream.indirect_vreg.gather [hbm4b:s5+s3], $0x80, v4, vm0, $0xb8;
	[tilespmem:$0x19C00] =	vst v63  }
0x3d9: {  	s18 =	simm.s32 $0x8C00  }
0x3da: {  	[tilespmem:s18], [sflag:$0x2] =	stream.indirect_vreg.gather [hbm4b:s2+s3], $0x80, v3, vm0, $0xb8;
	[tilespmem:$0x19C00] =	vst v63  }
0x3db: {  	s20 =	simm.s32 $0x9400  }
0x3dc: {  	[tilespmem:s20], [sflag:$0x2] =	stream.indirect_vreg.gather [hbm4b:s5+s3], $0x80, v3, vm0, $0xb8;
	[tilespmem:$0x19C00] =	vst v63  }
0x3dd: {  	_ =	swait.ge [sflag:s26], $0x4000  }
0x3de: {  	[sflag:s26] =	ssyncset.done $0x0  }
0x3df: {  	s14 =	rddreg [dreg:$0x18];
	[sflag:s26] =	ssyncadd.s32 $0xFFFFC000  }
0x3e0: {  	[hbm4b:s14+s3] =	stream.linear.scatter [tilespmem:s17], [sflag:$0x9], $0x4000, $0x38;
	[tilespmem:$0x19C00] =	vst v63  }
0x3e1: {  	_ =	swait.ge [sflag:s28], $0x4000  }
0x3e2: {  	[sflag:s28] =	ssyncset.done $0x0  }
0x3e3: {  	[sflag:s28] =	ssyncadd.s32 $0xFFFFC000  }
0x3e4: {  	v3 =	vld [tilespmem:$0xD00];
	_ =	sdelay $0x4  }
0x3e5: {  	v16 =	vshll.u32 v3, $0x2  }
0x3e6: {  	v3 =	vand.u32 $0x7, v3;
	v4 =	vand.u32 $0xFFFFFFE0, v16  }
0x3e7: {  	v3 =	vor.u32 v3, v4  }
0x3e8: {  	v4 =	vperm.xlane v3, v0;
	_ =	sdelay $0x1  }
0x3e9: {  	v4 =	vadd.s32 v1, v4;
	_ =	sdelay $0x1  }
0x3ea: {  	v3 =	vperm.xlane v3, v2;
	_ =	sdelay $0x1  }
0x3eb: {  	v3 =	vadd.s32 v1, v3  }
0x3ec: {  	[tilespmem:s17], [sflag:$0x3] =	stream.indirect_vreg.gather [hbm4b:s2+s3], $0x80, v4, vm0, $0xb8;
	[tilespmem:$0x19C00] =	vst v63  }
0x3ed: {  	s14 =	simm.s32 $0xA400  }
0x3ee: {  	[tilespmem:s14], [sflag:$0x3] =	stream.indirect_vreg.gather [hbm4b:s5+s3], $0x80, v4, vm0, $0xb8;
	[tilespmem:$0x19C00] =	vst v63  }
0x3ef: {  	s14 =	simm.s32 $0xAC00  }
0x3f0: {  	[tilespmem:s14], [sflag:$0x3] =	stream.indirect_vreg.gather [hbm4b:s2+s3], $0x80, v3, vm0, $0xb8;
	[tilespmem:$0x19C00] =	vst v63  }
0x3f1: {  	s14 =	simm.s32 $0xB400  }
0x3f2: {  	[tilespmem:s14], [sflag:$0x3] =	stream.indirect_vreg.gather [hbm4b:s5+s3], $0x80, v3, vm0, $0xb8;
	[tilespmem:$0x19C00] =	vst v63  }
0x3f3: {  	v3 =	vld [tilespmem:$0xD10];
	_ =	sdelay $0x4  }
0x3f4: {  	v17 =	vshll.u32 v3, $0x2  }
0x3f5: {  	v3 =	vand.u32 $0x7, v3;
	v4 =	vand.u32 $0xFFFFFFE0, v17  }
0x3f6: {  	v3 =	vor.u32 v3, v4  }
0x3f7: {  	v4 =	vperm.xlane v3, v0;
	_ =	sdelay $0x1  }
0x3f8: {  	v4 =	vadd.s32 v1, v4;
	_ =	sdelay $0x1  }
0x3f9: {  	v3 =	vperm.xlane v3, v2;
	_ =	sdelay $0x1  }
0x3fa: {  	s14 =	simm.s32 $0xBC00;
	v3 =	vadd.s32 v1, v3  }
0x3fb: {  	[tilespmem:s14], [sflag:$0x3] =	stream.indirect_vreg.gather [hbm4b:s2+s3], $0x80, v4, vm0, $0xb8;
	[tilespmem:$0x19C00] =	vst v63  }
0x3fc: {  	s14 =	simm.s32 $0xC400  }
0x3fd: {  	[tilespmem:s14], [sflag:$0x3] =	stream.indirect_vreg.gather [hbm4b:s5+s3], $0x80, v4, vm0, $0xb8;
	[tilespmem:$0x19C00] =	vst v63  }
0x3fe: {  	s14 =	simm.s32 $0xCC00  }
0x3ff: {  	[tilespmem:s14], [sflag:$0x3] =	stream.indirect_vreg.gather [hbm4b:s2+s3], $0x80, v3, vm0, $0xb8;
	[tilespmem:$0x19C00] =	vst v63  }
0x400: {  	s14 =	simm.s32 $0xD400  }
0x401: {  	[tilespmem:s14], [sflag:$0x3] =	stream.indirect_vreg.gather [hbm4b:s5+s3], $0x80, v3, vm0, $0xb8;
	[tilespmem:$0x19C00] =	vst v63  }
0x402: {  	_ =	swait.ge [sflag:s29], $0x4000  }
0x403: {  	[sflag:s29] =	ssyncset.done $0x0  }
0x404: {  	s14 =	rddreg [dreg:$0x19];
	[sflag:s29] =	ssyncadd.s32 $0xFFFFC000  }
0x405: {  	[hbm4b:s14+s3] =	stream.linear.scatter [tilespmem:s31], [sflag:$0xA], $0x4000, $0x38;
	[tilespmem:$0x19C00] =	vst v63  }
0x406: {  	_ =	swait.ge [sflag:s9], $0x4000  }
0x407: {  	[sflag:s9] =	ssyncset.done $0x0  }
0x408: {  	[sflag:s9] =	ssyncadd.s32 $0xFFFFC000  }
0x409: {  	v3 =	vld [tilespmem:$0xD80];
	_ =	sdelay $0x4  }
0x40a: {  	v18 =	vshll.u32 v3, $0x2  }
0x40b: {  	v3 =	vand.u32 $0x7, v3;
	v4 =	vand.u32 $0xFFFFFFE0, v18  }
0x40c: {  	v3 =	vor.u32 v3, v4  }
0x40d: {  	v4 =	vperm.xlane v3, v0;
	_ =	sdelay $0x1  }
0x40e: {  	v4 =	vadd.s32 v1, v4;
	_ =	sdelay $0x1  }
0x40f: {  	v3 =	vperm.xlane v3, v2;
	_ =	sdelay $0x1  }
0x410: {  	v3 =	vadd.s32 v1, v3  }
0x411: {  	[tilespmem:s31], [sflag:$0x4] =	stream.indirect_vreg.gather [hbm4b:s2+s3], $0x80, v4, vm0, $0xb8;
	[tilespmem:$0x19C00] =	vst v63  }
0x412: {  	s14 =	simm.s32 $0xE400  }
0x413: {  	[tilespmem:s14], [sflag:$0x4] =	stream.indirect_vreg.gather [hbm4b:s5+s3], $0x80, v4, vm0, $0xb8;
	[tilespmem:$0x19C00] =	vst v63  }
0x414: {  	s14 =	simm.s32 $0xEC00  }
0x415: {  	[tilespmem:s14], [sflag:$0x4] =	stream.indirect_vreg.gather [hbm4b:s2+s3], $0x80, v3, vm0, $0xb8;
	[tilespmem:$0x19C00] =	vst v63  }
0x416: {  	s14 =	simm.s32 $0xF400  }
0x417: {  	[tilespmem:s14], [sflag:$0x4] =	stream.indirect_vreg.gather [hbm4b:s5+s3], $0x80, v3, vm0, $0xb8;
	[tilespmem:$0x19C00] =	vst v63  }
0x418: {  	v3 =	vld [tilespmem:$0xD90];
	_ =	sdelay $0x4  }
0x419: {  	v19 =	vshll.u32 v3, $0x2  }
0x41a: {  	v3 =	vand.u32 $0x7, v3;
	v4 =	vand.u32 $0xFFFFFFE0, v19  }
0x41b: {  	v3 =	vor.u32 v3, v4  }
0x41c: {  	v4 =	vperm.xlane v3, v0;
	_ =	sdelay $0x1  }
0x41d: {  	v4 =	vadd.s32 v1, v4;
	_ =	sdelay $0x1  }
0x41e: {  	v3 =	vperm.xlane v3, v2;
	_ =	sdelay $0x1  }
0x41f: {  	s14 =	simm.s32 $0xFC00;
	v3 =	vadd.s32 v1, v3  }
0x420: {  	[tilespmem:s14], [sflag:$0x4] =	stream.indirect_vreg.gather [hbm4b:s2+s3], $0x80, v4, vm0, $0xb8;
	[tilespmem:$0x19C00] =	vst v63  }
0x421: {  	s14 =	simm.s32 $0x10400  }
0x422: {  	[tilespmem:s14], [sflag:$0x4] =	stream.indirect_vreg.gather [hbm4b:s5+s3], $0x80, v4, vm0, $0xb8;
	[tilespmem:$0x19C00] =	vst v63  }
0x423: {  	s14 =	simm.s32 $0x10C00  }
0x424: {  	[tilespmem:s14], [sflag:$0x4] =	stream.indirect_vreg.gather [hbm4b:s2+s3], $0x80, v3, vm0, $0xb8;
	[tilespmem:$0x19C00] =	vst v63  }
0x425: {  	s14 =	simm.s32 $0x11400  }
0x426: {  	[tilespmem:s14], [sflag:$0x4] =	stream.indirect_vreg.gather [hbm4b:s5+s3], $0x80, v3, vm0, $0xb8;
	[tilespmem:$0x19C00] =	vst v63  }
0x427: {  	_ =	swait.ge [sflag:s10], $0x4000  }
0x428: {  	[sflag:s10] =	ssyncset.done $0x0  }
0x429: {  	s14 =	rddreg [dreg:$0x1a];
	[sflag:s10] =	ssyncadd.s32 $0xFFFFC000  }
0x42a: {  	[hbm4b:s14+s3] =	stream.linear.scatter [tilespmem:s30], [sflag:$0xB], $0x4000, $0x38;
	[tilespmem:$0x19C00] =	vst v63  }
0x42b: {  	_ =	swait.ge [sflag:s11], $0x4000  }
0x42c: {  	[sflag:s11] =	ssyncset.done $0x0  }
0x42d: {  	[sflag:s11] =	ssyncadd.s32 $0xFFFFC000  }
0x42e: {  	v3 =	vld [tilespmem:$0xE00];
	_ =	sdelay $0x4  }
0x42f: {  	v20 =	vshll.u32 v3, $0x2  }
0x430: {  	v3 =	vand.u32 $0x7, v3;
	v4 =	vand.u32 $0xFFFFFFE0, v20  }
0x431: {  	v3 =	vor.u32 v3, v4  }
0x432: {  	v4 =	vperm.xlane v3, v0;
	_ =	sdelay $0x1  }
0x433: {  	v4 =	vadd.s32 v1, v4;
	_ =	sdelay $0x1  }
0x434: {  	v3 =	vperm.xlane v3, v2;
	_ =	sdelay $0x1  }
0x435: {  	v3 =	vadd.s32 v1, v3  }
0x436: {  	[tilespmem:s30], [sflag:$0x5] =	stream.indirect_vreg.gather [hbm4b:s2+s3], $0x80, v4, vm0, $0xb8;
	[tilespmem:$0x19C00] =	vst v63  }
0x437: {  	s14 =	simm.s32 $0x12400  }
0x438: {  	[tilespmem:s14], [sflag:$0x5] =	stream.indirect_vreg.gather [hbm4b:s5+s3], $0x80, v4, vm0, $0xb8;
	[tilespmem:$0x19C00] =	vst v63  }
0x439: {  	s14 =	simm.s32 $0x12C00  }
0x43a: {  	[tilespmem:s14], [sflag:$0x5] =	stream.indirect_vreg.gather [hbm4b:s2+s3], $0x80, v3, vm0, $0xb8;
	[tilespmem:$0x19C00] =	vst v63  }
0x43b: {  	s14 =	simm.s32 $0x13400  }
0x43c: {  	[tilespmem:s14], [sflag:$0x5] =	stream.indirect_vreg.gather [hbm4b:s5+s3], $0x80, v3, vm0, $0xb8;
	[tilespmem:$0x19C00] =	vst v63  }
0x43d: {  	v3 =	vld [tilespmem:$0xE10];
	_ =	sdelay $0x4  }
0x43e: {  	v21 =	vshll.u32 v3, $0x2  }
0x43f: {  	v3 =	vand.u32 $0x7, v3;
	v4 =	vand.u32 $0xFFFFFFE0, v21  }
0x440: {  	v3 =	vor.u32 v3, v4  }
0x441: {  	v4 =	vperm.xlane v3, v0;
	_ =	sdelay $0x1  }
0x442: {  	v4 =	vadd.s32 v1, v4;
	_ =	sdelay $0x1  }
0x443: {  	v3 =	vperm.xlane v3, v2;
	_ =	sdelay $0x1  }
0x444: {  	s14 =	simm.s32 $0x13C00;
	v3 =	vadd.s32 v1, v3  }
0x445: {  	[tilespmem:s14], [sflag:$0x5] =	stream.indirect_vreg.gather [hbm4b:s2+s3], $0x80, v4, vm0, $0xb8;
	[tilespmem:$0x19C00] =	vst v63  }
0x446: {  	s14 =	simm.s32 $0x14400  }
0x447: {  	[tilespmem:s14], [sflag:$0x5] =	stream.indirect_vreg.gather [hbm4b:s5+s3], $0x80, v4, vm0, $0xb8;
	[tilespmem:$0x19C00] =	vst v63  }
0x448: {  	s14 =	simm.s32 $0x14C00  }
0x449: {  	[tilespmem:s14], [sflag:$0x5] =	stream.indirect_vreg.gather [hbm4b:s2+s3], $0x80, v3, vm0, $0xb8;
	[tilespmem:$0x19C00] =	vst v63  }
0x44a: {  	s14 =	simm.s32 $0x15400  }
0x44b: {  	[tilespmem:s14], [sflag:$0x5] =	stream.indirect_vreg.gather [hbm4b:s5+s3], $0x80, v3, vm0, $0xb8;
	[tilespmem:$0x19C00] =	vst v63  }
0x44c: {  	_ =	swait.ge [sflag:s12], $0x4000  }
0x44d: {  	[sflag:s12] =	ssyncset.done $0x0  }
0x44e: {  	s14 =	rddreg [dreg:$0x1b];
	[sflag:s12] =	ssyncadd.s32 $0xFFFFC000  }
0x44f: {  	[hbm4b:s14+s3] =	stream.linear.scatter [tilespmem:s15], [sflag:$0xC], $0x4000, $0x38;
	[tilespmem:$0x19C00] =	vst v63  }
0x450: {  	_ =	swait.ge [sflag:s13], $0x4000  }
0x451: {  	[sflag:s13] =	ssyncset.done $0x0  }
0x452: {  	[sflag:s13] =	ssyncadd.s32 $0xFFFFC000  }
0x453: {  	v3 =	vld [tilespmem:$0xE80];
	_ =	sdelay $0x4  }
0x454: {  	v22 =	vshll.u32 v3, $0x2  }
0x455: {  	v3 =	vand.u32 $0x7, v3;
	v4 =	vand.u32 $0xFFFFFFE0, v22  }
0x456: {  	v3 =	vor.u32 v3, v4  }
0x457: {  	v4 =	vperm.xlane v3, v0;
	_ =	sdelay $0x1  }
0x458: {  	v4 =	vadd.s32 v1, v4;
	_ =	sdelay $0x1  }
0x459: {  	v3 =	vperm.xlane v3, v2;
	_ =	sdelay $0x1  }
0x45a: {  	v3 =	vadd.s32 v1, v3  }
0x45b: {  	[tilespmem:s15], [sflag:$0x6] =	stream.indirect_vreg.gather [hbm4b:s2+s3], $0x80, v4, vm0, $0xb8;
	[tilespmem:$0x19C00] =	vst v63  }
0x45c: {  	s14 =	simm.s32 $0x16400  }
0x45d: {  	[tilespmem:s14], [sflag:$0x6] =	stream.indirect_vreg.gather [hbm4b:s5+s3], $0x80, v4, vm0, $0xb8;
	[tilespmem:$0x19C00] =	vst v63  }
0x45e: {  	s14 =	simm.s32 $0x16C00  }
0x45f: {  	[tilespmem:s14], [sflag:$0x6] =	stream.indirect_vreg.gather [hbm4b:s2+s3], $0x80, v3, vm0, $0xb8;
	[tilespmem:$0x19C00] =	vst v63  }
0x460: {  	s14 =	simm.s32 $0x17400  }
0x461: {  	[tilespmem:s14], [sflag:$0x6] =	stream.indirect_vreg.gather [hbm4b:s5+s3], $0x80, v3, vm0, $0xb8;
	[tilespmem:$0x19C00] =	vst v63  }
0x462: {  	v3 =	vld [tilespmem:$0xE90];
	_ =	sdelay $0x4  }
0x463: {  	v23 =	vshll.u32 v3, $0x2  }
0x464: {  	v3 =	vand.u32 $0x7, v3;
	v4 =	vand.u32 $0xFFFFFFE0, v23  }
0x465: {  	v3 =	vor.u32 v3, v4  }
0x466: {  	v4 =	vperm.xlane v3, v0;
	_ =	sdelay $0x1  }
0x467: {  	v4 =	vadd.s32 v1, v4;
	_ =	sdelay $0x1  }
0x468: {  	v3 =	vperm.xlane v3, v2;
	_ =	sdelay $0x1  }
0x469: {  	s14 =	simm.s32 $0x17C00;
	v3 =	vadd.s32 v1, v3  }
0x46a: {  	[tilespmem:s14], [sflag:$0x6] =	stream.indirect_vreg.gather [hbm4b:s2+s3], $0x80, v4, vm0, $0xb8;
	[tilespmem:$0x19C00] =	vst v63  }
0x46b: {  	s14 =	simm.s32 $0x18400  }
0x46c: {  	[tilespmem:s14], [sflag:$0x6] =	stream.indirect_vreg.gather [hbm4b:s5+s3], $0x80, v4, vm0, $0xb8;
	[tilespmem:$0x19C00] =	vst v63  }
0x46d: {  	s14 =	simm.s32 $0x18C00  }
0x46e: {  	[tilespmem:s14], [sflag:$0x6] =	stream.indirect_vreg.gather [hbm4b:s2+s3], $0x80, v3, vm0, $0xb8;
	[tilespmem:$0x19C00] =	vst v63  }
0x46f: {  	s14 =	simm.s32 $0x19400  }
0x470: {  	[tilespmem:s14], [sflag:$0x6] =	stream.indirect_vreg.gather [hbm4b:s5+s3], $0x80, v3, vm0, $0xb8;
	[tilespmem:$0x19C00] =	vst v63  }
0x471: {  	_ =	swait.ge [sflag:s1], $0x4000  }
0x472: {  	[sflag:s1] =	ssyncset.done $0x0  }
0x473: {  	s14 =	rddreg [dreg:$0x1c];
	[sflag:s1] =	ssyncadd.s32 $0xFFFFC000  }
0x474: {  	[hbm4b:s14+s3] =	stream.linear.scatter [tilespmem:s16], [sflag:$0x7], $0x4000, $0x38;
	[tilespmem:$0x19C00] =	vst v63  }
0x475: {  	_ =	swait.ge [sflag:s7], $0x4000  }
0x476: {  	[sflag:s7] =	ssyncset.done $0x0  }
0x477: {  	[sflag:s7] =	ssyncadd.s32 $0xFFFFC000  }
0x478: {  	v3 =	vld [tilespmem:$0xF00];
	_ =	sdelay $0x4  }
0x479: {  	v24 =	vshll.u32 v3, $0x2  }
0x47a: {  	v3 =	vand.u32 $0x7, v3;
	v4 =	vand.u32 $0xFFFFFFE0, v24  }
0x47b: {  	v3 =	vor.u32 v3, v4  }
0x47c: {  	v4 =	vperm.xlane v3, v0;
	_ =	sdelay $0x1  }
0x47d: {  	v4 =	vadd.s32 v1, v4;
	_ =	sdelay $0x1  }
0x47e: {  	v3 =	vperm.xlane v3, v2;
	_ =	sdelay $0x1  }
0x47f: {  	v3 =	vadd.s32 v1, v3  }
0x480: {  	[tilespmem:s16], [sflag:$0x1] =	stream.indirect_vreg.gather [hbm4b:s2+s3], $0x80, v4, vm0, $0xb8;
	[tilespmem:$0x19C00] =	vst v63  }
0x481: {  	s14 =	simm.s32 $0x2400  }
0x482: {  	[tilespmem:s14], [sflag:$0x1] =	stream.indirect_vreg.gather [hbm4b:s5+s3], $0x80, v4, vm0, $0xb8;
	[tilespmem:$0x19C00] =	vst v63  }
0x483: {  	s14 =	simm.s32 $0x2C00  }
0x484: {  	[tilespmem:s14], [sflag:$0x1] =	stream.indirect_vreg.gather [hbm4b:s2+s3], $0x80, v3, vm0, $0xb8;
	[tilespmem:$0x19C00] =	vst v63  }
0x485: {  	s14 =	simm.s32 $0x3400  }
0x486: {  	[tilespmem:s14], [sflag:$0x1] =	stream.indirect_vreg.gather [hbm4b:s5+s3], $0x80, v3, vm0, $0xb8;
	[tilespmem:$0x19C00] =	vst v63  }
0x487: {  	v3 =	vld [tilespmem:$0xF10];
	_ =	sdelay $0x4  }
0x488: {  	v25 =	vshll.u32 v3, $0x2  }
0x489: {  	v3 =	vand.u32 $0x7, v3;
	v4 =	vand.u32 $0xFFFFFFE0, v25  }
0x48a: {  	v3 =	vor.u32 v3, v4  }
0x48b: {  	v4 =	vperm.xlane v3, v0;
	_ =	sdelay $0x1  }
0x48c: {  	v4 =	vadd.s32 v1, v4;
	_ =	sdelay $0x1  }
0x48d: {  	v3 =	vperm.xlane v3, v2;
	_ =	sdelay $0x1  }
0x48e: {  	s22 =	simm.s32 $0x3C00;
	v3 =	vadd.s32 v1, v3  }
0x48f: {  	[tilespmem:s22], [sflag:$0x1] =	stream.indirect_vreg.gather [hbm4b:s2+s3], $0x80, v4, vm0, $0xb8;
	[tilespmem:$0x19C00] =	vst v63  }
0x490: {  	s24 =	simm.s32 $0x4400  }
0x491: {  	[tilespmem:s24], [sflag:$0x1] =	stream.indirect_vreg.gather [hbm4b:s5+s3], $0x80, v4, vm0, $0xb8;
	[tilespmem:$0x19C00] =	vst v63  }
0x492: {  	s0 =	simm.s32 $0x4C00  }
0x493: {  	[tilespmem:s0], [sflag:$0x1] =	stream.indirect_vreg.gather [hbm4b:s2+s3], $0x80, v3, vm0, $0xb8;
	[tilespmem:$0x19C00] =	vst v63  }
0x494: {  	s14 =	simm.s32 $0x5400  }
0x495: {  	[tilespmem:s14], [sflag:$0x1] =	stream.indirect_vreg.gather [hbm4b:s5+s3], $0x80, v3, vm0, $0xb8;
	[tilespmem:$0x19C00] =	vst v63  }
0x496: {  	_ =	swait.ge [sflag:s4], $0x4000  }
0x497: {  	[sflag:s4] =	ssyncset.done $0x0  }
0x498: {  	s14 =	rddreg [dreg:$0x1d];
	[sflag:s4] =	ssyncadd.s32 $0xFFFFC000  }
0x499: {  	[hbm4b:s14+s3] =	stream.linear.scatter [tilespmem:s8], [sflag:$0x8], $0x4000, $0x38;
	[tilespmem:$0x19C00] =	vst v63  }
0x49a: {  	_ =	swait.ge [sflag:s25], $0x4000  }
0x49b: {  	[sflag:s25] =	ssyncset.done $0x0  }
0x49c: {  	[sflag:s25] =	ssyncadd.s32 $0xFFFFC000  }
0x49d: {  	v3 =	vld [tilespmem:$0xF80];
	_ =	sdelay $0x4  }
0x49e: {  	v26 =	vshll.u32 v3, $0x2  }
0x49f: {  	v3 =	vand.u32 $0x7, v3;
	v4 =	vand.u32 $0xFFFFFFE0, v26  }
0x4a0: {  	v3 =	vor.u32 v3, v4  }
0x4a1: {  	v4 =	vperm.xlane v3, v0;
	_ =	sdelay $0x1  }
0x4a2: {  	v4 =	vadd.s32 v1, v4;
	_ =	sdelay $0x1  }
0x4a3: {  	v3 =	vperm.xlane v3, v2;
	_ =	sdelay $0x1  }
0x4a4: {  	v3 =	vadd.s32 v1, v3  }
0x4a5: {  	[tilespmem:s8], [sflag:$0x2] =	stream.indirect_vreg.gather [hbm4b:s2+s3], $0x80, v4, vm0, $0xb8;
	[tilespmem:$0x19C00] =	vst v63  }
0x4a6: {  	s6 =	simm.s32 $0x6400  }
0x4a7: {  	[tilespmem:s6], [sflag:$0x2] =	stream.indirect_vreg.gather [hbm4b:s5+s3], $0x80, v4, vm0, $0xb8;
	[tilespmem:$0x19C00] =	vst v63  }
0x4a8: {  	s21 =	simm.s32 $0x6C00  }
0x4a9: {  	[tilespmem:s21], [sflag:$0x2] =	stream.indirect_vreg.gather [hbm4b:s2+s3], $0x80, v3, vm0, $0xb8;
	[tilespmem:$0x19C00] =	vst v63  }
0x4aa: {  	s14 =	simm.s32 $0x7400  }
0x4ab: {  	[tilespmem:s14], [sflag:$0x2] =	stream.indirect_vreg.gather [hbm4b:s5+s3], $0x80, v3, vm0, $0xb8;
	[tilespmem:$0x19C00] =	vst v63  }
0x4ac: {  	v3 =	vld [tilespmem:$0xF90];
	_ =	sdelay $0x4  }
0x4ad: {  	v27 =	vshll.u32 v3, $0x2  }
0x4ae: {  	v3 =	vand.u32 $0x7, v3;
	v4 =	vand.u32 $0xFFFFFFE0, v27  }
0x4af: {  	v3 =	vor.u32 v3, v4  }
0x4b0: {  	v4 =	vperm.xlane v3, v0;
	_ =	sdelay $0x1  }
0x4b1: {  	v4 =	vadd.s32 v1, v4;
	_ =	sdelay $0x1  }
0x4b2: {  	v3 =	vperm.xlane v3, v2;
	_ =	sdelay $0x1  }
0x4b3: {  	s23 =	simm.s32 $0x7C00;
	v3 =	vadd.s32 v1, v3  }
0x4b4: {  	[tilespmem:s23], [sflag:$0x2] =	stream.indirect_vreg.gather [hbm4b:s2+s3], $0x80, v4, vm0, $0xb8;
	[tilespmem:$0x19C00] =	vst v63  }
0x4b5: {  	s19 =	simm.s32 $0x8400  }
0x4b6: {  	[tilespmem:s19], [sflag:$0x2] =	stream.indirect_vreg.gather [hbm4b:s5+s3], $0x80, v4, vm0, $0xb8;
	[tilespmem:$0x19C00] =	vst v63  }
0x4b7: {  	s18 =	simm.s32 $0x8C00  }
0x4b8: {  	[tilespmem:s18], [sflag:$0x2] =	stream.indirect_vreg.gather [hbm4b:s2+s3], $0x80, v3, vm0, $0xb8;
	[tilespmem:$0x19C00] =	vst v63  }
0x4b9: {  	s20 =	simm.s32 $0x9400  }
0x4ba: {  	[tilespmem:s20], [sflag:$0x2] =	stream.indirect_vreg.gather [hbm4b:s5+s3], $0x80, v3, vm0, $0xb8;
	[tilespmem:$0x19C00] =	vst v63  }
0x4bb: {  	_ =	swait.ge [sflag:s26], $0x4000  }
0x4bc: {  	[sflag:s26] =	ssyncset.done $0x0  }
0x4bd: {  	s14 =	rddreg [dreg:$0x1e];
	[sflag:s26] =	ssyncadd.s32 $0xFFFFC000  }
0x4be: {  	[hbm4b:s14+s3] =	stream.linear.scatter [tilespmem:s17], [sflag:$0x9], $0x4000, $0x38;
	[tilespmem:$0x19C00] =	vst v63  }
0x4bf: {  	_ =	swait.ge [sflag:s28], $0x4000  }
0x4c0: {  	[sflag:s28] =	ssyncset.done $0x0  }
0x4c1: {  	[sflag:s28] =	ssyncadd.s32 $0xFFFFC000  }
0x4c2: {  	v3 =	vld [tilespmem:$0x1000];
	_ =	sdelay $0x4  }
0x4c3: {  	v28 =	vshll.u32 v3, $0x2  }
0x4c4: {  	v3 =	vand.u32 $0x7, v3;
	v4 =	vand.u32 $0xFFFFFFE0, v28  }
0x4c5: {  	v3 =	vor.u32 v3, v4  }
0x4c6: {  	v4 =	vperm.xlane v3, v0;
	_ =	sdelay $0x1  }
0x4c7: {  	v4 =	vadd.s32 v1, v4;
	_ =	sdelay $0x1  }
0x4c8: {  	v3 =	vperm.xlane v3, v2;
	_ =	sdelay $0x1  }
0x4c9: {  	v3 =	vadd.s32 v1, v3  }
0x4ca: {  	[tilespmem:s17], [sflag:$0x3] =	stream.indirect_vreg.gather [hbm4b:s2+s3], $0x80, v4, vm0, $0xb8;
	[tilespmem:$0x19C00] =	vst v63  }
0x4cb: {  	s14 =	simm.s32 $0xA400  }
0x4cc: {  	[tilespmem:s14], [sflag:$0x3] =	stream.indirect_vreg.gather [hbm4b:s5+s3], $0x80, v4, vm0, $0xb8;
	[tilespmem:$0x19C00] =	vst v63  }
0x4cd: {  	s14 =	simm.s32 $0xAC00  }
0x4ce: {  	[tilespmem:s14], [sflag:$0x3] =	stream.indirect_vreg.gather [hbm4b:s2+s3], $0x80, v3, vm0, $0xb8;
	[tilespmem:$0x19C00] =	vst v63  }
0x4cf: {  	s14 =	simm.s32 $0xB400  }
0x4d0: {  	[tilespmem:s14], [sflag:$0x3] =	stream.indirect_vreg.gather [hbm4b:s5+s3], $0x80, v3, vm0, $0xb8;
	[tilespmem:$0x19C00] =	vst v63  }
0x4d1: {  	v3 =	vld [tilespmem:$0x1010];
	_ =	sdelay $0x4  }
0x4d2: {  	v29 =	vshll.u32 v3, $0x2  }
0x4d3: {  	v3 =	vand.u32 $0x7, v3;
	v4 =	vand.u32 $0xFFFFFFE0, v29  }
0x4d4: {  	v3 =	vor.u32 v3, v4  }
0x4d5: {  	v4 =	vperm.xlane v3, v0;
	_ =	sdelay $0x1  }
0x4d6: {  	v4 =	vadd.s32 v1, v4;
	_ =	sdelay $0x1  }
0x4d7: {  	v3 =	vperm.xlane v3, v2;
	_ =	sdelay $0x1  }
0x4d8: {  	s14 =	simm.s32 $0xBC00;
	v3 =	vadd.s32 v1, v3  }
0x4d9: {  	[tilespmem:s14], [sflag:$0x3] =	stream.indirect_vreg.gather [hbm4b:s2+s3], $0x80, v4, vm0, $0xb8;
	[tilespmem:$0x19C00] =	vst v63  }
0x4da: {  	s14 =	simm.s32 $0xC400  }
0x4db: {  	[tilespmem:s14], [sflag:$0x3] =	stream.indirect_vreg.gather [hbm4b:s5+s3], $0x80, v4, vm0, $0xb8;
	[tilespmem:$0x19C00] =	vst v63  }
0x4dc: {  	s14 =	simm.s32 $0xCC00  }
0x4dd: {  	[tilespmem:s14], [sflag:$0x3] =	stream.indirect_vreg.gather [hbm4b:s2+s3], $0x80, v3, vm0, $0xb8;
	[tilespmem:$0x19C00] =	vst v63  }
0x4de: {  	s14 =	simm.s32 $0xD400  }
0x4df: {  	[tilespmem:s14], [sflag:$0x3] =	stream.indirect_vreg.gather [hbm4b:s5+s3], $0x80, v3, vm0, $0xb8;
	[tilespmem:$0x19C00] =	vst v63  }
0x4e0: {  	_ =	swait.ge [sflag:s29], $0x4000  }
0x4e1: {  	[sflag:s29] =	ssyncset.done $0x0  }
0x4e2: {  	s14 =	rddreg [dreg:$0x1f];
	[sflag:s29] =	ssyncadd.s32 $0xFFFFC000  }
0x4e3: {  	[hbm4b:s14+s3] =	stream.linear.scatter [tilespmem:s31], [sflag:$0xA], $0x4000, $0x38;
	[tilespmem:$0x19C00] =	vst v63  }
0x4e4: {  	_ =	swait.ge [sflag:s9], $0x4000  }
0x4e5: {  	[sflag:s9] =	ssyncset.done $0x0  }
0x4e6: {  	[sflag:s9] =	ssyncadd.s32 $0xFFFFC000  }
0x4e7: {  	v3 =	vld [tilespmem:$0x1080];
	_ =	sdelay $0x4  }
0x4e8: {  	v30 =	vshll.u32 v3, $0x2  }
0x4e9: {  	v3 =	vand.u32 $0x7, v3;
	v4 =	vand.u32 $0xFFFFFFE0, v30  }
0x4ea: {  	v3 =	vor.u32 v3, v4  }
0x4eb: {  	v4 =	vperm.xlane v3, v0;
	_ =	sdelay $0x1  }
0x4ec: {  	v4 =	vadd.s32 v1, v4;
	_ =	sdelay $0x1  }
0x4ed: {  	v3 =	vperm.xlane v3, v2;
	_ =	sdelay $0x1  }
0x4ee: {  	v3 =	vadd.s32 v1, v3  }
0x4ef: {  	[tilespmem:s31], [sflag:$0x4] =	stream.indirect_vreg.gather [hbm4b:s2+s3], $0x80, v4, vm0, $0xb8;
	[tilespmem:$0x19C00] =	vst v63  }
0x4f0: {  	s14 =	simm.s32 $0xE400  }
0x4f1: {  	[tilespmem:s14], [sflag:$0x4] =	stream.indirect_vreg.gather [hbm4b:s5+s3], $0x80, v4, vm0, $0xb8;
	[tilespmem:$0x19C00] =	vst v63  }
0x4f2: {  	s14 =	simm.s32 $0xEC00  }
0x4f3: {  	[tilespmem:s14], [sflag:$0x4] =	stream.indirect_vreg.gather [hbm4b:s2+s3], $0x80, v3, vm0, $0xb8;
	[tilespmem:$0x19C00] =	vst v63  }
0x4f4: {  	s14 =	simm.s32 $0xF400  }
0x4f5: {  	[tilespmem:s14], [sflag:$0x4] =	stream.indirect_vreg.gather [hbm4b:s5+s3], $0x80, v3, vm0, $0xb8;
	[tilespmem:$0x19C00] =	vst v63  }
0x4f6: {  	v3 =	vld [tilespmem:$0x1090];
	_ =	sdelay $0x4  }
0x4f7: {  	v31 =	vshll.u32 v3, $0x2  }
0x4f8: {  	v3 =	vand.u32 $0x7, v3;
	v4 =	vand.u32 $0xFFFFFFE0, v31  }
0x4f9: {  	v3 =	vor.u32 v3, v4  }
0x4fa: {  	v4 =	vperm.xlane v3, v0;
	_ =	sdelay $0x1  }
0x4fb: {  	v4 =	vadd.s32 v1, v4;
	_ =	sdelay $0x1  }
0x4fc: {  	v3 =	vperm.xlane v3, v2;
	_ =	sdelay $0x1  }
0x4fd: {  	s14 =	simm.s32 $0xFC00;
	v3 =	vadd.s32 v1, v3  }
0x4fe: {  	[tilespmem:s14], [sflag:$0x4] =	stream.indirect_vreg.gather [hbm4b:s2+s3], $0x80, v4, vm0, $0xb8;
	[tilespmem:$0x19C00] =	vst v63  }
0x4ff: {  	s14 =	simm.s32 $0x10400  }
0x500: {  	[tilespmem:s14], [sflag:$0x4] =	stream.indirect_vreg.gather [hbm4b:s5+s3], $0x80, v4, vm0, $0xb8;
	[tilespmem:$0x19C00] =	vst v63  }
0x501: {  	s14 =	simm.s32 $0x10C00  }
0x502: {  	[tilespmem:s14], [sflag:$0x4] =	stream.indirect_vreg.gather [hbm4b:s2+s3], $0x80, v3, vm0, $0xb8;
	[tilespmem:$0x19C00] =	vst v63  }
0x503: {  	s14 =	simm.s32 $0x11400  }
0x504: {  	[tilespmem:s14], [sflag:$0x4] =	stream.indirect_vreg.gather [hbm4b:s5+s3], $0x80, v3, vm0, $0xb8;
	[tilespmem:$0x19C00] =	vst v63  }
0x505: {  	_ =	swait.ge [sflag:s10], $0x4000  }
0x506: {  	s14 =	sld [smem:$0x7E7]  }
0x507: {  	[sflag:s10] =	ssyncset.done $0x0  }
0x508: {  	[sflag:s10] =	ssyncadd.s32 $0xFFFFC000  }
0x509: {  	[hbm4b:s14+s3] =	stream.linear.scatter [tilespmem:s30], [sflag:$0xB], $0x4000, $0x38;
	[tilespmem:$0x19C00] =	vst v63  }
0x50a: {  	_ =	swait.ge [sflag:s11], $0x4000  }
0x50b: {  	[sflag:s11] =	ssyncset.done $0x0  }
0x50c: {  	[sflag:s11] =	ssyncadd.s32 $0xFFFFC000  }
0x50d: {  	v3 =	vld [tilespmem:$0x1100];
	_ =	sdelay $0x4  }
0x50e: {  	v32 =	vshll.u32 v3, $0x2  }
0x50f: {  	v3 =	vand.u32 $0x7, v3;
	v4 =	vand.u32 $0xFFFFFFE0, v32  }
0x510: {  	v3 =	vor.u32 v3, v4  }
0x511: {  	v4 =	vperm.xlane v3, v0;
	_ =	sdelay $0x1  }
0x512: {  	v4 =	vadd.s32 v1, v4;
	_ =	sdelay $0x1  }
0x513: {  	v3 =	vperm.xlane v3, v2;
	_ =	sdelay $0x1  }
0x514: {  	v3 =	vadd.s32 v1, v3  }
0x515: {  	[tilespmem:s30], [sflag:$0x5] =	stream.indirect_vreg.gather [hbm4b:s2+s3], $0x80, v4, vm0, $0xb8;
	[tilespmem:$0x19C00] =	vst v63  }
0x516: {  	s14 =	simm.s32 $0x12400  }
0x517: {  	[tilespmem:s14], [sflag:$0x5] =	stream.indirect_vreg.gather [hbm4b:s5+s3], $0x80, v4, vm0, $0xb8;
	[tilespmem:$0x19C00] =	vst v63  }
0x518: {  	s14 =	simm.s32 $0x12C00  }
0x519: {  	[tilespmem:s14], [sflag:$0x5] =	stream.indirect_vreg.gather [hbm4b:s2+s3], $0x80, v3, vm0, $0xb8;
	[tilespmem:$0x19C00] =	vst v63  }
0x51a: {  	s14 =	simm.s32 $0x13400  }
0x51b: {  	[tilespmem:s14], [sflag:$0x5] =	stream.indirect_vreg.gather [hbm4b:s5+s3], $0x80, v3, vm0, $0xb8;
	[tilespmem:$0x19C00] =	vst v63  }
0x51c: {  	v3 =	vld [tilespmem:$0x1110];
	_ =	sdelay $0x4  }
0x51d: {  	v33 =	vshll.u32 v3, $0x2  }
0x51e: {  	v3 =	vand.u32 $0x7, v3;
	v4 =	vand.u32 $0xFFFFFFE0, v33  }
0x51f: {  	v3 =	vor.u32 v3, v4  }
0x520: {  	v4 =	vperm.xlane v3, v0;
	_ =	sdelay $0x1  }
0x521: {  	v4 =	vadd.s32 v1, v4;
	_ =	sdelay $0x1  }
0x522: {  	v3 =	vperm.xlane v3, v2;
	_ =	sdelay $0x1  }
0x523: {  	s14 =	simm.s32 $0x13C00;
	v3 =	vadd.s32 v1, v3  }
0x524: {  	[tilespmem:s14], [sflag:$0x5] =	stream.indirect_vreg.gather [hbm4b:s2+s3], $0x80, v4, vm0, $0xb8;
	[tilespmem:$0x19C00] =	vst v63  }
0x525: {  	s14 =	simm.s32 $0x14400  }
0x526: {  	[tilespmem:s14], [sflag:$0x5] =	stream.indirect_vreg.gather [hbm4b:s5+s3], $0x80, v4, vm0, $0xb8;
	[tilespmem:$0x19C00] =	vst v63  }
0x527: {  	s14 =	simm.s32 $0x14C00  }
0x528: {  	[tilespmem:s14], [sflag:$0x5] =	stream.indirect_vreg.gather [hbm4b:s2+s3], $0x80, v3, vm0, $0xb8;
	[tilespmem:$0x19C00] =	vst v63  }
0x529: {  	s14 =	simm.s32 $0x15400  }
0x52a: {  	[tilespmem:s14], [sflag:$0x5] =	stream.indirect_vreg.gather [hbm4b:s5+s3], $0x80, v3, vm0, $0xb8;
	[tilespmem:$0x19C00] =	vst v63  }
0x52b: {  	_ =	swait.ge [sflag:s12], $0x4000  }
0x52c: {  	s14 =	sld [smem:$0x7E8]  }
0x52d: {  	[sflag:s12] =	ssyncset.done $0x0  }
0x52e: {  	[sflag:s12] =	ssyncadd.s32 $0xFFFFC000  }
0x52f: {  	[hbm4b:s14+s3] =	stream.linear.scatter [tilespmem:s15], [sflag:$0xC], $0x4000, $0x38;
	[tilespmem:$0x19C00] =	vst v63  }
0x530: {  	_ =	swait.ge [sflag:s13], $0x4000  }
0x531: {  	[sflag:s13] =	ssyncset.done $0x0  }
0x532: {  	[sflag:s13] =	ssyncadd.s32 $0xFFFFC000  }
0x533: {  	v3 =	vld [tilespmem:$0x1180];
	_ =	sdelay $0x4  }
0x534: {  	v34 =	vshll.u32 v3, $0x2  }
0x535: {  	v3 =	vand.u32 $0x7, v3;
	v4 =	vand.u32 $0xFFFFFFE0, v34  }
0x536: {  	v3 =	vor.u32 v3, v4  }
0x537: {  	v4 =	vperm.xlane v3, v0;
	_ =	sdelay $0x1  }
0x538: {  	v4 =	vadd.s32 v1, v4;
	_ =	sdelay $0x1  }
0x539: {  	v3 =	vperm.xlane v3, v2;
	_ =	sdelay $0x1  }
0x53a: {  	v3 =	vadd.s32 v1, v3  }
0x53b: {  	[tilespmem:s15], [sflag:$0x6] =	stream.indirect_vreg.gather [hbm4b:s2+s3], $0x80, v4, vm0, $0xb8;
	[tilespmem:$0x19C00] =	vst v63  }
0x53c: {  	s14 =	simm.s32 $0x16400  }
0x53d: {  	[tilespmem:s14], [sflag:$0x6] =	stream.indirect_vreg.gather [hbm4b:s5+s3], $0x80, v4, vm0, $0xb8;
	[tilespmem:$0x19C00] =	vst v63  }
0x53e: {  	s14 =	simm.s32 $0x16C00  }
0x53f: {  	[tilespmem:s14], [sflag:$0x6] =	stream.indirect_vreg.gather [hbm4b:s2+s3], $0x80, v3, vm0, $0xb8;
	[tilespmem:$0x19C00] =	vst v63  }
0x540: {  	s14 =	simm.s32 $0x17400  }
0x541: {  	[tilespmem:s14], [sflag:$0x6] =	stream.indirect_vreg.gather [hbm4b:s5+s3], $0x80, v3, vm0, $0xb8;
	[tilespmem:$0x19C00] =	vst v63  }
0x542: {  	v3 =	vld [tilespmem:$0x1190];
	_ =	sdelay $0x4  }
0x543: {  	v35 =	vshll.u32 v3, $0x2  }
0x544: {  	v3 =	vand.u32 $0x7, v3;
	v4 =	vand.u32 $0xFFFFFFE0, v35  }
0x545: {  	v3 =	vor.u32 v3, v4  }
0x546: {  	v4 =	vperm.xlane v3, v0;
	_ =	sdelay $0x1  }
0x547: {  	v4 =	vadd.s32 v1, v4;
	_ =	sdelay $0x1  }
0x548: {  	v3 =	vperm.xlane v3, v2;
	_ =	sdelay $0x1  }
0x549: {  	s14 =	simm.s32 $0x17C00;
	v3 =	vadd.s32 v1, v3  }
0x54a: {  	[tilespmem:s14], [sflag:$0x6] =	stream.indirect_vreg.gather [hbm4b:s2+s3], $0x80, v4, vm0, $0xb8;
	[tilespmem:$0x19C00] =	vst v63  }
0x54b: {  	s14 =	simm.s32 $0x18400  }
0x54c: {  	[tilespmem:s14], [sflag:$0x6] =	stream.indirect_vreg.gather [hbm4b:s5+s3], $0x80, v4, vm0, $0xb8;
	[tilespmem:$0x19C00] =	vst v63  }
0x54d: {  	s14 =	simm.s32 $0x18C00  }
0x54e: {  	[tilespmem:s14], [sflag:$0x6] =	stream.indirect_vreg.gather [hbm4b:s2+s3], $0x80, v3, vm0, $0xb8;
	[tilespmem:$0x19C00] =	vst v63  }
0x54f: {  	s14 =	simm.s32 $0x19400  }
0x550: {  	[tilespmem:s14], [sflag:$0x6] =	stream.indirect_vreg.gather [hbm4b:s5+s3], $0x80, v3, vm0, $0xb8;
	[tilespmem:$0x19C00] =	vst v63  }
0x551: {  	_ =	swait.ge [sflag:s1], $0x4000  }
0x552: {  	s14 =	sld [smem:$0x7E9]  }
0x553: {  	[sflag:s1] =	ssyncset.done $0x0  }
0x554: {  	[sflag:s1] =	ssyncadd.s32 $0xFFFFC000  }
0x555: {  	[hbm4b:s14+s3] =	stream.linear.scatter [tilespmem:s16], [sflag:$0x7], $0x4000, $0x38;
	[tilespmem:$0x19C00] =	vst v63  }
0x556: {  	_ =	swait.ge [sflag:s7], $0x4000  }
0x557: {  	[sflag:s7] =	ssyncset.done $0x0  }
0x558: {  	[sflag:s7] =	ssyncadd.s32 $0xFFFFC000  }
0x559: {  	v3 =	vld [tilespmem:$0x1200];
	_ =	sdelay $0x4  }
0x55a: {  	v36 =	vshll.u32 v3, $0x2  }
0x55b: {  	v3 =	vand.u32 $0x7, v3;
	v4 =	vand.u32 $0xFFFFFFE0, v36  }
0x55c: {  	v3 =	vor.u32 v3, v4  }
0x55d: {  	v4 =	vperm.xlane v3, v0;
	_ =	sdelay $0x1  }
0x55e: {  	v4 =	vadd.s32 v1, v4;
	_ =	sdelay $0x1  }
0x55f: {  	v3 =	vperm.xlane v3, v2;
	_ =	sdelay $0x1  }
0x560: {  	v3 =	vadd.s32 v1, v3  }
0x561: {  	[tilespmem:s16], [sflag:$0x1] =	stream.indirect_vreg.gather [hbm4b:s2+s3], $0x80, v4, vm0, $0xb8;
	[tilespmem:$0x19C00] =	vst v63  }
0x562: {  	s14 =	simm.s32 $0x2400  }
0x563: {  	[tilespmem:s14], [sflag:$0x1] =	stream.indirect_vreg.gather [hbm4b:s5+s3], $0x80, v4, vm0, $0xb8;
	[tilespmem:$0x19C00] =	vst v63  }
0x564: {  	s14 =	simm.s32 $0x2C00  }
0x565: {  	[tilespmem:s14], [sflag:$0x1] =	stream.indirect_vreg.gather [hbm4b:s2+s3], $0x80, v3, vm0, $0xb8;
	[tilespmem:$0x19C00] =	vst v63  }
0x566: {  	s14 =	simm.s32 $0x3400  }
0x567: {  	[tilespmem:s14], [sflag:$0x1] =	stream.indirect_vreg.gather [hbm4b:s5+s3], $0x80, v3, vm0, $0xb8;
	[tilespmem:$0x19C00] =	vst v63  }
0x568: {  	v3 =	vld [tilespmem:$0x1210];
	_ =	sdelay $0x4  }
0x569: {  	v37 =	vshll.u32 v3, $0x2  }
0x56a: {  	v3 =	vand.u32 $0x7, v3;
	v4 =	vand.u32 $0xFFFFFFE0, v37  }
0x56b: {  	v3 =	vor.u32 v3, v4  }
0x56c: {  	v4 =	vperm.xlane v3, v0;
	_ =	sdelay $0x1  }
0x56d: {  	v4 =	vadd.s32 v1, v4;
	_ =	sdelay $0x1  }
0x56e: {  	v3 =	vperm.xlane v3, v2;
	_ =	sdelay $0x1  }
0x56f: {  	s22 =	simm.s32 $0x3C00;
	v3 =	vadd.s32 v1, v3  }
0x570: {  	[tilespmem:s22], [sflag:$0x1] =	stream.indirect_vreg.gather [hbm4b:s2+s3], $0x80, v4, vm0, $0xb8;
	[tilespmem:$0x19C00] =	vst v63  }
0x571: {  	s24 =	simm.s32 $0x4400  }
0x572: {  	[tilespmem:s24], [sflag:$0x1] =	stream.indirect_vreg.gather [hbm4b:s5+s3], $0x80, v4, vm0, $0xb8;
	[tilespmem:$0x19C00] =	vst v63  }
0x573: {  	s0 =	simm.s32 $0x4C00  }
0x574: {  	[tilespmem:s0], [sflag:$0x1] =	stream.indirect_vreg.gather [hbm4b:s2+s3], $0x80, v3, vm0, $0xb8;
	[tilespmem:$0x19C00] =	vst v63  }
0x575: {  	s14 =	simm.s32 $0x5400  }
0x576: {  	[tilespmem:s14], [sflag:$0x1] =	stream.indirect_vreg.gather [hbm4b:s5+s3], $0x80, v3, vm0, $0xb8;
	[tilespmem:$0x19C00] =	vst v63  }
0x577: {  	_ =	swait.ge [sflag:s4], $0x4000  }
0x578: {  	s14 =	sld [smem:$0x7EA]  }
0x579: {  	[sflag:s4] =	ssyncset.done $0x0  }
0x57a: {  	[sflag:s4] =	ssyncadd.s32 $0xFFFFC000  }
0x57b: {  	[hbm4b:s14+s3] =	stream.linear.scatter [tilespmem:s8], [sflag:$0x8], $0x4000, $0x38;
	[tilespmem:$0x19C00] =	vst v63  }
0x57c: {  	_ =	swait.ge [sflag:s25], $0x4000  }
0x57d: {  	[sflag:s25] =	ssyncset.done $0x0  }
0x57e: {  	[sflag:s25] =	ssyncadd.s32 $0xFFFFC000  }
0x57f: {  	v3 =	vld [tilespmem:$0x1280];
	_ =	sdelay $0x4  }
0x580: {  	v38 =	vshll.u32 v3, $0x2  }
0x581: {  	v3 =	vand.u32 $0x7, v3;
	v4 =	vand.u32 $0xFFFFFFE0, v38  }
0x582: {  	v3 =	vor.u32 v3, v4  }
0x583: {  	v4 =	vperm.xlane v3, v0;
	_ =	sdelay $0x1  }
0x584: {  	v4 =	vadd.s32 v1, v4;
	_ =	sdelay $0x1  }
0x585: {  	v3 =	vperm.xlane v3, v2;
	_ =	sdelay $0x1  }
0x586: {  	v3 =	vadd.s32 v1, v3  }
0x587: {  	[tilespmem:s8], [sflag:$0x2] =	stream.indirect_vreg.gather [hbm4b:s2+s3], $0x80, v4, vm0, $0xb8;
	[tilespmem:$0x19C00] =	vst v63  }
0x588: {  	s6 =	simm.s32 $0x6400  }
0x589: {  	[tilespmem:s6], [sflag:$0x2] =	stream.indirect_vreg.gather [hbm4b:s5+s3], $0x80, v4, vm0, $0xb8;
	[tilespmem:$0x19C00] =	vst v63  }
0x58a: {  	s21 =	simm.s32 $0x6C00  }
0x58b: {  	[tilespmem:s21], [sflag:$0x2] =	stream.indirect_vreg.gather [hbm4b:s2+s3], $0x80, v3, vm0, $0xb8;
	[tilespmem:$0x19C00] =	vst v63  }
0x58c: {  	s14 =	simm.s32 $0x7400  }
0x58d: {  	[tilespmem:s14], [sflag:$0x2] =	stream.indirect_vreg.gather [hbm4b:s5+s3], $0x80, v3, vm0, $0xb8;
	[tilespmem:$0x19C00] =	vst v63  }
0x58e: {  	v3 =	vld [tilespmem:$0x1290];
	_ =	sdelay $0x4  }
0x58f: {  	v39 =	vshll.u32 v3, $0x2  }
0x590: {  	v3 =	vand.u32 $0x7, v3;
	v4 =	vand.u32 $0xFFFFFFE0, v39  }
0x591: {  	v3 =	vor.u32 v3, v4  }
0x592: {  	v4 =	vperm.xlane v3, v0;
	_ =	sdelay $0x1  }
0x593: {  	v4 =	vadd.s32 v1, v4;
	_ =	sdelay $0x1  }
0x594: {  	v3 =	vperm.xlane v3, v2;
	_ =	sdelay $0x1  }
0x595: {  	s23 =	simm.s32 $0x7C00;
	v3 =	vadd.s32 v1, v3  }
0x596: {  	[tilespmem:s23], [sflag:$0x2] =	stream.indirect_vreg.gather [hbm4b:s2+s3], $0x80, v4, vm0, $0xb8;
	[tilespmem:$0x19C00] =	vst v63  }
0x597: {  	s19 =	simm.s32 $0x8400  }
0x598: {  	[tilespmem:s19], [sflag:$0x2] =	stream.indirect_vreg.gather [hbm4b:s5+s3], $0x80, v4, vm0, $0xb8;
	[tilespmem:$0x19C00] =	vst v63  }
0x599: {  	s18 =	simm.s32 $0x8C00  }
0x59a: {  	[tilespmem:s18], [sflag:$0x2] =	stream.indirect_vreg.gather [hbm4b:s2+s3], $0x80, v3, vm0, $0xb8;
	[tilespmem:$0x19C00] =	vst v63  }
0x59b: {  	s20 =	simm.s32 $0x9400  }
0x59c: {  	[tilespmem:s20], [sflag:$0x2] =	stream.indirect_vreg.gather [hbm4b:s5+s3], $0x80, v3, vm0, $0xb8;
	[tilespmem:$0x19C00] =	vst v63  }
0x59d: {  	_ =	swait.ge [sflag:s26], $0x4000  }
0x59e: {  	s20 =	sld [smem:$0x7EB]  }
0x59f: {  	[sflag:s26] =	ssyncset.done $0x0  }
0x5a0: {  	[sflag:s26] =	ssyncadd.s32 $0xFFFFC000  }
0x5a1: {  	[hbm4b:s20+s3] =	stream.linear.scatter [tilespmem:s17], [sflag:$0x9], $0x4000, $0x38;
	[tilespmem:$0x19C00] =	vst v63  }
0x5a2: {  	_ =	swait.ge [sflag:s28], $0x4000  }
0x5a3: {  	[sflag:s28] =	ssyncset.done $0x0  }
0x5a4: {  	[sflag:s28] =	ssyncadd.s32 $0xFFFFC000  }
0x5a5: {  	v3 =	vld [tilespmem:$0x1300];
	_ =	sdelay $0x4  }
0x5a6: {  	v40 =	vshll.u32 v3, $0x2  }
0x5a7: {  	v3 =	vand.u32 $0x7, v3;
	v4 =	vand.u32 $0xFFFFFFE0, v40  }
0x5a8: {  	v3 =	vor.u32 v3, v4  }
0x5a9: {  	v4 =	vperm.xlane v3, v0;
	_ =	sdelay $0x1  }
0x5aa: {  	v4 =	vadd.s32 v1, v4;
	_ =	sdelay $0x1  }
0x5ab: {  	v3 =	vperm.xlane v3, v2;
	_ =	sdelay $0x1  }
0x5ac: {  	v3 =	vadd.s32 v1, v3  }
0x5ad: {  	[tilespmem:s17], [sflag:$0x3] =	stream.indirect_vreg.gather [hbm4b:s2+s3], $0x80, v4, vm0, $0xb8;
	[tilespmem:$0x19C00] =	vst v63  }
0x5ae: {  	s23 =	simm.s32 $0xA400  }
0x5af: {  	[tilespmem:s23], [sflag:$0x3] =	stream.indirect_vreg.gather [hbm4b:s5+s3], $0x80, v4, vm0, $0xb8;
	[tilespmem:$0x19C00] =	vst v63  }
0x5b0: {  	s20 =	simm.s32 $0xAC00  }
0x5b1: {  	[tilespmem:s20], [sflag:$0x3] =	stream.indirect_vreg.gather [hbm4b:s2+s3], $0x80, v3, vm0, $0xb8;
	[tilespmem:$0x19C00] =	vst v63  }
0x5b2: {  	s23 =	simm.s32 $0xB400  }
0x5b3: {  	[tilespmem:s23], [sflag:$0x3] =	stream.indirect_vreg.gather [hbm4b:s5+s3], $0x80, v3, vm0, $0xb8;
	[tilespmem:$0x19C00] =	vst v63  }
0x5b4: {  	v3 =	vld [tilespmem:$0x1310];
	_ =	sdelay $0x4  }
0x5b5: {  	v41 =	vshll.u32 v3, $0x2  }
0x5b6: {  	v3 =	vand.u32 $0x7, v3;
	v4 =	vand.u32 $0xFFFFFFE0, v41  }
0x5b7: {  	v3 =	vor.u32 v3, v4  }
0x5b8: {  	v4 =	vperm.xlane v3, v0;
	_ =	sdelay $0x1  }
0x5b9: {  	v4 =	vadd.s32 v1, v4;
	_ =	sdelay $0x1  }
0x5ba: {  	v3 =	vperm.xlane v3, v2;
	_ =	sdelay $0x1  }
0x5bb: {  	s20 =	simm.s32 $0xBC00;
	v3 =	vadd.s32 v1, v3  }
0x5bc: {  	[tilespmem:s20], [sflag:$0x3] =	stream.indirect_vreg.gather [hbm4b:s2+s3], $0x80, v4, vm0, $0xb8;
	[tilespmem:$0x19C00] =	vst v63  }
0x5bd: {  	s23 =	simm.s32 $0xC400  }
0x5be: {  	[tilespmem:s23], [sflag:$0x3] =	stream.indirect_vreg.gather [hbm4b:s5+s3], $0x80, v4, vm0, $0xb8;
	[tilespmem:$0x19C00] =	vst v63  }
0x5bf: {  	s20 =	simm.s32 $0xCC00  }
0x5c0: {  	[tilespmem:s20], [sflag:$0x3] =	stream.indirect_vreg.gather [hbm4b:s2+s3], $0x80, v3, vm0, $0xb8;
	[tilespmem:$0x19C00] =	vst v63  }
0x5c1: {  	s23 =	simm.s32 $0xD400  }
0x5c2: {  	[tilespmem:s23], [sflag:$0x3] =	stream.indirect_vreg.gather [hbm4b:s5+s3], $0x80, v3, vm0, $0xb8;
	[tilespmem:$0x19C00] =	vst v63  }
0x5c3: {  	_ =	swait.ge [sflag:s29], $0x4000  }
0x5c4: {  	s20 =	sld [smem:$0x7EC]  }
0x5c5: {  	[sflag:s29] =	ssyncset.done $0x0  }
0x5c6: {  	[sflag:s29] =	ssyncadd.s32 $0xFFFFC000  }
0x5c7: {  	[hbm4b:s20+s3] =	stream.linear.scatter [tilespmem:s31], [sflag:$0xA], $0x4000, $0x38;
	[tilespmem:$0x19C00] =	vst v63  }
0x5c8: {  	_ =	swait.ge [sflag:s9], $0x4000  }
0x5c9: {  	[sflag:s9] =	ssyncset.done $0x0  }
0x5ca: {  	[sflag:s9] =	ssyncadd.s32 $0xFFFFC000  }
0x5cb: {  	v3 =	vld [tilespmem:$0x1380];
	_ =	sdelay $0x4  }
0x5cc: {  	v42 =	vshll.u32 v3, $0x2  }
0x5cd: {  	v3 =	vand.u32 $0x7, v3;
	v4 =	vand.u32 $0xFFFFFFE0, v42  }
0x5ce: {  	v3 =	vor.u32 v3, v4  }
0x5cf: {  	v4 =	vperm.xlane v3, v0;
	_ =	sdelay $0x1  }
0x5d0: {  	v4 =	vadd.s32 v1, v4;
	_ =	sdelay $0x1  }
0x5d1: {  	v3 =	vperm.xlane v3, v2;
	_ =	sdelay $0x1  }
0x5d2: {  	v3 =	vadd.s32 v1, v3  }
0x5d3: {  	[tilespmem:s31], [sflag:$0x4] =	stream.indirect_vreg.gather [hbm4b:s2+s3], $0x80, v4, vm0, $0xb8;
	[tilespmem:$0x19C00] =	vst v63  }
0x5d4: {  	s23 =	simm.s32 $0xE400  }
0x5d5: {  	[tilespmem:s23], [sflag:$0x4] =	stream.indirect_vreg.gather [hbm4b:s5+s3], $0x80, v4, vm0, $0xb8;
	[tilespmem:$0x19C00] =	vst v63  }
0x5d6: {  	s20 =	simm.s32 $0xEC00  }
0x5d7: {  	[tilespmem:s20], [sflag:$0x4] =	stream.indirect_vreg.gather [hbm4b:s2+s3], $0x80, v3, vm0, $0xb8;
	[tilespmem:$0x19C00] =	vst v63  }
0x5d8: {  	s23 =	simm.s32 $0xF400  }
0x5d9: {  	[tilespmem:s23], [sflag:$0x4] =	stream.indirect_vreg.gather [hbm4b:s5+s3], $0x80, v3, vm0, $0xb8;
	[tilespmem:$0x19C00] =	vst v63  }
0x5da: {  	v3 =	vld [tilespmem:$0x1390];
	_ =	sdelay $0x4  }
0x5db: {  	v43 =	vshll.u32 v3, $0x2  }
0x5dc: {  	v3 =	vand.u32 $0x7, v3;
	v4 =	vand.u32 $0xFFFFFFE0, v43  }
0x5dd: {  	v3 =	vor.u32 v3, v4  }
0x5de: {  	v4 =	vperm.xlane v3, v0;
	_ =	sdelay $0x1  }
0x5df: {  	v4 =	vadd.s32 v1, v4;
	_ =	sdelay $0x1  }
0x5e0: {  	v3 =	vperm.xlane v3, v2;
	_ =	sdelay $0x1  }
0x5e1: {  	s20 =	simm.s32 $0xFC00;
	v3 =	vadd.s32 v1, v3  }
0x5e2: {  	[tilespmem:s20], [sflag:$0x4] =	stream.indirect_vreg.gather [hbm4b:s2+s3], $0x80, v4, vm0, $0xb8;
	[tilespmem:$0x19C00] =	vst v63  }
0x5e3: {  	s23 =	simm.s32 $0x10400  }
0x5e4: {  	[tilespmem:s23], [sflag:$0x4] =	stream.indirect_vreg.gather [hbm4b:s5+s3], $0x80, v4, vm0, $0xb8;
	[tilespmem:$0x19C00] =	vst v63  }
0x5e5: {  	s20 =	simm.s32 $0x10C00  }
0x5e6: {  	[tilespmem:s20], [sflag:$0x4] =	stream.indirect_vreg.gather [hbm4b:s2+s3], $0x80, v3, vm0, $0xb8;
	[tilespmem:$0x19C00] =	vst v63  }
0x5e7: {  	s23 =	simm.s32 $0x11400  }
0x5e8: {  	[tilespmem:s23], [sflag:$0x4] =	stream.indirect_vreg.gather [hbm4b:s5+s3], $0x80, v3, vm0, $0xb8;
	[tilespmem:$0x19C00] =	vst v63  }
0x5e9: {  	_ =	swait.ge [sflag:s10], $0x4000  }
0x5ea: {  	s20 =	sld [smem:$0x7ED]  }
0x5eb: {  	[sflag:s10] =	ssyncset.done $0x0  }
0x5ec: {  	[sflag:s10] =	ssyncadd.s32 $0xFFFFC000  }
0x5ed: {  	[hbm4b:s20+s3] =	stream.linear.scatter [tilespmem:s30], [sflag:$0xB], $0x4000, $0x38;
	[tilespmem:$0x19C00] =	vst v63  }
0x5ee: {  	_ =	swait.ge [sflag:s11], $0x4000  }
0x5ef: {  	[sflag:s11] =	ssyncset.done $0x0  }
0x5f0: {  	[sflag:s11] =	ssyncadd.s32 $0xFFFFC000  }
0x5f1: {  	v3 =	vld [tilespmem:$0x1400];
	_ =	sdelay $0x4  }
0x5f2: {  	v44 =	vshll.u32 v3, $0x2  }
0x5f3: {  	v3 =	vand.u32 $0x7, v3;
	v4 =	vand.u32 $0xFFFFFFE0, v44  }
0x5f4: {  	v3 =	vor.u32 v3, v4  }
0x5f5: {  	v4 =	vperm.xlane v3, v0;
	_ =	sdelay $0x1  }
0x5f6: {  	v4 =	vadd.s32 v1, v4;
	_ =	sdelay $0x1  }
0x5f7: {  	v3 =	vperm.xlane v3, v2;
	_ =	sdelay $0x1  }
0x5f8: {  	v3 =	vadd.s32 v1, v3  }
0x5f9: {  	[tilespmem:s30], [sflag:$0x5] =	stream.indirect_vreg.gather [hbm4b:s2+s3], $0x80, v4, vm0, $0xb8;
	[tilespmem:$0x19C00] =	vst v63  }
0x5fa: {  	s23 =	simm.s32 $0x12400  }
0x5fb: {  	[tilespmem:s23], [sflag:$0x5] =	stream.indirect_vreg.gather [hbm4b:s5+s3], $0x80, v4, vm0, $0xb8;
	[tilespmem:$0x19C00] =	vst v63  }
0x5fc: {  	s20 =	simm.s32 $0x12C00  }
0x5fd: {  	[tilespmem:s20], [sflag:$0x5] =	stream.indirect_vreg.gather [hbm4b:s2+s3], $0x80, v3, vm0, $0xb8;
	[tilespmem:$0x19C00] =	vst v63  }
0x5fe: {  	s23 =	simm.s32 $0x13400  }
0x5ff: {  	[tilespmem:s23], [sflag:$0x5] =	stream.indirect_vreg.gather [hbm4b:s5+s3], $0x80, v3, vm0, $0xb8;
	[tilespmem:$0x19C00] =	vst v63  }
0x600: {  	v3 =	vld [tilespmem:$0x1410];
	_ =	sdelay $0x4  }
0x601: {  	v45 =	vshll.u32 v3, $0x2  }
0x602: {  	v3 =	vand.u32 $0x7, v3;
	v4 =	vand.u32 $0xFFFFFFE0, v45  }
0x603: {  	v3 =	vor.u32 v3, v4  }
0x604: {  	v4 =	vperm.xlane v3, v0;
	_ =	sdelay $0x1  }
0x605: {  	v4 =	vadd.s32 v1, v4;
	_ =	sdelay $0x1  }
0x606: {  	v3 =	vperm.xlane v3, v2;
	_ =	sdelay $0x1  }
0x607: {  	s20 =	simm.s32 $0x13C00;
	v3 =	vadd.s32 v1, v3  }
0x608: {  	[tilespmem:s20], [sflag:$0x5] =	stream.indirect_vreg.gather [hbm4b:s2+s3], $0x80, v4, vm0, $0xb8;
	[tilespmem:$0x19C00] =	vst v63  }
0x609: {  	s23 =	simm.s32 $0x14400  }
0x60a: {  	[tilespmem:s23], [sflag:$0x5] =	stream.indirect_vreg.gather [hbm4b:s5+s3], $0x80, v4, vm0, $0xb8;
	[tilespmem:$0x19C00] =	vst v63  }
0x60b: {  	s20 =	simm.s32 $0x14C00  }
0x60c: {  	[tilespmem:s20], [sflag:$0x5] =	stream.indirect_vreg.gather [hbm4b:s2+s3], $0x80, v3, vm0, $0xb8;
	[tilespmem:$0x19C00] =	vst v63  }
0x60d: {  	s23 =	simm.s32 $0x15400  }
0x60e: {  	[tilespmem:s23], [sflag:$0x5] =	stream.indirect_vreg.gather [hbm4b:s5+s3], $0x80, v3, vm0, $0xb8;
	[tilespmem:$0x19C00] =	vst v63  }
0x60f: {  	_ =	swait.ge [sflag:s12], $0x4000  }
0x610: {  	s20 =	sld [smem:$0x7EE]  }
0x611: {  	[sflag:s12] =	ssyncset.done $0x0  }
0x612: {  	[sflag:s12] =	ssyncadd.s32 $0xFFFFC000  }
0x613: {  	[hbm4b:s20+s3] =	stream.linear.scatter [tilespmem:s15], [sflag:$0xC], $0x4000, $0x38;
	[tilespmem:$0x19C00] =	vst v63  }
0x614: {  	_ =	swait.ge [sflag:s13], $0x4000  }
0x615: {  	[sflag:s13] =	ssyncset.done $0x0  }
0x616: {  	[sflag:s13] =	ssyncadd.s32 $0xFFFFC000  }
0x617: {  	v3 =	vld [tilespmem:$0x1480];
	_ =	sdelay $0x4  }
0x618: {  	v46 =	vshll.u32 v3, $0x2  }
0x619: {  	v3 =	vand.u32 $0x7, v3;
	v4 =	vand.u32 $0xFFFFFFE0, v46  }
0x61a: {  	v3 =	vor.u32 v3, v4  }
0x61b: {  	v4 =	vperm.xlane v3, v0;
	_ =	sdelay $0x1  }
0x61c: {  	v4 =	vadd.s32 v1, v4;
	_ =	sdelay $0x1  }
0x61d: {  	v3 =	vperm.xlane v3, v2;
	_ =	sdelay $0x1  }
0x61e: {  	v3 =	vadd.s32 v1, v3  }
0x61f: {  	[tilespmem:s15], [sflag:$0x6] =	stream.indirect_vreg.gather [hbm4b:s2+s3], $0x80, v4, vm0, $0xb8;
	[tilespmem:$0x19C00] =	vst v63  }
0x620: {  	s23 =	simm.s32 $0x16400  }
0x621: {  	[tilespmem:s23], [sflag:$0x6] =	stream.indirect_vreg.gather [hbm4b:s5+s3], $0x80, v4, vm0, $0xb8;
	[tilespmem:$0x19C00] =	vst v63  }
0x622: {  	s20 =	simm.s32 $0x16C00  }
0x623: {  	[tilespmem:s20], [sflag:$0x6] =	stream.indirect_vreg.gather [hbm4b:s2+s3], $0x80, v3, vm0, $0xb8;
	[tilespmem:$0x19C00] =	vst v63  }
0x624: {  	s23 =	simm.s32 $0x17400  }
0x625: {  	[tilespmem:s23], [sflag:$0x6] =	stream.indirect_vreg.gather [hbm4b:s5+s3], $0x80, v3, vm0, $0xb8;
	[tilespmem:$0x19C00] =	vst v63  }
0x626: {  	v3 =	vld [tilespmem:$0x1490];
	_ =	sdelay $0x4  }
0x627: {  	v47 =	vshll.u32 v3, $0x2  }
0x628: {  	v3 =	vand.u32 $0x7, v3;
	v4 =	vand.u32 $0xFFFFFFE0, v47  }
0x629: {  	v3 =	vor.u32 v3, v4  }
0x62a: {  	v4 =	vperm.xlane v3, v0;
	_ =	sdelay $0x1  }
0x62b: {  	v4 =	vadd.s32 v1, v4;
	_ =	sdelay $0x1  }
0x62c: {  	v3 =	vperm.xlane v3, v2;
	_ =	sdelay $0x1  }
0x62d: {  	s20 =	simm.s32 $0x17C00;
	v3 =	vadd.s32 v1, v3  }
0x62e: {  	[tilespmem:s20], [sflag:$0x6] =	stream.indirect_vreg.gather [hbm4b:s2+s3], $0x80, v4, vm0, $0xb8;
	[tilespmem:$0x19C00] =	vst v63  }
0x62f: {  	s23 =	simm.s32 $0x18400  }
0x630: {  	[tilespmem:s23], [sflag:$0x6] =	stream.indirect_vreg.gather [hbm4b:s5+s3], $0x80, v4, vm0, $0xb8;
	[tilespmem:$0x19C00] =	vst v63  }
0x631: {  	s20 =	simm.s32 $0x18C00  }
0x632: {  	[tilespmem:s20], [sflag:$0x6] =	stream.indirect_vreg.gather [hbm4b:s2+s3], $0x80, v3, vm0, $0xb8;
	[tilespmem:$0x19C00] =	vst v63  }
0x633: {  	s23 =	simm.s32 $0x19400  }
0x634: {  	[tilespmem:s23], [sflag:$0x6] =	stream.indirect_vreg.gather [hbm4b:s5+s3], $0x80, v3, vm0, $0xb8;
	[tilespmem:$0x19C00] =	vst v63  }
0x635: {  	_ =	swait.ge [sflag:s1], $0x4000  }
0x636: {  	s20 =	sld [smem:$0x7EF]  }
0x637: {  	[sflag:s1] =	ssyncset.done $0x0  }
0x638: {  	[sflag:s1] =	ssyncadd.s32 $0xFFFFC000  }
0x639: {  	[hbm4b:s20+s3] =	stream.linear.scatter [tilespmem:s16], [sflag:$0x7], $0x4000, $0x38;
	[tilespmem:$0x19C00] =	vst v63  }
0x63a: {  	_ =	swait.ge [sflag:s7], $0x4000  }
0x63b: {  	[sflag:s7] =	ssyncset.done $0x0  }
0x63c: {  	[sflag:s7] =	ssyncadd.s32 $0xFFFFC000  }
0x63d: {  	v3 =	vld [tilespmem:$0x1500];
	_ =	sdelay $0x4  }
0x63e: {  	v48 =	vshll.u32 v3, $0x2  }
0x63f: {  	v3 =	vand.u32 $0x7, v3;
	v4 =	vand.u32 $0xFFFFFFE0, v48  }
0x640: {  	v3 =	vor.u32 v3, v4  }
0x641: {  	v4 =	vperm.xlane v3, v0;
	_ =	sdelay $0x1  }
0x642: {  	v4 =	vadd.s32 v1, v4;
	_ =	sdelay $0x1  }
0x643: {  	v3 =	vperm.xlane v3, v2;
	_ =	sdelay $0x1  }
0x644: {  	v3 =	vadd.s32 v1, v3  }
0x645: {  	[tilespmem:s16], [sflag:$0x1] =	stream.indirect_vreg.gather [hbm4b:s2+s3], $0x80, v4, vm0, $0xb8;
	[tilespmem:$0x19C00] =	vst v63  }
0x646: {  	s23 =	simm.s32 $0x2400  }
0x647: {  	[tilespmem:s23], [sflag:$0x1] =	stream.indirect_vreg.gather [hbm4b:s5+s3], $0x80, v4, vm0, $0xb8;
	[tilespmem:$0x19C00] =	vst v63  }
0x648: {  	s20 =	simm.s32 $0x2C00  }
0x649: {  	[tilespmem:s20], [sflag:$0x1] =	stream.indirect_vreg.gather [hbm4b:s2+s3], $0x80, v3, vm0, $0xb8;
	[tilespmem:$0x19C00] =	vst v63  }
0x64a: {  	s23 =	simm.s32 $0x3400  }
0x64b: {  	[tilespmem:s23], [sflag:$0x1] =	stream.indirect_vreg.gather [hbm4b:s5+s3], $0x80, v3, vm0, $0xb8;
	[tilespmem:$0x19C00] =	vst v63  }
0x64c: {  	v3 =	vld [tilespmem:$0x1510];
	_ =	sdelay $0x4  }
0x64d: {  	v49 =	vshll.u32 v3, $0x2  }
0x64e: {  	v3 =	vand.u32 $0x7, v3;
	v4 =	vand.u32 $0xFFFFFFE0, v49  }
0x64f: {  	v3 =	vor.u32 v3, v4  }
0x650: {  	v4 =	vperm.xlane v3, v0;
	_ =	sdelay $0x1  }
0x651: {  	v4 =	vadd.s32 v1, v4;
	_ =	sdelay $0x1  }
0x652: {  	v3 =	vperm.xlane v3, v2;
	_ =	sdelay $0x1  }
0x653: {  	s22 =	simm.s32 $0x3C00;
	v3 =	vadd.s32 v1, v3  }
0x654: {  	[tilespmem:s22], [sflag:$0x1] =	stream.indirect_vreg.gather [hbm4b:s2+s3], $0x80, v4, vm0, $0xb8;
	[tilespmem:$0x19C00] =	vst v63  }
0x655: {  	s24 =	simm.s32 $0x4400  }
0x656: {  	[tilespmem:s24], [sflag:$0x1] =	stream.indirect_vreg.gather [hbm4b:s5+s3], $0x80, v4, vm0, $0xb8;
	[tilespmem:$0x19C00] =	vst v63  }
0x657: {  	s0 =	simm.s32 $0x4C00  }
0x658: {  	[tilespmem:s0], [sflag:$0x1] =	stream.indirect_vreg.gather [hbm4b:s2+s3], $0x80, v3, vm0, $0xb8;
	[tilespmem:$0x19C00] =	vst v63  }
0x659: {  	s24 =	simm.s32 $0x5400  }
0x65a: {  	[tilespmem:s24], [sflag:$0x1] =	stream.indirect_vreg.gather [hbm4b:s5+s3], $0x80, v3, vm0, $0xb8;
	[tilespmem:$0x19C00] =	vst v63  }
0x65b: {  	_ =	swait.ge [sflag:s4], $0x4000  }
0x65c: {  	s0 =	sld [smem:$0x7F0]  }
0x65d: {  	[sflag:s4] =	ssyncset.done $0x0  }
0x65e: {  	[sflag:s4] =	ssyncadd.s32 $0xFFFFC000  }
0x65f: {  	[hbm4b:s0+s3] =	stream.linear.scatter [tilespmem:s8], [sflag:$0x8], $0x4000, $0x38;
	[tilespmem:$0x19C00] =	vst v63  }
0x660: {  	_ =	swait.ge [sflag:s25], $0x4000  }
0x661: {  	[sflag:s25] =	ssyncset.done $0x0  }
0x662: {  	[sflag:s25] =	ssyncadd.s32 $0xFFFFC000  }
0x663: {  	v3 =	vld [tilespmem:$0x1580];
	_ =	sdelay $0x4  }
0x664: {  	v50 =	vshll.u32 v3, $0x2  }
0x665: {  	v3 =	vand.u32 $0x7, v3;
	v4 =	vand.u32 $0xFFFFFFE0, v50  }
0x666: {  	v3 =	vor.u32 v3, v4  }
0x667: {  	v4 =	vperm.xlane v3, v0;
	_ =	sdelay $0x1  }
0x668: {  	v4 =	vadd.s32 v1, v4;
	_ =	sdelay $0x1  }
0x669: {  	v3 =	vperm.xlane v3, v2;
	_ =	sdelay $0x1  }
0x66a: {  	v3 =	vadd.s32 v1, v3  }
0x66b: {  	[tilespmem:s8], [sflag:$0x2] =	stream.indirect_vreg.gather [hbm4b:s2+s3], $0x80, v4, vm0, $0xb8;
	[tilespmem:$0x19C00] =	vst v63  }
0x66c: {  	s6 =	simm.s32 $0x6400  }
0x66d: {  	[tilespmem:s6], [sflag:$0x2] =	stream.indirect_vreg.gather [hbm4b:s5+s3], $0x80, v4, vm0, $0xb8;
	[tilespmem:$0x19C00] =	vst v63  }
0x66e: {  	s21 =	simm.s32 $0x6C00  }
0x66f: {  	[tilespmem:s21], [sflag:$0x2] =	stream.indirect_vreg.gather [hbm4b:s2+s3], $0x80, v3, vm0, $0xb8;
	[tilespmem:$0x19C00] =	vst v63  }
0x670: {  	s24 =	simm.s32 $0x7400  }
0x671: {  	[tilespmem:s24], [sflag:$0x2] =	stream.indirect_vreg.gather [hbm4b:s5+s3], $0x80, v3, vm0, $0xb8;
	[tilespmem:$0x19C00] =	vst v63  }
0x672: {  	v3 =	vld [tilespmem:$0x1590];
	_ =	sdelay $0x4  }
0x673: {  	v51 =	vshll.u32 v3, $0x2  }
0x674: {  	v3 =	vand.u32 $0x7, v3;
	v4 =	vand.u32 $0xFFFFFFE0, v51  }
0x675: {  	v3 =	vor.u32 v3, v4  }
0x676: {  	v4 =	vperm.xlane v3, v0;
	_ =	sdelay $0x1  }
0x677: {  	v4 =	vadd.s32 v1, v4;
	_ =	sdelay $0x1  }
0x678: {  	v3 =	vperm.xlane v3, v2;
	_ =	sdelay $0x1  }
0x679: {  	s21 =	simm.s32 $0x7C00;
	v3 =	vadd.s32 v1, v3  }
0x67a: {  	[tilespmem:s21], [sflag:$0x2] =	stream.indirect_vreg.gather [hbm4b:s2+s3], $0x80, v4, vm0, $0xb8;
	[tilespmem:$0x19C00] =	vst v63  }
0x67b: {  	s19 =	simm.s32 $0x8400  }
0x67c: {  	[tilespmem:s19], [sflag:$0x2] =	stream.indirect_vreg.gather [hbm4b:s5+s3], $0x80, v4, vm0, $0xb8;
	[tilespmem:$0x19C00] =	vst v63  }
0x67d: {  	s18 =	simm.s32 $0x8C00  }
0x67e: {  	[tilespmem:s18], [sflag:$0x2] =	stream.indirect_vreg.gather [hbm4b:s2+s3], $0x80, v3, vm0, $0xb8;
	[tilespmem:$0x19C00] =	vst v63  }
0x67f: {  	s18 =	simm.s32 $0x9400  }
0x680: {  	[tilespmem:s18], [sflag:$0x2] =	stream.indirect_vreg.gather [hbm4b:s5+s3], $0x80, v3, vm0, $0xb8;
	[tilespmem:$0x19C00] =	vst v63  }
0x681: {  	_ =	swait.ge [sflag:s26], $0x4000  }
0x682: {  	s14 =	sld [smem:$0x7F1]  }
0x683: {  	[sflag:s26] =	ssyncset.done $0x0  }
0x684: {  	[sflag:s26] =	ssyncadd.s32 $0xFFFFC000  }
0x685: {  	[hbm4b:s14+s3] =	stream.linear.scatter [tilespmem:s17], [sflag:$0x9], $0x4000, $0x38;
	[tilespmem:$0x19C00] =	vst v63  }
0x686: {  	_ =	swait.ge [sflag:s28], $0x4000  }
0x687: {  	[sflag:s28] =	ssyncset.done $0x0  }
0x688: {  	[sflag:s28] =	ssyncadd.s32 $0xFFFFC000  }
0x689: {  	v3 =	vld [tilespmem:$0x1600];
	_ =	sdelay $0x4  }
0x68a: {  	v52 =	vshll.u32 v3, $0x2  }
0x68b: {  	v3 =	vand.u32 $0x7, v3;
	v4 =	vand.u32 $0xFFFFFFE0, v52  }
0x68c: {  	v3 =	vor.u32 v3, v4  }
0x68d: {  	v4 =	vperm.xlane v3, v0;
	_ =	sdelay $0x1  }
0x68e: {  	v4 =	vadd.s32 v1, v4;
	_ =	sdelay $0x1  }
0x68f: {  	v3 =	vperm.xlane v3, v2;
	_ =	sdelay $0x1  }
0x690: {  	v3 =	vadd.s32 v1, v3  }
0x691: {  	[tilespmem:s17], [sflag:$0x3] =	stream.indirect_vreg.gather [hbm4b:s2+s3], $0x80, v4, vm0, $0xb8;
	[tilespmem:$0x19C00] =	vst v63  }
0x692: {  	s14 =	simm.s32 $0xA400  }
0x693: {  	[tilespmem:s14], [sflag:$0x3] =	stream.indirect_vreg.gather [hbm4b:s5+s3], $0x80, v4, vm0, $0xb8;
	[tilespmem:$0x19C00] =	vst v63  }
0x694: {  	s14 =	simm.s32 $0xAC00  }
0x695: {  	[tilespmem:s14], [sflag:$0x3] =	stream.indirect_vreg.gather [hbm4b:s2+s3], $0x80, v3, vm0, $0xb8;
	[tilespmem:$0x19C00] =	vst v63  }
0x696: {  	s14 =	simm.s32 $0xB400  }
0x697: {  	[tilespmem:s14], [sflag:$0x3] =	stream.indirect_vreg.gather [hbm4b:s5+s3], $0x80, v3, vm0, $0xb8;
	[tilespmem:$0x19C00] =	vst v63  }
0x698: {  	v3 =	vld [tilespmem:$0x1610];
	_ =	sdelay $0x4  }
0x699: {  	v53 =	vshll.u32 v3, $0x2  }
0x69a: {  	v3 =	vand.u32 $0x7, v3;
	v4 =	vand.u32 $0xFFFFFFE0, v53  }
0x69b: {  	v3 =	vor.u32 v3, v4  }
0x69c: {  	v4 =	vperm.xlane v3, v0;
	_ =	sdelay $0x1  }
0x69d: {  	v4 =	vadd.s32 v1, v4;
	_ =	sdelay $0x1  }
0x69e: {  	v3 =	vperm.xlane v3, v2;
	_ =	sdelay $0x1  }
0x69f: {  	s14 =	simm.s32 $0xBC00;
	v3 =	vadd.s32 v1, v3  }
0x6a0: {  	[tilespmem:s14], [sflag:$0x3] =	stream.indirect_vreg.gather [hbm4b:s2+s3], $0x80, v4, vm0, $0xb8;
	[tilespmem:$0x19C00] =	vst v63  }
0x6a1: {  	s14 =	simm.s32 $0xC400  }
0x6a2: {  	[tilespmem:s14], [sflag:$0x3] =	stream.indirect_vreg.gather [hbm4b:s5+s3], $0x80, v4, vm0, $0xb8;
	[tilespmem:$0x19C00] =	vst v63  }
0x6a3: {  	s14 =	simm.s32 $0xCC00  }
0x6a4: {  	[tilespmem:s14], [sflag:$0x3] =	stream.indirect_vreg.gather [hbm4b:s2+s3], $0x80, v3, vm0, $0xb8;
	[tilespmem:$0x19C00] =	vst v63  }
0x6a5: {  	s14 =	simm.s32 $0xD400  }
0x6a6: {  	[tilespmem:s14], [sflag:$0x3] =	stream.indirect_vreg.gather [hbm4b:s5+s3], $0x80, v3, vm0, $0xb8;
	[tilespmem:$0x19C00] =	vst v63  }
0x6a7: {  	_ =	swait.ge [sflag:s29], $0x4000  }
0x6a8: {  	s14 =	sld [smem:$0x7F2]  }
0x6a9: {  	[sflag:s29] =	ssyncset.done $0x0  }
0x6aa: {  	[sflag:s29] =	ssyncadd.s32 $0xFFFFC000  }
0x6ab: {  	[hbm4b:s14+s3] =	stream.linear.scatter [tilespmem:s31], [sflag:$0xA], $0x4000, $0x38;
	[tilespmem:$0x19C00] =	vst v63  }
0x6ac: {  	_ =	swait.ge [sflag:s9], $0x4000  }
0x6ad: {  	[sflag:s9] =	ssyncset.done $0x0  }
0x6ae: {  	[sflag:s9] =	ssyncadd.s32 $0xFFFFC000  }
0x6af: {  	v3 =	vld [tilespmem:$0x1680];
	_ =	sdelay $0x4  }
0x6b0: {  	v54 =	vshll.u32 v3, $0x2  }
0x6b1: {  	v3 =	vand.u32 $0x7, v3;
	v4 =	vand.u32 $0xFFFFFFE0, v54  }
0x6b2: {  	v3 =	vor.u32 v3, v4  }
0x6b3: {  	v4 =	vperm.xlane v3, v0;
	_ =	sdelay $0x1  }
0x6b4: {  	v4 =	vadd.s32 v1, v4;
	_ =	sdelay $0x1  }
0x6b5: {  	v3 =	vperm.xlane v3, v2;
	_ =	sdelay $0x1  }
0x6b6: {  	v3 =	vadd.s32 v1, v3  }
0x6b7: {  	[tilespmem:s31], [sflag:$0x4] =	stream.indirect_vreg.gather [hbm4b:s2+s3], $0x80, v4, vm0, $0xb8;
	[tilespmem:$0x19C00] =	vst v63  }
0x6b8: {  	s14 =	simm.s32 $0xE400  }
0x6b9: {  	[tilespmem:s14], [sflag:$0x4] =	stream.indirect_vreg.gather [hbm4b:s5+s3], $0x80, v4, vm0, $0xb8;
	[tilespmem:$0x19C00] =	vst v63  }
0x6ba: {  	s14 =	simm.s32 $0xEC00  }
0x6bb: {  	[tilespmem:s14], [sflag:$0x4] =	stream.indirect_vreg.gather [hbm4b:s2+s3], $0x80, v3, vm0, $0xb8;
	[tilespmem:$0x19C00] =	vst v63  }
0x6bc: {  	s14 =	simm.s32 $0xF400  }
0x6bd: {  	[tilespmem:s14], [sflag:$0x4] =	stream.indirect_vreg.gather [hbm4b:s5+s3], $0x80, v3, vm0, $0xb8;
	[tilespmem:$0x19C00] =	vst v63  }
0x6be: {  	v3 =	vld [tilespmem:$0x1690];
	_ =	sdelay $0x4  }
0x6bf: {  	v55 =	vshll.u32 v3, $0x2  }
0x6c0: {  	v3 =	vand.u32 $0x7, v3;
	v4 =	vand.u32 $0xFFFFFFE0, v55  }
0x6c1: {  	v3 =	vor.u32 v3, v4  }
0x6c2: {  	v4 =	vperm.xlane v3, v0;
	_ =	sdelay $0x1  }
0x6c3: {  	v4 =	vadd.s32 v1, v4;
	_ =	sdelay $0x1  }
0x6c4: {  	v3 =	vperm.xlane v3, v2;
	_ =	sdelay $0x1  }
0x6c5: {  	s14 =	simm.s32 $0xFC00;
	v3 =	vadd.s32 v1, v3  }
0x6c6: {  	[tilespmem:s14], [sflag:$0x4] =	stream.indirect_vreg.gather [hbm4b:s2+s3], $0x80, v4, vm0, $0xb8;
	[tilespmem:$0x19C00] =	vst v63  }
0x6c7: {  	s14 =	simm.s32 $0x10400  }
0x6c8: {  	[tilespmem:s14], [sflag:$0x4] =	stream.indirect_vreg.gather [hbm4b:s5+s3], $0x80, v4, vm0, $0xb8;
	[tilespmem:$0x19C00] =	vst v63  }
0x6c9: {  	s14 =	simm.s32 $0x10C00  }
0x6ca: {  	[tilespmem:s14], [sflag:$0x4] =	stream.indirect_vreg.gather [hbm4b:s2+s3], $0x80, v3, vm0, $0xb8;
	[tilespmem:$0x19C00] =	vst v63  }
0x6cb: {  	s14 =	simm.s32 $0x11400  }
0x6cc: {  	[tilespmem:s14], [sflag:$0x4] =	stream.indirect_vreg.gather [hbm4b:s5+s3], $0x80, v3, vm0, $0xb8;
	[tilespmem:$0x19C00] =	vst v63  }
0x6cd: {  	_ =	swait.ge [sflag:s10], $0x4000  }
0x6ce: {  	s14 =	sld [smem:$0x7F3]  }
0x6cf: {  	[sflag:s10] =	ssyncset.done $0x0  }
0x6d0: {  	[sflag:s10] =	ssyncadd.s32 $0xFFFFC000  }
0x6d1: {  	[hbm4b:s14+s3] =	stream.linear.scatter [tilespmem:s30], [sflag:$0xB], $0x4000, $0x38;
	[tilespmem:$0x19C00] =	vst v63  }
0x6d2: {  	_ =	swait.ge [sflag:s11], $0x4000  }
0x6d3: {  	[sflag:s11] =	ssyncset.done $0x0  }
0x6d4: {  	[sflag:s11] =	ssyncadd.s32 $0xFFFFC000  }
0x6d5: {  	v3 =	vld [tilespmem:$0x1700];
	_ =	sdelay $0x4  }
0x6d6: {  	v56 =	vshll.u32 v3, $0x2  }
0x6d7: {  	v3 =	vand.u32 $0x7, v3;
	v4 =	vand.u32 $0xFFFFFFE0, v56  }
0x6d8: {  	v3 =	vor.u32 v3, v4  }
0x6d9: {  	v4 =	vperm.xlane v3, v0;
	_ =	sdelay $0x1  }
0x6da: {  	v4 =	vadd.s32 v1, v4;
	_ =	sdelay $0x1  }
0x6db: {  	v3 =	vperm.xlane v3, v2;
	_ =	sdelay $0x1  }
0x6dc: {  	v3 =	vadd.s32 v1, v3  }
0x6dd: {  	[tilespmem:s30], [sflag:$0x5] =	stream.indirect_vreg.gather [hbm4b:s2+s3], $0x80, v4, vm0, $0xb8;
	[tilespmem:$0x19C00] =	vst v63  }
0x6de: {  	s14 =	simm.s32 $0x12400  }
0x6df: {  	[tilespmem:s14], [sflag:$0x5] =	stream.indirect_vreg.gather [hbm4b:s5+s3], $0x80, v4, vm0, $0xb8;
	[tilespmem:$0x19C00] =	vst v63  }
0x6e0: {  	s14 =	simm.s32 $0x12C00  }
0x6e1: {  	[tilespmem:s14], [sflag:$0x5] =	stream.indirect_vreg.gather [hbm4b:s2+s3], $0x80, v3, vm0, $0xb8;
	[tilespmem:$0x19C00] =	vst v63  }
0x6e2: {  	s14 =	simm.s32 $0x13400  }
0x6e3: {  	[tilespmem:s14], [sflag:$0x5] =	stream.indirect_vreg.gather [hbm4b:s5+s3], $0x80, v3, vm0, $0xb8;
	[tilespmem:$0x19C00] =	vst v63  }
0x6e4: {  	v3 =	vld [tilespmem:$0x1710];
	_ =	sdelay $0x4  }
0x6e5: {  	v57 =	vshll.u32 v3, $0x2  }
0x6e6: {  	v3 =	vand.u32 $0x7, v3;
	v4 =	vand.u32 $0xFFFFFFE0, v57  }
0x6e7: {  	v3 =	vor.u32 v3, v4  }
0x6e8: {  	v4 =	vperm.xlane v3, v0;
	_ =	sdelay $0x1  }
0x6e9: {  	v4 =	vadd.s32 v1, v4;
	_ =	sdelay $0x1  }
0x6ea: {  	v3 =	vperm.xlane v3, v2;
	_ =	sdelay $0x1  }
0x6eb: {  	s14 =	simm.s32 $0x13C00;
	v3 =	vadd.s32 v1, v3  }
0x6ec: {  	[tilespmem:s14], [sflag:$0x5] =	stream.indirect_vreg.gather [hbm4b:s2+s3], $0x80, v4, vm0, $0xb8;
	[tilespmem:$0x19C00] =	vst v63  }
0x6ed: {  	s14 =	simm.s32 $0x14400  }
0x6ee: {  	[tilespmem:s14], [sflag:$0x5] =	stream.indirect_vreg.gather [hbm4b:s5+s3], $0x80, v4, vm0, $0xb8;
	[tilespmem:$0x19C00] =	vst v63  }
0x6ef: {  	s14 =	simm.s32 $0x14C00  }
0x6f0: {  	[tilespmem:s14], [sflag:$0x5] =	stream.indirect_vreg.gather [hbm4b:s2+s3], $0x80, v3, vm0, $0xb8;
	[tilespmem:$0x19C00] =	vst v63  }
0x6f1: {  	s14 =	simm.s32 $0x15400  }
0x6f2: {  	[tilespmem:s14], [sflag:$0x5] =	stream.indirect_vreg.gather [hbm4b:s5+s3], $0x80, v3, vm0, $0xb8;
	[tilespmem:$0x19C00] =	vst v63  }
0x6f3: {  	_ =	swait.ge [sflag:s12], $0x4000  }
0x6f4: {  	s14 =	sld [smem:$0x7F4]  }
0x6f5: {  	[sflag:s12] =	ssyncset.done $0x0  }
0x6f6: {  	[sflag:s12] =	ssyncadd.s32 $0xFFFFC000  }
0x6f7: {  	[hbm4b:s14+s3] =	stream.linear.scatter [tilespmem:s15], [sflag:$0xC], $0x4000, $0x38;
	[tilespmem:$0x19C00] =	vst v63  }
0x6f8: {  	_ =	swait.ge [sflag:s13], $0x4000  }
0x6f9: {  	[sflag:s13] =	ssyncset.done $0x0  }
0x6fa: {  	[sflag:s13] =	ssyncadd.s32 $0xFFFFC000  }
0x6fb: {  	v3 =	vld [tilespmem:$0x1780];
	_ =	sdelay $0x4  }
0x6fc: {  	v58 =	vshll.u32 v3, $0x2  }
0x6fd: {  	v3 =	vand.u32 $0x7, v3;
	v4 =	vand.u32 $0xFFFFFFE0, v58  }
0x6fe: {  	v3 =	vor.u32 v3, v4  }
0x6ff: {  	v4 =	vperm.xlane v3, v0;
	_ =	sdelay $0x1  }
0x700: {  	v4 =	vadd.s32 v1, v4;
	_ =	sdelay $0x1  }
0x701: {  	v3 =	vperm.xlane v3, v2;
	_ =	sdelay $0x1  }
0x702: {  	v3 =	vadd.s32 v1, v3  }
0x703: {  	[tilespmem:s15], [sflag:$0x6] =	stream.indirect_vreg.gather [hbm4b:s2+s3], $0x80, v4, vm0, $0xb8;
	[tilespmem:$0x19C00] =	vst v63  }
0x704: {  	s14 =	simm.s32 $0x16400  }
0x705: {  	[tilespmem:s14], [sflag:$0x6] =	stream.indirect_vreg.gather [hbm4b:s5+s3], $0x80, v4, vm0, $0xb8;
	[tilespmem:$0x19C00] =	vst v63  }
0x706: {  	s14 =	simm.s32 $0x16C00  }
0x707: {  	[tilespmem:s14], [sflag:$0x6] =	stream.indirect_vreg.gather [hbm4b:s2+s3], $0x80, v3, vm0, $0xb8;
	[tilespmem:$0x19C00] =	vst v63  }
0x708: {  	s14 =	simm.s32 $0x17400  }
0x709: {  	[tilespmem:s14], [sflag:$0x6] =	stream.indirect_vreg.gather [hbm4b:s5+s3], $0x80, v3, vm0, $0xb8;
	[tilespmem:$0x19C00] =	vst v63  }
0x70a: {  	v3 =	vld [tilespmem:$0x1790];
	_ =	sdelay $0x4  }
0x70b: {  	v59 =	vshll.u32 v3, $0x2  }
0x70c: {  	v3 =	vand.u32 $0x7, v3;
	v4 =	vand.u32 $0xFFFFFFE0, v59  }
0x70d: {  	v3 =	vor.u32 v3, v4  }
0x70e: {  	v4 =	vperm.xlane v3, v0;
	_ =	sdelay $0x1  }
0x70f: {  	v4 =	vadd.s32 v1, v4;
	_ =	sdelay $0x1  }
0x710: {  	v3 =	vperm.xlane v3, v2;
	_ =	sdelay $0x1  }
0x711: {  	s14 =	simm.s32 $0x17C00;
	v3 =	vadd.s32 v1, v3  }
0x712: {  	[tilespmem:s14], [sflag:$0x6] =	stream.indirect_vreg.gather [hbm4b:s2+s3], $0x80, v4, vm0, $0xb8;
	[tilespmem:$0x19C00] =	vst v63  }
0x713: {  	s14 =	simm.s32 $0x18400  }
0x714: {  	[tilespmem:s14], [sflag:$0x6] =	stream.indirect_vreg.gather [hbm4b:s5+s3], $0x80, v4, vm0, $0xb8;
	[tilespmem:$0x19C00] =	vst v63  }
0x715: {  	s14 =	simm.s32 $0x18C00  }
0x716: {  	[tilespmem:s14], [sflag:$0x6] =	stream.indirect_vreg.gather [hbm4b:s2+s3], $0x80, v3, vm0, $0xb8;
	[tilespmem:$0x19C00] =	vst v63  }
0x717: {  	s14 =	simm.s32 $0x19400  }
0x718: {  	[tilespmem:s14], [sflag:$0x6] =	stream.indirect_vreg.gather [hbm4b:s5+s3], $0x80, v3, vm0, $0xb8;
	[tilespmem:$0x19C00] =	vst v63  }
0x719: {  	_ =	swait.ge [sflag:s1], $0x4000  }
0x71a: {  	s14 =	sld [smem:$0x7F5]  }
0x71b: {  	[sflag:s1] =	ssyncset.done $0x0  }
0x71c: {  	[sflag:s1] =	ssyncadd.s32 $0xFFFFC000  }
0x71d: {  	[hbm4b:s14+s3] =	stream.linear.scatter [tilespmem:s16], [sflag:$0x7], $0x4000, $0x38;
	[tilespmem:$0x19C00] =	vst v63  }
0x71e: {  	_ =	swait.ge [sflag:s7], $0x4000  }
0x71f: {  	[sflag:s7] =	ssyncset.done $0x0  }
0x720: {  	[sflag:s7] =	ssyncadd.s32 $0xFFFFC000  }
0x721: {  	v3 =	vld [tilespmem:$0x1800];
	_ =	sdelay $0x4  }
0x722: {  	v60 =	vshll.u32 v3, $0x2  }
0x723: {  	v3 =	vand.u32 $0x7, v3;
	v4 =	vand.u32 $0xFFFFFFE0, v60  }
0x724: {  	v3 =	vor.u32 v3, v4  }
0x725: {  	v4 =	vperm.xlane v3, v0;
	_ =	sdelay $0x1  }
0x726: {  	v4 =	vadd.s32 v1, v4;
	_ =	sdelay $0x1  }
0x727: {  	v3 =	vperm.xlane v3, v2;
	_ =	sdelay $0x1  }
0x728: {  	v3 =	vadd.s32 v1, v3  }
0x729: {  	[tilespmem:s16], [sflag:$0x1] =	stream.indirect_vreg.gather [hbm4b:s2+s3], $0x80, v4, vm0, $0xb8;
	[tilespmem:$0x19C00] =	vst v63  }
0x72a: {  	s14 =	simm.s32 $0x2400  }
0x72b: {  	[tilespmem:s14], [sflag:$0x1] =	stream.indirect_vreg.gather [hbm4b:s5+s3], $0x80, v4, vm0, $0xb8;
	[tilespmem:$0x19C00] =	vst v63  }
0x72c: {  	s14 =	simm.s32 $0x2C00  }
0x72d: {  	[tilespmem:s14], [sflag:$0x1] =	stream.indirect_vreg.gather [hbm4b:s2+s3], $0x80, v3, vm0, $0xb8;
	[tilespmem:$0x19C00] =	vst v63  }
0x72e: {  	s14 =	simm.s32 $0x3400  }
0x72f: {  	[tilespmem:s14], [sflag:$0x1] =	stream.indirect_vreg.gather [hbm4b:s5+s3], $0x80, v3, vm0, $0xb8;
	[tilespmem:$0x19C00] =	vst v63  }
0x730: {  	v3 =	vld [tilespmem:$0x1810];
	_ =	sdelay $0x4  }
0x731: {  	v61 =	vshll.u32 v3, $0x2  }
0x732: {  	v3 =	vand.u32 $0x7, v3;
	v4 =	vand.u32 $0xFFFFFFE0, v61  }
0x733: {  	v3 =	vor.u32 v3, v4  }
0x734: {  	v4 =	vperm.xlane v3, v0;
	_ =	sdelay $0x1  }
0x735: {  	v4 =	vadd.s32 v1, v4;
	_ =	sdelay $0x1  }
0x736: {  	v3 =	vperm.xlane v3, v2;
	_ =	sdelay $0x1  }
0x737: {  	s20 =	simm.s32 $0x3C00;
	v3 =	vadd.s32 v1, v3  }
0x738: {  	[tilespmem:s20], [sflag:$0x1] =	stream.indirect_vreg.gather [hbm4b:s2+s3], $0x80, v4, vm0, $0xb8;
	[tilespmem:$0x19C00] =	vst v63  }
0x739: {  	s22 =	simm.s32 $0x4400  }
0x73a: {  	[tilespmem:s22], [sflag:$0x1] =	stream.indirect_vreg.gather [hbm4b:s5+s3], $0x80, v4, vm0, $0xb8;
	[tilespmem:$0x19C00] =	vst v63  }
0x73b: {  	s23 =	simm.s32 $0x4C00  }
0x73c: {  	[tilespmem:s23], [sflag:$0x1] =	stream.indirect_vreg.gather [hbm4b:s2+s3], $0x80, v3, vm0, $0xb8;
	[tilespmem:$0x19C00] =	vst v63  }
0x73d: {  	s22 =	simm.s32 $0x5400  }
0x73e: {  	[tilespmem:s22], [sflag:$0x1] =	stream.indirect_vreg.gather [hbm4b:s5+s3], $0x80, v3, vm0, $0xb8;
	[tilespmem:$0x19C00] =	vst v63  }
0x73f: {  	_ =	swait.ge [sflag:s4], $0x4000  }
0x740: {  	s23 =	sld [smem:$0x7F6]  }
0x741: {  	[sflag:s4] =	ssyncset.done $0x0  }
0x742: {  	[sflag:s4] =	ssyncadd.s32 $0xFFFFC000  }
0x743: {  	[hbm4b:s23+s3] =	stream.linear.scatter [tilespmem:s8], [sflag:$0x8], $0x4000, $0x38;
	[tilespmem:$0x19C00] =	vst v63  }
0x744: {  	_ =	swait.ge [sflag:s25], $0x4000  }
0x745: {  	[sflag:s25] =	ssyncset.done $0x0  }
0x746: {  	[sflag:s25] =	ssyncadd.s32 $0xFFFFC000  }
0x747: {  	v3 =	vld [tilespmem:$0x1880];
	_ =	sdelay $0x4  }
0x748: {  	v62 =	vshll.u32 v3, $0x2  }
0x749: {  	v3 =	vand.u32 $0x7, v3;
	v4 =	vand.u32 $0xFFFFFFE0, v62  }
0x74a: {  	v3 =	vor.u32 v3, v4  }
0x74b: {  	v4 =	vperm.xlane v3, v0;
	_ =	sdelay $0x1  }
0x74c: {  	v4 =	vadd.s32 v1, v4;
	_ =	sdelay $0x1  }
0x74d: {  	v3 =	vperm.xlane v3, v2;
	_ =	sdelay $0x1  }
0x74e: {  	v3 =	vadd.s32 v1, v3  }
0x74f: {  	[tilespmem:s8], [sflag:$0x2] =	stream.indirect_vreg.gather [hbm4b:s2+s3], $0x80, v4, vm0, $0xb8;
	[tilespmem:$0x19C00] =	vst v63  }
0x750: {  	s0 =	simm.s32 $0x6400  }
0x751: {  	[tilespmem:s0], [sflag:$0x2] =	stream.indirect_vreg.gather [hbm4b:s5+s3], $0x80, v4, vm0, $0xb8;
	[tilespmem:$0x19C00] =	vst v63  }
0x752: {  	s6 =	simm.s32 $0x6C00  }
0x753: {  	[tilespmem:s6], [sflag:$0x2] =	stream.indirect_vreg.gather [hbm4b:s2+s3], $0x80, v3, vm0, $0xb8;
	[tilespmem:$0x19C00] =	vst v63  }
0x754: {  	s24 =	simm.s32 $0x7400  }
0x755: {  	[tilespmem:s24], [sflag:$0x2] =	stream.indirect_vreg.gather [hbm4b:s5+s3], $0x80, v3, vm0, $0xb8;
	[tilespmem:$0x19C00] =	vst v63  }
0x756: {  	v3 =	vld [tilespmem:$0x1890];
	_ =	sdelay $0x4  }
0x757: {  	v63 =	vshll.u32 v3, $0x2  }
0x758: {  	v3 =	vand.u32 $0x7, v3;
	v4 =	vand.u32 $0xFFFFFFE0, v63  }
0x759: {  	v3 =	vor.u32 v3, v4  }
0x75a: {  	v4 =	vperm.xlane v3, v0;
	_ =	sdelay $0x1  }
0x75b: {  	v4 =	vadd.s32 v1, v4;
	_ =	sdelay $0x1  }
0x75c: {  	v3 =	vperm.xlane v3, v2;
	_ =	sdelay $0x1  }
0x75d: {  	s14 =	simm.s32 $0x7C00;
	v3 =	vadd.s32 v1, v3  }
0x75e: {  	[tilespmem:s14], [sflag:$0x2] =	stream.indirect_vreg.gather [hbm4b:s2+s3], $0x80, v4, vm0, $0xb8;
	[tilespmem:$0x19C00] =	vst v63  }
0x75f: {  	s21 =	simm.s32 $0x8400  }
0x760: {  	[tilespmem:s21], [sflag:$0x2] =	stream.indirect_vreg.gather [hbm4b:s5+s3], $0x80, v4, vm0, $0xb8;
	[tilespmem:$0x19C00] =	vst v63  }
0x761: {  	s19 =	simm.s32 $0x8C00  }
0x762: {  	[tilespmem:s19], [sflag:$0x2] =	stream.indirect_vreg.gather [hbm4b:s2+s3], $0x80, v3, vm0, $0xb8;
	[tilespmem:$0x19C00] =	vst v63  }
0x763: {  	s18 =	simm.s32 $0x9400  }
0x764: {  	[tilespmem:s18], [sflag:$0x2] =	stream.indirect_vreg.gather [hbm4b:s5+s3], $0x80, v3, vm0, $0xb8;
	[tilespmem:$0x19C00] =	vst v63  }
0x765: {  	s6 =	sld [smem:$0x7E6];
	_ =	swait.ge [sflag:s26], $0x4000  }
0x766: {  	s19 =	sld [smem:$0x7F7]  }
0x767: {  	[sflag:s26] =	ssyncset.done $0x0  }
0x768: {  	[sflag:s26] =	ssyncadd.s32 $0xFFFFC000  }
0x769: {  	[hbm4b:s19+s3] =	stream.linear.scatter [tilespmem:s17], [sflag:$0x9], $0x4000, $0x38;
	[tilespmem:$0x19C00] =	vst v63  }
0x76a: {  	_ =	swait.ge [sflag:s29], $0x4000  }
0x76b: {  	s20 =	sld [smem:$0x7F8]  }
0x76c: {  	[sflag:s29] =	ssyncset.done $0x0  }
0x76d: {  	[sflag:s29] =	ssyncadd.s32 $0xFFFFC000  }
0x76e: {  	[hbm4b:s20+s3] =	stream.linear.scatter [tilespmem:s31], [sflag:$0xA], $0x4000, $0x38;
	[tilespmem:$0x19C00] =	vst v63  }
0x76f: {  	_ =	swait.ge [sflag:s10], $0x4000  }
0x770: {  	s21 =	sld [smem:$0x7F9]  }
0x771: {  	[sflag:s10] =	ssyncset.done $0x0  }
0x772: {  	[sflag:s10] =	ssyncadd.s32 $0xFFFFC000  }
0x773: {  	[hbm4b:s21+s3] =	stream.linear.scatter [tilespmem:s30], [sflag:$0xB], $0x4000, $0x38;
	[tilespmem:$0x19C00] =	vst v63  }
0x774: {  	_ =	swait.ge [sflag:s12], $0x4000  }
0x775: {  	s22 =	sld [smem:$0x7FA]  }
0x776: {  	[sflag:s12] =	ssyncset.done $0x0  }
0x777: {  	[sflag:s12] =	ssyncadd.s32 $0xFFFFC000  }
0x778: {  	[hbm4b:s22+s3] =	stream.linear.scatter [tilespmem:s15], [sflag:$0xC], $0x4000, $0x38;
	[tilespmem:$0x19C00] =	vst v63  }
0x779: {  	_ =	swait.ge [sflag:s1], $0x4000  }
0x77a: {  	s23 =	sld [smem:$0x7FB]  }
0x77b: {  	[sflag:s1] =	ssyncset.done $0x0  }
0x77c: {  	[sflag:s1] =	ssyncadd.s32 $0xFFFFC000  }
0x77d: {  	[hbm4b:s23+s3] =	stream.linear.scatter [tilespmem:s16], [sflag:$0x7], $0x4000, $0x38;
	[tilespmem:$0x19C00] =	vst v63  }
0x77e: {  	_ =	swait.ge [sflag:s4], $0x4000  }
0x77f: {  	s24 =	sld [smem:$0x7FD]  }
0x780: {  	[sflag:s4] =	ssyncset.done $0x0  }
0x781: {  	[sflag:s4] =	ssyncadd.s32 $0xFFFFC000  }
0x782: {  	[hbm4b:s24+s3] =	stream.linear.scatter [tilespmem:s8], [sflag:$0x8], $0x4000, $0x38;
	[tilespmem:$0x19C00] =	vst v63  }
0x783: {  	_ =	swait.ge [sflag:s28], $0x4000  }
0x784: {  	[sflag:s28] =	ssyncset.done $0x0  }
0x785: {  	[sflag:s28] =	ssyncadd.s32 $0xFFFFC000  }
0x786: {  	_ =	swait.ge [sflag:s9], $0x4000  }
0x787: {  	[sflag:s9] =	ssyncset.done $0x0  }
0x788: {  	[sflag:s9] =	ssyncadd.s32 $0xFFFFC000  }
0x789: {  	_ =	swait.ge [sflag:s11], $0x4000  }
0x78a: {  	[sflag:s11] =	ssyncset.done $0x0  }
0x78b: {  	[sflag:s11] =	ssyncadd.s32 $0xFFFFC000  }
0x78c: {  	_ =	swait.ge [sflag:s13], $0x4000  }
0x78d: {  	[sflag:s13] =	ssyncset.done $0x0  }
0x78e: {  	[sflag:s13] =	ssyncadd.s32 $0xFFFFC000  }
0x78f: {  	p0 =	sne.s32 s6, $0x1;
	_ =	swait.ge [sflag:s7], $0x4000  }
.Ltmp0:
0x790: {  	[sflag:s7] =	ssyncset.done $0x0;
	(pc) =	sbr.rel @p0 .LBB2_1-.Ltmp0, $4  }
0x791: {  	[sflag:s7] =	ssyncadd.s32 $0xFFFFC000  }
0x792: {  	_ =	swait.ge [sflag:s25], $0x4000  }
0x793: {  	[sflag:s25] =	ssyncset.done $0x0  }
0x794: {  	s6 =	sadd.s32 $0xFFFFFFFF, s6;
	[sflag:s25] =	ssyncadd.s32 $0xFFFFC000  }
0x795: {  	_ =	sfence.sel $0x180000  }
0x796: {  	[bflag:$0x0] =	sbarrier.arrive $0xFFFF  }
0x797: {  	_ =	strace $0x90000047  }
0x798: {  	s0 =	stileid.u32;
	[bflag:$0x2] =	sbarrier.arrive $0xFFFF  }
0x799: {  	p0 =	sne.s32 s0, $0x0;
	s0 =	rddreg [dreg:$0x3]  }
0x79a: {  	s0 =	sadd.s32 @!p0 $0x100000, s0  }
0x79b: {  	[sflag:s0] =	ssyncadd.tile.s32 @!p0 $0x1;
	_ =	shalt  }
.Lfunc_end2:
_tile_overlayer_lowered:
.L_overlay_start_2:
0x79c: {  	(tag) =	ssettag $0x2  }
0x79d: {  	s0 =	rddreg [dreg:$0x0];
	s2 =	stileid.u32  }
0x79e: {  	s1 =	rddreg [dreg:$0x1];
	p0 =	sne.s32 s2, $0x0  }
0x79f: {  	s3 =	rddreg [dreg:$0x2];
	[bflag:$0x3] =	sbarrier.arrive $0xFFFF;
	s2 =	simm.s32 @!p0 $0x1C0D  }
0x7a0: {  	[timem:s3], [sflag:s2] =	dma.local @!p0 [hbm:s0], s1  }
0x7a1: {  	s0 =	simm.s32 @!p0 $0xD  }
0x7a2: {  	_ =	swait.ge @!p0 [sflag:s0], s1  }
0x7a3: {  	s1 =	ssub.s32 @!p0 $0x0, s1;
	[sflag:s0] =	ssyncset.done @!p0 $0x0  }
0x7a4: {  	[sflag:s0] =	ssyncadd.s32 @!p0 s1  }
0x7a5: {  	[bflag:$0x3] =	sbarrier.arrive $0xFFFF  }
0x7a6: {  	_ =	shalt  }

</sc_bundles>
